<compile_context>
chip_gen: v7x
topology: tpu7x:2x2x1
jax: 0.10.2.dev20260603
libtpu: 0.0.44.dev20260713+nightly
codegen_flags: <defaults>
</compile_context>

<pallas_src>
import jax
import jax.numpy as jnp
from jax import lax
from jax.experimental import pallas as pl
from jax.experimental.pallas import tpu as pltpu
from jax.experimental.pallas import tpu_sc as plsc

N = 32768
K = 1024
ROWS = 128
NT = 16
CH = N // NT
VPC = CH // 16
TRASH = 16


def _topk_gather_body(scores_hbm, xt_hbm, outt_hbm,
                      score_v, km_v, cand_v, cand2_v, hist_v, hist2_v,
                      lk_v, li_v, ei_v, dref_v, misc_v, cnt_v, skey_v,
                      sidx_v, skey2_v, sidx2_v, idx_v, rows_v,
                      shistA_s, shistB_s, shistC_s, cnts_s, bc_s, selk_s,
                      seli_s, sout_s, sem):
    c = lax.axis_index("c")
    t = lax.axis_index("s")
    iota = lax.iota(jnp.int32, 16)
    zero16 = jnp.zeros((16,), jnp.int32)
    i32 = jnp.int32
    u32 = jnp.uint32

    def _lane(v, i):
        return jnp.sum(jnp.where(iota == i, v, 0))

    def _clear_hist(nreg):
        def b(vv, _):
            for u in range(8):
                hist_v[pl.ds(128 * vv + 16 * u, 16)] = zero16
            return 0
        lax.fori_loop(0, nreg // 8, b, 0)

    rc0, _ = plsc.scan_count(zero16)
    bias = jnp.min(rc0.astype(i32))

    pltpu.sync_copy(scores_hbm.at[pl.ds(t * CH, CH)], score_v)
    _clear_hist(VPC)
    pltpu.sync_copy(hist_v.at[pl.ds(0, 128)], shistA_s.at[pl.ds(t * 128, 128)])
    pltpu.sync_copy(hist_v.at[pl.ds(0, 128)], shistB_s.at[pl.ds(t * 128, 128)])
    pltpu.sync_copy(hist_v.at[pl.ds(0, 64)], shistC_s.at[pl.ds(t * 64, 64)])

    def km_body(vv, _):
        for u in range(4):
            o = 64 * vv + 16 * u
            f = score_v[pl.ds(o, 16)]
            b = plsc.bitcast(f, u32)
            neg = (b & u32(0x80000000)) != u32(0)
            m = jnp.where(neg, ~b, b | u32(0x80000000))
            km_v[pl.ds(o, 16)] = ~m
        return 0
    lax.fori_loop(0, VPC // 4, km_body, 0)
    plsc.subcore_barrier()

    def local_hist(src_ref, nvreg4, shift, mask):
        def b(vv, _):
            for u in range(4):
                kv = src_ref[pl.ds(64 * vv + 16 * u, 16)]
                d = ((kv >> u32(shift)) & u32(mask)).astype(i32)
                rc, lastm = plsc.scan_count(d)
                plsc.addupdate_scatter(hist_v, [d], rc.astype(i32) - bias + 1,
                                       mask=lastm)
            return 0
        lax.fori_loop(0, nvreg4, b, 0)

    def scatter_add_hist(dst_s, nchunk):
        def b(j, _):
            for u in range(8):
                dref_v[0, pl.ds(16 * u, 16)] = iota + (16 * u + 128 * j)
            pltpu.sync_copy(hist_v.at[pl.ds(128 * j, 128)],
                            dst_s.at[dref_v.at[0]], add=True)
            return 0
        lax.fori_loop(0, nchunk, b, 0)

    def scan_and_publish(src_s, nvreg, target):
        pltpu.sync_copy(src_s, hist_v.at[pl.ds(0, 16 * nvreg)])

        def b(vv, carry):
            cum, vstar, cbef = carry
            for u in range(4):
                h = hist_v[pl.ds(64 * vv + 16 * u, 16)]
                s = jnp.sum(h)
                ncum = cum + s
                cross = (cum < target) & (ncum >= target)
                vstar = jnp.where(cross, 4 * vv + u, vstar)
                cbef = jnp.where(cross, cum, cbef)
                cum = ncum
            return (cum, vstar, cbef)
        _, vstar, cb = lax.fori_loop(0, nvreg // 4, b,
                                     (i32(0), i32(0), i32(0)))
        h = hist_v[pl.ds(16 * vstar, 16)]
        ch = plsc.cumsum(h) + cb
        hitv = ch >= target
        pos = jnp.max(plsc.all_reduce_ffs(hitv).astype(i32))
        bst = 16 * vstar + pos
        cbef = _lane(ch - h, pos)
        misc_v[...] = jnp.where(iota == 0, bst, jnp.where(iota == 1, cbef, 0))
        pltpu.sync_copy(misc_v, bc_s)

    def read_bc():
        pltpu.sync_copy(bc_s, misc_v)
        v = misc_v[...]
        return _lane(v, 0), _lane(v, 1)

    def compact_cands(src_ref, dst_ref, nvreg4, shift, mask, want):
        def b(vv, off):
            for u in range(4):
                kv = src_ref[pl.ds(64 * vv + 16 * u, 16)]
                mk = ((kv >> u32(shift)) & u32(mask)).astype(i32) == want
                plsc.store_compressed(dst_ref.at[pl.ds(off, 16)], kv, mask=mk)
                off = off + jnp.sum(mk.astype(i32))
            return off
        n = lax.fori_loop(0, nvreg4, b, i32(0))
        sent = jnp.full((16,), 0xFFFFFFFF, u32)
        for u in range(4):
            dst_ref[pl.ds(n + 16 * u, 16)] = sent
        return n

    _clear_hist(VPC)
    local_hist(km_v, VPC // 4, 21, 0x7FF)
    scatter_add_hist(shistA_s, 16)
    plsc.subcore_barrier()

    @pl.when(t == 0)
    def _():
        scan_and_publish(shistA_s, VPC, i32(K))
    plsc.subcore_barrier()
    b1, c1 = read_bc()
    r1 = i32(K - 1) - c1

    nc1 = compact_cands(km_v, cand_v, VPC // 4, 21, 0x7FF, b1)
    ncv1 = (nc1 + 63) // 64
    _clear_hist(VPC)
    local_hist(cand_v, ncv1, 10, 0x7FF)
    scatter_add_hist(shistB_s, 16)
    plsc.subcore_barrier()

    @pl.when(t == 0)
    def _():
        scan_and_publish(shistB_s, VPC, r1 + 1)
    plsc.subcore_barrier()
    b2, c2 = read_bc()
    r2 = r1 - c2

    nc2 = compact_cands(cand_v, cand2_v, ncv1, 10, 0x7FF, b2)
    ncv2 = (nc2 + 63) // 64
    _clear_hist(64)
    local_hist(cand2_v, ncv2, 0, 0x3FF)
    scatter_add_hist(shistC_s, 8)
    plsc.subcore_barrier()

    @pl.when(t == 0)
    def _():
        scan_and_publish(shistC_s, 64, r2 + 1)
    plsc.subcore_barrier()
    b3, c3 = read_bc()

    T = ((b1.astype(u32) << 21) | (b2.astype(u32) << 10) | b3.astype(u32))
    L = c1 + c2 + c3
    mneed = i32(K) - L

    def comp2(vv, carry):
        offl, offe = carry
        for u in range(4):
            o = 64 * vv + 16 * u
            kv = km_v[pl.ds(o, 16)]
            gi = iota + (o + CH * t)
            ml = kv < T
            me = kv == T
            plsc.store_compressed(lk_v.at[pl.ds(offl, 16)], kv, mask=ml)
            plsc.store_compressed(li_v.at[pl.ds(offl, 16)], gi, mask=ml)
            plsc.store_compressed(ei_v.at[pl.ds(offe, 16)], gi, mask=me)
            offl = offl + jnp.sum(ml.astype(i32))
            offe = offe + jnp.sum(me.astype(i32))
        return (offl, offe)
    cntl, cnte = lax.fori_loop(0, VPC // 4, comp2, (i32(0), i32(0)))

    misc_v[...] = jnp.where(iota == 0, cntl, jnp.where(iota == 1, cnte, 0))
    pltpu.sync_copy(misc_v, cnts_s.at[t])
    plsc.subcore_barrier()

    pltpu.sync_copy(cnts_s, cnt_v)
    lessc = plsc.load_gather(cnt_v, [iota, zero16])
    eqc = plsc.load_gather(cnt_v, [iota, zero16 + 1])
    cl = plsc.cumsum(lessc)
    ce = plsc.cumsum(eqc)
    offl_me = _lane(cl - lessc, t)
    offe_me = _lane(ce - eqc, t)

    tk = plsc.bitcast(jnp.zeros((16,), u32) + T, i32)
    for u in range(8):
        skey_v[pl.ds(16 * u, 16)] = tk

    def put_less(j, _):
        for u in range(8):
            pos = iota + (16 * u + 128 * j)
            dref_v[0, pl.ds(16 * u, 16)] = jnp.where(
                pos < cntl, pos + offl_me, K + iota)
        pltpu.sync_copy(lk_v.at[pl.ds(128 * j, 128)], selk_s.at[dref_v.at[0]])
        pltpu.sync_copy(li_v.at[pl.ds(128 * j, 128)], seli_s.at[dref_v.at[0]])
        return 0
    lax.fori_loop(0, (cntl + 127) // 128, put_less, 0)

    def put_eq(j, _):
        for u in range(8):
            pos = iota + (16 * u + 128 * j)
            grank = pos + offe_me
            ok = (pos < cnte) & (grank < mneed)
            dref_v[0, pl.ds(16 * u, 16)] = jnp.where(ok, grank + L, K + iota)
        pltpu.sync_copy(skey_v.at[pl.ds(0, 128)], selk_s.at[dref_v.at[0]])
        pltpu.sync_copy(ei_v.at[pl.ds(128 * j, 128)], seli_s.at[dref_v.at[0]])
        return 0
    lax.fori_loop(0, (cnte + 127) // 128, put_eq, 0)
    plsc.subcore_barrier()

    @pl.when(t == 0)
    def _():
        pltpu.sync_copy(selk_s.at[pl.ds(0, K)], skey_v)
        pltpu.sync_copy(seli_s.at[pl.ds(0, K)], sidx_v)
        bufs = [(skey_v, sidx_v, skey2_v, sidx2_v),
                (skey2_v, sidx2_v, skey_v, sidx_v),
                (skey_v, sidx_v, skey2_v, sidx2_v)]
        for (sh, mask), (kb, ib, kb2, ib2) in zip(
                ((0, 0x7FF), (11, 0x7FF), (22, 0x3FF)), bufs):
            _clear_hist(VPC)

            def sph(vv, _):
                for u in range(4):
                    kv = plsc.bitcast(kb[pl.ds(64 * vv + 16 * u, 16)], u32)
                    d = ((kv >> u32(sh)) & u32(mask)).astype(i32)
                    rc, lastm = plsc.scan_count(d)
                    plsc.addupdate_scatter(hist_v, [d],
                                           rc.astype(i32) - bias + 1,
                                           mask=lastm)
                return 0
            lax.fori_loop(0, K // 64, sph, 0)

            def spx(vv, carry):
                for u in range(4):
                    o = 64 * vv + 16 * u
                    h = hist_v[pl.ds(o, 16)]
                    chs = plsc.cumsum(h)
                    hist2_v[pl.ds(o, 16)] = chs - h + carry
                    carry = carry + jnp.max(chs)
                return carry
            lax.fori_loop(0, VPC // 4, spx, i32(0))

            def sp(v, _):
                kv = plsc.bitcast(kb[pl.ds(16 * v, 16)], u32)
                d = ((kv >> u32(sh)) & u32(mask)).astype(i32)
                rc, lastm = plsc.scan_count(d)
                occ = rc.astype(i32) - bias
                base = plsc.load_gather(hist2_v, [d])
                dest = base + occ
                plsc.store_scatter(kb2, [dest], plsc.bitcast(kv, i32))
                plsc.store_scatter(ib2, [dest], ib[pl.ds(16 * v, 16)])
                plsc.addupdate_scatter(hist2_v, [d], occ + 1, mask=lastm)
                return 0
            lax.fori_loop(0, K // 16, sp, 0)

        pltpu.sync_copy(sidx2_v, sout_s)
    plsc.subcore_barrier()

    wid = c * NT + t
    base = wid * (K // 32)
    pltpu.sync_copy(sout_s.at[pl.ds(base, K // 32)], idx_v)
    pltpu.async_copy(xt_hbm.at[idx_v], rows_v, sem).wait()
    pltpu.sync_copy(rows_v, outt_hbm.at[pl.ds(base, K // 32)])


@jax.jit
def kernel(x, importance_scores):
    mesh = plsc.VectorSubcoreMesh(core_axis_name="c", subcore_axis_name="s")
    run = pl.kernel(
        _topk_gather_body,
        out_type=jax.ShapeDtypeStruct((K, ROWS), jnp.float32),
        mesh=mesh,
        compiler_params=pltpu.CompilerParams(needs_layout_passes=False),
        scratch_types=[
            pltpu.VMEM((CH,), jnp.float32),
            pltpu.VMEM((CH,), jnp.uint32),
            pltpu.VMEM((CH + 80,), jnp.uint32),
            pltpu.VMEM((CH + 80,), jnp.uint32),
            pltpu.VMEM((2048,), jnp.int32),
            pltpu.VMEM((2048,), jnp.int32),
            pltpu.VMEM((CH + 16,), jnp.uint32),
            pltpu.VMEM((CH + 16,), jnp.int32),
            pltpu.VMEM((CH + 16,), jnp.int32),
            pltpu.VMEM((1, 128), jnp.int32),
            pltpu.VMEM((16,), jnp.int32),
            pltpu.VMEM((16, 16), jnp.int32),
            pltpu.VMEM((K,), jnp.int32),
            pltpu.VMEM((K,), jnp.int32),
            pltpu.VMEM((K,), jnp.int32),
            pltpu.VMEM((K,), jnp.int32),
            pltpu.VMEM((K // 32,), jnp.int32),
            pltpu.VMEM((K // 32, ROWS), jnp.float32),
            pltpu.VMEM_SHARED((2048,), jnp.int32),
            pltpu.VMEM_SHARED((2048,), jnp.int32),
            pltpu.VMEM_SHARED((1024,), jnp.int32),
            pltpu.VMEM_SHARED((16, 16), jnp.int32),
            pltpu.VMEM_SHARED((16,), jnp.int32),
            pltpu.VMEM_SHARED((K + TRASH,), jnp.uint32),
            pltpu.VMEM_SHARED((K + TRASH,), jnp.int32),
            pltpu.VMEM_SHARED((K,), jnp.int32),
            pltpu.SemaphoreType.DMA,
        ],
    )
    outt = run(importance_scores, x.T)
    return outt.T

# --- scband reference (transcript-rebuilt; emitter-appended) ---
"""Pipeline reference for scband-top-kselector-53996328845610 (READ-ONLY COPY).

The authoritative reference and input builder live on the scoring server;
editing this copy changes nothing except your own understanding.
"""

import jax, jax.numpy as jnp
import numpy as np

K = 1024

def setup_inputs(seed: int = 0) -> dict:
    key = jax.random.key(seed)
    k1, k2 = jax.random.split(key)
    x = jax.random.normal(k1, (128, 32768), dtype=jnp.float32)
    importance_scores = jax.random.normal(k2, (32768,), dtype=jnp.float32)
    return {"x": x, "importance_scores": importance_scores}

def reference(x, importance_scores):
    _, topk_indices = jax.lax.top_k(importance_scores, K)
    return x[:, topk_indices]

if __name__ == "__main__":
    import jax
    _d = setup_inputs()
    print(jax.jit(kernel)(*tuple(_d.values())))

</pallas_src>

<mosaic_0001>
#map = affine_map<(d0, d1) -> (0)>
#map1 = affine_map<(d0, d1) -> (0, 0)>
module attributes {stable_mosaic.version = 14 : i64} {
  func.func @_topk_gather_body(%arg0: i32, %arg1: i32, %arg2: memref<32768xf32, #tpu.memory_space<hbm>>, %arg3: memref<32768x128xf32, #tpu.memory_space<hbm>>, %arg4: memref<1024x128xf32, #tpu.memory_space<hbm>>, %arg5: memref<2048xf32, #tpu.memory_space<vmem>>, %arg6: memref<2048xi32, #tpu.memory_space<vmem>>, %arg7: memref<2128xi32, #tpu.memory_space<vmem>>, %arg8: memref<2128xi32, #tpu.memory_space<vmem>>, %arg9: memref<2048xi32, #tpu.memory_space<vmem>>, %arg10: memref<2048xi32, #tpu.memory_space<vmem>>, %arg11: memref<2064xi32, #tpu.memory_space<vmem>>, %arg12: memref<2064xi32, #tpu.memory_space<vmem>>, %arg13: memref<2064xi32, #tpu.memory_space<vmem>>, %arg14: memref<1x128xi32, #tpu.memory_space<vmem>>, %arg15: memref<16xi32, #tpu.memory_space<vmem>>, %arg16: memref<16x16xi32, #tpu.memory_space<vmem>>, %arg17: memref<1024xi32, #tpu.memory_space<vmem>>, %arg18: memref<1024xi32, #tpu.memory_space<vmem>>, %arg19: memref<1024xi32, #tpu.memory_space<vmem>>, %arg20: memref<1024xi32, #tpu.memory_space<vmem>>, %arg21: memref<32xi32, #tpu.memory_space<vmem>>, %arg22: memref<32x128xf32, #tpu.memory_space<vmem>>, %arg23: memref<2048xi32, #tpu.memory_space<vmem_shared>>, %arg24: memref<2048xi32, #tpu.memory_space<vmem_shared>>, %arg25: memref<1024xi32, #tpu.memory_space<vmem_shared>>, %arg26: memref<16x16xi32, #tpu.memory_space<vmem_shared>>, %arg27: memref<16xi32, #tpu.memory_space<vmem_shared>>, %arg28: memref<1040xi32, #tpu.memory_space<vmem_shared>>, %arg29: memref<1040xi32, #tpu.memory_space<vmem_shared>>, %arg30: memref<1024xi32, #tpu.memory_space<vmem_shared>>, %arg31: memref<!tpu.dma_semaphore, #tpu.memory_space<semaphore_mem>>) attributes {dimension_semantics = [#tpu.dimension_semantics<core_parallel>, #tpu.dimension_semantics<subcore_parallel>], iteration_bounds = array<i64: 2, 16>, scalar_prefetch = 0 : i64, scratch_operands = 27 : i64, tpu.core_type = #tpu.core_type<sc_vector_subcore>, window_params = [{transform_indices = #map}, {transform_indices = #map1}, {transform_indices = #map1}]} {
    %iota3A = tpu.iota {dimensions = array<i32: 0>} : vector<16xi32>
    %broadcast_in_dim3A = arith.constant 0 : i32
    %broadcast_in_dim3A_0 = vector.broadcast %broadcast_in_dim3A : i32 to vector<16xi32>
    %broadcast_in_dim3A_1 = arith.constant true
    %broadcast_in_dim3A_2 = vector.broadcast %broadcast_in_dim3A_1 : i1 to vector<16xi1>
    %unique3A, %unique3A_3 = tpu.scan_count mask(%broadcast_in_dim3A_2 : vector<16xi1>) value(%broadcast_in_dim3A_0 : vector<16xi32>) : vector<16xi1>, vector<16xi32>
    %reduce_min3A = arith.constant true
    %reduce_min3A_4 = vector.broadcast %reduce_min3A : i1 to vector<16xi1>
    %reduce_min3A_5 = arith.constant -2147483648 : i32
    %reduce_min3A_6 = vector.broadcast %reduce_min3A_5 : i32 to vector<16xi32>
    %reduce_min3A_7 = arith.xori %unique3A_3, %reduce_min3A_6 : vector<16xi32>
    %reduce_min3A_8 = tpu.scan <min>, %reduce_min3A_7 masked %reduce_min3A_4 : vector<16xi32>, vector<16xi1> -> vector<16xi32>
    %reduce_min3A_9 = arith.xori %reduce_min3A_8, %reduce_min3A_6 : vector<16xi32>
    %reduce_min3A_10 = vector.extract %reduce_min3A_9[15] : i32 from vector<16xi32>
    %mul3A = arith.constant 2048 : i32
    %mul3A_11 = arith.muli %arg1, %mul3A : i32
    "tpu.region"() ({
      %run_scoped3A = tpu.sem_alloc : memref<!tpu.dma_semaphore, #tpu.memory_space<semaphore_mem>>
      %dma_start3A_457 = tpu.memref_slice %arg2[%mul3A_11] : memref<32768xf32, #tpu.memory_space<hbm>> -> memref<2048xf32, #tpu.memory_space<hbm>>
      %dma_start3A_458 = tpu.memref_slice %arg2[%mul3A_11] : memref<32768xf32, #tpu.memory_space<hbm>> -> memref<2048xf32, #tpu.memory_space<hbm>>
      tpu.enqueue_dma source(%dma_start3A_458 : memref<2048xf32, #tpu.memory_space<hbm>>) target(%arg5 : memref<2048xf32, #tpu.memory_space<vmem>>) target_semaphore(%run_scoped3A : memref<!tpu.dma_semaphore, #tpu.memory_space<semaphore_mem>>)
      %dma_wait3A_459 = tpu.memref_slice %arg2[%mul3A_11] : memref<32768xf32, #tpu.memory_space<hbm>> -> memref<2048xf32, #tpu.memory_space<hbm>>
      %dma_wait3A_460 = tpu.memref_slice %arg2[%mul3A_11] : memref<32768xf32, #tpu.memory_space<hbm>> -> memref<2048xf32, #tpu.memory_space<hbm>>
      tpu.wait_dma2 semaphore(%run_scoped3A : memref<!tpu.dma_semaphore, #tpu.memory_space<semaphore_mem>>) src(%dma_wait3A_460 : memref<2048xf32, #tpu.memory_space<hbm>>) dst(%arg5 : memref<2048xf32, #tpu.memory_space<vmem>>)
      tpu.yield
    }) : () -> ()
    %scan3A = arith.constant 0 : i32
    %scan3A_12 = arith.constant 0 : i32
    %scan3A_13 = arith.constant 16 : i32
    %scan3A_14 = arith.addi %scan3A_12, %scan3A_13 : i32
    %scan3A_15 = arith.constant 1 : i32
    %scan3A_16 = scf.for %scan3A_457 = %scan3A_12 to %scan3A_14 step %scan3A_15 iter_args(%scan3A_458 = %scan3A) -> (i32)  : i32 {
      %mul3A_459 = arith.constant 128 : i32
      %mul3A_460 = arith.muli %mul3A_459, %scan3A_457 : i32
      %add3A_461 = arith.constant 0 : i32
      %add3A_462 = arith.addi %mul3A_460, %add3A_461 : i32
      %swap3A_463 = arith.index_cast %add3A_462 : i32 to index
      %swap3A_464 = tpu.vector_load %arg9[%swap3A_463] {strides = array<i32>} : memref<2048xi32, #tpu.memory_space<vmem>>, vector<16xi32>,
      tpu.vector_store %arg9[%swap3A_463], %broadcast_in_dim3A_0 {strides = array<i32>} : memref<2048xi32, #tpu.memory_space<vmem>>, vector<16xi32>,
      %mul3A_465 = arith.constant 128 : i32
      %mul3A_466 = arith.muli %mul3A_465, %scan3A_457 : i32
      %add3A_467 = arith.constant 16 : i32
      %add3A_468 = arith.addi %mul3A_466, %add3A_467 : i32
      %swap3A_469 = arith.index_cast %add3A_468 : i32 to index
      %swap3A_470 = tpu.vector_load %arg9[%swap3A_469] {strides = array<i32>} : memref<2048xi32, #tpu.memory_space<vmem>>, vector<16xi32>,
      tpu.vector_store %arg9[%swap3A_469], %broadcast_in_dim3A_0 {strides = array<i32>} : memref<2048xi32, #tpu.memory_space<vmem>>, vector<16xi32>,
      %mul3A_471 = arith.constant 128 : i32
      %mul3A_472 = arith.muli %mul3A_471, %scan3A_457 : i32
      %add3A_473 = arith.constant 32 : i32
      %add3A_474 = arith.addi %mul3A_472, %add3A_473 : i32
      %swap3A_475 = arith.index_cast %add3A_474 : i32 to index
      %swap3A_476 = tpu.vector_load %arg9[%swap3A_475] {strides = array<i32>} : memref<2048xi32, #tpu.memory_space<vmem>>, vector<16xi32>,
      tpu.vector_store %arg9[%swap3A_475], %broadcast_in_dim3A_0 {strides = array<i32>} : memref<2048xi32, #tpu.memory_space<vmem>>, vector<16xi32>,
      %mul3A_477 = arith.constant 128 : i32
      %mul3A_478 = arith.muli %mul3A_477, %scan3A_457 : i32
      %add3A_479 = arith.constant 48 : i32
      %add3A_480 = arith.addi %mul3A_478, %add3A_479 : i32
      %swap3A_481 = arith.index_cast %add3A_480 : i32 to index
      %swap3A_482 = tpu.vector_load %arg9[%swap3A_481] {strides = array<i32>} : memref<2048xi32, #tpu.memory_space<vmem>>, vector<16xi32>,
      tpu.vector_store %arg9[%swap3A_481], %broadcast_in_dim3A_0 {strides = array<i32>} : memref<2048xi32, #tpu.memory_space<vmem>>, vector<16xi32>,
      %mul3A_483 = arith.constant 128 : i32
      %mul3A_484 = arith.muli %mul3A_483, %scan3A_457 : i32
      %add3A_485 = arith.constant 64 : i32
      %add3A_486 = arith.addi %mul3A_484, %add3A_485 : i32
      %swap3A_487 = arith.index_cast %add3A_486 : i32 to index
      %swap3A_488 = tpu.vector_load %arg9[%swap3A_487] {strides = array<i32>} : memref<2048xi32, #tpu.memory_space<vmem>>, vector<16xi32>,
      tpu.vector_store %arg9[%swap3A_487], %broadcast_in_dim3A_0 {strides = array<i32>} : memref<2048xi32, #tpu.memory_space<vmem>>, vector<16xi32>,
      %mul3A_489 = arith.constant 128 : i32
      %mul3A_490 = arith.muli %mul3A_489, %scan3A_457 : i32
      %add3A_491 = arith.constant 80 : i32
      %add3A_492 = arith.addi %mul3A_490, %add3A_491 : i32
      %swap3A_493 = arith.index_cast %add3A_492 : i32 to index
      %swap3A_494 = tpu.vector_load %arg9[%swap3A_493] {strides = array<i32>} : memref<2048xi32, #tpu.memory_space<vmem>>, vector<16xi32>,
      tpu.vector_store %arg9[%swap3A_493], %broadcast_in_dim3A_0 {strides = array<i32>} : memref<2048xi32, #tpu.memory_space<vmem>>, vector<16xi32>,
      %mul3A_495 = arith.constant 128 : i32
      %mul3A_496 = arith.muli %mul3A_495, %scan3A_457 : i32
      %add3A_497 = arith.constant 96 : i32
      %add3A_498 = arith.addi %mul3A_496, %add3A_497 : i32
      %swap3A_499 = arith.index_cast %add3A_498 : i32 to index
      %swap3A_500 = tpu.vector_load %arg9[%swap3A_499] {strides = array<i32>} : memref<2048xi32, #tpu.memory_space<vmem>>, vector<16xi32>,
      tpu.vector_store %arg9[%swap3A_499], %broadcast_in_dim3A_0 {strides = array<i32>} : memref<2048xi32, #tpu.memory_space<vmem>>, vector<16xi32>,
      %mul3A_501 = arith.constant 128 : i32
      %mul3A_502 = arith.muli %mul3A_501, %scan3A_457 : i32
      %add3A_503 = arith.constant 112 : i32
      %add3A_504 = arith.addi %mul3A_502, %add3A_503 : i32
      %swap3A_505 = arith.index_cast %add3A_504 : i32 to index
      %swap3A_506 = tpu.vector_load %arg9[%swap3A_505] {strides = array<i32>} : memref<2048xi32, #tpu.memory_space<vmem>>, vector<16xi32>,
      tpu.vector_store %arg9[%swap3A_505], %broadcast_in_dim3A_0 {strides = array<i32>} : memref<2048xi32, #tpu.memory_space<vmem>>, vector<16xi32>,
      %scan3A_507 = arith.constant 0 : i32
      scf.yield %scan3A_507 : i32
    }
    %scan3A_17 = arith.constant 16 : i32
    %mul3A_18 = arith.constant 128 : i32
    %mul3A_19 = arith.muli %arg1, %mul3A_18 : i32
    "tpu.region"() ({
      %run_scoped3A = tpu.sem_alloc : memref<!tpu.dma_semaphore, #tpu.memory_space<semaphore_mem>>
      %dma_start3A_457 = arith.constant 0 : i32
      %dma_start3A_458 = tpu.memref_slice %arg9[%dma_start3A_457] : memref<2048xi32, #tpu.memory_space<vmem>> -> memref<128xi32, #tpu.memory_space<vmem>>
      %dma_start3A_459 = tpu.memref_slice %arg23[%mul3A_19] : memref<2048xi32, #tpu.memory_space<vmem_shared>> -> memref<128xi32, #tpu.memory_space<vmem_shared>>
      %dma_start3A_460 = tpu.memref_slice %arg23[%mul3A_19] : memref<2048xi32, #tpu.memory_space<vmem_shared>> -> memref<128xi32, #tpu.memory_space<vmem_shared>>
      %dma_start3A_461 = arith.constant 0 : i32
      %dma_start3A_462 = tpu.memref_slice %arg9[%dma_start3A_461] : memref<2048xi32, #tpu.memory_space<vmem>> -> memref<128xi32, #tpu.memory_space<vmem>>
      tpu.enqueue_dma source(%dma_start3A_462 : memref<128xi32, #tpu.memory_space<vmem>>) target(%dma_start3A_460 : memref<128xi32, #tpu.memory_space<vmem_shared>>) target_semaphore(%run_scoped3A : memref<!tpu.dma_semaphore, #tpu.memory_space<semaphore_mem>>)
      %dma_wait3A_463 = arith.constant 0 : i32
      %dma_wait3A_464 = tpu.memref_slice %arg9[%dma_wait3A_463] : memref<2048xi32, #tpu.memory_space<vmem>> -> memref<128xi32, #tpu.memory_space<vmem>>
      %dma_wait3A_465 = tpu.memref_slice %arg23[%mul3A_19] : memref<2048xi32, #tpu.memory_space<vmem_shared>> -> memref<128xi32, #tpu.memory_space<vmem_shared>>
      %dma_wait3A_466 = tpu.memref_slice %arg23[%mul3A_19] : memref<2048xi32, #tpu.memory_space<vmem_shared>> -> memref<128xi32, #tpu.memory_space<vmem_shared>>
      %dma_wait3A_467 = arith.constant 0 : i32
      %dma_wait3A_468 = tpu.memref_slice %arg9[%dma_wait3A_467] : memref<2048xi32, #tpu.memory_space<vmem>> -> memref<128xi32, #tpu.memory_space<vmem>>
      tpu.wait_dma2 semaphore(%run_scoped3A : memref<!tpu.dma_semaphore, #tpu.memory_space<semaphore_mem>>) src(%dma_wait3A_468 : memref<128xi32, #tpu.memory_space<vmem>>) dst(%dma_wait3A_466 : memref<128xi32, #tpu.memory_space<vmem_shared>>)
      tpu.yield
    }) : () -> ()
    %mul3A_20 = arith.constant 128 : i32
    %mul3A_21 = arith.muli %arg1, %mul3A_20 : i32
    "tpu.region"() ({
      %run_scoped3A = tpu.sem_alloc : memref<!tpu.dma_semaphore, #tpu.memory_space<semaphore_mem>>
      %dma_start3A_457 = arith.constant 0 : i32
      %dma_start3A_458 = tpu.memref_slice %arg9[%dma_start3A_457] : memref<2048xi32, #tpu.memory_space<vmem>> -> memref<128xi32, #tpu.memory_space<vmem>>
      %dma_start3A_459 = tpu.memref_slice %arg24[%mul3A_21] : memref<2048xi32, #tpu.memory_space<vmem_shared>> -> memref<128xi32, #tpu.memory_space<vmem_shared>>
      %dma_start3A_460 = tpu.memref_slice %arg24[%mul3A_21] : memref<2048xi32, #tpu.memory_space<vmem_shared>> -> memref<128xi32, #tpu.memory_space<vmem_shared>>
      %dma_start3A_461 = arith.constant 0 : i32
      %dma_start3A_462 = tpu.memref_slice %arg9[%dma_start3A_461] : memref<2048xi32, #tpu.memory_space<vmem>> -> memref<128xi32, #tpu.memory_space<vmem>>
      tpu.enqueue_dma source(%dma_start3A_462 : memref<128xi32, #tpu.memory_space<vmem>>) target(%dma_start3A_460 : memref<128xi32, #tpu.memory_space<vmem_shared>>) target_semaphore(%run_scoped3A : memref<!tpu.dma_semaphore, #tpu.memory_space<semaphore_mem>>)
      %dma_wait3A_463 = arith.constant 0 : i32
      %dma_wait3A_464 = tpu.memref_slice %arg9[%dma_wait3A_463] : memref<2048xi32, #tpu.memory_space<vmem>> -> memref<128xi32, #tpu.memory_space<vmem>>
      %dma_wait3A_465 = tpu.memref_slice %arg24[%mul3A_21] : memref<2048xi32, #tpu.memory_space<vmem_shared>> -> memref<128xi32, #tpu.memory_space<vmem_shared>>
      %dma_wait3A_466 = tpu.memref_slice %arg24[%mul3A_21] : memref<2048xi32, #tpu.memory_space<vmem_shared>> -> memref<128xi32, #tpu.memory_space<vmem_shared>>
      %dma_wait3A_467 = arith.constant 0 : i32
      %dma_wait3A_468 = tpu.memref_slice %arg9[%dma_wait3A_467] : memref<2048xi32, #tpu.memory_space<vmem>> -> memref<128xi32, #tpu.memory_space<vmem>>
      tpu.wait_dma2 semaphore(%run_scoped3A : memref<!tpu.dma_semaphore, #tpu.memory_space<semaphore_mem>>) src(%dma_wait3A_468 : memref<128xi32, #tpu.memory_space<vmem>>) dst(%dma_wait3A_466 : memref<128xi32, #tpu.memory_space<vmem_shared>>)
      tpu.yield
    }) : () -> ()
    %mul3A_22 = arith.constant 64 : i32
    %mul3A_23 = arith.muli %arg1, %mul3A_22 : i32
    "tpu.region"() ({
      %run_scoped3A = tpu.sem_alloc : memref<!tpu.dma_semaphore, #tpu.memory_space<semaphore_mem>>
      %dma_start3A_457 = arith.constant 0 : i32
      %dma_start3A_458 = tpu.memref_slice %arg9[%dma_start3A_457] : memref<2048xi32, #tpu.memory_space<vmem>> -> memref<64xi32, #tpu.memory_space<vmem>>
      %dma_start3A_459 = tpu.memref_slice %arg25[%mul3A_23] : memref<1024xi32, #tpu.memory_space<vmem_shared>> -> memref<64xi32, #tpu.memory_space<vmem_shared>>
      %dma_start3A_460 = tpu.memref_slice %arg25[%mul3A_23] : memref<1024xi32, #tpu.memory_space<vmem_shared>> -> memref<64xi32, #tpu.memory_space<vmem_shared>>
      %dma_start3A_461 = arith.constant 0 : i32
      %dma_start3A_462 = tpu.memref_slice %arg9[%dma_start3A_461] : memref<2048xi32, #tpu.memory_space<vmem>> -> memref<64xi32, #tpu.memory_space<vmem>>
      tpu.enqueue_dma source(%dma_start3A_462 : memref<64xi32, #tpu.memory_space<vmem>>) target(%dma_start3A_460 : memref<64xi32, #tpu.memory_space<vmem_shared>>) target_semaphore(%run_scoped3A : memref<!tpu.dma_semaphore, #tpu.memory_space<semaphore_mem>>)
      %dma_wait3A_463 = arith.constant 0 : i32
      %dma_wait3A_464 = tpu.memref_slice %arg9[%dma_wait3A_463] : memref<2048xi32, #tpu.memory_space<vmem>> -> memref<64xi32, #tpu.memory_space<vmem>>
      %dma_wait3A_465 = tpu.memref_slice %arg25[%mul3A_23] : memref<1024xi32, #tpu.memory_space<vmem_shared>> -> memref<64xi32, #tpu.memory_space<vmem_shared>>
      %dma_wait3A_466 = tpu.memref_slice %arg25[%mul3A_23] : memref<1024xi32, #tpu.memory_space<vmem_shared>> -> memref<64xi32, #tpu.memory_space<vmem_shared>>
      %dma_wait3A_467 = arith.constant 0 : i32
      %dma_wait3A_468 = tpu.memref_slice %arg9[%dma_wait3A_467] : memref<2048xi32, #tpu.memory_space<vmem>> -> memref<64xi32, #tpu.memory_space<vmem>>
      tpu.wait_dma2 semaphore(%run_scoped3A : memref<!tpu.dma_semaphore, #tpu.memory_space<semaphore_mem>>) src(%dma_wait3A_468 : memref<64xi32, #tpu.memory_space<vmem>>) dst(%dma_wait3A_466 : memref<64xi32, #tpu.memory_space<vmem_shared>>)
      tpu.yield
    }) : () -> ()
    %scan3A_24 = arith.constant 0 : i32
    %scan3A_25 = arith.constant 0 : i32
    %scan3A_26 = arith.constant 32 : i32
    %scan3A_27 = arith.addi %scan3A_25, %scan3A_26 : i32
    %scan3A_28 = arith.constant 1 : i32
    %scan3A_29 = scf.for %scan3A_457 = %scan3A_25 to %scan3A_27 step %scan3A_28 iter_args(%scan3A_458 = %scan3A_24) -> (i32)  : i32 {
      %mul3A_459 = arith.constant 64 : i32
      %mul3A_460 = arith.muli %mul3A_459, %scan3A_457 : i32
      %add3A_461 = arith.constant 0 : i32
      %add3A_462 = arith.addi %mul3A_460, %add3A_461 : i32
      %get3A_463 = arith.index_cast %add3A_462 : i32 to index
      %get3A_464 = tpu.vector_load %arg5[%get3A_463] {strides = array<i32>} : memref<2048xf32, #tpu.memory_space<vmem>>, vector<16xf32>,
      %bitcast3A_465 = vector.bitcast %get3A_464 : vector<16xf32> to vector<16xi32>
      %and3A_466 = arith.constant -2147483648 : i32
      %and3A_467 = vector.broadcast %and3A_466 : i32 to vector<16xi32>
      %and3A_468 = arith.andi %bitcast3A_465, %and3A_467 : vector<16xi32>
      %ne3A_469 = arith.constant 0 : i32
      %ne3A_470 = vector.broadcast %ne3A_469 : i32 to vector<16xi32>
      %ne3A_471 = arith.cmpi ne, %and3A_468, %ne3A_470 : vector<16xi32>
      %not3A = arith.constant dense<-1> : vector<16xi32>
      %not3A_472 = arith.xori %bitcast3A_465, %not3A : vector<16xi32>
      %or3A_473 = arith.constant -2147483648 : i32
      %or3A_474 = vector.broadcast %or3A_473 : i32 to vector<16xi32>
      %or3A_475 = arith.ori %bitcast3A_465, %or3A_474 : vector<16xi32>
      %select_n3A_476 = arith.select %ne3A_471, %not3A_472, %or3A_475 : vector<16xi1>, vector<16xi32>
      %not3A_477 = arith.constant dense<-1> : vector<16xi32>
      %not3A_478 = arith.xori %select_n3A_476, %not3A_477 : vector<16xi32>
      %swap3A_479 = arith.index_cast %add3A_462 : i32 to index
      %swap3A_480 = tpu.vector_load %arg6[%swap3A_479] {strides = array<i32>} : memref<2048xi32, #tpu.memory_space<vmem>>, vector<16xi32>,
      tpu.vector_store %arg6[%swap3A_479], %not3A_478 {strides = array<i32>} : memref<2048xi32, #tpu.memory_space<vmem>>, vector<16xi32>,
      %mul3A_481 = arith.constant 64 : i32
      %mul3A_482 = arith.muli %mul3A_481, %scan3A_457 : i32
      %add3A_483 = arith.constant 16 : i32
      %add3A_484 = arith.addi %mul3A_482, %add3A_483 : i32
      %get3A_485 = arith.index_cast %add3A_484 : i32 to index
      %get3A_486 = tpu.vector_load %arg5[%get3A_485] {strides = array<i32>} : memref<2048xf32, #tpu.memory_space<vmem>>, vector<16xf32>,
      %bitcast3A_487 = vector.bitcast %get3A_486 : vector<16xf32> to vector<16xi32>
      %and3A_488 = arith.constant -2147483648 : i32
      %and3A_489 = vector.broadcast %and3A_488 : i32 to vector<16xi32>
      %and3A_490 = arith.andi %bitcast3A_487, %and3A_489 : vector<16xi32>
      %ne3A_491 = arith.constant 0 : i32
      %ne3A_492 = vector.broadcast %ne3A_491 : i32 to vector<16xi32>
      %ne3A_493 = arith.cmpi ne, %and3A_490, %ne3A_492 : vector<16xi32>
      %not3A_494 = arith.constant dense<-1> : vector<16xi32>
      %not3A_495 = arith.xori %bitcast3A_487, %not3A_494 : vector<16xi32>
      %or3A_496 = arith.constant -2147483648 : i32
      %or3A_497 = vector.broadcast %or3A_496 : i32 to vector<16xi32>
      %or3A_498 = arith.ori %bitcast3A_487, %or3A_497 : vector<16xi32>
      %select_n3A_499 = arith.select %ne3A_493, %not3A_495, %or3A_498 : vector<16xi1>, vector<16xi32>
      %not3A_500 = arith.constant dense<-1> : vector<16xi32>
      %not3A_501 = arith.xori %select_n3A_499, %not3A_500 : vector<16xi32>
      %swap3A_502 = arith.index_cast %add3A_484 : i32 to index
      %swap3A_503 = tpu.vector_load %arg6[%swap3A_502] {strides = array<i32>} : memref<2048xi32, #tpu.memory_space<vmem>>, vector<16xi32>,
      tpu.vector_store %arg6[%swap3A_502], %not3A_501 {strides = array<i32>} : memref<2048xi32, #tpu.memory_space<vmem>>, vector<16xi32>,
      %mul3A_504 = arith.constant 64 : i32
      %mul3A_505 = arith.muli %mul3A_504, %scan3A_457 : i32
      %add3A_506 = arith.constant 32 : i32
      %add3A_507 = arith.addi %mul3A_505, %add3A_506 : i32
      %get3A_508 = arith.index_cast %add3A_507 : i32 to index
      %get3A_509 = tpu.vector_load %arg5[%get3A_508] {strides = array<i32>} : memref<2048xf32, #tpu.memory_space<vmem>>, vector<16xf32>,
      %bitcast3A_510 = vector.bitcast %get3A_509 : vector<16xf32> to vector<16xi32>
      %and3A_511 = arith.constant -2147483648 : i32
      %and3A_512 = vector.broadcast %and3A_511 : i32 to vector<16xi32>
      %and3A_513 = arith.andi %bitcast3A_510, %and3A_512 : vector<16xi32>
      %ne3A_514 = arith.constant 0 : i32
      %ne3A_515 = vector.broadcast %ne3A_514 : i32 to vector<16xi32>
      %ne3A_516 = arith.cmpi ne, %and3A_513, %ne3A_515 : vector<16xi32>
      %not3A_517 = arith.constant dense<-1> : vector<16xi32>
      %not3A_518 = arith.xori %bitcast3A_510, %not3A_517 : vector<16xi32>
      %or3A_519 = arith.constant -2147483648 : i32
      %or3A_520 = vector.broadcast %or3A_519 : i32 to vector<16xi32>
      %or3A_521 = arith.ori %bitcast3A_510, %or3A_520 : vector<16xi32>
      %select_n3A_522 = arith.select %ne3A_516, %not3A_518, %or3A_521 : vector<16xi1>, vector<16xi32>
      %not3A_523 = arith.constant dense<-1> : vector<16xi32>
      %not3A_524 = arith.xori %select_n3A_522, %not3A_523 : vector<16xi32>
      %swap3A_525 = arith.index_cast %add3A_507 : i32 to index
      %swap3A_526 = tpu.vector_load %arg6[%swap3A_525] {strides = array<i32>} : memref<2048xi32, #tpu.memory_space<vmem>>, vector<16xi32>,
      tpu.vector_store %arg6[%swap3A_525], %not3A_524 {strides = array<i32>} : memref<2048xi32, #tpu.memory_space<vmem>>, vector<16xi32>,
      %mul3A_527 = arith.constant 64 : i32
      %mul3A_528 = arith.muli %mul3A_527, %scan3A_457 : i32
      %add3A_529 = arith.constant 48 : i32
      %add3A_530 = arith.addi %mul3A_528, %add3A_529 : i32
      %get3A_531 = arith.index_cast %add3A_530 : i32 to index
      %get3A_532 = tpu.vector_load %arg5[%get3A_531] {strides = array<i32>} : memref<2048xf32, #tpu.memory_space<vmem>>, vector<16xf32>,
      %bitcast3A_533 = vector.bitcast %get3A_532 : vector<16xf32> to vector<16xi32>
      %and3A_534 = arith.constant -2147483648 : i32
      %and3A_535 = vector.broadcast %and3A_534 : i32 to vector<16xi32>
      %and3A_536 = arith.andi %bitcast3A_533, %and3A_535 : vector<16xi32>
      %ne3A_537 = arith.constant 0 : i32
      %ne3A_538 = vector.broadcast %ne3A_537 : i32 to vector<16xi32>
      %ne3A_539 = arith.cmpi ne, %and3A_536, %ne3A_538 : vector<16xi32>
      %not3A_540 = arith.constant dense<-1> : vector<16xi32>
      %not3A_541 = arith.xori %bitcast3A_533, %not3A_540 : vector<16xi32>
      %or3A_542 = arith.constant -2147483648 : i32
      %or3A_543 = vector.broadcast %or3A_542 : i32 to vector<16xi32>
      %or3A_544 = arith.ori %bitcast3A_533, %or3A_543 : vector<16xi32>
      %select_n3A_545 = arith.select %ne3A_539, %not3A_541, %or3A_544 : vector<16xi1>, vector<16xi32>
      %not3A_546 = arith.constant dense<-1> : vector<16xi32>
      %not3A_547 = arith.xori %select_n3A_545, %not3A_546 : vector<16xi32>
      %swap3A_548 = arith.index_cast %add3A_530 : i32 to index
      %swap3A_549 = tpu.vector_load %arg6[%swap3A_548] {strides = array<i32>} : memref<2048xi32, #tpu.memory_space<vmem>>, vector<16xi32>,
      tpu.vector_store %arg6[%swap3A_548], %not3A_547 {strides = array<i32>} : memref<2048xi32, #tpu.memory_space<vmem>>, vector<16xi32>,
      %scan3A_550 = arith.constant 0 : i32
      scf.yield %scan3A_550 : i32
    }
    %scan3A_30 = arith.constant 32 : i32
    %barrier3A = arith.constant 0 : index
    tpu.barrier barrier_id(%barrier3A)
    %scan3A_31 = arith.constant 0 : i32
    %scan3A_32 = arith.constant 0 : i32
    %scan3A_33 = arith.constant 16 : i32
    %scan3A_34 = arith.addi %scan3A_32, %scan3A_33 : i32
    %scan3A_35 = arith.constant 1 : i32
    %scan3A_36 = scf.for %scan3A_457 = %scan3A_32 to %scan3A_34 step %scan3A_35 iter_args(%scan3A_458 = %scan3A_31) -> (i32)  : i32 {
      %mul3A_459 = arith.constant 128 : i32
      %mul3A_460 = arith.muli %mul3A_459, %scan3A_457 : i32
      %add3A_461 = arith.constant 0 : i32
      %add3A_462 = arith.addi %mul3A_460, %add3A_461 : i32
      %swap3A_463 = arith.index_cast %add3A_462 : i32 to index
      %swap3A_464 = tpu.vector_load %arg9[%swap3A_463] {strides = array<i32>} : memref<2048xi32, #tpu.memory_space<vmem>>, vector<16xi32>,
      tpu.vector_store %arg9[%swap3A_463], %broadcast_in_dim3A_0 {strides = array<i32>} : memref<2048xi32, #tpu.memory_space<vmem>>, vector<16xi32>,
      %mul3A_465 = arith.constant 128 : i32
      %mul3A_466 = arith.muli %mul3A_465, %scan3A_457 : i32
      %add3A_467 = arith.constant 16 : i32
      %add3A_468 = arith.addi %mul3A_466, %add3A_467 : i32
      %swap3A_469 = arith.index_cast %add3A_468 : i32 to index
      %swap3A_470 = tpu.vector_load %arg9[%swap3A_469] {strides = array<i32>} : memref<2048xi32, #tpu.memory_space<vmem>>, vector<16xi32>,
      tpu.vector_store %arg9[%swap3A_469], %broadcast_in_dim3A_0 {strides = array<i32>} : memref<2048xi32, #tpu.memory_space<vmem>>, vector<16xi32>,
      %mul3A_471 = arith.constant 128 : i32
      %mul3A_472 = arith.muli %mul3A_471, %scan3A_457 : i32
      %add3A_473 = arith.constant 32 : i32
      %add3A_474 = arith.addi %mul3A_472, %add3A_473 : i32
      %swap3A_475 = arith.index_cast %add3A_474 : i32 to index
      %swap3A_476 = tpu.vector_load %arg9[%swap3A_475] {strides = array<i32>} : memref<2048xi32, #tpu.memory_space<vmem>>, vector<16xi32>,
      tpu.vector_store %arg9[%swap3A_475], %broadcast_in_dim3A_0 {strides = array<i32>} : memref<2048xi32, #tpu.memory_space<vmem>>, vector<16xi32>,
      %mul3A_477 = arith.constant 128 : i32
      %mul3A_478 = arith.muli %mul3A_477, %scan3A_457 : i32
      %add3A_479 = arith.constant 48 : i32
      %add3A_480 = arith.addi %mul3A_478, %add3A_479 : i32
      %swap3A_481 = arith.index_cast %add3A_480 : i32 to index
      %swap3A_482 = tpu.vector_load %arg9[%swap3A_481] {strides = array<i32>} : memref<2048xi32, #tpu.memory_space<vmem>>, vector<16xi32>,
      tpu.vector_store %arg9[%swap3A_481], %broadcast_in_dim3A_0 {strides = array<i32>} : memref<2048xi32, #tpu.memory_space<vmem>>, vector<16xi32>,
      %mul3A_483 = arith.constant 128 : i32
      %mul3A_484 = arith.muli %mul3A_483, %scan3A_457 : i32
      %add3A_485 = arith.constant 64 : i32
      %add3A_486 = arith.addi %mul3A_484, %add3A_485 : i32
      %swap3A_487 = arith.index_cast %add3A_486 : i32 to index
      %swap3A_488 = tpu.vector_load %arg9[%swap3A_487] {strides = array<i32>} : memref<2048xi32, #tpu.memory_space<vmem>>, vector<16xi32>,
      tpu.vector_store %arg9[%swap3A_487], %broadcast_in_dim3A_0 {strides = array<i32>} : memref<2048xi32, #tpu.memory_space<vmem>>, vector<16xi32>,
      %mul3A_489 = arith.constant 128 : i32
      %mul3A_490 = arith.muli %mul3A_489, %scan3A_457 : i32
      %add3A_491 = arith.constant 80 : i32
      %add3A_492 = arith.addi %mul3A_490, %add3A_491 : i32
      %swap3A_493 = arith.index_cast %add3A_492 : i32 to index
      %swap3A_494 = tpu.vector_load %arg9[%swap3A_493] {strides = array<i32>} : memref<2048xi32, #tpu.memory_space<vmem>>, vector<16xi32>,
      tpu.vector_store %arg9[%swap3A_493], %broadcast_in_dim3A_0 {strides = array<i32>} : memref<2048xi32, #tpu.memory_space<vmem>>, vector<16xi32>,
      %mul3A_495 = arith.constant 128 : i32
      %mul3A_496 = arith.muli %mul3A_495, %scan3A_457 : i32
      %add3A_497 = arith.constant 96 : i32
      %add3A_498 = arith.addi %mul3A_496, %add3A_497 : i32
      %swap3A_499 = arith.index_cast %add3A_498 : i32 to index
      %swap3A_500 = tpu.vector_load %arg9[%swap3A_499] {strides = array<i32>} : memref<2048xi32, #tpu.memory_space<vmem>>, vector<16xi32>,
      tpu.vector_store %arg9[%swap3A_499], %broadcast_in_dim3A_0 {strides = array<i32>} : memref<2048xi32, #tpu.memory_space<vmem>>, vector<16xi32>,
      %mul3A_501 = arith.constant 128 : i32
      %mul3A_502 = arith.muli %mul3A_501, %scan3A_457 : i32
      %add3A_503 = arith.constant 112 : i32
      %add3A_504 = arith.addi %mul3A_502, %add3A_503 : i32
      %swap3A_505 = arith.index_cast %add3A_504 : i32 to index
      %swap3A_506 = tpu.vector_load %arg9[%swap3A_505] {strides = array<i32>} : memref<2048xi32, #tpu.memory_space<vmem>>, vector<16xi32>,
      tpu.vector_store %arg9[%swap3A_505], %broadcast_in_dim3A_0 {strides = array<i32>} : memref<2048xi32, #tpu.memory_space<vmem>>, vector<16xi32>,
      %scan3A_507 = arith.constant 0 : i32
      scf.yield %scan3A_507 : i32
    }
    %scan3A_37 = arith.constant 16 : i32
    %scan3A_38 = arith.constant 0 : i32
    %scan3A_39 = arith.constant 0 : i32
    %scan3A_40 = arith.constant 32 : i32
    %scan3A_41 = arith.addi %scan3A_39, %scan3A_40 : i32
    %scan3A_42 = arith.constant 1 : i32
    %scan3A_43 = scf.for %scan3A_457 = %scan3A_39 to %scan3A_41 step %scan3A_42 iter_args(%scan3A_458 = %scan3A_38) -> (i32)  : i32 {
      %mul3A_459 = arith.constant 64 : i32
      %mul3A_460 = arith.muli %mul3A_459, %scan3A_457 : i32
      %add3A_461 = arith.constant 0 : i32
      %add3A_462 = arith.addi %mul3A_460, %add3A_461 : i32
      %get3A_463 = arith.index_cast %add3A_462 : i32 to index
      %get3A_464 = tpu.vector_load %arg6[%get3A_463] {strides = array<i32>} : memref<2048xi32, #tpu.memory_space<vmem>>, vector<16xi32>,
      %shift_right_logical3A = arith.constant 21 : i32
      %shift_right_logical3A_465 = vector.broadcast %shift_right_logical3A : i32 to vector<16xi32>
      %shift_right_logical3A_466 = arith.shrui %get3A_464, %shift_right_logical3A_465 : vector<16xi32>
      %and3A_467 = arith.constant 2047 : i32
      %and3A_468 = vector.broadcast %and3A_467 : i32 to vector<16xi32>
      %and3A_469 = arith.andi %shift_right_logical3A_466, %and3A_468 : vector<16xi32>
      %broadcast_in_dim3A_470 = arith.constant true
      %broadcast_in_dim3A_471 = vector.broadcast %broadcast_in_dim3A_470 : i1 to vector<16xi1>
      %unique3A_472, %unique3A_473 = tpu.scan_count mask(%broadcast_in_dim3A_471 : vector<16xi1>) value(%and3A_469 : vector<16xi32>) : vector<16xi1>, vector<16xi32>
      %sub3A_474 = vector.broadcast %reduce_min3A_10 : i32 to vector<16xi32>
      %sub3A_475 = arith.subi %unique3A_473, %sub3A_474 : vector<16xi32>
      %add3A_476 = arith.constant 1 : i32
      %add3A_477 = vector.broadcast %add3A_476 : i32 to vector<16xi32>
      %add3A_478 = arith.addi %sub3A_475, %add3A_477 : vector<16xi32>
      tpu.vector_store_idx %arg9[%and3A_469], %add3A_478 masked %unique3A_472 {add = true} : memref<2048xi32, #tpu.memory_space<vmem>>[vector<16xi32>], vector<16xi32>, vector<16xi1>
      %mul3A_479 = arith.constant 64 : i32
      %mul3A_480 = arith.muli %mul3A_479, %scan3A_457 : i32
      %add3A_481 = arith.constant 16 : i32
      %add3A_482 = arith.addi %mul3A_480, %add3A_481 : i32
      %get3A_483 = arith.index_cast %add3A_482 : i32 to index
      %get3A_484 = tpu.vector_load %arg6[%get3A_483] {strides = array<i32>} : memref<2048xi32, #tpu.memory_space<vmem>>, vector<16xi32>,
      %shift_right_logical3A_485 = arith.constant 21 : i32
      %shift_right_logical3A_486 = vector.broadcast %shift_right_logical3A_485 : i32 to vector<16xi32>
      %shift_right_logical3A_487 = arith.shrui %get3A_484, %shift_right_logical3A_486 : vector<16xi32>
      %and3A_488 = arith.constant 2047 : i32
      %and3A_489 = vector.broadcast %and3A_488 : i32 to vector<16xi32>
      %and3A_490 = arith.andi %shift_right_logical3A_487, %and3A_489 : vector<16xi32>
      %broadcast_in_dim3A_491 = arith.constant true
      %broadcast_in_dim3A_492 = vector.broadcast %broadcast_in_dim3A_491 : i1 to vector<16xi1>
      %unique3A_493, %unique3A_494 = tpu.scan_count mask(%broadcast_in_dim3A_492 : vector<16xi1>) value(%and3A_490 : vector<16xi32>) : vector<16xi1>, vector<16xi32>
      %sub3A_495 = vector.broadcast %reduce_min3A_10 : i32 to vector<16xi32>
      %sub3A_496 = arith.subi %unique3A_494, %sub3A_495 : vector<16xi32>
      %add3A_497 = arith.constant 1 : i32
      %add3A_498 = vector.broadcast %add3A_497 : i32 to vector<16xi32>
      %add3A_499 = arith.addi %sub3A_496, %add3A_498 : vector<16xi32>
      tpu.vector_store_idx %arg9[%and3A_490], %add3A_499 masked %unique3A_493 {add = true} : memref<2048xi32, #tpu.memory_space<vmem>>[vector<16xi32>], vector<16xi32>, vector<16xi1>
      %mul3A_500 = arith.constant 64 : i32
      %mul3A_501 = arith.muli %mul3A_500, %scan3A_457 : i32
      %add3A_502 = arith.constant 32 : i32
      %add3A_503 = arith.addi %mul3A_501, %add3A_502 : i32
      %get3A_504 = arith.index_cast %add3A_503 : i32 to index
      %get3A_505 = tpu.vector_load %arg6[%get3A_504] {strides = array<i32>} : memref<2048xi32, #tpu.memory_space<vmem>>, vector<16xi32>,
      %shift_right_logical3A_506 = arith.constant 21 : i32
      %shift_right_logical3A_507 = vector.broadcast %shift_right_logical3A_506 : i32 to vector<16xi32>
      %shift_right_logical3A_508 = arith.shrui %get3A_505, %shift_right_logical3A_507 : vector<16xi32>
      %and3A_509 = arith.constant 2047 : i32
      %and3A_510 = vector.broadcast %and3A_509 : i32 to vector<16xi32>
      %and3A_511 = arith.andi %shift_right_logical3A_508, %and3A_510 : vector<16xi32>
      %broadcast_in_dim3A_512 = arith.constant true
      %broadcast_in_dim3A_513 = vector.broadcast %broadcast_in_dim3A_512 : i1 to vector<16xi1>
      %unique3A_514, %unique3A_515 = tpu.scan_count mask(%broadcast_in_dim3A_513 : vector<16xi1>) value(%and3A_511 : vector<16xi32>) : vector<16xi1>, vector<16xi32>
      %sub3A_516 = vector.broadcast %reduce_min3A_10 : i32 to vector<16xi32>
      %sub3A_517 = arith.subi %unique3A_515, %sub3A_516 : vector<16xi32>
      %add3A_518 = arith.constant 1 : i32
      %add3A_519 = vector.broadcast %add3A_518 : i32 to vector<16xi32>
      %add3A_520 = arith.addi %sub3A_517, %add3A_519 : vector<16xi32>
      tpu.vector_store_idx %arg9[%and3A_511], %add3A_520 masked %unique3A_514 {add = true} : memref<2048xi32, #tpu.memory_space<vmem>>[vector<16xi32>], vector<16xi32>, vector<16xi1>
      %mul3A_521 = arith.constant 64 : i32
      %mul3A_522 = arith.muli %mul3A_521, %scan3A_457 : i32
      %add3A_523 = arith.constant 48 : i32
      %add3A_524 = arith.addi %mul3A_522, %add3A_523 : i32
      %get3A_525 = arith.index_cast %add3A_524 : i32 to index
      %get3A_526 = tpu.vector_load %arg6[%get3A_525] {strides = array<i32>} : memref<2048xi32, #tpu.memory_space<vmem>>, vector<16xi32>,
      %shift_right_logical3A_527 = arith.constant 21 : i32
      %shift_right_logical3A_528 = vector.broadcast %shift_right_logical3A_527 : i32 to vector<16xi32>
      %shift_right_logical3A_529 = arith.shrui %get3A_526, %shift_right_logical3A_528 : vector<16xi32>
      %and3A_530 = arith.constant 2047 : i32
      %and3A_531 = vector.broadcast %and3A_530 : i32 to vector<16xi32>
      %and3A_532 = arith.andi %shift_right_logical3A_529, %and3A_531 : vector<16xi32>
      %broadcast_in_dim3A_533 = arith.constant true
      %broadcast_in_dim3A_534 = vector.broadcast %broadcast_in_dim3A_533 : i1 to vector<16xi1>
      %unique3A_535, %unique3A_536 = tpu.scan_count mask(%broadcast_in_dim3A_534 : vector<16xi1>) value(%and3A_532 : vector<16xi32>) : vector<16xi1>, vector<16xi32>
      %sub3A_537 = vector.broadcast %reduce_min3A_10 : i32 to vector<16xi32>
      %sub3A_538 = arith.subi %unique3A_536, %sub3A_537 : vector<16xi32>
      %add3A_539 = arith.constant 1 : i32
      %add3A_540 = vector.broadcast %add3A_539 : i32 to vector<16xi32>
      %add3A_541 = arith.addi %sub3A_538, %add3A_540 : vector<16xi32>
      tpu.vector_store_idx %arg9[%and3A_532], %add3A_541 masked %unique3A_535 {add = true} : memref<2048xi32, #tpu.memory_space<vmem>>[vector<16xi32>], vector<16xi32>, vector<16xi1>
      %scan3A_542 = arith.constant 0 : i32
      scf.yield %scan3A_542 : i32
    }
    %scan3A_44 = arith.constant 32 : i32
    %scan3A_45 = arith.constant 0 : i32
    %scan3A_46 = arith.constant 0 : i32
    %scan3A_47 = arith.constant 16 : i32
    %scan3A_48 = arith.addi %scan3A_46, %scan3A_47 : i32
    %scan3A_49 = arith.constant 1 : i32
    %scan3A_50 = scf.for %scan3A_457 = %scan3A_46 to %scan3A_48 step %scan3A_49 iter_args(%scan3A_458 = %scan3A_45) -> (i32)  : i32 {
      %mul3A_459 = arith.constant 128 : i32
      %mul3A_460 = arith.muli %mul3A_459, %scan3A_457 : i32
      %add3A_461 = arith.constant 0 : i32
      %add3A_462 = arith.addi %add3A_461, %mul3A_460 : i32
      %add3A_463 = vector.broadcast %add3A_462 : i32 to vector<16xi32>
      %add3A_464 = arith.addi %iota3A, %add3A_463 : vector<16xi32>
      %swap3A_465 = arith.constant 0 : i32
      %swap3A_466 = arith.index_cast %swap3A_465 : i32 to index
      %swap3A_467 = arith.constant 0 : index
      %swap3A_468 = tpu.vector_load %arg14[%swap3A_466, %swap3A_467] {strides = array<i32>} : memref<1x128xi32, #tpu.memory_space<vmem>>, vector<16xi32>,
      tpu.vector_store %arg14[%swap3A_466, %swap3A_467], %add3A_464 {strides = array<i32>} : memref<1x128xi32, #tpu.memory_space<vmem>>, vector<16xi32>,
      %mul3A_469 = arith.constant 128 : i32
      %mul3A_470 = arith.muli %mul3A_469, %scan3A_457 : i32
      %add3A_471 = arith.constant 16 : i32
      %add3A_472 = arith.addi %add3A_471, %mul3A_470 : i32
      %add3A_473 = vector.broadcast %add3A_472 : i32 to vector<16xi32>
      %add3A_474 = arith.addi %iota3A, %add3A_473 : vector<16xi32>
      %swap3A_475 = arith.constant 0 : i32
      %swap3A_476 = arith.index_cast %swap3A_475 : i32 to index
      %swap3A_477 = arith.constant 16 : index
      %swap3A_478 = tpu.vector_load %arg14[%swap3A_476, %swap3A_477] {strides = array<i32>} : memref<1x128xi32, #tpu.memory_space<vmem>>, vector<16xi32>,
      tpu.vector_store %arg14[%swap3A_476, %swap3A_477], %add3A_474 {strides = array<i32>} : memref<1x128xi32, #tpu.memory_space<vmem>>, vector<16xi32>,
      %mul3A_479 = arith.constant 128 : i32
      %mul3A_480 = arith.muli %mul3A_479, %scan3A_457 : i32
      %add3A_481 = arith.constant 32 : i32
      %add3A_482 = arith.addi %add3A_481, %mul3A_480 : i32
      %add3A_483 = vector.broadcast %add3A_482 : i32 to vector<16xi32>
      %add3A_484 = arith.addi %iota3A, %add3A_483 : vector<16xi32>
      %swap3A_485 = arith.constant 0 : i32
      %swap3A_486 = arith.index_cast %swap3A_485 : i32 to index
      %swap3A_487 = arith.constant 32 : index
      %swap3A_488 = tpu.vector_load %arg14[%swap3A_486, %swap3A_487] {strides = array<i32>} : memref<1x128xi32, #tpu.memory_space<vmem>>, vector<16xi32>,
      tpu.vector_store %arg14[%swap3A_486, %swap3A_487], %add3A_484 {strides = array<i32>} : memref<1x128xi32, #tpu.memory_space<vmem>>, vector<16xi32>,
      %mul3A_489 = arith.constant 128 : i32
      %mul3A_490 = arith.muli %mul3A_489, %scan3A_457 : i32
      %add3A_491 = arith.constant 48 : i32
      %add3A_492 = arith.addi %add3A_491, %mul3A_490 : i32
      %add3A_493 = vector.broadcast %add3A_492 : i32 to vector<16xi32>
      %add3A_494 = arith.addi %iota3A, %add3A_493 : vector<16xi32>
      %swap3A_495 = arith.constant 0 : i32
      %swap3A_496 = arith.index_cast %swap3A_495 : i32 to index
      %swap3A_497 = arith.constant 48 : index
      %swap3A_498 = tpu.vector_load %arg14[%swap3A_496, %swap3A_497] {strides = array<i32>} : memref<1x128xi32, #tpu.memory_space<vmem>>, vector<16xi32>,
      tpu.vector_store %arg14[%swap3A_496, %swap3A_497], %add3A_494 {strides = array<i32>} : memref<1x128xi32, #tpu.memory_space<vmem>>, vector<16xi32>,
      %mul3A_499 = arith.constant 128 : i32
      %mul3A_500 = arith.muli %mul3A_499, %scan3A_457 : i32
      %add3A_501 = arith.constant 64 : i32
      %add3A_502 = arith.addi %add3A_501, %mul3A_500 : i32
      %add3A_503 = vector.broadcast %add3A_502 : i32 to vector<16xi32>
      %add3A_504 = arith.addi %iota3A, %add3A_503 : vector<16xi32>
      %swap3A_505 = arith.constant 0 : i32
      %swap3A_506 = arith.index_cast %swap3A_505 : i32 to index
      %swap3A_507 = arith.constant 64 : index
      %swap3A_508 = tpu.vector_load %arg14[%swap3A_506, %swap3A_507] {strides = array<i32>} : memref<1x128xi32, #tpu.memory_space<vmem>>, vector<16xi32>,
      tpu.vector_store %arg14[%swap3A_506, %swap3A_507], %add3A_504 {strides = array<i32>} : memref<1x128xi32, #tpu.memory_space<vmem>>, vector<16xi32>,
      %mul3A_509 = arith.constant 128 : i32
      %mul3A_510 = arith.muli %mul3A_509, %scan3A_457 : i32
      %add3A_511 = arith.constant 80 : i32
      %add3A_512 = arith.addi %add3A_511, %mul3A_510 : i32
      %add3A_513 = vector.broadcast %add3A_512 : i32 to vector<16xi32>
      %add3A_514 = arith.addi %iota3A, %add3A_513 : vector<16xi32>
      %swap3A_515 = arith.constant 0 : i32
      %swap3A_516 = arith.index_cast %swap3A_515 : i32 to index
      %swap3A_517 = arith.constant 80 : index
      %swap3A_518 = tpu.vector_load %arg14[%swap3A_516, %swap3A_517] {strides = array<i32>} : memref<1x128xi32, #tpu.memory_space<vmem>>, vector<16xi32>,
      tpu.vector_store %arg14[%swap3A_516, %swap3A_517], %add3A_514 {strides = array<i32>} : memref<1x128xi32, #tpu.memory_space<vmem>>, vector<16xi32>,
      %mul3A_519 = arith.constant 128 : i32
      %mul3A_520 = arith.muli %mul3A_519, %scan3A_457 : i32
      %add3A_521 = arith.constant 96 : i32
      %add3A_522 = arith.addi %add3A_521, %mul3A_520 : i32
      %add3A_523 = vector.broadcast %add3A_522 : i32 to vector<16xi32>
      %add3A_524 = arith.addi %iota3A, %add3A_523 : vector<16xi32>
      %swap3A_525 = arith.constant 0 : i32
      %swap3A_526 = arith.index_cast %swap3A_525 : i32 to index
      %swap3A_527 = arith.constant 96 : index
      %swap3A_528 = tpu.vector_load %arg14[%swap3A_526, %swap3A_527] {strides = array<i32>} : memref<1x128xi32, #tpu.memory_space<vmem>>, vector<16xi32>,
      tpu.vector_store %arg14[%swap3A_526, %swap3A_527], %add3A_524 {strides = array<i32>} : memref<1x128xi32, #tpu.memory_space<vmem>>, vector<16xi32>,
      %mul3A_529 = arith.constant 128 : i32
      %mul3A_530 = arith.muli %mul3A_529, %scan3A_457 : i32
      %add3A_531 = arith.constant 112 : i32
      %add3A_532 = arith.addi %add3A_531, %mul3A_530 : i32
      %add3A_533 = vector.broadcast %add3A_532 : i32 to vector<16xi32>
      %add3A_534 = arith.addi %iota3A, %add3A_533 : vector<16xi32>
      %swap3A_535 = arith.constant 0 : i32
      %swap3A_536 = arith.index_cast %swap3A_535 : i32 to index
      %swap3A_537 = arith.constant 112 : index
      %swap3A_538 = tpu.vector_load %arg14[%swap3A_536, %swap3A_537] {strides = array<i32>} : memref<1x128xi32, #tpu.memory_space<vmem>>, vector<16xi32>,
      tpu.vector_store %arg14[%swap3A_536, %swap3A_537], %add3A_534 {strides = array<i32>} : memref<1x128xi32, #tpu.memory_space<vmem>>, vector<16xi32>,
      %mul3A_539 = arith.constant 128 : i32
      %mul3A_540 = arith.muli %mul3A_539, %scan3A_457 : i32
      %run_scoped3A = arith.constant 0 : i32
      "tpu.region"() ({
        %run_scoped3A_542 = tpu.sem_alloc : memref<!tpu.dma_semaphore, #tpu.memory_space<semaphore_mem>>
        %dma_start3A_543 = tpu.memref_slice %arg9[%mul3A_540] : memref<2048xi32, #tpu.memory_space<vmem>> -> memref<128xi32, #tpu.memory_space<vmem>>
        %dma_start3A_544 = arith.constant 0 : i32
        %dma_start3A_545 = tpu.memref_slice %arg14[%run_scoped3A, %dma_start3A_544] : memref<1x128xi32, #tpu.memory_space<vmem>> -> memref<1x128xi32, #tpu.memory_space<vmem>>
        %dma_start3A_546 = tpu.memref_squeeze %dma_start3A_545 : memref<1x128xi32, #tpu.memory_space<vmem>> -> memref<128xi32, #tpu.memory_space<vmem>>
        %dma_start3A_547 = arith.constant 0 : i32
        %dma_start3A_548 = tpu.memref_slice %arg23[%dma_start3A_547] : memref<2048xi32, #tpu.memory_space<vmem_shared>> -> memref<2048xi32, #tpu.memory_space<vmem_shared>>
        tpu.enqueue_indirect_dma source(%dma_start3A_543 : memref<128xi32, #tpu.memory_space<vmem>>) target(%dma_start3A_548 : memref<2048xi32, #tpu.memory_space<vmem_shared>>) offsets(%dma_start3A_546 : memref<128xi32, #tpu.memory_space<vmem>>) semaphore(%run_scoped3A_542 : memref<!tpu.dma_semaphore, #tpu.memory_space<semaphore_mem>>) {add = true}
        %dma_wait3A_549 = tpu.memref_slice %arg9[%mul3A_540] : memref<2048xi32, #tpu.memory_space<vmem>> -> memref<128xi32, #tpu.memory_space<vmem>>
        %dma_wait3A_550 = arith.constant 0 : i32
        %dma_wait3A_551 = tpu.memref_slice %arg14[%run_scoped3A, %dma_wait3A_550] : memref<1x128xi32, #tpu.memory_space<vmem>> -> memref<1x128xi32, #tpu.memory_space<vmem>>
        %dma_wait3A_552 = tpu.memref_squeeze %dma_wait3A_551 : memref<1x128xi32, #tpu.memory_space<vmem>> -> memref<128xi32, #tpu.memory_space<vmem>>
        %dma_wait3A_553 = arith.constant 0 : i32
        %dma_wait3A_554 = tpu.memref_slice %arg23[%dma_wait3A_553] : memref<2048xi32, #tpu.memory_space<vmem_shared>> -> memref<2048xi32, #tpu.memory_space<vmem_shared>>
        tpu.wait_indirect_dma semaphore(%run_scoped3A_542 : memref<!tpu.dma_semaphore, #tpu.memory_space<semaphore_mem>>) src(%dma_wait3A_549 : memref<128xi32, #tpu.memory_space<vmem>>) dst(%dma_wait3A_554 : memref<2048xi32, #tpu.memory_space<vmem_shared>>)
        tpu.yield
      }) : () -> ()
      %scan3A_541 = arith.constant 0 : i32
      scf.yield %scan3A_541 : i32
    }
    %scan3A_51 = arith.constant 16 : i32
    %barrier3A_52 = arith.constant 0 : index
    tpu.barrier barrier_id(%barrier3A_52)
    %eq3A = arith.constant 0 : i32
    %eq3A_53 = arith.cmpi eq, %arg1, %eq3A : i32
    %convert_element_type3A = arith.extui %eq3A_53 : i1 to i32
    %cond3A = arith.constant 0 : i32
    %cond3A_54 = arith.cmpi ne, %convert_element_type3A, %cond3A : i32
    scf.if %cond3A_54 {
      "tpu.region"() ({
        %run_scoped3A = tpu.sem_alloc : memref<!tpu.dma_semaphore, #tpu.memory_space<semaphore_mem>>
        %dma_start3A_512 = arith.constant 0 : i32
        %dma_start3A_513 = tpu.memref_slice %arg9[%dma_start3A_512] : memref<2048xi32, #tpu.memory_space<vmem>> -> memref<2048xi32, #tpu.memory_space<vmem>>
        %dma_start3A_514 = arith.constant 0 : i32
        %dma_start3A_515 = tpu.memref_slice %arg9[%dma_start3A_514] : memref<2048xi32, #tpu.memory_space<vmem>> -> memref<2048xi32, #tpu.memory_space<vmem>>
        tpu.enqueue_dma source(%arg23 : memref<2048xi32, #tpu.memory_space<vmem_shared>>) target(%dma_start3A_515 : memref<2048xi32, #tpu.memory_space<vmem>>) target_semaphore(%run_scoped3A : memref<!tpu.dma_semaphore, #tpu.memory_space<semaphore_mem>>)
        %dma_wait3A_516 = arith.constant 0 : i32
        %dma_wait3A_517 = tpu.memref_slice %arg9[%dma_wait3A_516] : memref<2048xi32, #tpu.memory_space<vmem>> -> memref<2048xi32, #tpu.memory_space<vmem>>
        %dma_wait3A_518 = arith.constant 0 : i32
        %dma_wait3A_519 = tpu.memref_slice %arg9[%dma_wait3A_518] : memref<2048xi32, #tpu.memory_space<vmem>> -> memref<2048xi32, #tpu.memory_space<vmem>>
        tpu.wait_dma2 semaphore(%run_scoped3A : memref<!tpu.dma_semaphore, #tpu.memory_space<semaphore_mem>>) src(%arg23 : memref<2048xi32, #tpu.memory_space<vmem_shared>>) dst(%dma_wait3A_519 : memref<2048xi32, #tpu.memory_space<vmem>>)
        tpu.yield
      }) : () -> ()
      %scan3A_457 = arith.constant 1024 : i32
      %scan3A_458 = arith.constant 0 : i32
      %scan3A_459 = arith.constant 0 : i32
      %scan3A_460 = arith.constant 0 : i32
      %scan3A_461 = arith.constant 0 : i32
      %scan3A_462 = arith.constant 32 : i32
      %scan3A_463 = arith.addi %scan3A_461, %scan3A_462 : i32
      %scan3A_464 = arith.constant 1 : i32
      %scan3A_465:3 = scf.for %scan3A_512 = %scan3A_461 to %scan3A_463 step %scan3A_464 iter_args(%scan3A_513 = %scan3A_458, %scan3A_514 = %scan3A_459, %scan3A_515 = %scan3A_460) -> (i32, i32, i32)  : i32 {
        %mul3A_516 = arith.constant 64 : i32
        %mul3A_517 = arith.muli %mul3A_516, %scan3A_512 : i32
        %add3A_518 = arith.constant 0 : i32
        %add3A_519 = arith.addi %mul3A_517, %add3A_518 : i32
        %get3A_520 = arith.index_cast %add3A_519 : i32 to index
        %get3A_521 = tpu.vector_load %arg9[%get3A_520] {strides = array<i32>} : memref<2048xi32, #tpu.memory_space<vmem>>, vector<16xi32>,
        %reduce_sum3A_522 = arith.constant true
        %reduce_sum3A_523 = vector.broadcast %reduce_sum3A_522 : i1 to vector<16xi1>
        %reduce_sum3A_524 = tpu.scan <sum>, %get3A_521 masked %reduce_sum3A_523 : vector<16xi32>, vector<16xi1> -> vector<16xi32>
        %reduce_sum3A_525 = vector.extract %reduce_sum3A_524[15] : i32 from vector<16xi32>
        %add3A_526 = arith.addi %scan3A_513, %reduce_sum3A_525 : i32
        %lt3A = arith.cmpi slt, %scan3A_513, %scan3A_457 : i32
        %ge3A_527 = arith.cmpi sge, %add3A_526, %scan3A_457 : i32
        %and3A_528 = arith.andi %lt3A, %ge3A_527 : i1
        %mul3A_529 = arith.constant 4 : i32
        %mul3A_530 = arith.muli %mul3A_529, %scan3A_512 : i32
        %add3A_531 = arith.constant 0 : i32
        %add3A_532 = arith.addi %mul3A_530, %add3A_531 : i32
        %select_n3A_533 = arith.select %and3A_528, %add3A_532, %scan3A_514 : i32
        %select_n3A_534 = arith.select %and3A_528, %scan3A_513, %scan3A_515 : i32
        %mul3A_535 = arith.constant 64 : i32
        %mul3A_536 = arith.muli %mul3A_535, %scan3A_512 : i32
        %add3A_537 = arith.constant 16 : i32
        %add3A_538 = arith.addi %mul3A_536, %add3A_537 : i32
        %get3A_539 = arith.index_cast %add3A_538 : i32 to index
        %get3A_540 = tpu.vector_load %arg9[%get3A_539] {strides = array<i32>} : memref<2048xi32, #tpu.memory_space<vmem>>, vector<16xi32>,
        %reduce_sum3A_541 = arith.constant true
        %reduce_sum3A_542 = vector.broadcast %reduce_sum3A_541 : i1 to vector<16xi1>
        %reduce_sum3A_543 = tpu.scan <sum>, %get3A_540 masked %reduce_sum3A_542 : vector<16xi32>, vector<16xi1> -> vector<16xi32>
        %reduce_sum3A_544 = vector.extract %reduce_sum3A_543[15] : i32 from vector<16xi32>
        %add3A_545 = arith.addi %add3A_526, %reduce_sum3A_544 : i32
        %lt3A_546 = arith.cmpi slt, %add3A_526, %scan3A_457 : i32
        %ge3A_547 = arith.cmpi sge, %add3A_545, %scan3A_457 : i32
        %and3A_548 = arith.andi %lt3A_546, %ge3A_547 : i1
        %mul3A_549 = arith.constant 4 : i32
        %mul3A_550 = arith.muli %mul3A_549, %scan3A_512 : i32
        %add3A_551 = arith.constant 1 : i32
        %add3A_552 = arith.addi %mul3A_550, %add3A_551 : i32
        %select_n3A_553 = arith.select %and3A_548, %add3A_552, %select_n3A_533 : i32
        %select_n3A_554 = arith.select %and3A_548, %add3A_526, %select_n3A_534 : i32
        %mul3A_555 = arith.constant 64 : i32
        %mul3A_556 = arith.muli %mul3A_555, %scan3A_512 : i32
        %add3A_557 = arith.constant 32 : i32
        %add3A_558 = arith.addi %mul3A_556, %add3A_557 : i32
        %get3A_559 = arith.index_cast %add3A_558 : i32 to index
        %get3A_560 = tpu.vector_load %arg9[%get3A_559] {strides = array<i32>} : memref<2048xi32, #tpu.memory_space<vmem>>, vector<16xi32>,
        %reduce_sum3A_561 = arith.constant true
        %reduce_sum3A_562 = vector.broadcast %reduce_sum3A_561 : i1 to vector<16xi1>
        %reduce_sum3A_563 = tpu.scan <sum>, %get3A_560 masked %reduce_sum3A_562 : vector<16xi32>, vector<16xi1> -> vector<16xi32>
        %reduce_sum3A_564 = vector.extract %reduce_sum3A_563[15] : i32 from vector<16xi32>
        %add3A_565 = arith.addi %add3A_545, %reduce_sum3A_564 : i32
        %lt3A_566 = arith.cmpi slt, %add3A_545, %scan3A_457 : i32
        %ge3A_567 = arith.cmpi sge, %add3A_565, %scan3A_457 : i32
        %and3A_568 = arith.andi %lt3A_566, %ge3A_567 : i1
        %mul3A_569 = arith.constant 4 : i32
        %mul3A_570 = arith.muli %mul3A_569, %scan3A_512 : i32
        %add3A_571 = arith.constant 2 : i32
        %add3A_572 = arith.addi %mul3A_570, %add3A_571 : i32
        %select_n3A_573 = arith.select %and3A_568, %add3A_572, %select_n3A_553 : i32
        %select_n3A_574 = arith.select %and3A_568, %add3A_545, %select_n3A_554 : i32
        %mul3A_575 = arith.constant 64 : i32
        %mul3A_576 = arith.muli %mul3A_575, %scan3A_512 : i32
        %add3A_577 = arith.constant 48 : i32
        %add3A_578 = arith.addi %mul3A_576, %add3A_577 : i32
        %get3A_579 = arith.index_cast %add3A_578 : i32 to index
        %get3A_580 = tpu.vector_load %arg9[%get3A_579] {strides = array<i32>} : memref<2048xi32, #tpu.memory_space<vmem>>, vector<16xi32>,
        %reduce_sum3A_581 = arith.constant true
        %reduce_sum3A_582 = vector.broadcast %reduce_sum3A_581 : i1 to vector<16xi1>
        %reduce_sum3A_583 = tpu.scan <sum>, %get3A_580 masked %reduce_sum3A_582 : vector<16xi32>, vector<16xi1> -> vector<16xi32>
        %reduce_sum3A_584 = vector.extract %reduce_sum3A_583[15] : i32 from vector<16xi32>
        %add3A_585 = arith.addi %add3A_565, %reduce_sum3A_584 : i32
        %lt3A_586 = arith.cmpi slt, %add3A_565, %scan3A_457 : i32
        %ge3A_587 = arith.cmpi sge, %add3A_585, %scan3A_457 : i32
        %and3A_588 = arith.andi %lt3A_586, %ge3A_587 : i1
        %mul3A_589 = arith.constant 4 : i32
        %mul3A_590 = arith.muli %mul3A_589, %scan3A_512 : i32
        %add3A_591 = arith.constant 3 : i32
        %add3A_592 = arith.addi %mul3A_590, %add3A_591 : i32
        %select_n3A_593 = arith.select %and3A_588, %add3A_592, %select_n3A_573 : i32
        %select_n3A_594 = arith.select %and3A_588, %add3A_565, %select_n3A_574 : i32
        scf.yield %add3A_585, %select_n3A_593, %select_n3A_594 : i32, i32, i32
      }
      %scan3A_466 = arith.constant 32 : i32
      %mul3A_467 = arith.constant 16 : i32
      %mul3A_468 = arith.muli %mul3A_467, %scan3A_465#1 : i32
      %get3A_469 = arith.index_cast %mul3A_468 : i32 to index
      %get3A_470 = tpu.vector_load %arg9[%get3A_469] {strides = array<i32>} : memref<2048xi32, #tpu.memory_space<vmem>>, vector<16xi32>,
      %broadcast_in_dim3A_471 = arith.constant true
      %broadcast_in_dim3A_472 = vector.broadcast %broadcast_in_dim3A_471 : i1 to vector<16xi1>
      %masked_cumsum3A_473 = tpu.scan <sum>, %get3A_470 masked %broadcast_in_dim3A_472 : vector<16xi32>, vector<16xi1> -> vector<16xi32>
      %add3A_474 = vector.broadcast %scan3A_465#2 : i32 to vector<16xi32>
      %add3A_475 = arith.addi %masked_cumsum3A_473, %add3A_474 : vector<16xi32>
      %ge3A = arith.constant 1024 : i32
      %ge3A_476 = vector.broadcast %ge3A : i32 to vector<16xi32>
      %ge3A_477 = arith.cmpi sge, %add3A_475, %ge3A_476 : vector<16xi32>
      %all_reduce_ffs3A = tpu.all_reduce %ge3A_477 {dim = 0 : i64, kind = #tpu.reduction_kind<find_first_set>} : vector<16xi1> -> vector<16xi32>
      %reduce_max3A = arith.constant true
      %reduce_max3A_478 = vector.broadcast %reduce_max3A : i1 to vector<16xi1>
      %reduce_max3A_479 = arith.constant -2147483648 : i32
      %reduce_max3A_480 = vector.broadcast %reduce_max3A_479 : i32 to vector<16xi32>
      %reduce_max3A_481 = arith.xori %all_reduce_ffs3A, %reduce_max3A_480 : vector<16xi32>
      %reduce_max3A_482 = tpu.scan <max>, %reduce_max3A_481 masked %reduce_max3A_478 : vector<16xi32>, vector<16xi1> -> vector<16xi32>
      %reduce_max3A_483 = arith.xori %reduce_max3A_482, %reduce_max3A_480 : vector<16xi32>
      %reduce_max3A_484 = vector.extract %reduce_max3A_483[15] : i32 from vector<16xi32>
      %mul3A_485 = arith.constant 16 : i32
      %mul3A_486 = arith.muli %mul3A_485, %scan3A_465#1 : i32
      %add3A_487 = arith.addi %mul3A_486, %reduce_max3A_484 : i32
      %sub3A_488 = arith.subi %add3A_475, %get3A_470 : vector<16xi32>
      %eq3A_489 = vector.broadcast %reduce_max3A_484 : i32 to vector<16xi32>
      %eq3A_490 = arith.cmpi eq, %iota3A, %eq3A_489 : vector<16xi32>
      %jit3A_491 = arith.constant 0 : i32
      %broadcast_in_dim3A_492 = vector.broadcast %jit3A_491 : i32 to vector<16xi32>
      %select_n3A_493 = arith.select %eq3A_490, %sub3A_488, %broadcast_in_dim3A_492 : vector<16xi1>, vector<16xi32>
      %reduce_sum3A_494 = arith.constant true
      %reduce_sum3A_495 = vector.broadcast %reduce_sum3A_494 : i1 to vector<16xi1>
      %reduce_sum3A_496 = tpu.scan <sum>, %select_n3A_493 masked %reduce_sum3A_495 : vector<16xi32>, vector<16xi1> -> vector<16xi32>
      %reduce_sum3A_497 = vector.extract %reduce_sum3A_496[15] : i32 from vector<16xi32>
      %eq3A_498 = arith.constant 0 : i32
      %eq3A_499 = vector.broadcast %eq3A_498 : i32 to vector<16xi32>
      %eq3A_500 = arith.cmpi eq, %iota3A, %eq3A_499 : vector<16xi32>
      %eq3A_501 = arith.constant 1 : i32
      %eq3A_502 = vector.broadcast %eq3A_501 : i32 to vector<16xi32>
      %eq3A_503 = arith.cmpi eq, %iota3A, %eq3A_502 : vector<16xi32>
      %jit3A_504 = arith.constant 0 : i32
      %broadcast_in_dim3A_505 = vector.broadcast %reduce_sum3A_497 : i32 to vector<16xi32>
      %broadcast_in_dim3A_506 = vector.broadcast %jit3A_504 : i32 to vector<16xi32>
      %select_n3A_507 = arith.select %eq3A_503, %broadcast_in_dim3A_505, %broadcast_in_dim3A_506 : vector<16xi1>, vector<16xi32>
      %broadcast_in_dim3A_508 = vector.broadcast %add3A_487 : i32 to vector<16xi32>
      %select_n3A_509 = arith.select %eq3A_500, %broadcast_in_dim3A_508, %select_n3A_507 : vector<16xi1>, vector<16xi32>
      %swap3A_510 = arith.constant 0 : index
      %swap3A_511 = tpu.vector_load %arg15[%swap3A_510] {strides = array<i32>} : memref<16xi32, #tpu.memory_space<vmem>>, vector<16xi32>,
      tpu.vector_store %arg15[%swap3A_510], %select_n3A_509 {strides = array<i32>} : memref<16xi32, #tpu.memory_space<vmem>>, vector<16xi32>,
      "tpu.region"() ({
        %run_scoped3A = tpu.sem_alloc : memref<!tpu.dma_semaphore, #tpu.memory_space<semaphore_mem>>
        tpu.enqueue_dma source(%arg15 : memref<16xi32, #tpu.memory_space<vmem>>) target(%arg27 : memref<16xi32, #tpu.memory_space<vmem_shared>>) target_semaphore(%run_scoped3A : memref<!tpu.dma_semaphore, #tpu.memory_space<semaphore_mem>>)
        tpu.wait_dma2 semaphore(%run_scoped3A : memref<!tpu.dma_semaphore, #tpu.memory_space<semaphore_mem>>) src(%arg15 : memref<16xi32, #tpu.memory_space<vmem>>) dst(%arg27 : memref<16xi32, #tpu.memory_space<vmem_shared>>)
        tpu.yield
      }) : () -> ()
    } else {
    }
    %barrier3A_55 = arith.constant 0 : index
    tpu.barrier barrier_id(%barrier3A_55)
    "tpu.region"() ({
      %run_scoped3A = tpu.sem_alloc : memref<!tpu.dma_semaphore, #tpu.memory_space<semaphore_mem>>
      tpu.enqueue_dma source(%arg27 : memref<16xi32, #tpu.memory_space<vmem_shared>>) target(%arg15 : memref<16xi32, #tpu.memory_space<vmem>>) target_semaphore(%run_scoped3A : memref<!tpu.dma_semaphore, #tpu.memory_space<semaphore_mem>>)
      tpu.wait_dma2 semaphore(%run_scoped3A : memref<!tpu.dma_semaphore, #tpu.memory_space<semaphore_mem>>) src(%arg27 : memref<16xi32, #tpu.memory_space<vmem_shared>>) dst(%arg15 : memref<16xi32, #tpu.memory_space<vmem>>)
      tpu.yield
    }) : () -> ()
    %get3A = arith.constant 0 : index
    %get3A_56 = tpu.vector_load %arg15[%get3A] {strides = array<i32>} : memref<16xi32, #tpu.memory_space<vmem>>, vector<16xi32>,
    %eq3A_57 = arith.constant 0 : i32
    %eq3A_58 = vector.broadcast %eq3A_57 : i32 to vector<16xi32>
    %eq3A_59 = arith.cmpi eq, %iota3A, %eq3A_58 : vector<16xi32>
    %jit3A = arith.constant 0 : i32
    %broadcast_in_dim3A_60 = vector.broadcast %jit3A : i32 to vector<16xi32>
    %select_n3A = arith.select %eq3A_59, %get3A_56, %broadcast_in_dim3A_60 : vector<16xi1>, vector<16xi32>
    %reduce_sum3A = arith.constant true
    %reduce_sum3A_61 = vector.broadcast %reduce_sum3A : i1 to vector<16xi1>
    %reduce_sum3A_62 = tpu.scan <sum>, %select_n3A masked %reduce_sum3A_61 : vector<16xi32>, vector<16xi1> -> vector<16xi32>
    %reduce_sum3A_63 = vector.extract %reduce_sum3A_62[15] : i32 from vector<16xi32>
    %eq3A_64 = arith.constant 1 : i32
    %eq3A_65 = vector.broadcast %eq3A_64 : i32 to vector<16xi32>
    %eq3A_66 = arith.cmpi eq, %iota3A, %eq3A_65 : vector<16xi32>
    %jit3A_67 = arith.constant 0 : i32
    %broadcast_in_dim3A_68 = vector.broadcast %jit3A_67 : i32 to vector<16xi32>
    %select_n3A_69 = arith.select %eq3A_66, %get3A_56, %broadcast_in_dim3A_68 : vector<16xi1>, vector<16xi32>
    %reduce_sum3A_70 = arith.constant true
    %reduce_sum3A_71 = vector.broadcast %reduce_sum3A_70 : i1 to vector<16xi1>
    %reduce_sum3A_72 = tpu.scan <sum>, %select_n3A_69 masked %reduce_sum3A_71 : vector<16xi32>, vector<16xi1> -> vector<16xi32>
    %reduce_sum3A_73 = vector.extract %reduce_sum3A_72[15] : i32 from vector<16xi32>
    %sub3A = arith.constant 1023 : i32
    %sub3A_74 = arith.subi %sub3A, %reduce_sum3A_73 : i32
    %scan3A_75 = arith.constant 0 : i32
    %scan3A_76 = arith.constant 0 : i32
    %scan3A_77 = arith.constant 32 : i32
    %scan3A_78 = arith.addi %scan3A_76, %scan3A_77 : i32
    %scan3A_79 = arith.constant 1 : i32
    %scan3A_80 = scf.for %scan3A_457 = %scan3A_76 to %scan3A_78 step %scan3A_79 iter_args(%scan3A_458 = %scan3A_75) -> (i32)  : i32 {
      %mul3A_459 = arith.constant 64 : i32
      %mul3A_460 = arith.muli %mul3A_459, %scan3A_457 : i32
      %add3A_461 = arith.constant 0 : i32
      %add3A_462 = arith.addi %mul3A_460, %add3A_461 : i32
      %get3A_463 = arith.index_cast %add3A_462 : i32 to index
      %get3A_464 = tpu.vector_load %arg6[%get3A_463] {strides = array<i32>} : memref<2048xi32, #tpu.memory_space<vmem>>, vector<16xi32>,
      %shift_right_logical3A = arith.constant 21 : i32
      %shift_right_logical3A_465 = vector.broadcast %shift_right_logical3A : i32 to vector<16xi32>
      %shift_right_logical3A_466 = arith.shrui %get3A_464, %shift_right_logical3A_465 : vector<16xi32>
      %and3A_467 = arith.constant 2047 : i32
      %and3A_468 = vector.broadcast %and3A_467 : i32 to vector<16xi32>
      %and3A_469 = arith.andi %shift_right_logical3A_466, %and3A_468 : vector<16xi32>
      %eq3A_470 = vector.broadcast %reduce_sum3A_63 : i32 to vector<16xi32>
      %eq3A_471 = arith.cmpi eq, %and3A_469, %eq3A_470 : vector<16xi32>
      %swap3A_472 = arith.index_cast %scan3A_458 : i32 to index
      %swap3A_473 = tpu.vector_load %arg7[%swap3A_472] masked %eq3A_471 {strides = array<i32>} : memref<2128xi32, #tpu.memory_space<vmem>>, vector<16xi32>, vector<16xi1>
      tpu.vector_store %arg7[%swap3A_472], %get3A_464 masked %eq3A_471 {strides = array<i32>} : memref<2128xi32, #tpu.memory_space<vmem>>, vector<16xi32>, vector<16xi1>
      %convert_element_type3A_474 = arith.extui %eq3A_471 : vector<16xi1> to vector<16xi32>
      %reduce_sum3A_475 = arith.constant true
      %reduce_sum3A_476 = vector.broadcast %reduce_sum3A_475 : i1 to vector<16xi1>
      %reduce_sum3A_477 = tpu.scan <sum>, %convert_element_type3A_474 masked %reduce_sum3A_476 : vector<16xi32>, vector<16xi1> -> vector<16xi32>
      %reduce_sum3A_478 = vector.extract %reduce_sum3A_477[15] : i32 from vector<16xi32>
      %add3A_479 = arith.addi %scan3A_458, %reduce_sum3A_478 : i32
      %mul3A_480 = arith.constant 64 : i32
      %mul3A_481 = arith.muli %mul3A_480, %scan3A_457 : i32
      %add3A_482 = arith.constant 16 : i32
      %add3A_483 = arith.addi %mul3A_481, %add3A_482 : i32
      %get3A_484 = arith.index_cast %add3A_483 : i32 to index
      %get3A_485 = tpu.vector_load %arg6[%get3A_484] {strides = array<i32>} : memref<2048xi32, #tpu.memory_space<vmem>>, vector<16xi32>,
      %shift_right_logical3A_486 = arith.constant 21 : i32
      %shift_right_logical3A_487 = vector.broadcast %shift_right_logical3A_486 : i32 to vector<16xi32>
      %shift_right_logical3A_488 = arith.shrui %get3A_485, %shift_right_logical3A_487 : vector<16xi32>
      %and3A_489 = arith.constant 2047 : i32
      %and3A_490 = vector.broadcast %and3A_489 : i32 to vector<16xi32>
      %and3A_491 = arith.andi %shift_right_logical3A_488, %and3A_490 : vector<16xi32>
      %eq3A_492 = vector.broadcast %reduce_sum3A_63 : i32 to vector<16xi32>
      %eq3A_493 = arith.cmpi eq, %and3A_491, %eq3A_492 : vector<16xi32>
      %swap3A_494 = arith.index_cast %add3A_479 : i32 to index
      %swap3A_495 = tpu.vector_load %arg7[%swap3A_494] masked %eq3A_493 {strides = array<i32>} : memref<2128xi32, #tpu.memory_space<vmem>>, vector<16xi32>, vector<16xi1>
      tpu.vector_store %arg7[%swap3A_494], %get3A_485 masked %eq3A_493 {strides = array<i32>} : memref<2128xi32, #tpu.memory_space<vmem>>, vector<16xi32>, vector<16xi1>
      %convert_element_type3A_496 = arith.extui %eq3A_493 : vector<16xi1> to vector<16xi32>
      %reduce_sum3A_497 = arith.constant true
      %reduce_sum3A_498 = vector.broadcast %reduce_sum3A_497 : i1 to vector<16xi1>
      %reduce_sum3A_499 = tpu.scan <sum>, %convert_element_type3A_496 masked %reduce_sum3A_498 : vector<16xi32>, vector<16xi1> -> vector<16xi32>
      %reduce_sum3A_500 = vector.extract %reduce_sum3A_499[15] : i32 from vector<16xi32>
      %add3A_501 = arith.addi %add3A_479, %reduce_sum3A_500 : i32
      %mul3A_502 = arith.constant 64 : i32
      %mul3A_503 = arith.muli %mul3A_502, %scan3A_457 : i32
      %add3A_504 = arith.constant 32 : i32
      %add3A_505 = arith.addi %mul3A_503, %add3A_504 : i32
      %get3A_506 = arith.index_cast %add3A_505 : i32 to index
      %get3A_507 = tpu.vector_load %arg6[%get3A_506] {strides = array<i32>} : memref<2048xi32, #tpu.memory_space<vmem>>, vector<16xi32>,
      %shift_right_logical3A_508 = arith.constant 21 : i32
      %shift_right_logical3A_509 = vector.broadcast %shift_right_logical3A_508 : i32 to vector<16xi32>
      %shift_right_logical3A_510 = arith.shrui %get3A_507, %shift_right_logical3A_509 : vector<16xi32>
      %and3A_511 = arith.constant 2047 : i32
      %and3A_512 = vector.broadcast %and3A_511 : i32 to vector<16xi32>
      %and3A_513 = arith.andi %shift_right_logical3A_510, %and3A_512 : vector<16xi32>
      %eq3A_514 = vector.broadcast %reduce_sum3A_63 : i32 to vector<16xi32>
      %eq3A_515 = arith.cmpi eq, %and3A_513, %eq3A_514 : vector<16xi32>
      %swap3A_516 = arith.index_cast %add3A_501 : i32 to index
      %swap3A_517 = tpu.vector_load %arg7[%swap3A_516] masked %eq3A_515 {strides = array<i32>} : memref<2128xi32, #tpu.memory_space<vmem>>, vector<16xi32>, vector<16xi1>
      tpu.vector_store %arg7[%swap3A_516], %get3A_507 masked %eq3A_515 {strides = array<i32>} : memref<2128xi32, #tpu.memory_space<vmem>>, vector<16xi32>, vector<16xi1>
      %convert_element_type3A_518 = arith.extui %eq3A_515 : vector<16xi1> to vector<16xi32>
      %reduce_sum3A_519 = arith.constant true
      %reduce_sum3A_520 = vector.broadcast %reduce_sum3A_519 : i1 to vector<16xi1>
      %reduce_sum3A_521 = tpu.scan <sum>, %convert_element_type3A_518 masked %reduce_sum3A_520 : vector<16xi32>, vector<16xi1> -> vector<16xi32>
      %reduce_sum3A_522 = vector.extract %reduce_sum3A_521[15] : i32 from vector<16xi32>
      %add3A_523 = arith.addi %add3A_501, %reduce_sum3A_522 : i32
      %mul3A_524 = arith.constant 64 : i32
      %mul3A_525 = arith.muli %mul3A_524, %scan3A_457 : i32
      %add3A_526 = arith.constant 48 : i32
      %add3A_527 = arith.addi %mul3A_525, %add3A_526 : i32
      %get3A_528 = arith.index_cast %add3A_527 : i32 to index
      %get3A_529 = tpu.vector_load %arg6[%get3A_528] {strides = array<i32>} : memref<2048xi32, #tpu.memory_space<vmem>>, vector<16xi32>,
      %shift_right_logical3A_530 = arith.constant 21 : i32
      %shift_right_logical3A_531 = vector.broadcast %shift_right_logical3A_530 : i32 to vector<16xi32>
      %shift_right_logical3A_532 = arith.shrui %get3A_529, %shift_right_logical3A_531 : vector<16xi32>
      %and3A_533 = arith.constant 2047 : i32
      %and3A_534 = vector.broadcast %and3A_533 : i32 to vector<16xi32>
      %and3A_535 = arith.andi %shift_right_logical3A_532, %and3A_534 : vector<16xi32>
      %eq3A_536 = vector.broadcast %reduce_sum3A_63 : i32 to vector<16xi32>
      %eq3A_537 = arith.cmpi eq, %and3A_535, %eq3A_536 : vector<16xi32>
      %swap3A_538 = arith.index_cast %add3A_523 : i32 to index
      %swap3A_539 = tpu.vector_load %arg7[%swap3A_538] masked %eq3A_537 {strides = array<i32>} : memref<2128xi32, #tpu.memory_space<vmem>>, vector<16xi32>, vector<16xi1>
      tpu.vector_store %arg7[%swap3A_538], %get3A_529 masked %eq3A_537 {strides = array<i32>} : memref<2128xi32, #tpu.memory_space<vmem>>, vector<16xi32>, vector<16xi1>
      %convert_element_type3A_540 = arith.extui %eq3A_537 : vector<16xi1> to vector<16xi32>
      %reduce_sum3A_541 = arith.constant true
      %reduce_sum3A_542 = vector.broadcast %reduce_sum3A_541 : i1 to vector<16xi1>
      %reduce_sum3A_543 = tpu.scan <sum>, %convert_element_type3A_540 masked %reduce_sum3A_542 : vector<16xi32>, vector<16xi1> -> vector<16xi32>
      %reduce_sum3A_544 = vector.extract %reduce_sum3A_543[15] : i32 from vector<16xi32>
      %add3A_545 = arith.addi %add3A_523, %reduce_sum3A_544 : i32
      scf.yield %add3A_545 : i32
    }
    %scan3A_81 = arith.constant 32 : i32
    %broadcast_in_dim3A_82 = arith.constant -1 : i32
    %broadcast_in_dim3A_83 = vector.broadcast %broadcast_in_dim3A_82 : i32 to vector<16xi32>
    %add3A = arith.constant 0 : i32
    %add3A_84 = arith.addi %scan3A_80, %add3A : i32
    %swap3A = arith.index_cast %add3A_84 : i32 to index
    %swap3A_85 = tpu.vector_load %arg7[%swap3A] {strides = array<i32>} : memref<2128xi32, #tpu.memory_space<vmem>>, vector<16xi32>,
    tpu.vector_store %arg7[%swap3A], %broadcast_in_dim3A_83 {strides = array<i32>} : memref<2128xi32, #tpu.memory_space<vmem>>, vector<16xi32>,
    %add3A_86 = arith.constant 16 : i32
    %add3A_87 = arith.addi %scan3A_80, %add3A_86 : i32
    %swap3A_88 = arith.index_cast %add3A_87 : i32 to index
    %swap3A_89 = tpu.vector_load %arg7[%swap3A_88] {strides = array<i32>} : memref<2128xi32, #tpu.memory_space<vmem>>, vector<16xi32>,
    tpu.vector_store %arg7[%swap3A_88], %broadcast_in_dim3A_83 {strides = array<i32>} : memref<2128xi32, #tpu.memory_space<vmem>>, vector<16xi32>,
    %add3A_90 = arith.constant 32 : i32
    %add3A_91 = arith.addi %scan3A_80, %add3A_90 : i32
    %swap3A_92 = arith.index_cast %add3A_91 : i32 to index
    %swap3A_93 = tpu.vector_load %arg7[%swap3A_92] {strides = array<i32>} : memref<2128xi32, #tpu.memory_space<vmem>>, vector<16xi32>,
    tpu.vector_store %arg7[%swap3A_92], %broadcast_in_dim3A_83 {strides = array<i32>} : memref<2128xi32, #tpu.memory_space<vmem>>, vector<16xi32>,
    %add3A_94 = arith.constant 48 : i32
    %add3A_95 = arith.addi %scan3A_80, %add3A_94 : i32
    %swap3A_96 = arith.index_cast %add3A_95 : i32 to index
    %swap3A_97 = tpu.vector_load %arg7[%swap3A_96] {strides = array<i32>} : memref<2128xi32, #tpu.memory_space<vmem>>, vector<16xi32>,
    tpu.vector_store %arg7[%swap3A_96], %broadcast_in_dim3A_83 {strides = array<i32>} : memref<2128xi32, #tpu.memory_space<vmem>>, vector<16xi32>,
    %add3A_98 = arith.constant 63 : i32
    %add3A_99 = arith.addi %scan3A_80, %add3A_98 : i32
    %jit3A_100 = arith.constant 64 : i32
    %div3A = arith.divsi %add3A_99, %jit3A_100 : i32
    %sign3A = arith.constant 0 : i32
    %sign3A_101 = arith.cmpi sgt, %add3A_99, %sign3A : i32
    %sign3A_102 = arith.extui %sign3A_101 : i1 to i32
    %sign3A_103 = arith.constant 0 : i32
    %sign3A_104 = arith.cmpi slt, %add3A_99, %sign3A_103 : i32
    %sign3A_105 = arith.extui %sign3A_104 : i1 to i32
    %sign3A_106 = arith.subi %sign3A_102, %sign3A_105 : i32
    %sign3A_107 = arith.constant 0 : i32
    %sign3A_108 = arith.cmpi sgt, %jit3A_100, %sign3A_107 : i32
    %sign3A_109 = arith.extui %sign3A_108 : i1 to i32
    %sign3A_110 = arith.constant 0 : i32
    %sign3A_111 = arith.cmpi slt, %jit3A_100, %sign3A_110 : i32
    %sign3A_112 = arith.extui %sign3A_111 : i1 to i32
    %sign3A_113 = arith.subi %sign3A_109, %sign3A_112 : i32
    %ne3A = arith.cmpi ne, %sign3A_106, %sign3A_113 : i32
    %rem3A = arith.remsi %add3A_99, %jit3A_100 : i32
    %ne3A_114 = arith.constant 0 : i32
    %ne3A_115 = arith.cmpi ne, %rem3A, %ne3A_114 : i32
    %and3A = arith.andi %ne3A, %ne3A_115 : i1
    %sub3A_116 = arith.constant 1 : i32
    %sub3A_117 = arith.subi %div3A, %sub3A_116 : i32
    %select_n3A_118 = arith.select %and3A, %sub3A_117, %div3A : i32
    %scan3A_119 = arith.constant 0 : i32
    %scan3A_120 = arith.constant 0 : i32
    %scan3A_121 = arith.constant 16 : i32
    %scan3A_122 = arith.addi %scan3A_120, %scan3A_121 : i32
    %scan3A_123 = arith.constant 1 : i32
    %scan3A_124 = scf.for %scan3A_457 = %scan3A_120 to %scan3A_122 step %scan3A_123 iter_args(%scan3A_458 = %scan3A_119) -> (i32)  : i32 {
      %mul3A_459 = arith.constant 128 : i32
      %mul3A_460 = arith.muli %mul3A_459, %scan3A_457 : i32
      %add3A_461 = arith.constant 0 : i32
      %add3A_462 = arith.addi %mul3A_460, %add3A_461 : i32
      %swap3A_463 = arith.index_cast %add3A_462 : i32 to index
      %swap3A_464 = tpu.vector_load %arg9[%swap3A_463] {strides = array<i32>} : memref<2048xi32, #tpu.memory_space<vmem>>, vector<16xi32>,
      tpu.vector_store %arg9[%swap3A_463], %broadcast_in_dim3A_0 {strides = array<i32>} : memref<2048xi32, #tpu.memory_space<vmem>>, vector<16xi32>,
      %mul3A_465 = arith.constant 128 : i32
      %mul3A_466 = arith.muli %mul3A_465, %scan3A_457 : i32
      %add3A_467 = arith.constant 16 : i32
      %add3A_468 = arith.addi %mul3A_466, %add3A_467 : i32
      %swap3A_469 = arith.index_cast %add3A_468 : i32 to index
      %swap3A_470 = tpu.vector_load %arg9[%swap3A_469] {strides = array<i32>} : memref<2048xi32, #tpu.memory_space<vmem>>, vector<16xi32>,
      tpu.vector_store %arg9[%swap3A_469], %broadcast_in_dim3A_0 {strides = array<i32>} : memref<2048xi32, #tpu.memory_space<vmem>>, vector<16xi32>,
      %mul3A_471 = arith.constant 128 : i32
      %mul3A_472 = arith.muli %mul3A_471, %scan3A_457 : i32
      %add3A_473 = arith.constant 32 : i32
      %add3A_474 = arith.addi %mul3A_472, %add3A_473 : i32
      %swap3A_475 = arith.index_cast %add3A_474 : i32 to index
      %swap3A_476 = tpu.vector_load %arg9[%swap3A_475] {strides = array<i32>} : memref<2048xi32, #tpu.memory_space<vmem>>, vector<16xi32>,
      tpu.vector_store %arg9[%swap3A_475], %broadcast_in_dim3A_0 {strides = array<i32>} : memref<2048xi32, #tpu.memory_space<vmem>>, vector<16xi32>,
      %mul3A_477 = arith.constant 128 : i32
      %mul3A_478 = arith.muli %mul3A_477, %scan3A_457 : i32
      %add3A_479 = arith.constant 48 : i32
      %add3A_480 = arith.addi %mul3A_478, %add3A_479 : i32
      %swap3A_481 = arith.index_cast %add3A_480 : i32 to index
      %swap3A_482 = tpu.vector_load %arg9[%swap3A_481] {strides = array<i32>} : memref<2048xi32, #tpu.memory_space<vmem>>, vector<16xi32>,
      tpu.vector_store %arg9[%swap3A_481], %broadcast_in_dim3A_0 {strides = array<i32>} : memref<2048xi32, #tpu.memory_space<vmem>>, vector<16xi32>,
      %mul3A_483 = arith.constant 128 : i32
      %mul3A_484 = arith.muli %mul3A_483, %scan3A_457 : i32
      %add3A_485 = arith.constant 64 : i32
      %add3A_486 = arith.addi %mul3A_484, %add3A_485 : i32
      %swap3A_487 = arith.index_cast %add3A_486 : i32 to index
      %swap3A_488 = tpu.vector_load %arg9[%swap3A_487] {strides = array<i32>} : memref<2048xi32, #tpu.memory_space<vmem>>, vector<16xi32>,
      tpu.vector_store %arg9[%swap3A_487], %broadcast_in_dim3A_0 {strides = array<i32>} : memref<2048xi32, #tpu.memory_space<vmem>>, vector<16xi32>,
      %mul3A_489 = arith.constant 128 : i32
      %mul3A_490 = arith.muli %mul3A_489, %scan3A_457 : i32
      %add3A_491 = arith.constant 80 : i32
      %add3A_492 = arith.addi %mul3A_490, %add3A_491 : i32
      %swap3A_493 = arith.index_cast %add3A_492 : i32 to index
      %swap3A_494 = tpu.vector_load %arg9[%swap3A_493] {strides = array<i32>} : memref<2048xi32, #tpu.memory_space<vmem>>, vector<16xi32>,
      tpu.vector_store %arg9[%swap3A_493], %broadcast_in_dim3A_0 {strides = array<i32>} : memref<2048xi32, #tpu.memory_space<vmem>>, vector<16xi32>,
      %mul3A_495 = arith.constant 128 : i32
      %mul3A_496 = arith.muli %mul3A_495, %scan3A_457 : i32
      %add3A_497 = arith.constant 96 : i32
      %add3A_498 = arith.addi %mul3A_496, %add3A_497 : i32
      %swap3A_499 = arith.index_cast %add3A_498 : i32 to index
      %swap3A_500 = tpu.vector_load %arg9[%swap3A_499] {strides = array<i32>} : memref<2048xi32, #tpu.memory_space<vmem>>, vector<16xi32>,
      tpu.vector_store %arg9[%swap3A_499], %broadcast_in_dim3A_0 {strides = array<i32>} : memref<2048xi32, #tpu.memory_space<vmem>>, vector<16xi32>,
      %mul3A_501 = arith.constant 128 : i32
      %mul3A_502 = arith.muli %mul3A_501, %scan3A_457 : i32
      %add3A_503 = arith.constant 112 : i32
      %add3A_504 = arith.addi %mul3A_502, %add3A_503 : i32
      %swap3A_505 = arith.index_cast %add3A_504 : i32 to index
      %swap3A_506 = tpu.vector_load %arg9[%swap3A_505] {strides = array<i32>} : memref<2048xi32, #tpu.memory_space<vmem>>, vector<16xi32>,
      tpu.vector_store %arg9[%swap3A_505], %broadcast_in_dim3A_0 {strides = array<i32>} : memref<2048xi32, #tpu.memory_space<vmem>>, vector<16xi32>,
      %scan3A_507 = arith.constant 0 : i32
      scf.yield %scan3A_507 : i32
    }
    %scan3A_125 = arith.constant 16 : i32
    %while3A = arith.constant 0 : i32
    %while3A_126 = arith.constant 0 : i32
    %while3A_127 = arith.subi %select_n3A_118, %while3A : i32
    %while3A_128 = arith.addi %while3A, %while3A_127 : i32
    %while3A_129 = arith.constant 1 : i32
    %while3A_130 = arith.divsi %while3A_127, %while3A_129 : i32
    %while3A_131 = arith.muli %while3A_130, %while3A_129 : i32
    %while3A_132 = arith.addi %while3A, %while3A_131 : i32
    %while3A_133 = arith.constant 1 : i32
    %while3A_134 = scf.for %while3A_457 = %while3A to %while3A_132 step %while3A_133 iter_args(%while3A_458 = %while3A_126) -> (i32)  : i32 {
      %mul3A_459 = arith.constant 64 : i32
      %mul3A_460 = arith.muli %mul3A_459, %while3A_457 : i32
      %add3A_461 = arith.constant 0 : i32
      %add3A_462 = arith.addi %mul3A_460, %add3A_461 : i32
      %get3A_463 = arith.index_cast %add3A_462 : i32 to index
      %get3A_464 = tpu.vector_load %arg7[%get3A_463] {strides = array<i32>} : memref<2128xi32, #tpu.memory_space<vmem>>, vector<16xi32>,
      %shift_right_logical3A = arith.constant 10 : i32
      %shift_right_logical3A_465 = vector.broadcast %shift_right_logical3A : i32 to vector<16xi32>
      %shift_right_logical3A_466 = arith.shrui %get3A_464, %shift_right_logical3A_465 : vector<16xi32>
      %and3A_467 = arith.constant 2047 : i32
      %and3A_468 = vector.broadcast %and3A_467 : i32 to vector<16xi32>
      %and3A_469 = arith.andi %shift_right_logical3A_466, %and3A_468 : vector<16xi32>
      %broadcast_in_dim3A_470 = arith.constant true
      %broadcast_in_dim3A_471 = vector.broadcast %broadcast_in_dim3A_470 : i1 to vector<16xi1>
      %unique3A_472, %unique3A_473 = tpu.scan_count mask(%broadcast_in_dim3A_471 : vector<16xi1>) value(%and3A_469 : vector<16xi32>) : vector<16xi1>, vector<16xi32>
      %sub3A_474 = vector.broadcast %reduce_min3A_10 : i32 to vector<16xi32>
      %sub3A_475 = arith.subi %unique3A_473, %sub3A_474 : vector<16xi32>
      %add3A_476 = arith.constant 1 : i32
      %add3A_477 = vector.broadcast %add3A_476 : i32 to vector<16xi32>
      %add3A_478 = arith.addi %sub3A_475, %add3A_477 : vector<16xi32>
      tpu.vector_store_idx %arg9[%and3A_469], %add3A_478 masked %unique3A_472 {add = true} : memref<2048xi32, #tpu.memory_space<vmem>>[vector<16xi32>], vector<16xi32>, vector<16xi1>
      %mul3A_479 = arith.constant 64 : i32
      %mul3A_480 = arith.muli %mul3A_479, %while3A_457 : i32
      %add3A_481 = arith.constant 16 : i32
      %add3A_482 = arith.addi %mul3A_480, %add3A_481 : i32
      %get3A_483 = arith.index_cast %add3A_482 : i32 to index
      %get3A_484 = tpu.vector_load %arg7[%get3A_483] {strides = array<i32>} : memref<2128xi32, #tpu.memory_space<vmem>>, vector<16xi32>,
      %shift_right_logical3A_485 = arith.constant 10 : i32
      %shift_right_logical3A_486 = vector.broadcast %shift_right_logical3A_485 : i32 to vector<16xi32>
      %shift_right_logical3A_487 = arith.shrui %get3A_484, %shift_right_logical3A_486 : vector<16xi32>
      %and3A_488 = arith.constant 2047 : i32
      %and3A_489 = vector.broadcast %and3A_488 : i32 to vector<16xi32>
      %and3A_490 = arith.andi %shift_right_logical3A_487, %and3A_489 : vector<16xi32>
      %broadcast_in_dim3A_491 = arith.constant true
      %broadcast_in_dim3A_492 = vector.broadcast %broadcast_in_dim3A_491 : i1 to vector<16xi1>
      %unique3A_493, %unique3A_494 = tpu.scan_count mask(%broadcast_in_dim3A_492 : vector<16xi1>) value(%and3A_490 : vector<16xi32>) : vector<16xi1>, vector<16xi32>
      %sub3A_495 = vector.broadcast %reduce_min3A_10 : i32 to vector<16xi32>
      %sub3A_496 = arith.subi %unique3A_494, %sub3A_495 : vector<16xi32>
      %add3A_497 = arith.constant 1 : i32
      %add3A_498 = vector.broadcast %add3A_497 : i32 to vector<16xi32>
      %add3A_499 = arith.addi %sub3A_496, %add3A_498 : vector<16xi32>
      tpu.vector_store_idx %arg9[%and3A_490], %add3A_499 masked %unique3A_493 {add = true} : memref<2048xi32, #tpu.memory_space<vmem>>[vector<16xi32>], vector<16xi32>, vector<16xi1>
      %mul3A_500 = arith.constant 64 : i32
      %mul3A_501 = arith.muli %mul3A_500, %while3A_457 : i32
      %add3A_502 = arith.constant 32 : i32
      %add3A_503 = arith.addi %mul3A_501, %add3A_502 : i32
      %get3A_504 = arith.index_cast %add3A_503 : i32 to index
      %get3A_505 = tpu.vector_load %arg7[%get3A_504] {strides = array<i32>} : memref<2128xi32, #tpu.memory_space<vmem>>, vector<16xi32>,
      %shift_right_logical3A_506 = arith.constant 10 : i32
      %shift_right_logical3A_507 = vector.broadcast %shift_right_logical3A_506 : i32 to vector<16xi32>
      %shift_right_logical3A_508 = arith.shrui %get3A_505, %shift_right_logical3A_507 : vector<16xi32>
      %and3A_509 = arith.constant 2047 : i32
      %and3A_510 = vector.broadcast %and3A_509 : i32 to vector<16xi32>
      %and3A_511 = arith.andi %shift_right_logical3A_508, %and3A_510 : vector<16xi32>
      %broadcast_in_dim3A_512 = arith.constant true
      %broadcast_in_dim3A_513 = vector.broadcast %broadcast_in_dim3A_512 : i1 to vector<16xi1>
      %unique3A_514, %unique3A_515 = tpu.scan_count mask(%broadcast_in_dim3A_513 : vector<16xi1>) value(%and3A_511 : vector<16xi32>) : vector<16xi1>, vector<16xi32>
      %sub3A_516 = vector.broadcast %reduce_min3A_10 : i32 to vector<16xi32>
      %sub3A_517 = arith.subi %unique3A_515, %sub3A_516 : vector<16xi32>
      %add3A_518 = arith.constant 1 : i32
      %add3A_519 = vector.broadcast %add3A_518 : i32 to vector<16xi32>
      %add3A_520 = arith.addi %sub3A_517, %add3A_519 : vector<16xi32>
      tpu.vector_store_idx %arg9[%and3A_511], %add3A_520 masked %unique3A_514 {add = true} : memref<2048xi32, #tpu.memory_space<vmem>>[vector<16xi32>], vector<16xi32>, vector<16xi1>
      %mul3A_521 = arith.constant 64 : i32
      %mul3A_522 = arith.muli %mul3A_521, %while3A_457 : i32
      %add3A_523 = arith.constant 48 : i32
      %add3A_524 = arith.addi %mul3A_522, %add3A_523 : i32
      %get3A_525 = arith.index_cast %add3A_524 : i32 to index
      %get3A_526 = tpu.vector_load %arg7[%get3A_525] {strides = array<i32>} : memref<2128xi32, #tpu.memory_space<vmem>>, vector<16xi32>,
      %shift_right_logical3A_527 = arith.constant 10 : i32
      %shift_right_logical3A_528 = vector.broadcast %shift_right_logical3A_527 : i32 to vector<16xi32>
      %shift_right_logical3A_529 = arith.shrui %get3A_526, %shift_right_logical3A_528 : vector<16xi32>
      %and3A_530 = arith.constant 2047 : i32
      %and3A_531 = vector.broadcast %and3A_530 : i32 to vector<16xi32>
      %and3A_532 = arith.andi %shift_right_logical3A_529, %and3A_531 : vector<16xi32>
      %broadcast_in_dim3A_533 = arith.constant true
      %broadcast_in_dim3A_534 = vector.broadcast %broadcast_in_dim3A_533 : i1 to vector<16xi1>
      %unique3A_535, %unique3A_536 = tpu.scan_count mask(%broadcast_in_dim3A_534 : vector<16xi1>) value(%and3A_532 : vector<16xi32>) : vector<16xi1>, vector<16xi32>
      %sub3A_537 = vector.broadcast %reduce_min3A_10 : i32 to vector<16xi32>
      %sub3A_538 = arith.subi %unique3A_536, %sub3A_537 : vector<16xi32>
      %add3A_539 = arith.constant 1 : i32
      %add3A_540 = vector.broadcast %add3A_539 : i32 to vector<16xi32>
      %add3A_541 = arith.addi %sub3A_538, %add3A_540 : vector<16xi32>
      tpu.vector_store_idx %arg9[%and3A_532], %add3A_541 masked %unique3A_535 {add = true} : memref<2048xi32, #tpu.memory_space<vmem>>[vector<16xi32>], vector<16xi32>, vector<16xi1>
      %while3A_542 = arith.constant 0 : i32
      scf.yield %while3A_542 : i32
    }
    %while3A_135 = arith.constant 1 : i32
    %while3A_136 = scf.for %while3A_457 = %while3A_132 to %while3A_128 step %while3A_135 iter_args(%while3A_458 = %while3A_134) -> (i32)  : i32 {
      %mul3A_459 = arith.constant 64 : i32
      %mul3A_460 = arith.muli %mul3A_459, %while3A_457 : i32
      %add3A_461 = arith.constant 0 : i32
      %add3A_462 = arith.addi %mul3A_460, %add3A_461 : i32
      %get3A_463 = arith.index_cast %add3A_462 : i32 to index
      %get3A_464 = tpu.vector_load %arg7[%get3A_463] {strides = array<i32>} : memref<2128xi32, #tpu.memory_space<vmem>>, vector<16xi32>,
      %shift_right_logical3A = arith.constant 10 : i32
      %shift_right_logical3A_465 = vector.broadcast %shift_right_logical3A : i32 to vector<16xi32>
      %shift_right_logical3A_466 = arith.shrui %get3A_464, %shift_right_logical3A_465 : vector<16xi32>
      %and3A_467 = arith.constant 2047 : i32
      %and3A_468 = vector.broadcast %and3A_467 : i32 to vector<16xi32>
      %and3A_469 = arith.andi %shift_right_logical3A_466, %and3A_468 : vector<16xi32>
      %broadcast_in_dim3A_470 = arith.constant true
      %broadcast_in_dim3A_471 = vector.broadcast %broadcast_in_dim3A_470 : i1 to vector<16xi1>
      %unique3A_472, %unique3A_473 = tpu.scan_count mask(%broadcast_in_dim3A_471 : vector<16xi1>) value(%and3A_469 : vector<16xi32>) : vector<16xi1>, vector<16xi32>
      %sub3A_474 = vector.broadcast %reduce_min3A_10 : i32 to vector<16xi32>
      %sub3A_475 = arith.subi %unique3A_473, %sub3A_474 : vector<16xi32>
      %add3A_476 = arith.constant 1 : i32
      %add3A_477 = vector.broadcast %add3A_476 : i32 to vector<16xi32>
      %add3A_478 = arith.addi %sub3A_475, %add3A_477 : vector<16xi32>
      tpu.vector_store_idx %arg9[%and3A_469], %add3A_478 masked %unique3A_472 {add = true} : memref<2048xi32, #tpu.memory_space<vmem>>[vector<16xi32>], vector<16xi32>, vector<16xi1>
      %mul3A_479 = arith.constant 64 : i32
      %mul3A_480 = arith.muli %mul3A_479, %while3A_457 : i32
      %add3A_481 = arith.constant 16 : i32
      %add3A_482 = arith.addi %mul3A_480, %add3A_481 : i32
      %get3A_483 = arith.index_cast %add3A_482 : i32 to index
      %get3A_484 = tpu.vector_load %arg7[%get3A_483] {strides = array<i32>} : memref<2128xi32, #tpu.memory_space<vmem>>, vector<16xi32>,
      %shift_right_logical3A_485 = arith.constant 10 : i32
      %shift_right_logical3A_486 = vector.broadcast %shift_right_logical3A_485 : i32 to vector<16xi32>
      %shift_right_logical3A_487 = arith.shrui %get3A_484, %shift_right_logical3A_486 : vector<16xi32>
      %and3A_488 = arith.constant 2047 : i32
      %and3A_489 = vector.broadcast %and3A_488 : i32 to vector<16xi32>
      %and3A_490 = arith.andi %shift_right_logical3A_487, %and3A_489 : vector<16xi32>
      %broadcast_in_dim3A_491 = arith.constant true
      %broadcast_in_dim3A_492 = vector.broadcast %broadcast_in_dim3A_491 : i1 to vector<16xi1>
      %unique3A_493, %unique3A_494 = tpu.scan_count mask(%broadcast_in_dim3A_492 : vector<16xi1>) value(%and3A_490 : vector<16xi32>) : vector<16xi1>, vector<16xi32>
      %sub3A_495 = vector.broadcast %reduce_min3A_10 : i32 to vector<16xi32>
      %sub3A_496 = arith.subi %unique3A_494, %sub3A_495 : vector<16xi32>
      %add3A_497 = arith.constant 1 : i32
      %add3A_498 = vector.broadcast %add3A_497 : i32 to vector<16xi32>
      %add3A_499 = arith.addi %sub3A_496, %add3A_498 : vector<16xi32>
      tpu.vector_store_idx %arg9[%and3A_490], %add3A_499 masked %unique3A_493 {add = true} : memref<2048xi32, #tpu.memory_space<vmem>>[vector<16xi32>], vector<16xi32>, vector<16xi1>
      %mul3A_500 = arith.constant 64 : i32
      %mul3A_501 = arith.muli %mul3A_500, %while3A_457 : i32
      %add3A_502 = arith.constant 32 : i32
      %add3A_503 = arith.addi %mul3A_501, %add3A_502 : i32
      %get3A_504 = arith.index_cast %add3A_503 : i32 to index
      %get3A_505 = tpu.vector_load %arg7[%get3A_504] {strides = array<i32>} : memref<2128xi32, #tpu.memory_space<vmem>>, vector<16xi32>,
      %shift_right_logical3A_506 = arith.constant 10 : i32
      %shift_right_logical3A_507 = vector.broadcast %shift_right_logical3A_506 : i32 to vector<16xi32>
      %shift_right_logical3A_508 = arith.shrui %get3A_505, %shift_right_logical3A_507 : vector<16xi32>
      %and3A_509 = arith.constant 2047 : i32
      %and3A_510 = vector.broadcast %and3A_509 : i32 to vector<16xi32>
      %and3A_511 = arith.andi %shift_right_logical3A_508, %and3A_510 : vector<16xi32>
      %broadcast_in_dim3A_512 = arith.constant true
      %broadcast_in_dim3A_513 = vector.broadcast %broadcast_in_dim3A_512 : i1 to vector<16xi1>
      %unique3A_514, %unique3A_515 = tpu.scan_count mask(%broadcast_in_dim3A_513 : vector<16xi1>) value(%and3A_511 : vector<16xi32>) : vector<16xi1>, vector<16xi32>
      %sub3A_516 = vector.broadcast %reduce_min3A_10 : i32 to vector<16xi32>
      %sub3A_517 = arith.subi %unique3A_515, %sub3A_516 : vector<16xi32>
      %add3A_518 = arith.constant 1 : i32
      %add3A_519 = vector.broadcast %add3A_518 : i32 to vector<16xi32>
      %add3A_520 = arith.addi %sub3A_517, %add3A_519 : vector<16xi32>
      tpu.vector_store_idx %arg9[%and3A_511], %add3A_520 masked %unique3A_514 {add = true} : memref<2048xi32, #tpu.memory_space<vmem>>[vector<16xi32>], vector<16xi32>, vector<16xi1>
      %mul3A_521 = arith.constant 64 : i32
      %mul3A_522 = arith.muli %mul3A_521, %while3A_457 : i32
      %add3A_523 = arith.constant 48 : i32
      %add3A_524 = arith.addi %mul3A_522, %add3A_523 : i32
      %get3A_525 = arith.index_cast %add3A_524 : i32 to index
      %get3A_526 = tpu.vector_load %arg7[%get3A_525] {strides = array<i32>} : memref<2128xi32, #tpu.memory_space<vmem>>, vector<16xi32>,
      %shift_right_logical3A_527 = arith.constant 10 : i32
      %shift_right_logical3A_528 = vector.broadcast %shift_right_logical3A_527 : i32 to vector<16xi32>
      %shift_right_logical3A_529 = arith.shrui %get3A_526, %shift_right_logical3A_528 : vector<16xi32>
      %and3A_530 = arith.constant 2047 : i32
      %and3A_531 = vector.broadcast %and3A_530 : i32 to vector<16xi32>
      %and3A_532 = arith.andi %shift_right_logical3A_529, %and3A_531 : vector<16xi32>
      %broadcast_in_dim3A_533 = arith.constant true
      %broadcast_in_dim3A_534 = vector.broadcast %broadcast_in_dim3A_533 : i1 to vector<16xi1>
      %unique3A_535, %unique3A_536 = tpu.scan_count mask(%broadcast_in_dim3A_534 : vector<16xi1>) value(%and3A_532 : vector<16xi32>) : vector<16xi1>, vector<16xi32>
      %sub3A_537 = vector.broadcast %reduce_min3A_10 : i32 to vector<16xi32>
      %sub3A_538 = arith.subi %unique3A_536, %sub3A_537 : vector<16xi32>
      %add3A_539 = arith.constant 1 : i32
      %add3A_540 = vector.broadcast %add3A_539 : i32 to vector<16xi32>
      %add3A_541 = arith.addi %sub3A_538, %add3A_540 : vector<16xi32>
      tpu.vector_store_idx %arg9[%and3A_532], %add3A_541 masked %unique3A_535 {add = true} : memref<2048xi32, #tpu.memory_space<vmem>>[vector<16xi32>], vector<16xi32>, vector<16xi1>
      %while3A_542 = arith.constant 0 : i32
      scf.yield %while3A_542 : i32
    }
    %scan3A_137 = arith.constant 0 : i32
    %scan3A_138 = arith.constant 0 : i32
    %scan3A_139 = arith.constant 16 : i32
    %scan3A_140 = arith.addi %scan3A_138, %scan3A_139 : i32
    %scan3A_141 = arith.constant 1 : i32
    %scan3A_142 = scf.for %scan3A_457 = %scan3A_138 to %scan3A_140 step %scan3A_141 iter_args(%scan3A_458 = %scan3A_137) -> (i32)  : i32 {
      %mul3A_459 = arith.constant 128 : i32
      %mul3A_460 = arith.muli %mul3A_459, %scan3A_457 : i32
      %add3A_461 = arith.constant 0 : i32
      %add3A_462 = arith.addi %add3A_461, %mul3A_460 : i32
      %add3A_463 = vector.broadcast %add3A_462 : i32 to vector<16xi32>
      %add3A_464 = arith.addi %iota3A, %add3A_463 : vector<16xi32>
      %swap3A_465 = arith.constant 0 : i32
      %swap3A_466 = arith.index_cast %swap3A_465 : i32 to index
      %swap3A_467 = arith.constant 0 : index
      %swap3A_468 = tpu.vector_load %arg14[%swap3A_466, %swap3A_467] {strides = array<i32>} : memref<1x128xi32, #tpu.memory_space<vmem>>, vector<16xi32>,
      tpu.vector_store %arg14[%swap3A_466, %swap3A_467], %add3A_464 {strides = array<i32>} : memref<1x128xi32, #tpu.memory_space<vmem>>, vector<16xi32>,
      %mul3A_469 = arith.constant 128 : i32
      %mul3A_470 = arith.muli %mul3A_469, %scan3A_457 : i32
      %add3A_471 = arith.constant 16 : i32
      %add3A_472 = arith.addi %add3A_471, %mul3A_470 : i32
      %add3A_473 = vector.broadcast %add3A_472 : i32 to vector<16xi32>
      %add3A_474 = arith.addi %iota3A, %add3A_473 : vector<16xi32>
      %swap3A_475 = arith.constant 0 : i32
      %swap3A_476 = arith.index_cast %swap3A_475 : i32 to index
      %swap3A_477 = arith.constant 16 : index
      %swap3A_478 = tpu.vector_load %arg14[%swap3A_476, %swap3A_477] {strides = array<i32>} : memref<1x128xi32, #tpu.memory_space<vmem>>, vector<16xi32>,
      tpu.vector_store %arg14[%swap3A_476, %swap3A_477], %add3A_474 {strides = array<i32>} : memref<1x128xi32, #tpu.memory_space<vmem>>, vector<16xi32>,
      %mul3A_479 = arith.constant 128 : i32
      %mul3A_480 = arith.muli %mul3A_479, %scan3A_457 : i32
      %add3A_481 = arith.constant 32 : i32
      %add3A_482 = arith.addi %add3A_481, %mul3A_480 : i32
      %add3A_483 = vector.broadcast %add3A_482 : i32 to vector<16xi32>
      %add3A_484 = arith.addi %iota3A, %add3A_483 : vector<16xi32>
      %swap3A_485 = arith.constant 0 : i32
      %swap3A_486 = arith.index_cast %swap3A_485 : i32 to index
      %swap3A_487 = arith.constant 32 : index
      %swap3A_488 = tpu.vector_load %arg14[%swap3A_486, %swap3A_487] {strides = array<i32>} : memref<1x128xi32, #tpu.memory_space<vmem>>, vector<16xi32>,
      tpu.vector_store %arg14[%swap3A_486, %swap3A_487], %add3A_484 {strides = array<i32>} : memref<1x128xi32, #tpu.memory_space<vmem>>, vector<16xi32>,
      %mul3A_489 = arith.constant 128 : i32
      %mul3A_490 = arith.muli %mul3A_489, %scan3A_457 : i32
      %add3A_491 = arith.constant 48 : i32
      %add3A_492 = arith.addi %add3A_491, %mul3A_490 : i32
      %add3A_493 = vector.broadcast %add3A_492 : i32 to vector<16xi32>
      %add3A_494 = arith.addi %iota3A, %add3A_493 : vector<16xi32>
      %swap3A_495 = arith.constant 0 : i32
      %swap3A_496 = arith.index_cast %swap3A_495 : i32 to index
      %swap3A_497 = arith.constant 48 : index
      %swap3A_498 = tpu.vector_load %arg14[%swap3A_496, %swap3A_497] {strides = array<i32>} : memref<1x128xi32, #tpu.memory_space<vmem>>, vector<16xi32>,
      tpu.vector_store %arg14[%swap3A_496, %swap3A_497], %add3A_494 {strides = array<i32>} : memref<1x128xi32, #tpu.memory_space<vmem>>, vector<16xi32>,
      %mul3A_499 = arith.constant 128 : i32
      %mul3A_500 = arith.muli %mul3A_499, %scan3A_457 : i32
      %add3A_501 = arith.constant 64 : i32
      %add3A_502 = arith.addi %add3A_501, %mul3A_500 : i32
      %add3A_503 = vector.broadcast %add3A_502 : i32 to vector<16xi32>
      %add3A_504 = arith.addi %iota3A, %add3A_503 : vector<16xi32>
      %swap3A_505 = arith.constant 0 : i32
      %swap3A_506 = arith.index_cast %swap3A_505 : i32 to index
      %swap3A_507 = arith.constant 64 : index
      %swap3A_508 = tpu.vector_load %arg14[%swap3A_506, %swap3A_507] {strides = array<i32>} : memref<1x128xi32, #tpu.memory_space<vmem>>, vector<16xi32>,
      tpu.vector_store %arg14[%swap3A_506, %swap3A_507], %add3A_504 {strides = array<i32>} : memref<1x128xi32, #tpu.memory_space<vmem>>, vector<16xi32>,
      %mul3A_509 = arith.constant 128 : i32
      %mul3A_510 = arith.muli %mul3A_509, %scan3A_457 : i32
      %add3A_511 = arith.constant 80 : i32
      %add3A_512 = arith.addi %add3A_511, %mul3A_510 : i32
      %add3A_513 = vector.broadcast %add3A_512 : i32 to vector<16xi32>
      %add3A_514 = arith.addi %iota3A, %add3A_513 : vector<16xi32>
      %swap3A_515 = arith.constant 0 : i32
      %swap3A_516 = arith.index_cast %swap3A_515 : i32 to index
      %swap3A_517 = arith.constant 80 : index
      %swap3A_518 = tpu.vector_load %arg14[%swap3A_516, %swap3A_517] {strides = array<i32>} : memref<1x128xi32, #tpu.memory_space<vmem>>, vector<16xi32>,
      tpu.vector_store %arg14[%swap3A_516, %swap3A_517], %add3A_514 {strides = array<i32>} : memref<1x128xi32, #tpu.memory_space<vmem>>, vector<16xi32>,
      %mul3A_519 = arith.constant 128 : i32
      %mul3A_520 = arith.muli %mul3A_519, %scan3A_457 : i32
      %add3A_521 = arith.constant 96 : i32
      %add3A_522 = arith.addi %add3A_521, %mul3A_520 : i32
      %add3A_523 = vector.broadcast %add3A_522 : i32 to vector<16xi32>
      %add3A_524 = arith.addi %iota3A, %add3A_523 : vector<16xi32>
      %swap3A_525 = arith.constant 0 : i32
      %swap3A_526 = arith.index_cast %swap3A_525 : i32 to index
      %swap3A_527 = arith.constant 96 : index
      %swap3A_528 = tpu.vector_load %arg14[%swap3A_526, %swap3A_527] {strides = array<i32>} : memref<1x128xi32, #tpu.memory_space<vmem>>, vector<16xi32>,
      tpu.vector_store %arg14[%swap3A_526, %swap3A_527], %add3A_524 {strides = array<i32>} : memref<1x128xi32, #tpu.memory_space<vmem>>, vector<16xi32>,
      %mul3A_529 = arith.constant 128 : i32
      %mul3A_530 = arith.muli %mul3A_529, %scan3A_457 : i32
      %add3A_531 = arith.constant 112 : i32
      %add3A_532 = arith.addi %add3A_531, %mul3A_530 : i32
      %add3A_533 = vector.broadcast %add3A_532 : i32 to vector<16xi32>
      %add3A_534 = arith.addi %iota3A, %add3A_533 : vector<16xi32>
      %swap3A_535 = arith.constant 0 : i32
      %swap3A_536 = arith.index_cast %swap3A_535 : i32 to index
      %swap3A_537 = arith.constant 112 : index
      %swap3A_538 = tpu.vector_load %arg14[%swap3A_536, %swap3A_537] {strides = array<i32>} : memref<1x128xi32, #tpu.memory_space<vmem>>, vector<16xi32>,
      tpu.vector_store %arg14[%swap3A_536, %swap3A_537], %add3A_534 {strides = array<i32>} : memref<1x128xi32, #tpu.memory_space<vmem>>, vector<16xi32>,
      %mul3A_539 = arith.constant 128 : i32
      %mul3A_540 = arith.muli %mul3A_539, %scan3A_457 : i32
      %run_scoped3A = arith.constant 0 : i32
      "tpu.region"() ({
        %run_scoped3A_542 = tpu.sem_alloc : memref<!tpu.dma_semaphore, #tpu.memory_space<semaphore_mem>>
        %dma_start3A_543 = tpu.memref_slice %arg9[%mul3A_540] : memref<2048xi32, #tpu.memory_space<vmem>> -> memref<128xi32, #tpu.memory_space<vmem>>
        %dma_start3A_544 = arith.constant 0 : i32
        %dma_start3A_545 = tpu.memref_slice %arg14[%run_scoped3A, %dma_start3A_544] : memref<1x128xi32, #tpu.memory_space<vmem>> -> memref<1x128xi32, #tpu.memory_space<vmem>>
        %dma_start3A_546 = tpu.memref_squeeze %dma_start3A_545 : memref<1x128xi32, #tpu.memory_space<vmem>> -> memref<128xi32, #tpu.memory_space<vmem>>
        %dma_start3A_547 = arith.constant 0 : i32
        %dma_start3A_548 = tpu.memref_slice %arg24[%dma_start3A_547] : memref<2048xi32, #tpu.memory_space<vmem_shared>> -> memref<2048xi32, #tpu.memory_space<vmem_shared>>
        tpu.enqueue_indirect_dma source(%dma_start3A_543 : memref<128xi32, #tpu.memory_space<vmem>>) target(%dma_start3A_548 : memref<2048xi32, #tpu.memory_space<vmem_shared>>) offsets(%dma_start3A_546 : memref<128xi32, #tpu.memory_space<vmem>>) semaphore(%run_scoped3A_542 : memref<!tpu.dma_semaphore, #tpu.memory_space<semaphore_mem>>) {add = true}
        %dma_wait3A_549 = tpu.memref_slice %arg9[%mul3A_540] : memref<2048xi32, #tpu.memory_space<vmem>> -> memref<128xi32, #tpu.memory_space<vmem>>
        %dma_wait3A_550 = arith.constant 0 : i32
        %dma_wait3A_551 = tpu.memref_slice %arg14[%run_scoped3A, %dma_wait3A_550] : memref<1x128xi32, #tpu.memory_space<vmem>> -> memref<1x128xi32, #tpu.memory_space<vmem>>
        %dma_wait3A_552 = tpu.memref_squeeze %dma_wait3A_551 : memref<1x128xi32, #tpu.memory_space<vmem>> -> memref<128xi32, #tpu.memory_space<vmem>>
        %dma_wait3A_553 = arith.constant 0 : i32
        %dma_wait3A_554 = tpu.memref_slice %arg24[%dma_wait3A_553] : memref<2048xi32, #tpu.memory_space<vmem_shared>> -> memref<2048xi32, #tpu.memory_space<vmem_shared>>
        tpu.wait_indirect_dma semaphore(%run_scoped3A_542 : memref<!tpu.dma_semaphore, #tpu.memory_space<semaphore_mem>>) src(%dma_wait3A_549 : memref<128xi32, #tpu.memory_space<vmem>>) dst(%dma_wait3A_554 : memref<2048xi32, #tpu.memory_space<vmem_shared>>)
        tpu.yield
      }) : () -> ()
      %scan3A_541 = arith.constant 0 : i32
      scf.yield %scan3A_541 : i32
    }
    %scan3A_143 = arith.constant 16 : i32
    %barrier3A_144 = arith.constant 0 : index
    tpu.barrier barrier_id(%barrier3A_144)
    %eq3A_145 = arith.constant 0 : i32
    %eq3A_146 = arith.cmpi eq, %arg1, %eq3A_145 : i32
    %convert_element_type3A_147 = arith.extui %eq3A_146 : i1 to i32
    %cond3A_148 = arith.constant 0 : i32
    %cond3A_149 = arith.cmpi ne, %convert_element_type3A_147, %cond3A_148 : i32
    scf.if %cond3A_149 {
      %add3A_457 = arith.constant 1 : i32
      %add3A_458 = arith.addi %sub3A_74, %add3A_457 : i32
      "tpu.region"() ({
        %run_scoped3A = tpu.sem_alloc : memref<!tpu.dma_semaphore, #tpu.memory_space<semaphore_mem>>
        %dma_start3A_512 = arith.constant 0 : i32
        %dma_start3A_513 = tpu.memref_slice %arg9[%dma_start3A_512] : memref<2048xi32, #tpu.memory_space<vmem>> -> memref<2048xi32, #tpu.memory_space<vmem>>
        %dma_start3A_514 = arith.constant 0 : i32
        %dma_start3A_515 = tpu.memref_slice %arg9[%dma_start3A_514] : memref<2048xi32, #tpu.memory_space<vmem>> -> memref<2048xi32, #tpu.memory_space<vmem>>
        tpu.enqueue_dma source(%arg24 : memref<2048xi32, #tpu.memory_space<vmem_shared>>) target(%dma_start3A_515 : memref<2048xi32, #tpu.memory_space<vmem>>) target_semaphore(%run_scoped3A : memref<!tpu.dma_semaphore, #tpu.memory_space<semaphore_mem>>)
        %dma_wait3A_516 = arith.constant 0 : i32
        %dma_wait3A_517 = tpu.memref_slice %arg9[%dma_wait3A_516] : memref<2048xi32, #tpu.memory_space<vmem>> -> memref<2048xi32, #tpu.memory_space<vmem>>
        %dma_wait3A_518 = arith.constant 0 : i32
        %dma_wait3A_519 = tpu.memref_slice %arg9[%dma_wait3A_518] : memref<2048xi32, #tpu.memory_space<vmem>> -> memref<2048xi32, #tpu.memory_space<vmem>>
        tpu.wait_dma2 semaphore(%run_scoped3A : memref<!tpu.dma_semaphore, #tpu.memory_space<semaphore_mem>>) src(%arg24 : memref<2048xi32, #tpu.memory_space<vmem_shared>>) dst(%dma_wait3A_519 : memref<2048xi32, #tpu.memory_space<vmem>>)
        tpu.yield
      }) : () -> ()
      %scan3A_459 = arith.constant 0 : i32
      %scan3A_460 = arith.constant 0 : i32
      %scan3A_461 = arith.constant 0 : i32
      %scan3A_462 = arith.constant 0 : i32
      %scan3A_463 = arith.constant 32 : i32
      %scan3A_464 = arith.addi %scan3A_462, %scan3A_463 : i32
      %scan3A_465 = arith.constant 1 : i32
      %scan3A_466:3 = scf.for %scan3A_512 = %scan3A_462 to %scan3A_464 step %scan3A_465 iter_args(%scan3A_513 = %scan3A_459, %scan3A_514 = %scan3A_460, %scan3A_515 = %scan3A_461) -> (i32, i32, i32)  : i32 {
        %mul3A_516 = arith.constant 64 : i32
        %mul3A_517 = arith.muli %mul3A_516, %scan3A_512 : i32
        %add3A_518 = arith.constant 0 : i32
        %add3A_519 = arith.addi %mul3A_517, %add3A_518 : i32
        %get3A_520 = arith.index_cast %add3A_519 : i32 to index
        %get3A_521 = tpu.vector_load %arg9[%get3A_520] {strides = array<i32>} : memref<2048xi32, #tpu.memory_space<vmem>>, vector<16xi32>,
        %reduce_sum3A_522 = arith.constant true
        %reduce_sum3A_523 = vector.broadcast %reduce_sum3A_522 : i1 to vector<16xi1>
        %reduce_sum3A_524 = tpu.scan <sum>, %get3A_521 masked %reduce_sum3A_523 : vector<16xi32>, vector<16xi1> -> vector<16xi32>
        %reduce_sum3A_525 = vector.extract %reduce_sum3A_524[15] : i32 from vector<16xi32>
        %add3A_526 = arith.addi %scan3A_513, %reduce_sum3A_525 : i32
        %lt3A = arith.cmpi slt, %scan3A_513, %add3A_458 : i32
        %ge3A_527 = arith.cmpi sge, %add3A_526, %add3A_458 : i32
        %and3A_528 = arith.andi %lt3A, %ge3A_527 : i1
        %mul3A_529 = arith.constant 4 : i32
        %mul3A_530 = arith.muli %mul3A_529, %scan3A_512 : i32
        %add3A_531 = arith.constant 0 : i32
        %add3A_532 = arith.addi %mul3A_530, %add3A_531 : i32
        %select_n3A_533 = arith.select %and3A_528, %add3A_532, %scan3A_514 : i32
        %select_n3A_534 = arith.select %and3A_528, %scan3A_513, %scan3A_515 : i32
        %mul3A_535 = arith.constant 64 : i32
        %mul3A_536 = arith.muli %mul3A_535, %scan3A_512 : i32
        %add3A_537 = arith.constant 16 : i32
        %add3A_538 = arith.addi %mul3A_536, %add3A_537 : i32
        %get3A_539 = arith.index_cast %add3A_538 : i32 to index
        %get3A_540 = tpu.vector_load %arg9[%get3A_539] {strides = array<i32>} : memref<2048xi32, #tpu.memory_space<vmem>>, vector<16xi32>,
        %reduce_sum3A_541 = arith.constant true
        %reduce_sum3A_542 = vector.broadcast %reduce_sum3A_541 : i1 to vector<16xi1>
        %reduce_sum3A_543 = tpu.scan <sum>, %get3A_540 masked %reduce_sum3A_542 : vector<16xi32>, vector<16xi1> -> vector<16xi32>
        %reduce_sum3A_544 = vector.extract %reduce_sum3A_543[15] : i32 from vector<16xi32>
        %add3A_545 = arith.addi %add3A_526, %reduce_sum3A_544 : i32
        %lt3A_546 = arith.cmpi slt, %add3A_526, %add3A_458 : i32
        %ge3A_547 = arith.cmpi sge, %add3A_545, %add3A_458 : i32
        %and3A_548 = arith.andi %lt3A_546, %ge3A_547 : i1
        %mul3A_549 = arith.constant 4 : i32
        %mul3A_550 = arith.muli %mul3A_549, %scan3A_512 : i32
        %add3A_551 = arith.constant 1 : i32
        %add3A_552 = arith.addi %mul3A_550, %add3A_551 : i32
        %select_n3A_553 = arith.select %and3A_548, %add3A_552, %select_n3A_533 : i32
        %select_n3A_554 = arith.select %and3A_548, %add3A_526, %select_n3A_534 : i32
        %mul3A_555 = arith.constant 64 : i32
        %mul3A_556 = arith.muli %mul3A_555, %scan3A_512 : i32
        %add3A_557 = arith.constant 32 : i32
        %add3A_558 = arith.addi %mul3A_556, %add3A_557 : i32
        %get3A_559 = arith.index_cast %add3A_558 : i32 to index
        %get3A_560 = tpu.vector_load %arg9[%get3A_559] {strides = array<i32>} : memref<2048xi32, #tpu.memory_space<vmem>>, vector<16xi32>,
        %reduce_sum3A_561 = arith.constant true
        %reduce_sum3A_562 = vector.broadcast %reduce_sum3A_561 : i1 to vector<16xi1>
        %reduce_sum3A_563 = tpu.scan <sum>, %get3A_560 masked %reduce_sum3A_562 : vector<16xi32>, vector<16xi1> -> vector<16xi32>
        %reduce_sum3A_564 = vector.extract %reduce_sum3A_563[15] : i32 from vector<16xi32>
        %add3A_565 = arith.addi %add3A_545, %reduce_sum3A_564 : i32
        %lt3A_566 = arith.cmpi slt, %add3A_545, %add3A_458 : i32
        %ge3A_567 = arith.cmpi sge, %add3A_565, %add3A_458 : i32
        %and3A_568 = arith.andi %lt3A_566, %ge3A_567 : i1
        %mul3A_569 = arith.constant 4 : i32
        %mul3A_570 = arith.muli %mul3A_569, %scan3A_512 : i32
        %add3A_571 = arith.constant 2 : i32
        %add3A_572 = arith.addi %mul3A_570, %add3A_571 : i32
        %select_n3A_573 = arith.select %and3A_568, %add3A_572, %select_n3A_553 : i32
        %select_n3A_574 = arith.select %and3A_568, %add3A_545, %select_n3A_554 : i32
        %mul3A_575 = arith.constant 64 : i32
        %mul3A_576 = arith.muli %mul3A_575, %scan3A_512 : i32
        %add3A_577 = arith.constant 48 : i32
        %add3A_578 = arith.addi %mul3A_576, %add3A_577 : i32
        %get3A_579 = arith.index_cast %add3A_578 : i32 to index
        %get3A_580 = tpu.vector_load %arg9[%get3A_579] {strides = array<i32>} : memref<2048xi32, #tpu.memory_space<vmem>>, vector<16xi32>,
        %reduce_sum3A_581 = arith.constant true
        %reduce_sum3A_582 = vector.broadcast %reduce_sum3A_581 : i1 to vector<16xi1>
        %reduce_sum3A_583 = tpu.scan <sum>, %get3A_580 masked %reduce_sum3A_582 : vector<16xi32>, vector<16xi1> -> vector<16xi32>
        %reduce_sum3A_584 = vector.extract %reduce_sum3A_583[15] : i32 from vector<16xi32>
        %add3A_585 = arith.addi %add3A_565, %reduce_sum3A_584 : i32
        %lt3A_586 = arith.cmpi slt, %add3A_565, %add3A_458 : i32
        %ge3A_587 = arith.cmpi sge, %add3A_585, %add3A_458 : i32
        %and3A_588 = arith.andi %lt3A_586, %ge3A_587 : i1
        %mul3A_589 = arith.constant 4 : i32
        %mul3A_590 = arith.muli %mul3A_589, %scan3A_512 : i32
        %add3A_591 = arith.constant 3 : i32
        %add3A_592 = arith.addi %mul3A_590, %add3A_591 : i32
        %select_n3A_593 = arith.select %and3A_588, %add3A_592, %select_n3A_573 : i32
        %select_n3A_594 = arith.select %and3A_588, %add3A_565, %select_n3A_574 : i32
        scf.yield %add3A_585, %select_n3A_593, %select_n3A_594 : i32, i32, i32
      }
      %scan3A_467 = arith.constant 32 : i32
      %mul3A_468 = arith.constant 16 : i32
      %mul3A_469 = arith.muli %mul3A_468, %scan3A_466#1 : i32
      %get3A_470 = arith.index_cast %mul3A_469 : i32 to index
      %get3A_471 = tpu.vector_load %arg9[%get3A_470] {strides = array<i32>} : memref<2048xi32, #tpu.memory_space<vmem>>, vector<16xi32>,
      %broadcast_in_dim3A_472 = arith.constant true
      %broadcast_in_dim3A_473 = vector.broadcast %broadcast_in_dim3A_472 : i1 to vector<16xi1>
      %masked_cumsum3A_474 = tpu.scan <sum>, %get3A_471 masked %broadcast_in_dim3A_473 : vector<16xi32>, vector<16xi1> -> vector<16xi32>
      %add3A_475 = vector.broadcast %scan3A_466#2 : i32 to vector<16xi32>
      %add3A_476 = arith.addi %masked_cumsum3A_474, %add3A_475 : vector<16xi32>
      %ge3A = vector.broadcast %add3A_458 : i32 to vector<16xi32>
      %ge3A_477 = arith.cmpi sge, %add3A_476, %ge3A : vector<16xi32>
      %all_reduce_ffs3A = tpu.all_reduce %ge3A_477 {dim = 0 : i64, kind = #tpu.reduction_kind<find_first_set>} : vector<16xi1> -> vector<16xi32>
      %reduce_max3A = arith.constant true
      %reduce_max3A_478 = vector.broadcast %reduce_max3A : i1 to vector<16xi1>
      %reduce_max3A_479 = arith.constant -2147483648 : i32
      %reduce_max3A_480 = vector.broadcast %reduce_max3A_479 : i32 to vector<16xi32>
      %reduce_max3A_481 = arith.xori %all_reduce_ffs3A, %reduce_max3A_480 : vector<16xi32>
      %reduce_max3A_482 = tpu.scan <max>, %reduce_max3A_481 masked %reduce_max3A_478 : vector<16xi32>, vector<16xi1> -> vector<16xi32>
      %reduce_max3A_483 = arith.xori %reduce_max3A_482, %reduce_max3A_480 : vector<16xi32>
      %reduce_max3A_484 = vector.extract %reduce_max3A_483[15] : i32 from vector<16xi32>
      %mul3A_485 = arith.constant 16 : i32
      %mul3A_486 = arith.muli %mul3A_485, %scan3A_466#1 : i32
      %add3A_487 = arith.addi %mul3A_486, %reduce_max3A_484 : i32
      %sub3A_488 = arith.subi %add3A_476, %get3A_471 : vector<16xi32>
      %eq3A_489 = vector.broadcast %reduce_max3A_484 : i32 to vector<16xi32>
      %eq3A_490 = arith.cmpi eq, %iota3A, %eq3A_489 : vector<16xi32>
      %jit3A_491 = arith.constant 0 : i32
      %broadcast_in_dim3A_492 = vector.broadcast %jit3A_491 : i32 to vector<16xi32>
      %select_n3A_493 = arith.select %eq3A_490, %sub3A_488, %broadcast_in_dim3A_492 : vector<16xi1>, vector<16xi32>
      %reduce_sum3A_494 = arith.constant true
      %reduce_sum3A_495 = vector.broadcast %reduce_sum3A_494 : i1 to vector<16xi1>
      %reduce_sum3A_496 = tpu.scan <sum>, %select_n3A_493 masked %reduce_sum3A_495 : vector<16xi32>, vector<16xi1> -> vector<16xi32>
      %reduce_sum3A_497 = vector.extract %reduce_sum3A_496[15] : i32 from vector<16xi32>
      %eq3A_498 = arith.constant 0 : i32
      %eq3A_499 = vector.broadcast %eq3A_498 : i32 to vector<16xi32>
      %eq3A_500 = arith.cmpi eq, %iota3A, %eq3A_499 : vector<16xi32>
      %eq3A_501 = arith.constant 1 : i32
      %eq3A_502 = vector.broadcast %eq3A_501 : i32 to vector<16xi32>
      %eq3A_503 = arith.cmpi eq, %iota3A, %eq3A_502 : vector<16xi32>
      %jit3A_504 = arith.constant 0 : i32
      %broadcast_in_dim3A_505 = vector.broadcast %reduce_sum3A_497 : i32 to vector<16xi32>
      %broadcast_in_dim3A_506 = vector.broadcast %jit3A_504 : i32 to vector<16xi32>
      %select_n3A_507 = arith.select %eq3A_503, %broadcast_in_dim3A_505, %broadcast_in_dim3A_506 : vector<16xi1>, vector<16xi32>
      %broadcast_in_dim3A_508 = vector.broadcast %add3A_487 : i32 to vector<16xi32>
      %select_n3A_509 = arith.select %eq3A_500, %broadcast_in_dim3A_508, %select_n3A_507 : vector<16xi1>, vector<16xi32>
      %swap3A_510 = arith.constant 0 : index
      %swap3A_511 = tpu.vector_load %arg15[%swap3A_510] {strides = array<i32>} : memref<16xi32, #tpu.memory_space<vmem>>, vector<16xi32>,
      tpu.vector_store %arg15[%swap3A_510], %select_n3A_509 {strides = array<i32>} : memref<16xi32, #tpu.memory_space<vmem>>, vector<16xi32>,
      "tpu.region"() ({
        %run_scoped3A = tpu.sem_alloc : memref<!tpu.dma_semaphore, #tpu.memory_space<semaphore_mem>>
        tpu.enqueue_dma source(%arg15 : memref<16xi32, #tpu.memory_space<vmem>>) target(%arg27 : memref<16xi32, #tpu.memory_space<vmem_shared>>) target_semaphore(%run_scoped3A : memref<!tpu.dma_semaphore, #tpu.memory_space<semaphore_mem>>)
        tpu.wait_dma2 semaphore(%run_scoped3A : memref<!tpu.dma_semaphore, #tpu.memory_space<semaphore_mem>>) src(%arg15 : memref<16xi32, #tpu.memory_space<vmem>>) dst(%arg27 : memref<16xi32, #tpu.memory_space<vmem_shared>>)
        tpu.yield
      }) : () -> ()
    } else {
    }
    %barrier3A_150 = arith.constant 0 : index
    tpu.barrier barrier_id(%barrier3A_150)
    "tpu.region"() ({
      %run_scoped3A = tpu.sem_alloc : memref<!tpu.dma_semaphore, #tpu.memory_space<semaphore_mem>>
      tpu.enqueue_dma source(%arg27 : memref<16xi32, #tpu.memory_space<vmem_shared>>) target(%arg15 : memref<16xi32, #tpu.memory_space<vmem>>) target_semaphore(%run_scoped3A : memref<!tpu.dma_semaphore, #tpu.memory_space<semaphore_mem>>)
      tpu.wait_dma2 semaphore(%run_scoped3A : memref<!tpu.dma_semaphore, #tpu.memory_space<semaphore_mem>>) src(%arg27 : memref<16xi32, #tpu.memory_space<vmem_shared>>) dst(%arg15 : memref<16xi32, #tpu.memory_space<vmem>>)
      tpu.yield
    }) : () -> ()
    %get3A_151 = arith.constant 0 : index
    %get3A_152 = tpu.vector_load %arg15[%get3A_151] {strides = array<i32>} : memref<16xi32, #tpu.memory_space<vmem>>, vector<16xi32>,
    %eq3A_153 = arith.constant 0 : i32
    %eq3A_154 = vector.broadcast %eq3A_153 : i32 to vector<16xi32>
    %eq3A_155 = arith.cmpi eq, %iota3A, %eq3A_154 : vector<16xi32>
    %jit3A_156 = arith.constant 0 : i32
    %broadcast_in_dim3A_157 = vector.broadcast %jit3A_156 : i32 to vector<16xi32>
    %select_n3A_158 = arith.select %eq3A_155, %get3A_152, %broadcast_in_dim3A_157 : vector<16xi1>, vector<16xi32>
    %reduce_sum3A_159 = arith.constant true
    %reduce_sum3A_160 = vector.broadcast %reduce_sum3A_159 : i1 to vector<16xi1>
    %reduce_sum3A_161 = tpu.scan <sum>, %select_n3A_158 masked %reduce_sum3A_160 : vector<16xi32>, vector<16xi1> -> vector<16xi32>
    %reduce_sum3A_162 = vector.extract %reduce_sum3A_161[15] : i32 from vector<16xi32>
    %eq3A_163 = arith.constant 1 : i32
    %eq3A_164 = vector.broadcast %eq3A_163 : i32 to vector<16xi32>
    %eq3A_165 = arith.cmpi eq, %iota3A, %eq3A_164 : vector<16xi32>
    %jit3A_166 = arith.constant 0 : i32
    %broadcast_in_dim3A_167 = vector.broadcast %jit3A_166 : i32 to vector<16xi32>
    %select_n3A_168 = arith.select %eq3A_165, %get3A_152, %broadcast_in_dim3A_167 : vector<16xi1>, vector<16xi32>
    %reduce_sum3A_169 = arith.constant true
    %reduce_sum3A_170 = vector.broadcast %reduce_sum3A_169 : i1 to vector<16xi1>
    %reduce_sum3A_171 = tpu.scan <sum>, %select_n3A_168 masked %reduce_sum3A_170 : vector<16xi32>, vector<16xi1> -> vector<16xi32>
    %reduce_sum3A_172 = vector.extract %reduce_sum3A_171[15] : i32 from vector<16xi32>
    %sub3A_173 = arith.subi %sub3A_74, %reduce_sum3A_172 : i32
    %while3A_174 = arith.constant 0 : i32
    %while3A_175 = arith.constant 0 : i32
    %while3A_176 = arith.subi %select_n3A_118, %while3A_174 : i32
    %while3A_177 = arith.addi %while3A_174, %while3A_176 : i32
    %while3A_178 = arith.constant 1 : i32
    %while3A_179 = arith.divsi %while3A_176, %while3A_178 : i32
    %while3A_180 = arith.muli %while3A_179, %while3A_178 : i32
    %while3A_181 = arith.addi %while3A_174, %while3A_180 : i32
    %while3A_182 = arith.constant 1 : i32
    %while3A_183 = scf.for %while3A_457 = %while3A_174 to %while3A_181 step %while3A_182 iter_args(%while3A_458 = %while3A_175) -> (i32)  : i32 {
      %mul3A_459 = arith.constant 64 : i32
      %mul3A_460 = arith.muli %mul3A_459, %while3A_457 : i32
      %add3A_461 = arith.constant 0 : i32
      %add3A_462 = arith.addi %mul3A_460, %add3A_461 : i32
      %get3A_463 = arith.index_cast %add3A_462 : i32 to index
      %get3A_464 = tpu.vector_load %arg7[%get3A_463] {strides = array<i32>} : memref<2128xi32, #tpu.memory_space<vmem>>, vector<16xi32>,
      %shift_right_logical3A = arith.constant 10 : i32
      %shift_right_logical3A_465 = vector.broadcast %shift_right_logical3A : i32 to vector<16xi32>
      %shift_right_logical3A_466 = arith.shrui %get3A_464, %shift_right_logical3A_465 : vector<16xi32>
      %and3A_467 = arith.constant 2047 : i32
      %and3A_468 = vector.broadcast %and3A_467 : i32 to vector<16xi32>
      %and3A_469 = arith.andi %shift_right_logical3A_466, %and3A_468 : vector<16xi32>
      %eq3A_470 = vector.broadcast %reduce_sum3A_162 : i32 to vector<16xi32>
      %eq3A_471 = arith.cmpi eq, %and3A_469, %eq3A_470 : vector<16xi32>
      %swap3A_472 = arith.index_cast %while3A_458 : i32 to index
      %swap3A_473 = tpu.vector_load %arg8[%swap3A_472] masked %eq3A_471 {strides = array<i32>} : memref<2128xi32, #tpu.memory_space<vmem>>, vector<16xi32>, vector<16xi1>
      tpu.vector_store %arg8[%swap3A_472], %get3A_464 masked %eq3A_471 {strides = array<i32>} : memref<2128xi32, #tpu.memory_space<vmem>>, vector<16xi32>, vector<16xi1>
      %convert_element_type3A_474 = arith.extui %eq3A_471 : vector<16xi1> to vector<16xi32>
      %reduce_sum3A_475 = arith.constant true
      %reduce_sum3A_476 = vector.broadcast %reduce_sum3A_475 : i1 to vector<16xi1>
      %reduce_sum3A_477 = tpu.scan <sum>, %convert_element_type3A_474 masked %reduce_sum3A_476 : vector<16xi32>, vector<16xi1> -> vector<16xi32>
      %reduce_sum3A_478 = vector.extract %reduce_sum3A_477[15] : i32 from vector<16xi32>
      %add3A_479 = arith.addi %while3A_458, %reduce_sum3A_478 : i32
      %mul3A_480 = arith.constant 64 : i32
      %mul3A_481 = arith.muli %mul3A_480, %while3A_457 : i32
      %add3A_482 = arith.constant 16 : i32
      %add3A_483 = arith.addi %mul3A_481, %add3A_482 : i32
      %get3A_484 = arith.index_cast %add3A_483 : i32 to index
      %get3A_485 = tpu.vector_load %arg7[%get3A_484] {strides = array<i32>} : memref<2128xi32, #tpu.memory_space<vmem>>, vector<16xi32>,
      %shift_right_logical3A_486 = arith.constant 10 : i32
      %shift_right_logical3A_487 = vector.broadcast %shift_right_logical3A_486 : i32 to vector<16xi32>
      %shift_right_logical3A_488 = arith.shrui %get3A_485, %shift_right_logical3A_487 : vector<16xi32>
      %and3A_489 = arith.constant 2047 : i32
      %and3A_490 = vector.broadcast %and3A_489 : i32 to vector<16xi32>
      %and3A_491 = arith.andi %shift_right_logical3A_488, %and3A_490 : vector<16xi32>
      %eq3A_492 = vector.broadcast %reduce_sum3A_162 : i32 to vector<16xi32>
      %eq3A_493 = arith.cmpi eq, %and3A_491, %eq3A_492 : vector<16xi32>
      %swap3A_494 = arith.index_cast %add3A_479 : i32 to index
      %swap3A_495 = tpu.vector_load %arg8[%swap3A_494] masked %eq3A_493 {strides = array<i32>} : memref<2128xi32, #tpu.memory_space<vmem>>, vector<16xi32>, vector<16xi1>
      tpu.vector_store %arg8[%swap3A_494], %get3A_485 masked %eq3A_493 {strides = array<i32>} : memref<2128xi32, #tpu.memory_space<vmem>>, vector<16xi32>, vector<16xi1>
      %convert_element_type3A_496 = arith.extui %eq3A_493 : vector<16xi1> to vector<16xi32>
      %reduce_sum3A_497 = arith.constant true
      %reduce_sum3A_498 = vector.broadcast %reduce_sum3A_497 : i1 to vector<16xi1>
      %reduce_sum3A_499 = tpu.scan <sum>, %convert_element_type3A_496 masked %reduce_sum3A_498 : vector<16xi32>, vector<16xi1> -> vector<16xi32>
      %reduce_sum3A_500 = vector.extract %reduce_sum3A_499[15] : i32 from vector<16xi32>
      %add3A_501 = arith.addi %add3A_479, %reduce_sum3A_500 : i32
      %mul3A_502 = arith.constant 64 : i32
      %mul3A_503 = arith.muli %mul3A_502, %while3A_457 : i32
      %add3A_504 = arith.constant 32 : i32
      %add3A_505 = arith.addi %mul3A_503, %add3A_504 : i32
      %get3A_506 = arith.index_cast %add3A_505 : i32 to index
      %get3A_507 = tpu.vector_load %arg7[%get3A_506] {strides = array<i32>} : memref<2128xi32, #tpu.memory_space<vmem>>, vector<16xi32>,
      %shift_right_logical3A_508 = arith.constant 10 : i32
      %shift_right_logical3A_509 = vector.broadcast %shift_right_logical3A_508 : i32 to vector<16xi32>
      %shift_right_logical3A_510 = arith.shrui %get3A_507, %shift_right_logical3A_509 : vector<16xi32>
      %and3A_511 = arith.constant 2047 : i32
      %and3A_512 = vector.broadcast %and3A_511 : i32 to vector<16xi32>
      %and3A_513 = arith.andi %shift_right_logical3A_510, %and3A_512 : vector<16xi32>
      %eq3A_514 = vector.broadcast %reduce_sum3A_162 : i32 to vector<16xi32>
      %eq3A_515 = arith.cmpi eq, %and3A_513, %eq3A_514 : vector<16xi32>
      %swap3A_516 = arith.index_cast %add3A_501 : i32 to index
      %swap3A_517 = tpu.vector_load %arg8[%swap3A_516] masked %eq3A_515 {strides = array<i32>} : memref<2128xi32, #tpu.memory_space<vmem>>, vector<16xi32>, vector<16xi1>
      tpu.vector_store %arg8[%swap3A_516], %get3A_507 masked %eq3A_515 {strides = array<i32>} : memref<2128xi32, #tpu.memory_space<vmem>>, vector<16xi32>, vector<16xi1>
      %convert_element_type3A_518 = arith.extui %eq3A_515 : vector<16xi1> to vector<16xi32>
      %reduce_sum3A_519 = arith.constant true
      %reduce_sum3A_520 = vector.broadcast %reduce_sum3A_519 : i1 to vector<16xi1>
      %reduce_sum3A_521 = tpu.scan <sum>, %convert_element_type3A_518 masked %reduce_sum3A_520 : vector<16xi32>, vector<16xi1> -> vector<16xi32>
      %reduce_sum3A_522 = vector.extract %reduce_sum3A_521[15] : i32 from vector<16xi32>
      %add3A_523 = arith.addi %add3A_501, %reduce_sum3A_522 : i32
      %mul3A_524 = arith.constant 64 : i32
      %mul3A_525 = arith.muli %mul3A_524, %while3A_457 : i32
      %add3A_526 = arith.constant 48 : i32
      %add3A_527 = arith.addi %mul3A_525, %add3A_526 : i32
      %get3A_528 = arith.index_cast %add3A_527 : i32 to index
      %get3A_529 = tpu.vector_load %arg7[%get3A_528] {strides = array<i32>} : memref<2128xi32, #tpu.memory_space<vmem>>, vector<16xi32>,
      %shift_right_logical3A_530 = arith.constant 10 : i32
      %shift_right_logical3A_531 = vector.broadcast %shift_right_logical3A_530 : i32 to vector<16xi32>
      %shift_right_logical3A_532 = arith.shrui %get3A_529, %shift_right_logical3A_531 : vector<16xi32>
      %and3A_533 = arith.constant 2047 : i32
      %and3A_534 = vector.broadcast %and3A_533 : i32 to vector<16xi32>
      %and3A_535 = arith.andi %shift_right_logical3A_532, %and3A_534 : vector<16xi32>
      %eq3A_536 = vector.broadcast %reduce_sum3A_162 : i32 to vector<16xi32>
      %eq3A_537 = arith.cmpi eq, %and3A_535, %eq3A_536 : vector<16xi32>
      %swap3A_538 = arith.index_cast %add3A_523 : i32 to index
      %swap3A_539 = tpu.vector_load %arg8[%swap3A_538] masked %eq3A_537 {strides = array<i32>} : memref<2128xi32, #tpu.memory_space<vmem>>, vector<16xi32>, vector<16xi1>
      tpu.vector_store %arg8[%swap3A_538], %get3A_529 masked %eq3A_537 {strides = array<i32>} : memref<2128xi32, #tpu.memory_space<vmem>>, vector<16xi32>, vector<16xi1>
      %convert_element_type3A_540 = arith.extui %eq3A_537 : vector<16xi1> to vector<16xi32>
      %reduce_sum3A_541 = arith.constant true
      %reduce_sum3A_542 = vector.broadcast %reduce_sum3A_541 : i1 to vector<16xi1>
      %reduce_sum3A_543 = tpu.scan <sum>, %convert_element_type3A_540 masked %reduce_sum3A_542 : vector<16xi32>, vector<16xi1> -> vector<16xi32>
      %reduce_sum3A_544 = vector.extract %reduce_sum3A_543[15] : i32 from vector<16xi32>
      %add3A_545 = arith.addi %add3A_523, %reduce_sum3A_544 : i32
      scf.yield %add3A_545 : i32
    }
    %while3A_184 = arith.constant 1 : i32
    %while3A_185 = scf.for %while3A_457 = %while3A_181 to %while3A_177 step %while3A_184 iter_args(%while3A_458 = %while3A_183) -> (i32)  : i32 {
      %mul3A_459 = arith.constant 64 : i32
      %mul3A_460 = arith.muli %mul3A_459, %while3A_457 : i32
      %add3A_461 = arith.constant 0 : i32
      %add3A_462 = arith.addi %mul3A_460, %add3A_461 : i32
      %get3A_463 = arith.index_cast %add3A_462 : i32 to index
      %get3A_464 = tpu.vector_load %arg7[%get3A_463] {strides = array<i32>} : memref<2128xi32, #tpu.memory_space<vmem>>, vector<16xi32>,
      %shift_right_logical3A = arith.constant 10 : i32
      %shift_right_logical3A_465 = vector.broadcast %shift_right_logical3A : i32 to vector<16xi32>
      %shift_right_logical3A_466 = arith.shrui %get3A_464, %shift_right_logical3A_465 : vector<16xi32>
      %and3A_467 = arith.constant 2047 : i32
      %and3A_468 = vector.broadcast %and3A_467 : i32 to vector<16xi32>
      %and3A_469 = arith.andi %shift_right_logical3A_466, %and3A_468 : vector<16xi32>
      %eq3A_470 = vector.broadcast %reduce_sum3A_162 : i32 to vector<16xi32>
      %eq3A_471 = arith.cmpi eq, %and3A_469, %eq3A_470 : vector<16xi32>
      %swap3A_472 = arith.index_cast %while3A_458 : i32 to index
      %swap3A_473 = tpu.vector_load %arg8[%swap3A_472] masked %eq3A_471 {strides = array<i32>} : memref<2128xi32, #tpu.memory_space<vmem>>, vector<16xi32>, vector<16xi1>
      tpu.vector_store %arg8[%swap3A_472], %get3A_464 masked %eq3A_471 {strides = array<i32>} : memref<2128xi32, #tpu.memory_space<vmem>>, vector<16xi32>, vector<16xi1>
      %convert_element_type3A_474 = arith.extui %eq3A_471 : vector<16xi1> to vector<16xi32>
      %reduce_sum3A_475 = arith.constant true
      %reduce_sum3A_476 = vector.broadcast %reduce_sum3A_475 : i1 to vector<16xi1>
      %reduce_sum3A_477 = tpu.scan <sum>, %convert_element_type3A_474 masked %reduce_sum3A_476 : vector<16xi32>, vector<16xi1> -> vector<16xi32>
      %reduce_sum3A_478 = vector.extract %reduce_sum3A_477[15] : i32 from vector<16xi32>
      %add3A_479 = arith.addi %while3A_458, %reduce_sum3A_478 : i32
      %mul3A_480 = arith.constant 64 : i32
      %mul3A_481 = arith.muli %mul3A_480, %while3A_457 : i32
      %add3A_482 = arith.constant 16 : i32
      %add3A_483 = arith.addi %mul3A_481, %add3A_482 : i32
      %get3A_484 = arith.index_cast %add3A_483 : i32 to index
      %get3A_485 = tpu.vector_load %arg7[%get3A_484] {strides = array<i32>} : memref<2128xi32, #tpu.memory_space<vmem>>, vector<16xi32>,
      %shift_right_logical3A_486 = arith.constant 10 : i32
      %shift_right_logical3A_487 = vector.broadcast %shift_right_logical3A_486 : i32 to vector<16xi32>
      %shift_right_logical3A_488 = arith.shrui %get3A_485, %shift_right_logical3A_487 : vector<16xi32>
      %and3A_489 = arith.constant 2047 : i32
      %and3A_490 = vector.broadcast %and3A_489 : i32 to vector<16xi32>
      %and3A_491 = arith.andi %shift_right_logical3A_488, %and3A_490 : vector<16xi32>
      %eq3A_492 = vector.broadcast %reduce_sum3A_162 : i32 to vector<16xi32>
      %eq3A_493 = arith.cmpi eq, %and3A_491, %eq3A_492 : vector<16xi32>
      %swap3A_494 = arith.index_cast %add3A_479 : i32 to index
      %swap3A_495 = tpu.vector_load %arg8[%swap3A_494] masked %eq3A_493 {strides = array<i32>} : memref<2128xi32, #tpu.memory_space<vmem>>, vector<16xi32>, vector<16xi1>
      tpu.vector_store %arg8[%swap3A_494], %get3A_485 masked %eq3A_493 {strides = array<i32>} : memref<2128xi32, #tpu.memory_space<vmem>>, vector<16xi32>, vector<16xi1>
      %convert_element_type3A_496 = arith.extui %eq3A_493 : vector<16xi1> to vector<16xi32>
      %reduce_sum3A_497 = arith.constant true
      %reduce_sum3A_498 = vector.broadcast %reduce_sum3A_497 : i1 to vector<16xi1>
      %reduce_sum3A_499 = tpu.scan <sum>, %convert_element_type3A_496 masked %reduce_sum3A_498 : vector<16xi32>, vector<16xi1> -> vector<16xi32>
      %reduce_sum3A_500 = vector.extract %reduce_sum3A_499[15] : i32 from vector<16xi32>
      %add3A_501 = arith.addi %add3A_479, %reduce_sum3A_500 : i32
      %mul3A_502 = arith.constant 64 : i32
      %mul3A_503 = arith.muli %mul3A_502, %while3A_457 : i32
      %add3A_504 = arith.constant 32 : i32
      %add3A_505 = arith.addi %mul3A_503, %add3A_504 : i32
      %get3A_506 = arith.index_cast %add3A_505 : i32 to index
      %get3A_507 = tpu.vector_load %arg7[%get3A_506] {strides = array<i32>} : memref<2128xi32, #tpu.memory_space<vmem>>, vector<16xi32>,
      %shift_right_logical3A_508 = arith.constant 10 : i32
      %shift_right_logical3A_509 = vector.broadcast %shift_right_logical3A_508 : i32 to vector<16xi32>
      %shift_right_logical3A_510 = arith.shrui %get3A_507, %shift_right_logical3A_509 : vector<16xi32>
      %and3A_511 = arith.constant 2047 : i32
      %and3A_512 = vector.broadcast %and3A_511 : i32 to vector<16xi32>
      %and3A_513 = arith.andi %shift_right_logical3A_510, %and3A_512 : vector<16xi32>
      %eq3A_514 = vector.broadcast %reduce_sum3A_162 : i32 to vector<16xi32>
      %eq3A_515 = arith.cmpi eq, %and3A_513, %eq3A_514 : vector<16xi32>
      %swap3A_516 = arith.index_cast %add3A_501 : i32 to index
      %swap3A_517 = tpu.vector_load %arg8[%swap3A_516] masked %eq3A_515 {strides = array<i32>} : memref<2128xi32, #tpu.memory_space<vmem>>, vector<16xi32>, vector<16xi1>
      tpu.vector_store %arg8[%swap3A_516], %get3A_507 masked %eq3A_515 {strides = array<i32>} : memref<2128xi32, #tpu.memory_space<vmem>>, vector<16xi32>, vector<16xi1>
      %convert_element_type3A_518 = arith.extui %eq3A_515 : vector<16xi1> to vector<16xi32>
      %reduce_sum3A_519 = arith.constant true
      %reduce_sum3A_520 = vector.broadcast %reduce_sum3A_519 : i1 to vector<16xi1>
      %reduce_sum3A_521 = tpu.scan <sum>, %convert_element_type3A_518 masked %reduce_sum3A_520 : vector<16xi32>, vector<16xi1> -> vector<16xi32>
      %reduce_sum3A_522 = vector.extract %reduce_sum3A_521[15] : i32 from vector<16xi32>
      %add3A_523 = arith.addi %add3A_501, %reduce_sum3A_522 : i32
      %mul3A_524 = arith.constant 64 : i32
      %mul3A_525 = arith.muli %mul3A_524, %while3A_457 : i32
      %add3A_526 = arith.constant 48 : i32
      %add3A_527 = arith.addi %mul3A_525, %add3A_526 : i32
      %get3A_528 = arith.index_cast %add3A_527 : i32 to index
      %get3A_529 = tpu.vector_load %arg7[%get3A_528] {strides = array<i32>} : memref<2128xi32, #tpu.memory_space<vmem>>, vector<16xi32>,
      %shift_right_logical3A_530 = arith.constant 10 : i32
      %shift_right_logical3A_531 = vector.broadcast %shift_right_logical3A_530 : i32 to vector<16xi32>
      %shift_right_logical3A_532 = arith.shrui %get3A_529, %shift_right_logical3A_531 : vector<16xi32>
      %and3A_533 = arith.constant 2047 : i32
      %and3A_534 = vector.broadcast %and3A_533 : i32 to vector<16xi32>
      %and3A_535 = arith.andi %shift_right_logical3A_532, %and3A_534 : vector<16xi32>
      %eq3A_536 = vector.broadcast %reduce_sum3A_162 : i32 to vector<16xi32>
      %eq3A_537 = arith.cmpi eq, %and3A_535, %eq3A_536 : vector<16xi32>
      %swap3A_538 = arith.index_cast %add3A_523 : i32 to index
      %swap3A_539 = tpu.vector_load %arg8[%swap3A_538] masked %eq3A_537 {strides = array<i32>} : memref<2128xi32, #tpu.memory_space<vmem>>, vector<16xi32>, vector<16xi1>
      tpu.vector_store %arg8[%swap3A_538], %get3A_529 masked %eq3A_537 {strides = array<i32>} : memref<2128xi32, #tpu.memory_space<vmem>>, vector<16xi32>, vector<16xi1>
      %convert_element_type3A_540 = arith.extui %eq3A_537 : vector<16xi1> to vector<16xi32>
      %reduce_sum3A_541 = arith.constant true
      %reduce_sum3A_542 = vector.broadcast %reduce_sum3A_541 : i1 to vector<16xi1>
      %reduce_sum3A_543 = tpu.scan <sum>, %convert_element_type3A_540 masked %reduce_sum3A_542 : vector<16xi32>, vector<16xi1> -> vector<16xi32>
      %reduce_sum3A_544 = vector.extract %reduce_sum3A_543[15] : i32 from vector<16xi32>
      %add3A_545 = arith.addi %add3A_523, %reduce_sum3A_544 : i32
      scf.yield %add3A_545 : i32
    }
    %broadcast_in_dim3A_186 = arith.constant -1 : i32
    %broadcast_in_dim3A_187 = vector.broadcast %broadcast_in_dim3A_186 : i32 to vector<16xi32>
    %add3A_188 = arith.constant 0 : i32
    %add3A_189 = arith.addi %while3A_185, %add3A_188 : i32
    %swap3A_190 = arith.index_cast %add3A_189 : i32 to index
    %swap3A_191 = tpu.vector_load %arg8[%swap3A_190] {strides = array<i32>} : memref<2128xi32, #tpu.memory_space<vmem>>, vector<16xi32>,
    tpu.vector_store %arg8[%swap3A_190], %broadcast_in_dim3A_187 {strides = array<i32>} : memref<2128xi32, #tpu.memory_space<vmem>>, vector<16xi32>,
    %add3A_192 = arith.constant 16 : i32
    %add3A_193 = arith.addi %while3A_185, %add3A_192 : i32
    %swap3A_194 = arith.index_cast %add3A_193 : i32 to index
    %swap3A_195 = tpu.vector_load %arg8[%swap3A_194] {strides = array<i32>} : memref<2128xi32, #tpu.memory_space<vmem>>, vector<16xi32>,
    tpu.vector_store %arg8[%swap3A_194], %broadcast_in_dim3A_187 {strides = array<i32>} : memref<2128xi32, #tpu.memory_space<vmem>>, vector<16xi32>,
    %add3A_196 = arith.constant 32 : i32
    %add3A_197 = arith.addi %while3A_185, %add3A_196 : i32
    %swap3A_198 = arith.index_cast %add3A_197 : i32 to index
    %swap3A_199 = tpu.vector_load %arg8[%swap3A_198] {strides = array<i32>} : memref<2128xi32, #tpu.memory_space<vmem>>, vector<16xi32>,
    tpu.vector_store %arg8[%swap3A_198], %broadcast_in_dim3A_187 {strides = array<i32>} : memref<2128xi32, #tpu.memory_space<vmem>>, vector<16xi32>,
    %add3A_200 = arith.constant 48 : i32
    %add3A_201 = arith.addi %while3A_185, %add3A_200 : i32
    %swap3A_202 = arith.index_cast %add3A_201 : i32 to index
    %swap3A_203 = tpu.vector_load %arg8[%swap3A_202] {strides = array<i32>} : memref<2128xi32, #tpu.memory_space<vmem>>, vector<16xi32>,
    tpu.vector_store %arg8[%swap3A_202], %broadcast_in_dim3A_187 {strides = array<i32>} : memref<2128xi32, #tpu.memory_space<vmem>>, vector<16xi32>,
    %add3A_204 = arith.constant 63 : i32
    %add3A_205 = arith.addi %while3A_185, %add3A_204 : i32
    %jit3A_206 = arith.constant 64 : i32
    %div3A_207 = arith.divsi %add3A_205, %jit3A_206 : i32
    %sign3A_208 = arith.constant 0 : i32
    %sign3A_209 = arith.cmpi sgt, %add3A_205, %sign3A_208 : i32
    %sign3A_210 = arith.extui %sign3A_209 : i1 to i32
    %sign3A_211 = arith.constant 0 : i32
    %sign3A_212 = arith.cmpi slt, %add3A_205, %sign3A_211 : i32
    %sign3A_213 = arith.extui %sign3A_212 : i1 to i32
    %sign3A_214 = arith.subi %sign3A_210, %sign3A_213 : i32
    %sign3A_215 = arith.constant 0 : i32
    %sign3A_216 = arith.cmpi sgt, %jit3A_206, %sign3A_215 : i32
    %sign3A_217 = arith.extui %sign3A_216 : i1 to i32
    %sign3A_218 = arith.constant 0 : i32
    %sign3A_219 = arith.cmpi slt, %jit3A_206, %sign3A_218 : i32
    %sign3A_220 = arith.extui %sign3A_219 : i1 to i32
    %sign3A_221 = arith.subi %sign3A_217, %sign3A_220 : i32
    %ne3A_222 = arith.cmpi ne, %sign3A_214, %sign3A_221 : i32
    %rem3A_223 = arith.remsi %add3A_205, %jit3A_206 : i32
    %ne3A_224 = arith.constant 0 : i32
    %ne3A_225 = arith.cmpi ne, %rem3A_223, %ne3A_224 : i32
    %and3A_226 = arith.andi %ne3A_222, %ne3A_225 : i1
    %sub3A_227 = arith.constant 1 : i32
    %sub3A_228 = arith.subi %div3A_207, %sub3A_227 : i32
    %select_n3A_229 = arith.select %and3A_226, %sub3A_228, %div3A_207 : i32
    %scan3A_230 = arith.constant 0 : i32
    %scan3A_231 = arith.constant 0 : i32
    %scan3A_232 = arith.constant 8 : i32
    %scan3A_233 = arith.addi %scan3A_231, %scan3A_232 : i32
    %scan3A_234 = arith.constant 1 : i32
    %scan3A_235 = scf.for %scan3A_457 = %scan3A_231 to %scan3A_233 step %scan3A_234 iter_args(%scan3A_458 = %scan3A_230) -> (i32)  : i32 {
      %mul3A_459 = arith.constant 128 : i32
      %mul3A_460 = arith.muli %mul3A_459, %scan3A_457 : i32
      %add3A_461 = arith.constant 0 : i32
      %add3A_462 = arith.addi %mul3A_460, %add3A_461 : i32
      %swap3A_463 = arith.index_cast %add3A_462 : i32 to index
      %swap3A_464 = tpu.vector_load %arg9[%swap3A_463] {strides = array<i32>} : memref<2048xi32, #tpu.memory_space<vmem>>, vector<16xi32>,
      tpu.vector_store %arg9[%swap3A_463], %broadcast_in_dim3A_0 {strides = array<i32>} : memref<2048xi32, #tpu.memory_space<vmem>>, vector<16xi32>,
      %mul3A_465 = arith.constant 128 : i32
      %mul3A_466 = arith.muli %mul3A_465, %scan3A_457 : i32
      %add3A_467 = arith.constant 16 : i32
      %add3A_468 = arith.addi %mul3A_466, %add3A_467 : i32
      %swap3A_469 = arith.index_cast %add3A_468 : i32 to index
      %swap3A_470 = tpu.vector_load %arg9[%swap3A_469] {strides = array<i32>} : memref<2048xi32, #tpu.memory_space<vmem>>, vector<16xi32>,
      tpu.vector_store %arg9[%swap3A_469], %broadcast_in_dim3A_0 {strides = array<i32>} : memref<2048xi32, #tpu.memory_space<vmem>>, vector<16xi32>,
      %mul3A_471 = arith.constant 128 : i32
      %mul3A_472 = arith.muli %mul3A_471, %scan3A_457 : i32
      %add3A_473 = arith.constant 32 : i32
      %add3A_474 = arith.addi %mul3A_472, %add3A_473 : i32
      %swap3A_475 = arith.index_cast %add3A_474 : i32 to index
      %swap3A_476 = tpu.vector_load %arg9[%swap3A_475] {strides = array<i32>} : memref<2048xi32, #tpu.memory_space<vmem>>, vector<16xi32>,
      tpu.vector_store %arg9[%swap3A_475], %broadcast_in_dim3A_0 {strides = array<i32>} : memref<2048xi32, #tpu.memory_space<vmem>>, vector<16xi32>,
      %mul3A_477 = arith.constant 128 : i32
      %mul3A_478 = arith.muli %mul3A_477, %scan3A_457 : i32
      %add3A_479 = arith.constant 48 : i32
      %add3A_480 = arith.addi %mul3A_478, %add3A_479 : i32
      %swap3A_481 = arith.index_cast %add3A_480 : i32 to index
      %swap3A_482 = tpu.vector_load %arg9[%swap3A_481] {strides = array<i32>} : memref<2048xi32, #tpu.memory_space<vmem>>, vector<16xi32>,
      tpu.vector_store %arg9[%swap3A_481], %broadcast_in_dim3A_0 {strides = array<i32>} : memref<2048xi32, #tpu.memory_space<vmem>>, vector<16xi32>,
      %mul3A_483 = arith.constant 128 : i32
      %mul3A_484 = arith.muli %mul3A_483, %scan3A_457 : i32
      %add3A_485 = arith.constant 64 : i32
      %add3A_486 = arith.addi %mul3A_484, %add3A_485 : i32
      %swap3A_487 = arith.index_cast %add3A_486 : i32 to index
      %swap3A_488 = tpu.vector_load %arg9[%swap3A_487] {strides = array<i32>} : memref<2048xi32, #tpu.memory_space<vmem>>, vector<16xi32>,
      tpu.vector_store %arg9[%swap3A_487], %broadcast_in_dim3A_0 {strides = array<i32>} : memref<2048xi32, #tpu.memory_space<vmem>>, vector<16xi32>,
      %mul3A_489 = arith.constant 128 : i32
      %mul3A_490 = arith.muli %mul3A_489, %scan3A_457 : i32
      %add3A_491 = arith.constant 80 : i32
      %add3A_492 = arith.addi %mul3A_490, %add3A_491 : i32
      %swap3A_493 = arith.index_cast %add3A_492 : i32 to index
      %swap3A_494 = tpu.vector_load %arg9[%swap3A_493] {strides = array<i32>} : memref<2048xi32, #tpu.memory_space<vmem>>, vector<16xi32>,
      tpu.vector_store %arg9[%swap3A_493], %broadcast_in_dim3A_0 {strides = array<i32>} : memref<2048xi32, #tpu.memory_space<vmem>>, vector<16xi32>,
      %mul3A_495 = arith.constant 128 : i32
      %mul3A_496 = arith.muli %mul3A_495, %scan3A_457 : i32
      %add3A_497 = arith.constant 96 : i32
      %add3A_498 = arith.addi %mul3A_496, %add3A_497 : i32
      %swap3A_499 = arith.index_cast %add3A_498 : i32 to index
      %swap3A_500 = tpu.vector_load %arg9[%swap3A_499] {strides = array<i32>} : memref<2048xi32, #tpu.memory_space<vmem>>, vector<16xi32>,
      tpu.vector_store %arg9[%swap3A_499], %broadcast_in_dim3A_0 {strides = array<i32>} : memref<2048xi32, #tpu.memory_space<vmem>>, vector<16xi32>,
      %mul3A_501 = arith.constant 128 : i32
      %mul3A_502 = arith.muli %mul3A_501, %scan3A_457 : i32
      %add3A_503 = arith.constant 112 : i32
      %add3A_504 = arith.addi %mul3A_502, %add3A_503 : i32
      %swap3A_505 = arith.index_cast %add3A_504 : i32 to index
      %swap3A_506 = tpu.vector_load %arg9[%swap3A_505] {strides = array<i32>} : memref<2048xi32, #tpu.memory_space<vmem>>, vector<16xi32>,
      tpu.vector_store %arg9[%swap3A_505], %broadcast_in_dim3A_0 {strides = array<i32>} : memref<2048xi32, #tpu.memory_space<vmem>>, vector<16xi32>,
      %scan3A_507 = arith.constant 0 : i32
      scf.yield %scan3A_507 : i32
    }
    %scan3A_236 = arith.constant 8 : i32
    %while3A_237 = arith.constant 0 : i32
    %while3A_238 = arith.constant 0 : i32
    %while3A_239 = arith.subi %select_n3A_229, %while3A_237 : i32
    %while3A_240 = arith.addi %while3A_237, %while3A_239 : i32
    %while3A_241 = arith.constant 1 : i32
    %while3A_242 = arith.divsi %while3A_239, %while3A_241 : i32
    %while3A_243 = arith.muli %while3A_242, %while3A_241 : i32
    %while3A_244 = arith.addi %while3A_237, %while3A_243 : i32
    %while3A_245 = arith.constant 1 : i32
    %while3A_246 = scf.for %while3A_457 = %while3A_237 to %while3A_244 step %while3A_245 iter_args(%while3A_458 = %while3A_238) -> (i32)  : i32 {
      %mul3A_459 = arith.constant 64 : i32
      %mul3A_460 = arith.muli %mul3A_459, %while3A_457 : i32
      %add3A_461 = arith.constant 0 : i32
      %add3A_462 = arith.addi %mul3A_460, %add3A_461 : i32
      %get3A_463 = arith.index_cast %add3A_462 : i32 to index
      %get3A_464 = tpu.vector_load %arg8[%get3A_463] {strides = array<i32>} : memref<2128xi32, #tpu.memory_space<vmem>>, vector<16xi32>,
      %shift_right_logical3A = arith.constant 0 : i32
      %shift_right_logical3A_465 = vector.broadcast %shift_right_logical3A : i32 to vector<16xi32>
      %shift_right_logical3A_466 = arith.shrui %get3A_464, %shift_right_logical3A_465 : vector<16xi32>
      %and3A_467 = arith.constant 1023 : i32
      %and3A_468 = vector.broadcast %and3A_467 : i32 to vector<16xi32>
      %and3A_469 = arith.andi %shift_right_logical3A_466, %and3A_468 : vector<16xi32>
      %broadcast_in_dim3A_470 = arith.constant true
      %broadcast_in_dim3A_471 = vector.broadcast %broadcast_in_dim3A_470 : i1 to vector<16xi1>
      %unique3A_472, %unique3A_473 = tpu.scan_count mask(%broadcast_in_dim3A_471 : vector<16xi1>) value(%and3A_469 : vector<16xi32>) : vector<16xi1>, vector<16xi32>
      %sub3A_474 = vector.broadcast %reduce_min3A_10 : i32 to vector<16xi32>
      %sub3A_475 = arith.subi %unique3A_473, %sub3A_474 : vector<16xi32>
      %add3A_476 = arith.constant 1 : i32
      %add3A_477 = vector.broadcast %add3A_476 : i32 to vector<16xi32>
      %add3A_478 = arith.addi %sub3A_475, %add3A_477 : vector<16xi32>
      tpu.vector_store_idx %arg9[%and3A_469], %add3A_478 masked %unique3A_472 {add = true} : memref<2048xi32, #tpu.memory_space<vmem>>[vector<16xi32>], vector<16xi32>, vector<16xi1>
      %mul3A_479 = arith.constant 64 : i32
      %mul3A_480 = arith.muli %mul3A_479, %while3A_457 : i32
      %add3A_481 = arith.constant 16 : i32
      %add3A_482 = arith.addi %mul3A_480, %add3A_481 : i32
      %get3A_483 = arith.index_cast %add3A_482 : i32 to index
      %get3A_484 = tpu.vector_load %arg8[%get3A_483] {strides = array<i32>} : memref<2128xi32, #tpu.memory_space<vmem>>, vector<16xi32>,
      %shift_right_logical3A_485 = arith.constant 0 : i32
      %shift_right_logical3A_486 = vector.broadcast %shift_right_logical3A_485 : i32 to vector<16xi32>
      %shift_right_logical3A_487 = arith.shrui %get3A_484, %shift_right_logical3A_486 : vector<16xi32>
      %and3A_488 = arith.constant 1023 : i32
      %and3A_489 = vector.broadcast %and3A_488 : i32 to vector<16xi32>
      %and3A_490 = arith.andi %shift_right_logical3A_487, %and3A_489 : vector<16xi32>
      %broadcast_in_dim3A_491 = arith.constant true
      %broadcast_in_dim3A_492 = vector.broadcast %broadcast_in_dim3A_491 : i1 to vector<16xi1>
      %unique3A_493, %unique3A_494 = tpu.scan_count mask(%broadcast_in_dim3A_492 : vector<16xi1>) value(%and3A_490 : vector<16xi32>) : vector<16xi1>, vector<16xi32>
      %sub3A_495 = vector.broadcast %reduce_min3A_10 : i32 to vector<16xi32>
      %sub3A_496 = arith.subi %unique3A_494, %sub3A_495 : vector<16xi32>
      %add3A_497 = arith.constant 1 : i32
      %add3A_498 = vector.broadcast %add3A_497 : i32 to vector<16xi32>
      %add3A_499 = arith.addi %sub3A_496, %add3A_498 : vector<16xi32>
      tpu.vector_store_idx %arg9[%and3A_490], %add3A_499 masked %unique3A_493 {add = true} : memref<2048xi32, #tpu.memory_space<vmem>>[vector<16xi32>], vector<16xi32>, vector<16xi1>
      %mul3A_500 = arith.constant 64 : i32
      %mul3A_501 = arith.muli %mul3A_500, %while3A_457 : i32
      %add3A_502 = arith.constant 32 : i32
      %add3A_503 = arith.addi %mul3A_501, %add3A_502 : i32
      %get3A_504 = arith.index_cast %add3A_503 : i32 to index
      %get3A_505 = tpu.vector_load %arg8[%get3A_504] {strides = array<i32>} : memref<2128xi32, #tpu.memory_space<vmem>>, vector<16xi32>,
      %shift_right_logical3A_506 = arith.constant 0 : i32
      %shift_right_logical3A_507 = vector.broadcast %shift_right_logical3A_506 : i32 to vector<16xi32>
      %shift_right_logical3A_508 = arith.shrui %get3A_505, %shift_right_logical3A_507 : vector<16xi32>
      %and3A_509 = arith.constant 1023 : i32
      %and3A_510 = vector.broadcast %and3A_509 : i32 to vector<16xi32>
      %and3A_511 = arith.andi %shift_right_logical3A_508, %and3A_510 : vector<16xi32>
      %broadcast_in_dim3A_512 = arith.constant true
      %broadcast_in_dim3A_513 = vector.broadcast %broadcast_in_dim3A_512 : i1 to vector<16xi1>
      %unique3A_514, %unique3A_515 = tpu.scan_count mask(%broadcast_in_dim3A_513 : vector<16xi1>) value(%and3A_511 : vector<16xi32>) : vector<16xi1>, vector<16xi32>
      %sub3A_516 = vector.broadcast %reduce_min3A_10 : i32 to vector<16xi32>
      %sub3A_517 = arith.subi %unique3A_515, %sub3A_516 : vector<16xi32>
      %add3A_518 = arith.constant 1 : i32
      %add3A_519 = vector.broadcast %add3A_518 : i32 to vector<16xi32>
      %add3A_520 = arith.addi %sub3A_517, %add3A_519 : vector<16xi32>
      tpu.vector_store_idx %arg9[%and3A_511], %add3A_520 masked %unique3A_514 {add = true} : memref<2048xi32, #tpu.memory_space<vmem>>[vector<16xi32>], vector<16xi32>, vector<16xi1>
      %mul3A_521 = arith.constant 64 : i32
      %mul3A_522 = arith.muli %mul3A_521, %while3A_457 : i32
      %add3A_523 = arith.constant 48 : i32
      %add3A_524 = arith.addi %mul3A_522, %add3A_523 : i32
      %get3A_525 = arith.index_cast %add3A_524 : i32 to index
      %get3A_526 = tpu.vector_load %arg8[%get3A_525] {strides = array<i32>} : memref<2128xi32, #tpu.memory_space<vmem>>, vector<16xi32>,
      %shift_right_logical3A_527 = arith.constant 0 : i32
      %shift_right_logical3A_528 = vector.broadcast %shift_right_logical3A_527 : i32 to vector<16xi32>
      %shift_right_logical3A_529 = arith.shrui %get3A_526, %shift_right_logical3A_528 : vector<16xi32>
      %and3A_530 = arith.constant 1023 : i32
      %and3A_531 = vector.broadcast %and3A_530 : i32 to vector<16xi32>
      %and3A_532 = arith.andi %shift_right_logical3A_529, %and3A_531 : vector<16xi32>
      %broadcast_in_dim3A_533 = arith.constant true
      %broadcast_in_dim3A_534 = vector.broadcast %broadcast_in_dim3A_533 : i1 to vector<16xi1>
      %unique3A_535, %unique3A_536 = tpu.scan_count mask(%broadcast_in_dim3A_534 : vector<16xi1>) value(%and3A_532 : vector<16xi32>) : vector<16xi1>, vector<16xi32>
      %sub3A_537 = vector.broadcast %reduce_min3A_10 : i32 to vector<16xi32>
      %sub3A_538 = arith.subi %unique3A_536, %sub3A_537 : vector<16xi32>
      %add3A_539 = arith.constant 1 : i32
      %add3A_540 = vector.broadcast %add3A_539 : i32 to vector<16xi32>
      %add3A_541 = arith.addi %sub3A_538, %add3A_540 : vector<16xi32>
      tpu.vector_store_idx %arg9[%and3A_532], %add3A_541 masked %unique3A_535 {add = true} : memref<2048xi32, #tpu.memory_space<vmem>>[vector<16xi32>], vector<16xi32>, vector<16xi1>
      %while3A_542 = arith.constant 0 : i32
      scf.yield %while3A_542 : i32
    }
    %while3A_247 = arith.constant 1 : i32
    %while3A_248 = scf.for %while3A_457 = %while3A_244 to %while3A_240 step %while3A_247 iter_args(%while3A_458 = %while3A_246) -> (i32)  : i32 {
      %mul3A_459 = arith.constant 64 : i32
      %mul3A_460 = arith.muli %mul3A_459, %while3A_457 : i32
      %add3A_461 = arith.constant 0 : i32
      %add3A_462 = arith.addi %mul3A_460, %add3A_461 : i32
      %get3A_463 = arith.index_cast %add3A_462 : i32 to index
      %get3A_464 = tpu.vector_load %arg8[%get3A_463] {strides = array<i32>} : memref<2128xi32, #tpu.memory_space<vmem>>, vector<16xi32>,
      %shift_right_logical3A = arith.constant 0 : i32
      %shift_right_logical3A_465 = vector.broadcast %shift_right_logical3A : i32 to vector<16xi32>
      %shift_right_logical3A_466 = arith.shrui %get3A_464, %shift_right_logical3A_465 : vector<16xi32>
      %and3A_467 = arith.constant 1023 : i32
      %and3A_468 = vector.broadcast %and3A_467 : i32 to vector<16xi32>
      %and3A_469 = arith.andi %shift_right_logical3A_466, %and3A_468 : vector<16xi32>
      %broadcast_in_dim3A_470 = arith.constant true
      %broadcast_in_dim3A_471 = vector.broadcast %broadcast_in_dim3A_470 : i1 to vector<16xi1>
      %unique3A_472, %unique3A_473 = tpu.scan_count mask(%broadcast_in_dim3A_471 : vector<16xi1>) value(%and3A_469 : vector<16xi32>) : vector<16xi1>, vector<16xi32>
      %sub3A_474 = vector.broadcast %reduce_min3A_10 : i32 to vector<16xi32>
      %sub3A_475 = arith.subi %unique3A_473, %sub3A_474 : vector<16xi32>
      %add3A_476 = arith.constant 1 : i32
      %add3A_477 = vector.broadcast %add3A_476 : i32 to vector<16xi32>
      %add3A_478 = arith.addi %sub3A_475, %add3A_477 : vector<16xi32>
      tpu.vector_store_idx %arg9[%and3A_469], %add3A_478 masked %unique3A_472 {add = true} : memref<2048xi32, #tpu.memory_space<vmem>>[vector<16xi32>], vector<16xi32>, vector<16xi1>
      %mul3A_479 = arith.constant 64 : i32
      %mul3A_480 = arith.muli %mul3A_479, %while3A_457 : i32
      %add3A_481 = arith.constant 16 : i32
      %add3A_482 = arith.addi %mul3A_480, %add3A_481 : i32
      %get3A_483 = arith.index_cast %add3A_482 : i32 to index
      %get3A_484 = tpu.vector_load %arg8[%get3A_483] {strides = array<i32>} : memref<2128xi32, #tpu.memory_space<vmem>>, vector<16xi32>,
      %shift_right_logical3A_485 = arith.constant 0 : i32
      %shift_right_logical3A_486 = vector.broadcast %shift_right_logical3A_485 : i32 to vector<16xi32>
      %shift_right_logical3A_487 = arith.shrui %get3A_484, %shift_right_logical3A_486 : vector<16xi32>
      %and3A_488 = arith.constant 1023 : i32
      %and3A_489 = vector.broadcast %and3A_488 : i32 to vector<16xi32>
      %and3A_490 = arith.andi %shift_right_logical3A_487, %and3A_489 : vector<16xi32>
      %broadcast_in_dim3A_491 = arith.constant true
      %broadcast_in_dim3A_492 = vector.broadcast %broadcast_in_dim3A_491 : i1 to vector<16xi1>
      %unique3A_493, %unique3A_494 = tpu.scan_count mask(%broadcast_in_dim3A_492 : vector<16xi1>) value(%and3A_490 : vector<16xi32>) : vector<16xi1>, vector<16xi32>
      %sub3A_495 = vector.broadcast %reduce_min3A_10 : i32 to vector<16xi32>
      %sub3A_496 = arith.subi %unique3A_494, %sub3A_495 : vector<16xi32>
      %add3A_497 = arith.constant 1 : i32
      %add3A_498 = vector.broadcast %add3A_497 : i32 to vector<16xi32>
      %add3A_499 = arith.addi %sub3A_496, %add3A_498 : vector<16xi32>
      tpu.vector_store_idx %arg9[%and3A_490], %add3A_499 masked %unique3A_493 {add = true} : memref<2048xi32, #tpu.memory_space<vmem>>[vector<16xi32>], vector<16xi32>, vector<16xi1>
      %mul3A_500 = arith.constant 64 : i32
      %mul3A_501 = arith.muli %mul3A_500, %while3A_457 : i32
      %add3A_502 = arith.constant 32 : i32
      %add3A_503 = arith.addi %mul3A_501, %add3A_502 : i32
      %get3A_504 = arith.index_cast %add3A_503 : i32 to index
      %get3A_505 = tpu.vector_load %arg8[%get3A_504] {strides = array<i32>} : memref<2128xi32, #tpu.memory_space<vmem>>, vector<16xi32>,
      %shift_right_logical3A_506 = arith.constant 0 : i32
      %shift_right_logical3A_507 = vector.broadcast %shift_right_logical3A_506 : i32 to vector<16xi32>
      %shift_right_logical3A_508 = arith.shrui %get3A_505, %shift_right_logical3A_507 : vector<16xi32>
      %and3A_509 = arith.constant 1023 : i32
      %and3A_510 = vector.broadcast %and3A_509 : i32 to vector<16xi32>
      %and3A_511 = arith.andi %shift_right_logical3A_508, %and3A_510 : vector<16xi32>
      %broadcast_in_dim3A_512 = arith.constant true
      %broadcast_in_dim3A_513 = vector.broadcast %broadcast_in_dim3A_512 : i1 to vector<16xi1>
      %unique3A_514, %unique3A_515 = tpu.scan_count mask(%broadcast_in_dim3A_513 : vector<16xi1>) value(%and3A_511 : vector<16xi32>) : vector<16xi1>, vector<16xi32>
      %sub3A_516 = vector.broadcast %reduce_min3A_10 : i32 to vector<16xi32>
      %sub3A_517 = arith.subi %unique3A_515, %sub3A_516 : vector<16xi32>
      %add3A_518 = arith.constant 1 : i32
      %add3A_519 = vector.broadcast %add3A_518 : i32 to vector<16xi32>
      %add3A_520 = arith.addi %sub3A_517, %add3A_519 : vector<16xi32>
      tpu.vector_store_idx %arg9[%and3A_511], %add3A_520 masked %unique3A_514 {add = true} : memref<2048xi32, #tpu.memory_space<vmem>>[vector<16xi32>], vector<16xi32>, vector<16xi1>
      %mul3A_521 = arith.constant 64 : i32
      %mul3A_522 = arith.muli %mul3A_521, %while3A_457 : i32
      %add3A_523 = arith.constant 48 : i32
      %add3A_524 = arith.addi %mul3A_522, %add3A_523 : i32
      %get3A_525 = arith.index_cast %add3A_524 : i32 to index
      %get3A_526 = tpu.vector_load %arg8[%get3A_525] {strides = array<i32>} : memref<2128xi32, #tpu.memory_space<vmem>>, vector<16xi32>,
      %shift_right_logical3A_527 = arith.constant 0 : i32
      %shift_right_logical3A_528 = vector.broadcast %shift_right_logical3A_527 : i32 to vector<16xi32>
      %shift_right_logical3A_529 = arith.shrui %get3A_526, %shift_right_logical3A_528 : vector<16xi32>
      %and3A_530 = arith.constant 1023 : i32
      %and3A_531 = vector.broadcast %and3A_530 : i32 to vector<16xi32>
      %and3A_532 = arith.andi %shift_right_logical3A_529, %and3A_531 : vector<16xi32>
      %broadcast_in_dim3A_533 = arith.constant true
      %broadcast_in_dim3A_534 = vector.broadcast %broadcast_in_dim3A_533 : i1 to vector<16xi1>
      %unique3A_535, %unique3A_536 = tpu.scan_count mask(%broadcast_in_dim3A_534 : vector<16xi1>) value(%and3A_532 : vector<16xi32>) : vector<16xi1>, vector<16xi32>
      %sub3A_537 = vector.broadcast %reduce_min3A_10 : i32 to vector<16xi32>
      %sub3A_538 = arith.subi %unique3A_536, %sub3A_537 : vector<16xi32>
      %add3A_539 = arith.constant 1 : i32
      %add3A_540 = vector.broadcast %add3A_539 : i32 to vector<16xi32>
      %add3A_541 = arith.addi %sub3A_538, %add3A_540 : vector<16xi32>
      tpu.vector_store_idx %arg9[%and3A_532], %add3A_541 masked %unique3A_535 {add = true} : memref<2048xi32, #tpu.memory_space<vmem>>[vector<16xi32>], vector<16xi32>, vector<16xi1>
      %while3A_542 = arith.constant 0 : i32
      scf.yield %while3A_542 : i32
    }
    %scan3A_249 = arith.constant 0 : i32
    %scan3A_250 = arith.constant 0 : i32
    %scan3A_251 = arith.constant 8 : i32
    %scan3A_252 = arith.addi %scan3A_250, %scan3A_251 : i32
    %scan3A_253 = arith.constant 1 : i32
    %scan3A_254 = scf.for %scan3A_457 = %scan3A_250 to %scan3A_252 step %scan3A_253 iter_args(%scan3A_458 = %scan3A_249) -> (i32)  : i32 {
      %mul3A_459 = arith.constant 128 : i32
      %mul3A_460 = arith.muli %mul3A_459, %scan3A_457 : i32
      %add3A_461 = arith.constant 0 : i32
      %add3A_462 = arith.addi %add3A_461, %mul3A_460 : i32
      %add3A_463 = vector.broadcast %add3A_462 : i32 to vector<16xi32>
      %add3A_464 = arith.addi %iota3A, %add3A_463 : vector<16xi32>
      %swap3A_465 = arith.constant 0 : i32
      %swap3A_466 = arith.index_cast %swap3A_465 : i32 to index
      %swap3A_467 = arith.constant 0 : index
      %swap3A_468 = tpu.vector_load %arg14[%swap3A_466, %swap3A_467] {strides = array<i32>} : memref<1x128xi32, #tpu.memory_space<vmem>>, vector<16xi32>,
      tpu.vector_store %arg14[%swap3A_466, %swap3A_467], %add3A_464 {strides = array<i32>} : memref<1x128xi32, #tpu.memory_space<vmem>>, vector<16xi32>,
      %mul3A_469 = arith.constant 128 : i32
      %mul3A_470 = arith.muli %mul3A_469, %scan3A_457 : i32
      %add3A_471 = arith.constant 16 : i32
      %add3A_472 = arith.addi %add3A_471, %mul3A_470 : i32
      %add3A_473 = vector.broadcast %add3A_472 : i32 to vector<16xi32>
      %add3A_474 = arith.addi %iota3A, %add3A_473 : vector<16xi32>
      %swap3A_475 = arith.constant 0 : i32
      %swap3A_476 = arith.index_cast %swap3A_475 : i32 to index
      %swap3A_477 = arith.constant 16 : index
      %swap3A_478 = tpu.vector_load %arg14[%swap3A_476, %swap3A_477] {strides = array<i32>} : memref<1x128xi32, #tpu.memory_space<vmem>>, vector<16xi32>,
      tpu.vector_store %arg14[%swap3A_476, %swap3A_477], %add3A_474 {strides = array<i32>} : memref<1x128xi32, #tpu.memory_space<vmem>>, vector<16xi32>,
      %mul3A_479 = arith.constant 128 : i32
      %mul3A_480 = arith.muli %mul3A_479, %scan3A_457 : i32
      %add3A_481 = arith.constant 32 : i32
      %add3A_482 = arith.addi %add3A_481, %mul3A_480 : i32
      %add3A_483 = vector.broadcast %add3A_482 : i32 to vector<16xi32>
      %add3A_484 = arith.addi %iota3A, %add3A_483 : vector<16xi32>
      %swap3A_485 = arith.constant 0 : i32
      %swap3A_486 = arith.index_cast %swap3A_485 : i32 to index
      %swap3A_487 = arith.constant 32 : index
      %swap3A_488 = tpu.vector_load %arg14[%swap3A_486, %swap3A_487] {strides = array<i32>} : memref<1x128xi32, #tpu.memory_space<vmem>>, vector<16xi32>,
      tpu.vector_store %arg14[%swap3A_486, %swap3A_487], %add3A_484 {strides = array<i32>} : memref<1x128xi32, #tpu.memory_space<vmem>>, vector<16xi32>,
      %mul3A_489 = arith.constant 128 : i32
      %mul3A_490 = arith.muli %mul3A_489, %scan3A_457 : i32
      %add3A_491 = arith.constant 48 : i32
      %add3A_492 = arith.addi %add3A_491, %mul3A_490 : i32
      %add3A_493 = vector.broadcast %add3A_492 : i32 to vector<16xi32>
      %add3A_494 = arith.addi %iota3A, %add3A_493 : vector<16xi32>
      %swap3A_495 = arith.constant 0 : i32
      %swap3A_496 = arith.index_cast %swap3A_495 : i32 to index
      %swap3A_497 = arith.constant 48 : index
      %swap3A_498 = tpu.vector_load %arg14[%swap3A_496, %swap3A_497] {strides = array<i32>} : memref<1x128xi32, #tpu.memory_space<vmem>>, vector<16xi32>,
      tpu.vector_store %arg14[%swap3A_496, %swap3A_497], %add3A_494 {strides = array<i32>} : memref<1x128xi32, #tpu.memory_space<vmem>>, vector<16xi32>,
      %mul3A_499 = arith.constant 128 : i32
      %mul3A_500 = arith.muli %mul3A_499, %scan3A_457 : i32
      %add3A_501 = arith.constant 64 : i32
      %add3A_502 = arith.addi %add3A_501, %mul3A_500 : i32
      %add3A_503 = vector.broadcast %add3A_502 : i32 to vector<16xi32>
      %add3A_504 = arith.addi %iota3A, %add3A_503 : vector<16xi32>
      %swap3A_505 = arith.constant 0 : i32
      %swap3A_506 = arith.index_cast %swap3A_505 : i32 to index
      %swap3A_507 = arith.constant 64 : index
      %swap3A_508 = tpu.vector_load %arg14[%swap3A_506, %swap3A_507] {strides = array<i32>} : memref<1x128xi32, #tpu.memory_space<vmem>>, vector<16xi32>,
      tpu.vector_store %arg14[%swap3A_506, %swap3A_507], %add3A_504 {strides = array<i32>} : memref<1x128xi32, #tpu.memory_space<vmem>>, vector<16xi32>,
      %mul3A_509 = arith.constant 128 : i32
      %mul3A_510 = arith.muli %mul3A_509, %scan3A_457 : i32
      %add3A_511 = arith.constant 80 : i32
      %add3A_512 = arith.addi %add3A_511, %mul3A_510 : i32
      %add3A_513 = vector.broadcast %add3A_512 : i32 to vector<16xi32>
      %add3A_514 = arith.addi %iota3A, %add3A_513 : vector<16xi32>
      %swap3A_515 = arith.constant 0 : i32
      %swap3A_516 = arith.index_cast %swap3A_515 : i32 to index
      %swap3A_517 = arith.constant 80 : index
      %swap3A_518 = tpu.vector_load %arg14[%swap3A_516, %swap3A_517] {strides = array<i32>} : memref<1x128xi32, #tpu.memory_space<vmem>>, vector<16xi32>,
      tpu.vector_store %arg14[%swap3A_516, %swap3A_517], %add3A_514 {strides = array<i32>} : memref<1x128xi32, #tpu.memory_space<vmem>>, vector<16xi32>,
      %mul3A_519 = arith.constant 128 : i32
      %mul3A_520 = arith.muli %mul3A_519, %scan3A_457 : i32
      %add3A_521 = arith.constant 96 : i32
      %add3A_522 = arith.addi %add3A_521, %mul3A_520 : i32
      %add3A_523 = vector.broadcast %add3A_522 : i32 to vector<16xi32>
      %add3A_524 = arith.addi %iota3A, %add3A_523 : vector<16xi32>
      %swap3A_525 = arith.constant 0 : i32
      %swap3A_526 = arith.index_cast %swap3A_525 : i32 to index
      %swap3A_527 = arith.constant 96 : index
      %swap3A_528 = tpu.vector_load %arg14[%swap3A_526, %swap3A_527] {strides = array<i32>} : memref<1x128xi32, #tpu.memory_space<vmem>>, vector<16xi32>,
      tpu.vector_store %arg14[%swap3A_526, %swap3A_527], %add3A_524 {strides = array<i32>} : memref<1x128xi32, #tpu.memory_space<vmem>>, vector<16xi32>,
      %mul3A_529 = arith.constant 128 : i32
      %mul3A_530 = arith.muli %mul3A_529, %scan3A_457 : i32
      %add3A_531 = arith.constant 112 : i32
      %add3A_532 = arith.addi %add3A_531, %mul3A_530 : i32
      %add3A_533 = vector.broadcast %add3A_532 : i32 to vector<16xi32>
      %add3A_534 = arith.addi %iota3A, %add3A_533 : vector<16xi32>
      %swap3A_535 = arith.constant 0 : i32
      %swap3A_536 = arith.index_cast %swap3A_535 : i32 to index
      %swap3A_537 = arith.constant 112 : index
      %swap3A_538 = tpu.vector_load %arg14[%swap3A_536, %swap3A_537] {strides = array<i32>} : memref<1x128xi32, #tpu.memory_space<vmem>>, vector<16xi32>,
      tpu.vector_store %arg14[%swap3A_536, %swap3A_537], %add3A_534 {strides = array<i32>} : memref<1x128xi32, #tpu.memory_space<vmem>>, vector<16xi32>,
      %mul3A_539 = arith.constant 128 : i32
      %mul3A_540 = arith.muli %mul3A_539, %scan3A_457 : i32
      %run_scoped3A = arith.constant 0 : i32
      "tpu.region"() ({
        %run_scoped3A_542 = tpu.sem_alloc : memref<!tpu.dma_semaphore, #tpu.memory_space<semaphore_mem>>
        %dma_start3A_543 = tpu.memref_slice %arg9[%mul3A_540] : memref<2048xi32, #tpu.memory_space<vmem>> -> memref<128xi32, #tpu.memory_space<vmem>>
        %dma_start3A_544 = arith.constant 0 : i32
        %dma_start3A_545 = tpu.memref_slice %arg14[%run_scoped3A, %dma_start3A_544] : memref<1x128xi32, #tpu.memory_space<vmem>> -> memref<1x128xi32, #tpu.memory_space<vmem>>
        %dma_start3A_546 = tpu.memref_squeeze %dma_start3A_545 : memref<1x128xi32, #tpu.memory_space<vmem>> -> memref<128xi32, #tpu.memory_space<vmem>>
        %dma_start3A_547 = arith.constant 0 : i32
        %dma_start3A_548 = tpu.memref_slice %arg25[%dma_start3A_547] : memref<1024xi32, #tpu.memory_space<vmem_shared>> -> memref<1024xi32, #tpu.memory_space<vmem_shared>>
        tpu.enqueue_indirect_dma source(%dma_start3A_543 : memref<128xi32, #tpu.memory_space<vmem>>) target(%dma_start3A_548 : memref<1024xi32, #tpu.memory_space<vmem_shared>>) offsets(%dma_start3A_546 : memref<128xi32, #tpu.memory_space<vmem>>) semaphore(%run_scoped3A_542 : memref<!tpu.dma_semaphore, #tpu.memory_space<semaphore_mem>>) {add = true}
        %dma_wait3A_549 = tpu.memref_slice %arg9[%mul3A_540] : memref<2048xi32, #tpu.memory_space<vmem>> -> memref<128xi32, #tpu.memory_space<vmem>>
        %dma_wait3A_550 = arith.constant 0 : i32
        %dma_wait3A_551 = tpu.memref_slice %arg14[%run_scoped3A, %dma_wait3A_550] : memref<1x128xi32, #tpu.memory_space<vmem>> -> memref<1x128xi32, #tpu.memory_space<vmem>>
        %dma_wait3A_552 = tpu.memref_squeeze %dma_wait3A_551 : memref<1x128xi32, #tpu.memory_space<vmem>> -> memref<128xi32, #tpu.memory_space<vmem>>
        %dma_wait3A_553 = arith.constant 0 : i32
        %dma_wait3A_554 = tpu.memref_slice %arg25[%dma_wait3A_553] : memref<1024xi32, #tpu.memory_space<vmem_shared>> -> memref<1024xi32, #tpu.memory_space<vmem_shared>>
        tpu.wait_indirect_dma semaphore(%run_scoped3A_542 : memref<!tpu.dma_semaphore, #tpu.memory_space<semaphore_mem>>) src(%dma_wait3A_549 : memref<128xi32, #tpu.memory_space<vmem>>) dst(%dma_wait3A_554 : memref<1024xi32, #tpu.memory_space<vmem_shared>>)
        tpu.yield
      }) : () -> ()
      %scan3A_541 = arith.constant 0 : i32
      scf.yield %scan3A_541 : i32
    }
    %scan3A_255 = arith.constant 8 : i32
    %barrier3A_256 = arith.constant 0 : index
    tpu.barrier barrier_id(%barrier3A_256)
    %eq3A_257 = arith.constant 0 : i32
    %eq3A_258 = arith.cmpi eq, %arg1, %eq3A_257 : i32
    %convert_element_type3A_259 = arith.extui %eq3A_258 : i1 to i32
    %cond3A_260 = arith.constant 0 : i32
    %cond3A_261 = arith.cmpi ne, %convert_element_type3A_259, %cond3A_260 : i32
    scf.if %cond3A_261 {
      %add3A_457 = arith.constant 1 : i32
      %add3A_458 = arith.addi %sub3A_173, %add3A_457 : i32
      "tpu.region"() ({
        %run_scoped3A = tpu.sem_alloc : memref<!tpu.dma_semaphore, #tpu.memory_space<semaphore_mem>>
        %dma_start3A_512 = arith.constant 0 : i32
        %dma_start3A_513 = tpu.memref_slice %arg9[%dma_start3A_512] : memref<2048xi32, #tpu.memory_space<vmem>> -> memref<1024xi32, #tpu.memory_space<vmem>>
        %dma_start3A_514 = arith.constant 0 : i32
        %dma_start3A_515 = tpu.memref_slice %arg9[%dma_start3A_514] : memref<2048xi32, #tpu.memory_space<vmem>> -> memref<1024xi32, #tpu.memory_space<vmem>>
        tpu.enqueue_dma source(%arg25 : memref<1024xi32, #tpu.memory_space<vmem_shared>>) target(%dma_start3A_515 : memref<1024xi32, #tpu.memory_space<vmem>>) target_semaphore(%run_scoped3A : memref<!tpu.dma_semaphore, #tpu.memory_space<semaphore_mem>>)
        %dma_wait3A_516 = arith.constant 0 : i32
        %dma_wait3A_517 = tpu.memref_slice %arg9[%dma_wait3A_516] : memref<2048xi32, #tpu.memory_space<vmem>> -> memref<1024xi32, #tpu.memory_space<vmem>>
        %dma_wait3A_518 = arith.constant 0 : i32
        %dma_wait3A_519 = tpu.memref_slice %arg9[%dma_wait3A_518] : memref<2048xi32, #tpu.memory_space<vmem>> -> memref<1024xi32, #tpu.memory_space<vmem>>
        tpu.wait_dma2 semaphore(%run_scoped3A : memref<!tpu.dma_semaphore, #tpu.memory_space<semaphore_mem>>) src(%arg25 : memref<1024xi32, #tpu.memory_space<vmem_shared>>) dst(%dma_wait3A_519 : memref<1024xi32, #tpu.memory_space<vmem>>)
        tpu.yield
      }) : () -> ()
      %scan3A_459 = arith.constant 0 : i32
      %scan3A_460 = arith.constant 0 : i32
      %scan3A_461 = arith.constant 0 : i32
      %scan3A_462 = arith.constant 0 : i32
      %scan3A_463 = arith.constant 16 : i32
      %scan3A_464 = arith.addi %scan3A_462, %scan3A_463 : i32
      %scan3A_465 = arith.constant 1 : i32
      %scan3A_466:3 = scf.for %scan3A_512 = %scan3A_462 to %scan3A_464 step %scan3A_465 iter_args(%scan3A_513 = %scan3A_459, %scan3A_514 = %scan3A_460, %scan3A_515 = %scan3A_461) -> (i32, i32, i32)  : i32 {
        %mul3A_516 = arith.constant 64 : i32
        %mul3A_517 = arith.muli %mul3A_516, %scan3A_512 : i32
        %add3A_518 = arith.constant 0 : i32
        %add3A_519 = arith.addi %mul3A_517, %add3A_518 : i32
        %get3A_520 = arith.index_cast %add3A_519 : i32 to index
        %get3A_521 = tpu.vector_load %arg9[%get3A_520] {strides = array<i32>} : memref<2048xi32, #tpu.memory_space<vmem>>, vector<16xi32>,
        %reduce_sum3A_522 = arith.constant true
        %reduce_sum3A_523 = vector.broadcast %reduce_sum3A_522 : i1 to vector<16xi1>
        %reduce_sum3A_524 = tpu.scan <sum>, %get3A_521 masked %reduce_sum3A_523 : vector<16xi32>, vector<16xi1> -> vector<16xi32>
        %reduce_sum3A_525 = vector.extract %reduce_sum3A_524[15] : i32 from vector<16xi32>
        %add3A_526 = arith.addi %scan3A_513, %reduce_sum3A_525 : i32
        %lt3A = arith.cmpi slt, %scan3A_513, %add3A_458 : i32
        %ge3A_527 = arith.cmpi sge, %add3A_526, %add3A_458 : i32
        %and3A_528 = arith.andi %lt3A, %ge3A_527 : i1
        %mul3A_529 = arith.constant 4 : i32
        %mul3A_530 = arith.muli %mul3A_529, %scan3A_512 : i32
        %add3A_531 = arith.constant 0 : i32
        %add3A_532 = arith.addi %mul3A_530, %add3A_531 : i32
        %select_n3A_533 = arith.select %and3A_528, %add3A_532, %scan3A_514 : i32
        %select_n3A_534 = arith.select %and3A_528, %scan3A_513, %scan3A_515 : i32
        %mul3A_535 = arith.constant 64 : i32
        %mul3A_536 = arith.muli %mul3A_535, %scan3A_512 : i32
        %add3A_537 = arith.constant 16 : i32
        %add3A_538 = arith.addi %mul3A_536, %add3A_537 : i32
        %get3A_539 = arith.index_cast %add3A_538 : i32 to index
        %get3A_540 = tpu.vector_load %arg9[%get3A_539] {strides = array<i32>} : memref<2048xi32, #tpu.memory_space<vmem>>, vector<16xi32>,
        %reduce_sum3A_541 = arith.constant true
        %reduce_sum3A_542 = vector.broadcast %reduce_sum3A_541 : i1 to vector<16xi1>
        %reduce_sum3A_543 = tpu.scan <sum>, %get3A_540 masked %reduce_sum3A_542 : vector<16xi32>, vector<16xi1> -> vector<16xi32>
        %reduce_sum3A_544 = vector.extract %reduce_sum3A_543[15] : i32 from vector<16xi32>
        %add3A_545 = arith.addi %add3A_526, %reduce_sum3A_544 : i32
        %lt3A_546 = arith.cmpi slt, %add3A_526, %add3A_458 : i32
        %ge3A_547 = arith.cmpi sge, %add3A_545, %add3A_458 : i32
        %and3A_548 = arith.andi %lt3A_546, %ge3A_547 : i1
        %mul3A_549 = arith.constant 4 : i32
        %mul3A_550 = arith.muli %mul3A_549, %scan3A_512 : i32
        %add3A_551 = arith.constant 1 : i32
        %add3A_552 = arith.addi %mul3A_550, %add3A_551 : i32
        %select_n3A_553 = arith.select %and3A_548, %add3A_552, %select_n3A_533 : i32
        %select_n3A_554 = arith.select %and3A_548, %add3A_526, %select_n3A_534 : i32
        %mul3A_555 = arith.constant 64 : i32
        %mul3A_556 = arith.muli %mul3A_555, %scan3A_512 : i32
        %add3A_557 = arith.constant 32 : i32
        %add3A_558 = arith.addi %mul3A_556, %add3A_557 : i32
        %get3A_559 = arith.index_cast %add3A_558 : i32 to index
        %get3A_560 = tpu.vector_load %arg9[%get3A_559] {strides = array<i32>} : memref<2048xi32, #tpu.memory_space<vmem>>, vector<16xi32>,
        %reduce_sum3A_561 = arith.constant true
        %reduce_sum3A_562 = vector.broadcast %reduce_sum3A_561 : i1 to vector<16xi1>
        %reduce_sum3A_563 = tpu.scan <sum>, %get3A_560 masked %reduce_sum3A_562 : vector<16xi32>, vector<16xi1> -> vector<16xi32>
        %reduce_sum3A_564 = vector.extract %reduce_sum3A_563[15] : i32 from vector<16xi32>
        %add3A_565 = arith.addi %add3A_545, %reduce_sum3A_564 : i32
        %lt3A_566 = arith.cmpi slt, %add3A_545, %add3A_458 : i32
        %ge3A_567 = arith.cmpi sge, %add3A_565, %add3A_458 : i32
        %and3A_568 = arith.andi %lt3A_566, %ge3A_567 : i1
        %mul3A_569 = arith.constant 4 : i32
        %mul3A_570 = arith.muli %mul3A_569, %scan3A_512 : i32
        %add3A_571 = arith.constant 2 : i32
        %add3A_572 = arith.addi %mul3A_570, %add3A_571 : i32
        %select_n3A_573 = arith.select %and3A_568, %add3A_572, %select_n3A_553 : i32
        %select_n3A_574 = arith.select %and3A_568, %add3A_545, %select_n3A_554 : i32
        %mul3A_575 = arith.constant 64 : i32
        %mul3A_576 = arith.muli %mul3A_575, %scan3A_512 : i32
        %add3A_577 = arith.constant 48 : i32
        %add3A_578 = arith.addi %mul3A_576, %add3A_577 : i32
        %get3A_579 = arith.index_cast %add3A_578 : i32 to index
        %get3A_580 = tpu.vector_load %arg9[%get3A_579] {strides = array<i32>} : memref<2048xi32, #tpu.memory_space<vmem>>, vector<16xi32>,
        %reduce_sum3A_581 = arith.constant true
        %reduce_sum3A_582 = vector.broadcast %reduce_sum3A_581 : i1 to vector<16xi1>
        %reduce_sum3A_583 = tpu.scan <sum>, %get3A_580 masked %reduce_sum3A_582 : vector<16xi32>, vector<16xi1> -> vector<16xi32>
        %reduce_sum3A_584 = vector.extract %reduce_sum3A_583[15] : i32 from vector<16xi32>
        %add3A_585 = arith.addi %add3A_565, %reduce_sum3A_584 : i32
        %lt3A_586 = arith.cmpi slt, %add3A_565, %add3A_458 : i32
        %ge3A_587 = arith.cmpi sge, %add3A_585, %add3A_458 : i32
        %and3A_588 = arith.andi %lt3A_586, %ge3A_587 : i1
        %mul3A_589 = arith.constant 4 : i32
        %mul3A_590 = arith.muli %mul3A_589, %scan3A_512 : i32
        %add3A_591 = arith.constant 3 : i32
        %add3A_592 = arith.addi %mul3A_590, %add3A_591 : i32
        %select_n3A_593 = arith.select %and3A_588, %add3A_592, %select_n3A_573 : i32
        %select_n3A_594 = arith.select %and3A_588, %add3A_565, %select_n3A_574 : i32
        scf.yield %add3A_585, %select_n3A_593, %select_n3A_594 : i32, i32, i32
      }
      %scan3A_467 = arith.constant 16 : i32
      %mul3A_468 = arith.constant 16 : i32
      %mul3A_469 = arith.muli %mul3A_468, %scan3A_466#1 : i32
      %get3A_470 = arith.index_cast %mul3A_469 : i32 to index
      %get3A_471 = tpu.vector_load %arg9[%get3A_470] {strides = array<i32>} : memref<2048xi32, #tpu.memory_space<vmem>>, vector<16xi32>,
      %broadcast_in_dim3A_472 = arith.constant true
      %broadcast_in_dim3A_473 = vector.broadcast %broadcast_in_dim3A_472 : i1 to vector<16xi1>
      %masked_cumsum3A_474 = tpu.scan <sum>, %get3A_471 masked %broadcast_in_dim3A_473 : vector<16xi32>, vector<16xi1> -> vector<16xi32>
      %add3A_475 = vector.broadcast %scan3A_466#2 : i32 to vector<16xi32>
      %add3A_476 = arith.addi %masked_cumsum3A_474, %add3A_475 : vector<16xi32>
      %ge3A = vector.broadcast %add3A_458 : i32 to vector<16xi32>
      %ge3A_477 = arith.cmpi sge, %add3A_476, %ge3A : vector<16xi32>
      %all_reduce_ffs3A = tpu.all_reduce %ge3A_477 {dim = 0 : i64, kind = #tpu.reduction_kind<find_first_set>} : vector<16xi1> -> vector<16xi32>
      %reduce_max3A = arith.constant true
      %reduce_max3A_478 = vector.broadcast %reduce_max3A : i1 to vector<16xi1>
      %reduce_max3A_479 = arith.constant -2147483648 : i32
      %reduce_max3A_480 = vector.broadcast %reduce_max3A_479 : i32 to vector<16xi32>
      %reduce_max3A_481 = arith.xori %all_reduce_ffs3A, %reduce_max3A_480 : vector<16xi32>
      %reduce_max3A_482 = tpu.scan <max>, %reduce_max3A_481 masked %reduce_max3A_478 : vector<16xi32>, vector<16xi1> -> vector<16xi32>
      %reduce_max3A_483 = arith.xori %reduce_max3A_482, %reduce_max3A_480 : vector<16xi32>
      %reduce_max3A_484 = vector.extract %reduce_max3A_483[15] : i32 from vector<16xi32>
      %mul3A_485 = arith.constant 16 : i32
      %mul3A_486 = arith.muli %mul3A_485, %scan3A_466#1 : i32
      %add3A_487 = arith.addi %mul3A_486, %reduce_max3A_484 : i32
      %sub3A_488 = arith.subi %add3A_476, %get3A_471 : vector<16xi32>
      %eq3A_489 = vector.broadcast %reduce_max3A_484 : i32 to vector<16xi32>
      %eq3A_490 = arith.cmpi eq, %iota3A, %eq3A_489 : vector<16xi32>
      %jit3A_491 = arith.constant 0 : i32
      %broadcast_in_dim3A_492 = vector.broadcast %jit3A_491 : i32 to vector<16xi32>
      %select_n3A_493 = arith.select %eq3A_490, %sub3A_488, %broadcast_in_dim3A_492 : vector<16xi1>, vector<16xi32>
      %reduce_sum3A_494 = arith.constant true
      %reduce_sum3A_495 = vector.broadcast %reduce_sum3A_494 : i1 to vector<16xi1>
      %reduce_sum3A_496 = tpu.scan <sum>, %select_n3A_493 masked %reduce_sum3A_495 : vector<16xi32>, vector<16xi1> -> vector<16xi32>
      %reduce_sum3A_497 = vector.extract %reduce_sum3A_496[15] : i32 from vector<16xi32>
      %eq3A_498 = arith.constant 0 : i32
      %eq3A_499 = vector.broadcast %eq3A_498 : i32 to vector<16xi32>
      %eq3A_500 = arith.cmpi eq, %iota3A, %eq3A_499 : vector<16xi32>
      %eq3A_501 = arith.constant 1 : i32
      %eq3A_502 = vector.broadcast %eq3A_501 : i32 to vector<16xi32>
      %eq3A_503 = arith.cmpi eq, %iota3A, %eq3A_502 : vector<16xi32>
      %jit3A_504 = arith.constant 0 : i32
      %broadcast_in_dim3A_505 = vector.broadcast %reduce_sum3A_497 : i32 to vector<16xi32>
      %broadcast_in_dim3A_506 = vector.broadcast %jit3A_504 : i32 to vector<16xi32>
      %select_n3A_507 = arith.select %eq3A_503, %broadcast_in_dim3A_505, %broadcast_in_dim3A_506 : vector<16xi1>, vector<16xi32>
      %broadcast_in_dim3A_508 = vector.broadcast %add3A_487 : i32 to vector<16xi32>
      %select_n3A_509 = arith.select %eq3A_500, %broadcast_in_dim3A_508, %select_n3A_507 : vector<16xi1>, vector<16xi32>
      %swap3A_510 = arith.constant 0 : index
      %swap3A_511 = tpu.vector_load %arg15[%swap3A_510] {strides = array<i32>} : memref<16xi32, #tpu.memory_space<vmem>>, vector<16xi32>,
      tpu.vector_store %arg15[%swap3A_510], %select_n3A_509 {strides = array<i32>} : memref<16xi32, #tpu.memory_space<vmem>>, vector<16xi32>,
      "tpu.region"() ({
        %run_scoped3A = tpu.sem_alloc : memref<!tpu.dma_semaphore, #tpu.memory_space<semaphore_mem>>
        tpu.enqueue_dma source(%arg15 : memref<16xi32, #tpu.memory_space<vmem>>) target(%arg27 : memref<16xi32, #tpu.memory_space<vmem_shared>>) target_semaphore(%run_scoped3A : memref<!tpu.dma_semaphore, #tpu.memory_space<semaphore_mem>>)
        tpu.wait_dma2 semaphore(%run_scoped3A : memref<!tpu.dma_semaphore, #tpu.memory_space<semaphore_mem>>) src(%arg15 : memref<16xi32, #tpu.memory_space<vmem>>) dst(%arg27 : memref<16xi32, #tpu.memory_space<vmem_shared>>)
        tpu.yield
      }) : () -> ()
    } else {
    }
    %barrier3A_262 = arith.constant 0 : index
    tpu.barrier barrier_id(%barrier3A_262)
    "tpu.region"() ({
      %run_scoped3A = tpu.sem_alloc : memref<!tpu.dma_semaphore, #tpu.memory_space<semaphore_mem>>
      tpu.enqueue_dma source(%arg27 : memref<16xi32, #tpu.memory_space<vmem_shared>>) target(%arg15 : memref<16xi32, #tpu.memory_space<vmem>>) target_semaphore(%run_scoped3A : memref<!tpu.dma_semaphore, #tpu.memory_space<semaphore_mem>>)
      tpu.wait_dma2 semaphore(%run_scoped3A : memref<!tpu.dma_semaphore, #tpu.memory_space<semaphore_mem>>) src(%arg27 : memref<16xi32, #tpu.memory_space<vmem_shared>>) dst(%arg15 : memref<16xi32, #tpu.memory_space<vmem>>)
      tpu.yield
    }) : () -> ()
    %get3A_263 = arith.constant 0 : index
    %get3A_264 = tpu.vector_load %arg15[%get3A_263] {strides = array<i32>} : memref<16xi32, #tpu.memory_space<vmem>>, vector<16xi32>,
    %eq3A_265 = arith.constant 0 : i32
    %eq3A_266 = vector.broadcast %eq3A_265 : i32 to vector<16xi32>
    %eq3A_267 = arith.cmpi eq, %iota3A, %eq3A_266 : vector<16xi32>
    %jit3A_268 = arith.constant 0 : i32
    %broadcast_in_dim3A_269 = vector.broadcast %jit3A_268 : i32 to vector<16xi32>
    %select_n3A_270 = arith.select %eq3A_267, %get3A_264, %broadcast_in_dim3A_269 : vector<16xi1>, vector<16xi32>
    %reduce_sum3A_271 = arith.constant true
    %reduce_sum3A_272 = vector.broadcast %reduce_sum3A_271 : i1 to vector<16xi1>
    %reduce_sum3A_273 = tpu.scan <sum>, %select_n3A_270 masked %reduce_sum3A_272 : vector<16xi32>, vector<16xi1> -> vector<16xi32>
    %reduce_sum3A_274 = vector.extract %reduce_sum3A_273[15] : i32 from vector<16xi32>
    %eq3A_275 = arith.constant 1 : i32
    %eq3A_276 = vector.broadcast %eq3A_275 : i32 to vector<16xi32>
    %eq3A_277 = arith.cmpi eq, %iota3A, %eq3A_276 : vector<16xi32>
    %jit3A_278 = arith.constant 0 : i32
    %broadcast_in_dim3A_279 = vector.broadcast %jit3A_278 : i32 to vector<16xi32>
    %select_n3A_280 = arith.select %eq3A_277, %get3A_264, %broadcast_in_dim3A_279 : vector<16xi1>, vector<16xi32>
    %reduce_sum3A_281 = arith.constant true
    %reduce_sum3A_282 = vector.broadcast %reduce_sum3A_281 : i1 to vector<16xi1>
    %reduce_sum3A_283 = tpu.scan <sum>, %select_n3A_280 masked %reduce_sum3A_282 : vector<16xi32>, vector<16xi1> -> vector<16xi32>
    %reduce_sum3A_284 = vector.extract %reduce_sum3A_283[15] : i32 from vector<16xi32>
    %shift_left3A = arith.constant 21 : i32
    %shift_left3A_285 = arith.shli %reduce_sum3A_63, %shift_left3A : i32
    %shift_left3A_286 = arith.constant 10 : i32
    %shift_left3A_287 = arith.shli %reduce_sum3A_162, %shift_left3A_286 : i32
    %or3A = arith.ori %shift_left3A_285, %shift_left3A_287 : i32
    %or3A_288 = arith.ori %or3A, %reduce_sum3A_274 : i32
    %add3A_289 = arith.addi %reduce_sum3A_73, %reduce_sum3A_172 : i32
    %add3A_290 = arith.addi %add3A_289, %reduce_sum3A_284 : i32
    %sub3A_291 = arith.constant 1024 : i32
    %sub3A_292 = arith.subi %sub3A_291, %add3A_290 : i32
    %scan3A_293 = arith.constant 0 : i32
    %scan3A_294 = arith.constant 0 : i32
    %scan3A_295 = arith.constant 0 : i32
    %scan3A_296 = arith.constant 32 : i32
    %scan3A_297 = arith.addi %scan3A_295, %scan3A_296 : i32
    %scan3A_298 = arith.constant 1 : i32
    %scan3A_299:2 = scf.for %scan3A_457 = %scan3A_295 to %scan3A_297 step %scan3A_298 iter_args(%scan3A_458 = %scan3A_293, %scan3A_459 = %scan3A_294) -> (i32, i32)  : i32 {
      %mul3A_460 = arith.constant 64 : i32
      %mul3A_461 = arith.muli %mul3A_460, %scan3A_457 : i32
      %add3A_462 = arith.constant 0 : i32
      %add3A_463 = arith.addi %mul3A_461, %add3A_462 : i32
      %get3A_464 = arith.index_cast %add3A_463 : i32 to index
      %get3A_465 = tpu.vector_load %arg6[%get3A_464] {strides = array<i32>} : memref<2048xi32, #tpu.memory_space<vmem>>, vector<16xi32>,
      %mul3A_466 = arith.constant 2048 : i32
      %mul3A_467 = arith.muli %mul3A_466, %arg1 : i32
      %add3A_468 = arith.addi %add3A_463, %mul3A_467 : i32
      %add3A_469 = vector.broadcast %add3A_468 : i32 to vector<16xi32>
      %add3A_470 = arith.addi %iota3A, %add3A_469 : vector<16xi32>
      %lt3A = vector.broadcast %or3A_288 : i32 to vector<16xi32>
      %lt3A_471 = arith.cmpi ult, %get3A_465, %lt3A : vector<16xi32>
      %eq3A_472 = vector.broadcast %or3A_288 : i32 to vector<16xi32>
      %eq3A_473 = arith.cmpi eq, %get3A_465, %eq3A_472 : vector<16xi32>
      %swap3A_474 = arith.index_cast %scan3A_458 : i32 to index
      %swap3A_475 = tpu.vector_load %arg11[%swap3A_474] masked %lt3A_471 {strides = array<i32>} : memref<2064xi32, #tpu.memory_space<vmem>>, vector<16xi32>, vector<16xi1>
      tpu.vector_store %arg11[%swap3A_474], %get3A_465 masked %lt3A_471 {strides = array<i32>} : memref<2064xi32, #tpu.memory_space<vmem>>, vector<16xi32>, vector<16xi1>
      %swap3A_476 = arith.index_cast %scan3A_458 : i32 to index
      %swap3A_477 = tpu.vector_load %arg12[%swap3A_476] masked %lt3A_471 {strides = array<i32>} : memref<2064xi32, #tpu.memory_space<vmem>>, vector<16xi32>, vector<16xi1>
      tpu.vector_store %arg12[%swap3A_476], %add3A_470 masked %lt3A_471 {strides = array<i32>} : memref<2064xi32, #tpu.memory_space<vmem>>, vector<16xi32>, vector<16xi1>
      %swap3A_478 = arith.index_cast %scan3A_459 : i32 to index
      %swap3A_479 = tpu.vector_load %arg13[%swap3A_478] masked %eq3A_473 {strides = array<i32>} : memref<2064xi32, #tpu.memory_space<vmem>>, vector<16xi32>, vector<16xi1>
      tpu.vector_store %arg13[%swap3A_478], %add3A_470 masked %eq3A_473 {strides = array<i32>} : memref<2064xi32, #tpu.memory_space<vmem>>, vector<16xi32>, vector<16xi1>
      %convert_element_type3A_480 = arith.extui %lt3A_471 : vector<16xi1> to vector<16xi32>
      %reduce_sum3A_481 = arith.constant true
      %reduce_sum3A_482 = vector.broadcast %reduce_sum3A_481 : i1 to vector<16xi1>
      %reduce_sum3A_483 = tpu.scan <sum>, %convert_element_type3A_480 masked %reduce_sum3A_482 : vector<16xi32>, vector<16xi1> -> vector<16xi32>
      %reduce_sum3A_484 = vector.extract %reduce_sum3A_483[15] : i32 from vector<16xi32>
      %add3A_485 = arith.addi %scan3A_458, %reduce_sum3A_484 : i32
      %convert_element_type3A_486 = arith.extui %eq3A_473 : vector<16xi1> to vector<16xi32>
      %reduce_sum3A_487 = arith.constant true
      %reduce_sum3A_488 = vector.broadcast %reduce_sum3A_487 : i1 to vector<16xi1>
      %reduce_sum3A_489 = tpu.scan <sum>, %convert_element_type3A_486 masked %reduce_sum3A_488 : vector<16xi32>, vector<16xi1> -> vector<16xi32>
      %reduce_sum3A_490 = vector.extract %reduce_sum3A_489[15] : i32 from vector<16xi32>
      %add3A_491 = arith.addi %scan3A_459, %reduce_sum3A_490 : i32
      %mul3A_492 = arith.constant 64 : i32
      %mul3A_493 = arith.muli %mul3A_492, %scan3A_457 : i32
      %add3A_494 = arith.constant 16 : i32
      %add3A_495 = arith.addi %mul3A_493, %add3A_494 : i32
      %get3A_496 = arith.index_cast %add3A_495 : i32 to index
      %get3A_497 = tpu.vector_load %arg6[%get3A_496] {strides = array<i32>} : memref<2048xi32, #tpu.memory_space<vmem>>, vector<16xi32>,
      %mul3A_498 = arith.constant 2048 : i32
      %mul3A_499 = arith.muli %mul3A_498, %arg1 : i32
      %add3A_500 = arith.addi %add3A_495, %mul3A_499 : i32
      %add3A_501 = vector.broadcast %add3A_500 : i32 to vector<16xi32>
      %add3A_502 = arith.addi %iota3A, %add3A_501 : vector<16xi32>
      %lt3A_503 = vector.broadcast %or3A_288 : i32 to vector<16xi32>
      %lt3A_504 = arith.cmpi ult, %get3A_497, %lt3A_503 : vector<16xi32>
      %eq3A_505 = vector.broadcast %or3A_288 : i32 to vector<16xi32>
      %eq3A_506 = arith.cmpi eq, %get3A_497, %eq3A_505 : vector<16xi32>
      %swap3A_507 = arith.index_cast %add3A_485 : i32 to index
      %swap3A_508 = tpu.vector_load %arg11[%swap3A_507] masked %lt3A_504 {strides = array<i32>} : memref<2064xi32, #tpu.memory_space<vmem>>, vector<16xi32>, vector<16xi1>
      tpu.vector_store %arg11[%swap3A_507], %get3A_497 masked %lt3A_504 {strides = array<i32>} : memref<2064xi32, #tpu.memory_space<vmem>>, vector<16xi32>, vector<16xi1>
      %swap3A_509 = arith.index_cast %add3A_485 : i32 to index
      %swap3A_510 = tpu.vector_load %arg12[%swap3A_509] masked %lt3A_504 {strides = array<i32>} : memref<2064xi32, #tpu.memory_space<vmem>>, vector<16xi32>, vector<16xi1>
      tpu.vector_store %arg12[%swap3A_509], %add3A_502 masked %lt3A_504 {strides = array<i32>} : memref<2064xi32, #tpu.memory_space<vmem>>, vector<16xi32>, vector<16xi1>
      %swap3A_511 = arith.index_cast %add3A_491 : i32 to index
      %swap3A_512 = tpu.vector_load %arg13[%swap3A_511] masked %eq3A_506 {strides = array<i32>} : memref<2064xi32, #tpu.memory_space<vmem>>, vector<16xi32>, vector<16xi1>
      tpu.vector_store %arg13[%swap3A_511], %add3A_502 masked %eq3A_506 {strides = array<i32>} : memref<2064xi32, #tpu.memory_space<vmem>>, vector<16xi32>, vector<16xi1>
      %convert_element_type3A_513 = arith.extui %lt3A_504 : vector<16xi1> to vector<16xi32>
      %reduce_sum3A_514 = arith.constant true
      %reduce_sum3A_515 = vector.broadcast %reduce_sum3A_514 : i1 to vector<16xi1>
      %reduce_sum3A_516 = tpu.scan <sum>, %convert_element_type3A_513 masked %reduce_sum3A_515 : vector<16xi32>, vector<16xi1> -> vector<16xi32>
      %reduce_sum3A_517 = vector.extract %reduce_sum3A_516[15] : i32 from vector<16xi32>
      %add3A_518 = arith.addi %add3A_485, %reduce_sum3A_517 : i32
      %convert_element_type3A_519 = arith.extui %eq3A_506 : vector<16xi1> to vector<16xi32>
      %reduce_sum3A_520 = arith.constant true
      %reduce_sum3A_521 = vector.broadcast %reduce_sum3A_520 : i1 to vector<16xi1>
      %reduce_sum3A_522 = tpu.scan <sum>, %convert_element_type3A_519 masked %reduce_sum3A_521 : vector<16xi32>, vector<16xi1> -> vector<16xi32>
      %reduce_sum3A_523 = vector.extract %reduce_sum3A_522[15] : i32 from vector<16xi32>
      %add3A_524 = arith.addi %add3A_491, %reduce_sum3A_523 : i32
      %mul3A_525 = arith.constant 64 : i32
      %mul3A_526 = arith.muli %mul3A_525, %scan3A_457 : i32
      %add3A_527 = arith.constant 32 : i32
      %add3A_528 = arith.addi %mul3A_526, %add3A_527 : i32
      %get3A_529 = arith.index_cast %add3A_528 : i32 to index
      %get3A_530 = tpu.vector_load %arg6[%get3A_529] {strides = array<i32>} : memref<2048xi32, #tpu.memory_space<vmem>>, vector<16xi32>,
      %mul3A_531 = arith.constant 2048 : i32
      %mul3A_532 = arith.muli %mul3A_531, %arg1 : i32
      %add3A_533 = arith.addi %add3A_528, %mul3A_532 : i32
      %add3A_534 = vector.broadcast %add3A_533 : i32 to vector<16xi32>
      %add3A_535 = arith.addi %iota3A, %add3A_534 : vector<16xi32>
      %lt3A_536 = vector.broadcast %or3A_288 : i32 to vector<16xi32>
      %lt3A_537 = arith.cmpi ult, %get3A_530, %lt3A_536 : vector<16xi32>
      %eq3A_538 = vector.broadcast %or3A_288 : i32 to vector<16xi32>
      %eq3A_539 = arith.cmpi eq, %get3A_530, %eq3A_538 : vector<16xi32>
      %swap3A_540 = arith.index_cast %add3A_518 : i32 to index
      %swap3A_541 = tpu.vector_load %arg11[%swap3A_540] masked %lt3A_537 {strides = array<i32>} : memref<2064xi32, #tpu.memory_space<vmem>>, vector<16xi32>, vector<16xi1>
      tpu.vector_store %arg11[%swap3A_540], %get3A_530 masked %lt3A_537 {strides = array<i32>} : memref<2064xi32, #tpu.memory_space<vmem>>, vector<16xi32>, vector<16xi1>
      %swap3A_542 = arith.index_cast %add3A_518 : i32 to index
      %swap3A_543 = tpu.vector_load %arg12[%swap3A_542] masked %lt3A_537 {strides = array<i32>} : memref<2064xi32, #tpu.memory_space<vmem>>, vector<16xi32>, vector<16xi1>
      tpu.vector_store %arg12[%swap3A_542], %add3A_535 masked %lt3A_537 {strides = array<i32>} : memref<2064xi32, #tpu.memory_space<vmem>>, vector<16xi32>, vector<16xi1>
      %swap3A_544 = arith.index_cast %add3A_524 : i32 to index
      %swap3A_545 = tpu.vector_load %arg13[%swap3A_544] masked %eq3A_539 {strides = array<i32>} : memref<2064xi32, #tpu.memory_space<vmem>>, vector<16xi32>, vector<16xi1>
      tpu.vector_store %arg13[%swap3A_544], %add3A_535 masked %eq3A_539 {strides = array<i32>} : memref<2064xi32, #tpu.memory_space<vmem>>, vector<16xi32>, vector<16xi1>
      %convert_element_type3A_546 = arith.extui %lt3A_537 : vector<16xi1> to vector<16xi32>
      %reduce_sum3A_547 = arith.constant true
      %reduce_sum3A_548 = vector.broadcast %reduce_sum3A_547 : i1 to vector<16xi1>
      %reduce_sum3A_549 = tpu.scan <sum>, %convert_element_type3A_546 masked %reduce_sum3A_548 : vector<16xi32>, vector<16xi1> -> vector<16xi32>
      %reduce_sum3A_550 = vector.extract %reduce_sum3A_549[15] : i32 from vector<16xi32>
      %add3A_551 = arith.addi %add3A_518, %reduce_sum3A_550 : i32
      %convert_element_type3A_552 = arith.extui %eq3A_539 : vector<16xi1> to vector<16xi32>
      %reduce_sum3A_553 = arith.constant true
      %reduce_sum3A_554 = vector.broadcast %reduce_sum3A_553 : i1 to vector<16xi1>
      %reduce_sum3A_555 = tpu.scan <sum>, %convert_element_type3A_552 masked %reduce_sum3A_554 : vector<16xi32>, vector<16xi1> -> vector<16xi32>
      %reduce_sum3A_556 = vector.extract %reduce_sum3A_555[15] : i32 from vector<16xi32>
      %add3A_557 = arith.addi %add3A_524, %reduce_sum3A_556 : i32
      %mul3A_558 = arith.constant 64 : i32
      %mul3A_559 = arith.muli %mul3A_558, %scan3A_457 : i32
      %add3A_560 = arith.constant 48 : i32
      %add3A_561 = arith.addi %mul3A_559, %add3A_560 : i32
      %get3A_562 = arith.index_cast %add3A_561 : i32 to index
      %get3A_563 = tpu.vector_load %arg6[%get3A_562] {strides = array<i32>} : memref<2048xi32, #tpu.memory_space<vmem>>, vector<16xi32>,
      %mul3A_564 = arith.constant 2048 : i32
      %mul3A_565 = arith.muli %mul3A_564, %arg1 : i32
      %add3A_566 = arith.addi %add3A_561, %mul3A_565 : i32
      %add3A_567 = vector.broadcast %add3A_566 : i32 to vector<16xi32>
      %add3A_568 = arith.addi %iota3A, %add3A_567 : vector<16xi32>
      %lt3A_569 = vector.broadcast %or3A_288 : i32 to vector<16xi32>
      %lt3A_570 = arith.cmpi ult, %get3A_563, %lt3A_569 : vector<16xi32>
      %eq3A_571 = vector.broadcast %or3A_288 : i32 to vector<16xi32>
      %eq3A_572 = arith.cmpi eq, %get3A_563, %eq3A_571 : vector<16xi32>
      %swap3A_573 = arith.index_cast %add3A_551 : i32 to index
      %swap3A_574 = tpu.vector_load %arg11[%swap3A_573] masked %lt3A_570 {strides = array<i32>} : memref<2064xi32, #tpu.memory_space<vmem>>, vector<16xi32>, vector<16xi1>
      tpu.vector_store %arg11[%swap3A_573], %get3A_563 masked %lt3A_570 {strides = array<i32>} : memref<2064xi32, #tpu.memory_space<vmem>>, vector<16xi32>, vector<16xi1>
      %swap3A_575 = arith.index_cast %add3A_551 : i32 to index
      %swap3A_576 = tpu.vector_load %arg12[%swap3A_575] masked %lt3A_570 {strides = array<i32>} : memref<2064xi32, #tpu.memory_space<vmem>>, vector<16xi32>, vector<16xi1>
      tpu.vector_store %arg12[%swap3A_575], %add3A_568 masked %lt3A_570 {strides = array<i32>} : memref<2064xi32, #tpu.memory_space<vmem>>, vector<16xi32>, vector<16xi1>
      %swap3A_577 = arith.index_cast %add3A_557 : i32 to index
      %swap3A_578 = tpu.vector_load %arg13[%swap3A_577] masked %eq3A_572 {strides = array<i32>} : memref<2064xi32, #tpu.memory_space<vmem>>, vector<16xi32>, vector<16xi1>
      tpu.vector_store %arg13[%swap3A_577], %add3A_568 masked %eq3A_572 {strides = array<i32>} : memref<2064xi32, #tpu.memory_space<vmem>>, vector<16xi32>, vector<16xi1>
      %convert_element_type3A_579 = arith.extui %lt3A_570 : vector<16xi1> to vector<16xi32>
      %reduce_sum3A_580 = arith.constant true
      %reduce_sum3A_581 = vector.broadcast %reduce_sum3A_580 : i1 to vector<16xi1>
      %reduce_sum3A_582 = tpu.scan <sum>, %convert_element_type3A_579 masked %reduce_sum3A_581 : vector<16xi32>, vector<16xi1> -> vector<16xi32>
      %reduce_sum3A_583 = vector.extract %reduce_sum3A_582[15] : i32 from vector<16xi32>
      %add3A_584 = arith.addi %add3A_551, %reduce_sum3A_583 : i32
      %convert_element_type3A_585 = arith.extui %eq3A_572 : vector<16xi1> to vector<16xi32>
      %reduce_sum3A_586 = arith.constant true
      %reduce_sum3A_587 = vector.broadcast %reduce_sum3A_586 : i1 to vector<16xi1>
      %reduce_sum3A_588 = tpu.scan <sum>, %convert_element_type3A_585 masked %reduce_sum3A_587 : vector<16xi32>, vector<16xi1> -> vector<16xi32>
      %reduce_sum3A_589 = vector.extract %reduce_sum3A_588[15] : i32 from vector<16xi32>
      %add3A_590 = arith.addi %add3A_557, %reduce_sum3A_589 : i32
      scf.yield %add3A_584, %add3A_590 : i32, i32
    }
    %scan3A_300 = arith.constant 32 : i32
    %eq3A_301 = arith.constant 0 : i32
    %eq3A_302 = vector.broadcast %eq3A_301 : i32 to vector<16xi32>
    %eq3A_303 = arith.cmpi eq, %iota3A, %eq3A_302 : vector<16xi32>
    %eq3A_304 = arith.constant 1 : i32
    %eq3A_305 = vector.broadcast %eq3A_304 : i32 to vector<16xi32>
    %eq3A_306 = arith.cmpi eq, %iota3A, %eq3A_305 : vector<16xi32>
    %jit3A_307 = arith.constant 0 : i32
    %broadcast_in_dim3A_308 = vector.broadcast %scan3A_299#1 : i32 to vector<16xi32>
    %broadcast_in_dim3A_309 = vector.broadcast %jit3A_307 : i32 to vector<16xi32>
    %select_n3A_310 = arith.select %eq3A_306, %broadcast_in_dim3A_308, %broadcast_in_dim3A_309 : vector<16xi1>, vector<16xi32>
    %broadcast_in_dim3A_311 = vector.broadcast %scan3A_299#0 : i32 to vector<16xi32>
    %select_n3A_312 = arith.select %eq3A_303, %broadcast_in_dim3A_311, %select_n3A_310 : vector<16xi1>, vector<16xi32>
    %swap3A_313 = arith.constant 0 : index
    %swap3A_314 = tpu.vector_load %arg15[%swap3A_313] {strides = array<i32>} : memref<16xi32, #tpu.memory_space<vmem>>, vector<16xi32>,
    tpu.vector_store %arg15[%swap3A_313], %select_n3A_312 {strides = array<i32>} : memref<16xi32, #tpu.memory_space<vmem>>, vector<16xi32>,
    "tpu.region"() ({
      %run_scoped3A = tpu.sem_alloc : memref<!tpu.dma_semaphore, #tpu.memory_space<semaphore_mem>>
      %dma_start3A_457 = arith.constant 0 : i32
      %dma_start3A_458 = tpu.memref_slice %arg26[%arg1, %dma_start3A_457] : memref<16x16xi32, #tpu.memory_space<vmem_shared>> -> memref<1x16xi32, #tpu.memory_space<vmem_shared>>
      %dma_start3A_459 = tpu.memref_squeeze %dma_start3A_458 : memref<1x16xi32, #tpu.memory_space<vmem_shared>> -> memref<16xi32, #tpu.memory_space<vmem_shared>>
      %dma_start3A_460 = arith.constant 0 : i32
      %dma_start3A_461 = tpu.memref_slice %arg26[%arg1, %dma_start3A_460] : memref<16x16xi32, #tpu.memory_space<vmem_shared>> -> memref<1x16xi32, #tpu.memory_space<vmem_shared>>
      %dma_start3A_462 = tpu.memref_squeeze %dma_start3A_461 : memref<1x16xi32, #tpu.memory_space<vmem_shared>> -> memref<16xi32, #tpu.memory_space<vmem_shared>>
      tpu.enqueue_dma source(%arg15 : memref<16xi32, #tpu.memory_space<vmem>>) target(%dma_start3A_462 : memref<16xi32, #tpu.memory_space<vmem_shared>>) target_semaphore(%run_scoped3A : memref<!tpu.dma_semaphore, #tpu.memory_space<semaphore_mem>>)
      %dma_wait3A_463 = arith.constant 0 : i32
      %dma_wait3A_464 = tpu.memref_slice %arg26[%arg1, %dma_wait3A_463] : memref<16x16xi32, #tpu.memory_space<vmem_shared>> -> memref<1x16xi32, #tpu.memory_space<vmem_shared>>
      %dma_wait3A_465 = tpu.memref_squeeze %dma_wait3A_464 : memref<1x16xi32, #tpu.memory_space<vmem_shared>> -> memref<16xi32, #tpu.memory_space<vmem_shared>>
      %dma_wait3A_466 = arith.constant 0 : i32
      %dma_wait3A_467 = tpu.memref_slice %arg26[%arg1, %dma_wait3A_466] : memref<16x16xi32, #tpu.memory_space<vmem_shared>> -> memref<1x16xi32, #tpu.memory_space<vmem_shared>>
      %dma_wait3A_468 = tpu.memref_squeeze %dma_wait3A_467 : memref<1x16xi32, #tpu.memory_space<vmem_shared>> -> memref<16xi32, #tpu.memory_space<vmem_shared>>
      tpu.wait_dma2 semaphore(%run_scoped3A : memref<!tpu.dma_semaphore, #tpu.memory_space<semaphore_mem>>) src(%arg15 : memref<16xi32, #tpu.memory_space<vmem>>) dst(%dma_wait3A_468 : memref<16xi32, #tpu.memory_space<vmem_shared>>)
      tpu.yield
    }) : () -> ()
    %barrier3A_315 = arith.constant 0 : index
    tpu.barrier barrier_id(%barrier3A_315)
    "tpu.region"() ({
      %run_scoped3A = tpu.sem_alloc : memref<!tpu.dma_semaphore, #tpu.memory_space<semaphore_mem>>
      tpu.enqueue_dma source(%arg26 : memref<16x16xi32, #tpu.memory_space<vmem_shared>>) target(%arg16 : memref<16x16xi32, #tpu.memory_space<vmem>>) target_semaphore(%run_scoped3A : memref<!tpu.dma_semaphore, #tpu.memory_space<semaphore_mem>>)
      tpu.wait_dma2 semaphore(%run_scoped3A : memref<!tpu.dma_semaphore, #tpu.memory_space<semaphore_mem>>) src(%arg26 : memref<16x16xi32, #tpu.memory_space<vmem_shared>>) dst(%arg16 : memref<16x16xi32, #tpu.memory_space<vmem>>)
      tpu.yield
    }) : () -> ()
    %gather3A = tpu.vector_load_idx %arg16[%iota3A, %broadcast_in_dim3A_0] : memref<16x16xi32, #tpu.memory_space<vmem>>[vector<16xi32>, vector<16xi32>], vector<16xi32>,
    %add3A_316 = arith.constant 1 : i32
    %add3A_317 = vector.broadcast %add3A_316 : i32 to vector<16xi32>
    %add3A_318 = arith.addi %broadcast_in_dim3A_0, %add3A_317 : vector<16xi32>
    %gather3A_319 = tpu.vector_load_idx %arg16[%iota3A, %add3A_318] : memref<16x16xi32, #tpu.memory_space<vmem>>[vector<16xi32>, vector<16xi32>], vector<16xi32>,
    %broadcast_in_dim3A_320 = arith.constant true
    %broadcast_in_dim3A_321 = vector.broadcast %broadcast_in_dim3A_320 : i1 to vector<16xi1>
    %masked_cumsum3A = tpu.scan <sum>, %gather3A masked %broadcast_in_dim3A_321 : vector<16xi32>, vector<16xi1> -> vector<16xi32>
    %broadcast_in_dim3A_322 = arith.constant true
    %broadcast_in_dim3A_323 = vector.broadcast %broadcast_in_dim3A_322 : i1 to vector<16xi1>
    %masked_cumsum3A_324 = tpu.scan <sum>, %gather3A_319 masked %broadcast_in_dim3A_323 : vector<16xi32>, vector<16xi1> -> vector<16xi32>
    %sub3A_325 = arith.subi %masked_cumsum3A, %gather3A : vector<16xi32>
    %eq3A_326 = vector.broadcast %arg1 : i32 to vector<16xi32>
    %eq3A_327 = arith.cmpi eq, %iota3A, %eq3A_326 : vector<16xi32>
    %jit3A_328 = arith.constant 0 : i32
    %broadcast_in_dim3A_329 = vector.broadcast %jit3A_328 : i32 to vector<16xi32>
    %select_n3A_330 = arith.select %eq3A_327, %sub3A_325, %broadcast_in_dim3A_329 : vector<16xi1>, vector<16xi32>
    %reduce_sum3A_331 = arith.constant true
    %reduce_sum3A_332 = vector.broadcast %reduce_sum3A_331 : i1 to vector<16xi1>
    %reduce_sum3A_333 = tpu.scan <sum>, %select_n3A_330 masked %reduce_sum3A_332 : vector<16xi32>, vector<16xi1> -> vector<16xi32>
    %reduce_sum3A_334 = vector.extract %reduce_sum3A_333[15] : i32 from vector<16xi32>
    %sub3A_335 = arith.subi %masked_cumsum3A_324, %gather3A_319 : vector<16xi32>
    %eq3A_336 = vector.broadcast %arg1 : i32 to vector<16xi32>
    %eq3A_337 = arith.cmpi eq, %iota3A, %eq3A_336 : vector<16xi32>
    %jit3A_338 = arith.constant 0 : i32
    %broadcast_in_dim3A_339 = vector.broadcast %jit3A_338 : i32 to vector<16xi32>
    %select_n3A_340 = arith.select %eq3A_337, %sub3A_335, %broadcast_in_dim3A_339 : vector<16xi1>, vector<16xi32>
    %reduce_sum3A_341 = arith.constant true
    %reduce_sum3A_342 = vector.broadcast %reduce_sum3A_341 : i1 to vector<16xi1>
    %reduce_sum3A_343 = tpu.scan <sum>, %select_n3A_340 masked %reduce_sum3A_342 : vector<16xi32>, vector<16xi1> -> vector<16xi32>
    %reduce_sum3A_344 = vector.extract %reduce_sum3A_343[15] : i32 from vector<16xi32>
    %broadcast_in_dim3A_345 = arith.constant 0 : i32
    %broadcast_in_dim3A_346 = vector.broadcast %broadcast_in_dim3A_345 : i32 to vector<16xi32>
    %add3A_347 = vector.broadcast %or3A_288 : i32 to vector<16xi32>
    %add3A_348 = arith.addi %broadcast_in_dim3A_346, %add3A_347 : vector<16xi32>
    %bitcast3A = vector.bitcast %add3A_348 : vector<16xi32> to vector<16xi32>
    %swap3A_349 = arith.constant 0 : index
    %swap3A_350 = tpu.vector_load %arg17[%swap3A_349] {strides = array<i32>} : memref<1024xi32, #tpu.memory_space<vmem>>, vector<16xi32>,
    tpu.vector_store %arg17[%swap3A_349], %bitcast3A {strides = array<i32>} : memref<1024xi32, #tpu.memory_space<vmem>>, vector<16xi32>,
    %swap3A_351 = arith.constant 16 : index
    %swap3A_352 = tpu.vector_load %arg17[%swap3A_351] {strides = array<i32>} : memref<1024xi32, #tpu.memory_space<vmem>>, vector<16xi32>,
    tpu.vector_store %arg17[%swap3A_351], %bitcast3A {strides = array<i32>} : memref<1024xi32, #tpu.memory_space<vmem>>, vector<16xi32>,
    %swap3A_353 = arith.constant 32 : index
    %swap3A_354 = tpu.vector_load %arg17[%swap3A_353] {strides = array<i32>} : memref<1024xi32, #tpu.memory_space<vmem>>, vector<16xi32>,
    tpu.vector_store %arg17[%swap3A_353], %bitcast3A {strides = array<i32>} : memref<1024xi32, #tpu.memory_space<vmem>>, vector<16xi32>,
    %swap3A_355 = arith.constant 48 : index
    %swap3A_356 = tpu.vector_load %arg17[%swap3A_355] {strides = array<i32>} : memref<1024xi32, #tpu.memory_space<vmem>>, vector<16xi32>,
    tpu.vector_store %arg17[%swap3A_355], %bitcast3A {strides = array<i32>} : memref<1024xi32, #tpu.memory_space<vmem>>, vector<16xi32>,
    %swap3A_357 = arith.constant 64 : index
    %swap3A_358 = tpu.vector_load %arg17[%swap3A_357] {strides = array<i32>} : memref<1024xi32, #tpu.memory_space<vmem>>, vector<16xi32>,
    tpu.vector_store %arg17[%swap3A_357], %bitcast3A {strides = array<i32>} : memref<1024xi32, #tpu.memory_space<vmem>>, vector<16xi32>,
    %swap3A_359 = arith.constant 80 : index
    %swap3A_360 = tpu.vector_load %arg17[%swap3A_359] {strides = array<i32>} : memref<1024xi32, #tpu.memory_space<vmem>>, vector<16xi32>,
    tpu.vector_store %arg17[%swap3A_359], %bitcast3A {strides = array<i32>} : memref<1024xi32, #tpu.memory_space<vmem>>, vector<16xi32>,
    %swap3A_361 = arith.constant 96 : index
    %swap3A_362 = tpu.vector_load %arg17[%swap3A_361] {strides = array<i32>} : memref<1024xi32, #tpu.memory_space<vmem>>, vector<16xi32>,
    tpu.vector_store %arg17[%swap3A_361], %bitcast3A {strides = array<i32>} : memref<1024xi32, #tpu.memory_space<vmem>>, vector<16xi32>,
    %swap3A_363 = arith.constant 112 : index
    %swap3A_364 = tpu.vector_load %arg17[%swap3A_363] {strides = array<i32>} : memref<1024xi32, #tpu.memory_space<vmem>>, vector<16xi32>,
    tpu.vector_store %arg17[%swap3A_363], %bitcast3A {strides = array<i32>} : memref<1024xi32, #tpu.memory_space<vmem>>, vector<16xi32>,
    %add3A_365 = arith.constant 127 : i32
    %add3A_366 = arith.addi %scan3A_299#0, %add3A_365 : i32
    %jit3A_367 = arith.constant 128 : i32
    %div3A_368 = arith.divsi %add3A_366, %jit3A_367 : i32
    %sign3A_369 = arith.constant 0 : i32
    %sign3A_370 = arith.cmpi sgt, %add3A_366, %sign3A_369 : i32
    %sign3A_371 = arith.extui %sign3A_370 : i1 to i32
    %sign3A_372 = arith.constant 0 : i32
    %sign3A_373 = arith.cmpi slt, %add3A_366, %sign3A_372 : i32
    %sign3A_374 = arith.extui %sign3A_373 : i1 to i32
    %sign3A_375 = arith.subi %sign3A_371, %sign3A_374 : i32
    %sign3A_376 = arith.constant 0 : i32
    %sign3A_377 = arith.cmpi sgt, %jit3A_367, %sign3A_376 : i32
    %sign3A_378 = arith.extui %sign3A_377 : i1 to i32
    %sign3A_379 = arith.constant 0 : i32
    %sign3A_380 = arith.cmpi slt, %jit3A_367, %sign3A_379 : i32
    %sign3A_381 = arith.extui %sign3A_380 : i1 to i32
    %sign3A_382 = arith.subi %sign3A_378, %sign3A_381 : i32
    %ne3A_383 = arith.cmpi ne, %sign3A_375, %sign3A_382 : i32
    %rem3A_384 = arith.remsi %add3A_366, %jit3A_367 : i32
    %ne3A_385 = arith.constant 0 : i32
    %ne3A_386 = arith.cmpi ne, %rem3A_384, %ne3A_385 : i32
    %and3A_387 = arith.andi %ne3A_383, %ne3A_386 : i1
    %sub3A_388 = arith.constant 1 : i32
    %sub3A_389 = arith.subi %div3A_368, %sub3A_388 : i32
    %select_n3A_390 = arith.select %and3A_387, %sub3A_389, %div3A_368 : i32
    %while3A_391 = arith.constant 0 : i32
    %while3A_392 = arith.constant 0 : i32
    %while3A_393 = arith.subi %select_n3A_390, %while3A_391 : i32
    %while3A_394 = arith.addi %while3A_391, %while3A_393 : i32
    %while3A_395 = arith.constant 1 : i32
    %while3A_396 = arith.divsi %while3A_393, %while3A_395 : i32
    %while3A_397 = arith.muli %while3A_396, %while3A_395 : i32
    %while3A_398 = arith.addi %while3A_391, %while3A_397 : i32
    %while3A_399 = arith.constant 1 : i32
    %while3A_400 = scf.for %while3A_457 = %while3A_391 to %while3A_398 step %while3A_399 iter_args(%while3A_458 = %while3A_392) -> (i32)  : i32 {
      %mul3A_459 = arith.constant 128 : i32
      %mul3A_460 = arith.muli %mul3A_459, %while3A_457 : i32
      %add3A_461 = arith.constant 0 : i32
      %add3A_462 = arith.addi %add3A_461, %mul3A_460 : i32
      %add3A_463 = vector.broadcast %add3A_462 : i32 to vector<16xi32>
      %add3A_464 = arith.addi %iota3A, %add3A_463 : vector<16xi32>
      %lt3A = vector.broadcast %scan3A_299#0 : i32 to vector<16xi32>
      %lt3A_465 = arith.cmpi slt, %add3A_464, %lt3A : vector<16xi32>
      %add3A_466 = vector.broadcast %reduce_sum3A_334 : i32 to vector<16xi32>
      %add3A_467 = arith.addi %add3A_464, %add3A_466 : vector<16xi32>
      %add3A_468 = arith.constant 1024 : i32
      %add3A_469 = vector.broadcast %add3A_468 : i32 to vector<16xi32>
      %add3A_470 = arith.addi %add3A_469, %iota3A : vector<16xi32>
      %select_n3A_471 = arith.select %lt3A_465, %add3A_467, %add3A_470 : vector<16xi1>, vector<16xi32>
      %swap3A_472 = arith.constant 0 : i32
      %swap3A_473 = arith.index_cast %swap3A_472 : i32 to index
      %swap3A_474 = arith.constant 0 : index
      %swap3A_475 = tpu.vector_load %arg14[%swap3A_473, %swap3A_474] {strides = array<i32>} : memref<1x128xi32, #tpu.memory_space<vmem>>, vector<16xi32>,
      tpu.vector_store %arg14[%swap3A_473, %swap3A_474], %select_n3A_471 {strides = array<i32>} : memref<1x128xi32, #tpu.memory_space<vmem>>, vector<16xi32>,
      %mul3A_476 = arith.constant 128 : i32
      %mul3A_477 = arith.muli %mul3A_476, %while3A_457 : i32
      %add3A_478 = arith.constant 16 : i32
      %add3A_479 = arith.addi %add3A_478, %mul3A_477 : i32
      %add3A_480 = vector.broadcast %add3A_479 : i32 to vector<16xi32>
      %add3A_481 = arith.addi %iota3A, %add3A_480 : vector<16xi32>
      %lt3A_482 = vector.broadcast %scan3A_299#0 : i32 to vector<16xi32>
      %lt3A_483 = arith.cmpi slt, %add3A_481, %lt3A_482 : vector<16xi32>
      %add3A_484 = vector.broadcast %reduce_sum3A_334 : i32 to vector<16xi32>
      %add3A_485 = arith.addi %add3A_481, %add3A_484 : vector<16xi32>
      %add3A_486 = arith.constant 1024 : i32
      %add3A_487 = vector.broadcast %add3A_486 : i32 to vector<16xi32>
      %add3A_488 = arith.addi %add3A_487, %iota3A : vector<16xi32>
      %select_n3A_489 = arith.select %lt3A_483, %add3A_485, %add3A_488 : vector<16xi1>, vector<16xi32>
      %swap3A_490 = arith.constant 0 : i32
      %swap3A_491 = arith.index_cast %swap3A_490 : i32 to index
      %swap3A_492 = arith.constant 16 : index
      %swap3A_493 = tpu.vector_load %arg14[%swap3A_491, %swap3A_492] {strides = array<i32>} : memref<1x128xi32, #tpu.memory_space<vmem>>, vector<16xi32>,
      tpu.vector_store %arg14[%swap3A_491, %swap3A_492], %select_n3A_489 {strides = array<i32>} : memref<1x128xi32, #tpu.memory_space<vmem>>, vector<16xi32>,
      %mul3A_494 = arith.constant 128 : i32
      %mul3A_495 = arith.muli %mul3A_494, %while3A_457 : i32
      %add3A_496 = arith.constant 32 : i32
      %add3A_497 = arith.addi %add3A_496, %mul3A_495 : i32
      %add3A_498 = vector.broadcast %add3A_497 : i32 to vector<16xi32>
      %add3A_499 = arith.addi %iota3A, %add3A_498 : vector<16xi32>
      %lt3A_500 = vector.broadcast %scan3A_299#0 : i32 to vector<16xi32>
      %lt3A_501 = arith.cmpi slt, %add3A_499, %lt3A_500 : vector<16xi32>
      %add3A_502 = vector.broadcast %reduce_sum3A_334 : i32 to vector<16xi32>
      %add3A_503 = arith.addi %add3A_499, %add3A_502 : vector<16xi32>
      %add3A_504 = arith.constant 1024 : i32
      %add3A_505 = vector.broadcast %add3A_504 : i32 to vector<16xi32>
      %add3A_506 = arith.addi %add3A_505, %iota3A : vector<16xi32>
      %select_n3A_507 = arith.select %lt3A_501, %add3A_503, %add3A_506 : vector<16xi1>, vector<16xi32>
      %swap3A_508 = arith.constant 0 : i32
      %swap3A_509 = arith.index_cast %swap3A_508 : i32 to index
      %swap3A_510 = arith.constant 32 : index
      %swap3A_511 = tpu.vector_load %arg14[%swap3A_509, %swap3A_510] {strides = array<i32>} : memref<1x128xi32, #tpu.memory_space<vmem>>, vector<16xi32>,
      tpu.vector_store %arg14[%swap3A_509, %swap3A_510], %select_n3A_507 {strides = array<i32>} : memref<1x128xi32, #tpu.memory_space<vmem>>, vector<16xi32>,
      %mul3A_512 = arith.constant 128 : i32
      %mul3A_513 = arith.muli %mul3A_512, %while3A_457 : i32
      %add3A_514 = arith.constant 48 : i32
      %add3A_515 = arith.addi %add3A_514, %mul3A_513 : i32
      %add3A_516 = vector.broadcast %add3A_515 : i32 to vector<16xi32>
      %add3A_517 = arith.addi %iota3A, %add3A_516 : vector<16xi32>
      %lt3A_518 = vector.broadcast %scan3A_299#0 : i32 to vector<16xi32>
      %lt3A_519 = arith.cmpi slt, %add3A_517, %lt3A_518 : vector<16xi32>
      %add3A_520 = vector.broadcast %reduce_sum3A_334 : i32 to vector<16xi32>
      %add3A_521 = arith.addi %add3A_517, %add3A_520 : vector<16xi32>
      %add3A_522 = arith.constant 1024 : i32
      %add3A_523 = vector.broadcast %add3A_522 : i32 to vector<16xi32>
      %add3A_524 = arith.addi %add3A_523, %iota3A : vector<16xi32>
      %select_n3A_525 = arith.select %lt3A_519, %add3A_521, %add3A_524 : vector<16xi1>, vector<16xi32>
      %swap3A_526 = arith.constant 0 : i32
      %swap3A_527 = arith.index_cast %swap3A_526 : i32 to index
      %swap3A_528 = arith.constant 48 : index
      %swap3A_529 = tpu.vector_load %arg14[%swap3A_527, %swap3A_528] {strides = array<i32>} : memref<1x128xi32, #tpu.memory_space<vmem>>, vector<16xi32>,
      tpu.vector_store %arg14[%swap3A_527, %swap3A_528], %select_n3A_525 {strides = array<i32>} : memref<1x128xi32, #tpu.memory_space<vmem>>, vector<16xi32>,
      %mul3A_530 = arith.constant 128 : i32
      %mul3A_531 = arith.muli %mul3A_530, %while3A_457 : i32
      %add3A_532 = arith.constant 64 : i32
      %add3A_533 = arith.addi %add3A_532, %mul3A_531 : i32
      %add3A_534 = vector.broadcast %add3A_533 : i32 to vector<16xi32>
      %add3A_535 = arith.addi %iota3A, %add3A_534 : vector<16xi32>
      %lt3A_536 = vector.broadcast %scan3A_299#0 : i32 to vector<16xi32>
      %lt3A_537 = arith.cmpi slt, %add3A_535, %lt3A_536 : vector<16xi32>
      %add3A_538 = vector.broadcast %reduce_sum3A_334 : i32 to vector<16xi32>
      %add3A_539 = arith.addi %add3A_535, %add3A_538 : vector<16xi32>
      %add3A_540 = arith.constant 1024 : i32
      %add3A_541 = vector.broadcast %add3A_540 : i32 to vector<16xi32>
      %add3A_542 = arith.addi %add3A_541, %iota3A : vector<16xi32>
      %select_n3A_543 = arith.select %lt3A_537, %add3A_539, %add3A_542 : vector<16xi1>, vector<16xi32>
      %swap3A_544 = arith.constant 0 : i32
      %swap3A_545 = arith.index_cast %swap3A_544 : i32 to index
      %swap3A_546 = arith.constant 64 : index
      %swap3A_547 = tpu.vector_load %arg14[%swap3A_545, %swap3A_546] {strides = array<i32>} : memref<1x128xi32, #tpu.memory_space<vmem>>, vector<16xi32>,
      tpu.vector_store %arg14[%swap3A_545, %swap3A_546], %select_n3A_543 {strides = array<i32>} : memref<1x128xi32, #tpu.memory_space<vmem>>, vector<16xi32>,
      %mul3A_548 = arith.constant 128 : i32
      %mul3A_549 = arith.muli %mul3A_548, %while3A_457 : i32
      %add3A_550 = arith.constant 80 : i32
      %add3A_551 = arith.addi %add3A_550, %mul3A_549 : i32
      %add3A_552 = vector.broadcast %add3A_551 : i32 to vector<16xi32>
      %add3A_553 = arith.addi %iota3A, %add3A_552 : vector<16xi32>
      %lt3A_554 = vector.broadcast %scan3A_299#0 : i32 to vector<16xi32>
      %lt3A_555 = arith.cmpi slt, %add3A_553, %lt3A_554 : vector<16xi32>
      %add3A_556 = vector.broadcast %reduce_sum3A_334 : i32 to vector<16xi32>
      %add3A_557 = arith.addi %add3A_553, %add3A_556 : vector<16xi32>
      %add3A_558 = arith.constant 1024 : i32
      %add3A_559 = vector.broadcast %add3A_558 : i32 to vector<16xi32>
      %add3A_560 = arith.addi %add3A_559, %iota3A : vector<16xi32>
      %select_n3A_561 = arith.select %lt3A_555, %add3A_557, %add3A_560 : vector<16xi1>, vector<16xi32>
      %swap3A_562 = arith.constant 0 : i32
      %swap3A_563 = arith.index_cast %swap3A_562 : i32 to index
      %swap3A_564 = arith.constant 80 : index
      %swap3A_565 = tpu.vector_load %arg14[%swap3A_563, %swap3A_564] {strides = array<i32>} : memref<1x128xi32, #tpu.memory_space<vmem>>, vector<16xi32>,
      tpu.vector_store %arg14[%swap3A_563, %swap3A_564], %select_n3A_561 {strides = array<i32>} : memref<1x128xi32, #tpu.memory_space<vmem>>, vector<16xi32>,
      %mul3A_566 = arith.constant 128 : i32
      %mul3A_567 = arith.muli %mul3A_566, %while3A_457 : i32
      %add3A_568 = arith.constant 96 : i32
      %add3A_569 = arith.addi %add3A_568, %mul3A_567 : i32
      %add3A_570 = vector.broadcast %add3A_569 : i32 to vector<16xi32>
      %add3A_571 = arith.addi %iota3A, %add3A_570 : vector<16xi32>
      %lt3A_572 = vector.broadcast %scan3A_299#0 : i32 to vector<16xi32>
      %lt3A_573 = arith.cmpi slt, %add3A_571, %lt3A_572 : vector<16xi32>
      %add3A_574 = vector.broadcast %reduce_sum3A_334 : i32 to vector<16xi32>
      %add3A_575 = arith.addi %add3A_571, %add3A_574 : vector<16xi32>
      %add3A_576 = arith.constant 1024 : i32
      %add3A_577 = vector.broadcast %add3A_576 : i32 to vector<16xi32>
      %add3A_578 = arith.addi %add3A_577, %iota3A : vector<16xi32>
      %select_n3A_579 = arith.select %lt3A_573, %add3A_575, %add3A_578 : vector<16xi1>, vector<16xi32>
      %swap3A_580 = arith.constant 0 : i32
      %swap3A_581 = arith.index_cast %swap3A_580 : i32 to index
      %swap3A_582 = arith.constant 96 : index
      %swap3A_583 = tpu.vector_load %arg14[%swap3A_581, %swap3A_582] {strides = array<i32>} : memref<1x128xi32, #tpu.memory_space<vmem>>, vector<16xi32>,
      tpu.vector_store %arg14[%swap3A_581, %swap3A_582], %select_n3A_579 {strides = array<i32>} : memref<1x128xi32, #tpu.memory_space<vmem>>, vector<16xi32>,
      %mul3A_584 = arith.constant 128 : i32
      %mul3A_585 = arith.muli %mul3A_584, %while3A_457 : i32
      %add3A_586 = arith.constant 112 : i32
      %add3A_587 = arith.addi %add3A_586, %mul3A_585 : i32
      %add3A_588 = vector.broadcast %add3A_587 : i32 to vector<16xi32>
      %add3A_589 = arith.addi %iota3A, %add3A_588 : vector<16xi32>
      %lt3A_590 = vector.broadcast %scan3A_299#0 : i32 to vector<16xi32>
      %lt3A_591 = arith.cmpi slt, %add3A_589, %lt3A_590 : vector<16xi32>
      %add3A_592 = vector.broadcast %reduce_sum3A_334 : i32 to vector<16xi32>
      %add3A_593 = arith.addi %add3A_589, %add3A_592 : vector<16xi32>
      %add3A_594 = arith.constant 1024 : i32
      %add3A_595 = vector.broadcast %add3A_594 : i32 to vector<16xi32>
      %add3A_596 = arith.addi %add3A_595, %iota3A : vector<16xi32>
      %select_n3A_597 = arith.select %lt3A_591, %add3A_593, %add3A_596 : vector<16xi1>, vector<16xi32>
      %swap3A_598 = arith.constant 0 : i32
      %swap3A_599 = arith.index_cast %swap3A_598 : i32 to index
      %swap3A_600 = arith.constant 112 : index
      %swap3A_601 = tpu.vector_load %arg14[%swap3A_599, %swap3A_600] {strides = array<i32>} : memref<1x128xi32, #tpu.memory_space<vmem>>, vector<16xi32>,
      tpu.vector_store %arg14[%swap3A_599, %swap3A_600], %select_n3A_597 {strides = array<i32>} : memref<1x128xi32, #tpu.memory_space<vmem>>, vector<16xi32>,
      %mul3A_602 = arith.constant 128 : i32
      %mul3A_603 = arith.muli %mul3A_602, %while3A_457 : i32
      %run_scoped3A = arith.constant 0 : i32
      "tpu.region"() ({
        %run_scoped3A_608 = tpu.sem_alloc : memref<!tpu.dma_semaphore, #tpu.memory_space<semaphore_mem>>
        %dma_start3A_609 = tpu.memref_slice %arg11[%mul3A_603] : memref<2064xi32, #tpu.memory_space<vmem>> -> memref<128xi32, #tpu.memory_space<vmem>>
        %dma_start3A_610 = arith.constant 0 : i32
        %dma_start3A_611 = tpu.memref_slice %arg14[%run_scoped3A, %dma_start3A_610] : memref<1x128xi32, #tpu.memory_space<vmem>> -> memref<1x128xi32, #tpu.memory_space<vmem>>
        %dma_start3A_612 = tpu.memref_squeeze %dma_start3A_611 : memref<1x128xi32, #tpu.memory_space<vmem>> -> memref<128xi32, #tpu.memory_space<vmem>>
        %dma_start3A_613 = arith.constant 0 : i32
        %dma_start3A_614 = tpu.memref_slice %arg28[%dma_start3A_613] : memref<1040xi32, #tpu.memory_space<vmem_shared>> -> memref<1040xi32, #tpu.memory_space<vmem_shared>>
        tpu.enqueue_indirect_dma source(%dma_start3A_609 : memref<128xi32, #tpu.memory_space<vmem>>) target(%dma_start3A_614 : memref<1040xi32, #tpu.memory_space<vmem_shared>>) offsets(%dma_start3A_612 : memref<128xi32, #tpu.memory_space<vmem>>) semaphore(%run_scoped3A_608 : memref<!tpu.dma_semaphore, #tpu.memory_space<semaphore_mem>>)
        %dma_wait3A_615 = tpu.memref_slice %arg11[%mul3A_603] : memref<2064xi32, #tpu.memory_space<vmem>> -> memref<128xi32, #tpu.memory_space<vmem>>
        %dma_wait3A_616 = arith.constant 0 : i32
        %dma_wait3A_617 = tpu.memref_slice %arg14[%run_scoped3A, %dma_wait3A_616] : memref<1x128xi32, #tpu.memory_space<vmem>> -> memref<1x128xi32, #tpu.memory_space<vmem>>
        %dma_wait3A_618 = tpu.memref_squeeze %dma_wait3A_617 : memref<1x128xi32, #tpu.memory_space<vmem>> -> memref<128xi32, #tpu.memory_space<vmem>>
        %dma_wait3A_619 = arith.constant 0 : i32
        %dma_wait3A_620 = tpu.memref_slice %arg28[%dma_wait3A_619] : memref<1040xi32, #tpu.memory_space<vmem_shared>> -> memref<1040xi32, #tpu.memory_space<vmem_shared>>
        tpu.wait_indirect_dma semaphore(%run_scoped3A_608 : memref<!tpu.dma_semaphore, #tpu.memory_space<semaphore_mem>>) src(%dma_wait3A_615 : memref<128xi32, #tpu.memory_space<vmem>>) dst(%dma_wait3A_620 : memref<1040xi32, #tpu.memory_space<vmem_shared>>)
        tpu.yield
      }) : () -> ()
      %mul3A_604 = arith.constant 128 : i32
      %mul3A_605 = arith.muli %mul3A_604, %while3A_457 : i32
      %run_scoped3A_606 = arith.constant 0 : i32
      "tpu.region"() ({
        %run_scoped3A_608 = tpu.sem_alloc : memref<!tpu.dma_semaphore, #tpu.memory_space<semaphore_mem>>
        %dma_start3A_609 = tpu.memref_slice %arg12[%mul3A_605] : memref<2064xi32, #tpu.memory_space<vmem>> -> memref<128xi32, #tpu.memory_space<vmem>>
        %dma_start3A_610 = arith.constant 0 : i32
        %dma_start3A_611 = tpu.memref_slice %arg14[%run_scoped3A_606, %dma_start3A_610] : memref<1x128xi32, #tpu.memory_space<vmem>> -> memref<1x128xi32, #tpu.memory_space<vmem>>
        %dma_start3A_612 = tpu.memref_squeeze %dma_start3A_611 : memref<1x128xi32, #tpu.memory_space<vmem>> -> memref<128xi32, #tpu.memory_space<vmem>>
        %dma_start3A_613 = arith.constant 0 : i32
        %dma_start3A_614 = tpu.memref_slice %arg29[%dma_start3A_613] : memref<1040xi32, #tpu.memory_space<vmem_shared>> -> memref<1040xi32, #tpu.memory_space<vmem_shared>>
        tpu.enqueue_indirect_dma source(%dma_start3A_609 : memref<128xi32, #tpu.memory_space<vmem>>) target(%dma_start3A_614 : memref<1040xi32, #tpu.memory_space<vmem_shared>>) offsets(%dma_start3A_612 : memref<128xi32, #tpu.memory_space<vmem>>) semaphore(%run_scoped3A_608 : memref<!tpu.dma_semaphore, #tpu.memory_space<semaphore_mem>>)
        %dma_wait3A_615 = tpu.memref_slice %arg12[%mul3A_605] : memref<2064xi32, #tpu.memory_space<vmem>> -> memref<128xi32, #tpu.memory_space<vmem>>
        %dma_wait3A_616 = arith.constant 0 : i32
        %dma_wait3A_617 = tpu.memref_slice %arg14[%run_scoped3A_606, %dma_wait3A_616] : memref<1x128xi32, #tpu.memory_space<vmem>> -> memref<1x128xi32, #tpu.memory_space<vmem>>
        %dma_wait3A_618 = tpu.memref_squeeze %dma_wait3A_617 : memref<1x128xi32, #tpu.memory_space<vmem>> -> memref<128xi32, #tpu.memory_space<vmem>>
        %dma_wait3A_619 = arith.constant 0 : i32
        %dma_wait3A_620 = tpu.memref_slice %arg29[%dma_wait3A_619] : memref<1040xi32, #tpu.memory_space<vmem_shared>> -> memref<1040xi32, #tpu.memory_space<vmem_shared>>
        tpu.wait_indirect_dma semaphore(%run_scoped3A_608 : memref<!tpu.dma_semaphore, #tpu.memory_space<semaphore_mem>>) src(%dma_wait3A_615 : memref<128xi32, #tpu.memory_space<vmem>>) dst(%dma_wait3A_620 : memref<1040xi32, #tpu.memory_space<vmem_shared>>)
        tpu.yield
      }) : () -> ()
      %while3A_607 = arith.constant 0 : i32
      scf.yield %while3A_607 : i32
    }
    %while3A_401 = arith.constant 1 : i32
    %while3A_402 = scf.for %while3A_457 = %while3A_398 to %while3A_394 step %while3A_401 iter_args(%while3A_458 = %while3A_400) -> (i32)  : i32 {
      %mul3A_459 = arith.constant 128 : i32
      %mul3A_460 = arith.muli %mul3A_459, %while3A_457 : i32
      %add3A_461 = arith.constant 0 : i32
      %add3A_462 = arith.addi %add3A_461, %mul3A_460 : i32
      %add3A_463 = vector.broadcast %add3A_462 : i32 to vector<16xi32>
      %add3A_464 = arith.addi %iota3A, %add3A_463 : vector<16xi32>
      %lt3A = vector.broadcast %scan3A_299#0 : i32 to vector<16xi32>
      %lt3A_465 = arith.cmpi slt, %add3A_464, %lt3A : vector<16xi32>
      %add3A_466 = vector.broadcast %reduce_sum3A_334 : i32 to vector<16xi32>
      %add3A_467 = arith.addi %add3A_464, %add3A_466 : vector<16xi32>
      %add3A_468 = arith.constant 1024 : i32
      %add3A_469 = vector.broadcast %add3A_468 : i32 to vector<16xi32>
      %add3A_470 = arith.addi %add3A_469, %iota3A : vector<16xi32>
      %select_n3A_471 = arith.select %lt3A_465, %add3A_467, %add3A_470 : vector<16xi1>, vector<16xi32>
      %swap3A_472 = arith.constant 0 : i32
      %swap3A_473 = arith.index_cast %swap3A_472 : i32 to index
      %swap3A_474 = arith.constant 0 : index
      %swap3A_475 = tpu.vector_load %arg14[%swap3A_473, %swap3A_474] {strides = array<i32>} : memref<1x128xi32, #tpu.memory_space<vmem>>, vector<16xi32>,
      tpu.vector_store %arg14[%swap3A_473, %swap3A_474], %select_n3A_471 {strides = array<i32>} : memref<1x128xi32, #tpu.memory_space<vmem>>, vector<16xi32>,
      %mul3A_476 = arith.constant 128 : i32
      %mul3A_477 = arith.muli %mul3A_476, %while3A_457 : i32
      %add3A_478 = arith.constant 16 : i32
      %add3A_479 = arith.addi %add3A_478, %mul3A_477 : i32
      %add3A_480 = vector.broadcast %add3A_479 : i32 to vector<16xi32>
      %add3A_481 = arith.addi %iota3A, %add3A_480 : vector<16xi32>
      %lt3A_482 = vector.broadcast %scan3A_299#0 : i32 to vector<16xi32>
      %lt3A_483 = arith.cmpi slt, %add3A_481, %lt3A_482 : vector<16xi32>
      %add3A_484 = vector.broadcast %reduce_sum3A_334 : i32 to vector<16xi32>
      %add3A_485 = arith.addi %add3A_481, %add3A_484 : vector<16xi32>
      %add3A_486 = arith.constant 1024 : i32
      %add3A_487 = vector.broadcast %add3A_486 : i32 to vector<16xi32>
      %add3A_488 = arith.addi %add3A_487, %iota3A : vector<16xi32>
      %select_n3A_489 = arith.select %lt3A_483, %add3A_485, %add3A_488 : vector<16xi1>, vector<16xi32>
      %swap3A_490 = arith.constant 0 : i32
      %swap3A_491 = arith.index_cast %swap3A_490 : i32 to index
      %swap3A_492 = arith.constant 16 : index
      %swap3A_493 = tpu.vector_load %arg14[%swap3A_491, %swap3A_492] {strides = array<i32>} : memref<1x128xi32, #tpu.memory_space<vmem>>, vector<16xi32>,
      tpu.vector_store %arg14[%swap3A_491, %swap3A_492], %select_n3A_489 {strides = array<i32>} : memref<1x128xi32, #tpu.memory_space<vmem>>, vector<16xi32>,
      %mul3A_494 = arith.constant 128 : i32
      %mul3A_495 = arith.muli %mul3A_494, %while3A_457 : i32
      %add3A_496 = arith.constant 32 : i32
      %add3A_497 = arith.addi %add3A_496, %mul3A_495 : i32
      %add3A_498 = vector.broadcast %add3A_497 : i32 to vector<16xi32>
      %add3A_499 = arith.addi %iota3A, %add3A_498 : vector<16xi32>
      %lt3A_500 = vector.broadcast %scan3A_299#0 : i32 to vector<16xi32>
      %lt3A_501 = arith.cmpi slt, %add3A_499, %lt3A_500 : vector<16xi32>
      %add3A_502 = vector.broadcast %reduce_sum3A_334 : i32 to vector<16xi32>
      %add3A_503 = arith.addi %add3A_499, %add3A_502 : vector<16xi32>
      %add3A_504 = arith.constant 1024 : i32
      %add3A_505 = vector.broadcast %add3A_504 : i32 to vector<16xi32>
      %add3A_506 = arith.addi %add3A_505, %iota3A : vector<16xi32>
      %select_n3A_507 = arith.select %lt3A_501, %add3A_503, %add3A_506 : vector<16xi1>, vector<16xi32>
      %swap3A_508 = arith.constant 0 : i32
      %swap3A_509 = arith.index_cast %swap3A_508 : i32 to index
      %swap3A_510 = arith.constant 32 : index
      %swap3A_511 = tpu.vector_load %arg14[%swap3A_509, %swap3A_510] {strides = array<i32>} : memref<1x128xi32, #tpu.memory_space<vmem>>, vector<16xi32>,
      tpu.vector_store %arg14[%swap3A_509, %swap3A_510], %select_n3A_507 {strides = array<i32>} : memref<1x128xi32, #tpu.memory_space<vmem>>, vector<16xi32>,
      %mul3A_512 = arith.constant 128 : i32
      %mul3A_513 = arith.muli %mul3A_512, %while3A_457 : i32
      %add3A_514 = arith.constant 48 : i32
      %add3A_515 = arith.addi %add3A_514, %mul3A_513 : i32
      %add3A_516 = vector.broadcast %add3A_515 : i32 to vector<16xi32>
      %add3A_517 = arith.addi %iota3A, %add3A_516 : vector<16xi32>
      %lt3A_518 = vector.broadcast %scan3A_299#0 : i32 to vector<16xi32>
      %lt3A_519 = arith.cmpi slt, %add3A_517, %lt3A_518 : vector<16xi32>
      %add3A_520 = vector.broadcast %reduce_sum3A_334 : i32 to vector<16xi32>
      %add3A_521 = arith.addi %add3A_517, %add3A_520 : vector<16xi32>
      %add3A_522 = arith.constant 1024 : i32
      %add3A_523 = vector.broadcast %add3A_522 : i32 to vector<16xi32>
      %add3A_524 = arith.addi %add3A_523, %iota3A : vector<16xi32>
      %select_n3A_525 = arith.select %lt3A_519, %add3A_521, %add3A_524 : vector<16xi1>, vector<16xi32>
      %swap3A_526 = arith.constant 0 : i32
      %swap3A_527 = arith.index_cast %swap3A_526 : i32 to index
      %swap3A_528 = arith.constant 48 : index
      %swap3A_529 = tpu.vector_load %arg14[%swap3A_527, %swap3A_528] {strides = array<i32>} : memref<1x128xi32, #tpu.memory_space<vmem>>, vector<16xi32>,
      tpu.vector_store %arg14[%swap3A_527, %swap3A_528], %select_n3A_525 {strides = array<i32>} : memref<1x128xi32, #tpu.memory_space<vmem>>, vector<16xi32>,
      %mul3A_530 = arith.constant 128 : i32
      %mul3A_531 = arith.muli %mul3A_530, %while3A_457 : i32
      %add3A_532 = arith.constant 64 : i32
      %add3A_533 = arith.addi %add3A_532, %mul3A_531 : i32
      %add3A_534 = vector.broadcast %add3A_533 : i32 to vector<16xi32>
      %add3A_535 = arith.addi %iota3A, %add3A_534 : vector<16xi32>
      %lt3A_536 = vector.broadcast %scan3A_299#0 : i32 to vector<16xi32>
      %lt3A_537 = arith.cmpi slt, %add3A_535, %lt3A_536 : vector<16xi32>
      %add3A_538 = vector.broadcast %reduce_sum3A_334 : i32 to vector<16xi32>
      %add3A_539 = arith.addi %add3A_535, %add3A_538 : vector<16xi32>
      %add3A_540 = arith.constant 1024 : i32
      %add3A_541 = vector.broadcast %add3A_540 : i32 to vector<16xi32>
      %add3A_542 = arith.addi %add3A_541, %iota3A : vector<16xi32>
      %select_n3A_543 = arith.select %lt3A_537, %add3A_539, %add3A_542 : vector<16xi1>, vector<16xi32>
      %swap3A_544 = arith.constant 0 : i32
      %swap3A_545 = arith.index_cast %swap3A_544 : i32 to index
      %swap3A_546 = arith.constant 64 : index
      %swap3A_547 = tpu.vector_load %arg14[%swap3A_545, %swap3A_546] {strides = array<i32>} : memref<1x128xi32, #tpu.memory_space<vmem>>, vector<16xi32>,
      tpu.vector_store %arg14[%swap3A_545, %swap3A_546], %select_n3A_543 {strides = array<i32>} : memref<1x128xi32, #tpu.memory_space<vmem>>, vector<16xi32>,
      %mul3A_548 = arith.constant 128 : i32
      %mul3A_549 = arith.muli %mul3A_548, %while3A_457 : i32
      %add3A_550 = arith.constant 80 : i32
      %add3A_551 = arith.addi %add3A_550, %mul3A_549 : i32
      %add3A_552 = vector.broadcast %add3A_551 : i32 to vector<16xi32>
      %add3A_553 = arith.addi %iota3A, %add3A_552 : vector<16xi32>
      %lt3A_554 = vector.broadcast %scan3A_299#0 : i32 to vector<16xi32>
      %lt3A_555 = arith.cmpi slt, %add3A_553, %lt3A_554 : vector<16xi32>
      %add3A_556 = vector.broadcast %reduce_sum3A_334 : i32 to vector<16xi32>
      %add3A_557 = arith.addi %add3A_553, %add3A_556 : vector<16xi32>
      %add3A_558 = arith.constant 1024 : i32
      %add3A_559 = vector.broadcast %add3A_558 : i32 to vector<16xi32>
      %add3A_560 = arith.addi %add3A_559, %iota3A : vector<16xi32>
      %select_n3A_561 = arith.select %lt3A_555, %add3A_557, %add3A_560 : vector<16xi1>, vector<16xi32>
      %swap3A_562 = arith.constant 0 : i32
      %swap3A_563 = arith.index_cast %swap3A_562 : i32 to index
      %swap3A_564 = arith.constant 80 : index
      %swap3A_565 = tpu.vector_load %arg14[%swap3A_563, %swap3A_564] {strides = array<i32>} : memref<1x128xi32, #tpu.memory_space<vmem>>, vector<16xi32>,
      tpu.vector_store %arg14[%swap3A_563, %swap3A_564], %select_n3A_561 {strides = array<i32>} : memref<1x128xi32, #tpu.memory_space<vmem>>, vector<16xi32>,
      %mul3A_566 = arith.constant 128 : i32
      %mul3A_567 = arith.muli %mul3A_566, %while3A_457 : i32
      %add3A_568 = arith.constant 96 : i32
      %add3A_569 = arith.addi %add3A_568, %mul3A_567 : i32
      %add3A_570 = vector.broadcast %add3A_569 : i32 to vector<16xi32>
      %add3A_571 = arith.addi %iota3A, %add3A_570 : vector<16xi32>
      %lt3A_572 = vector.broadcast %scan3A_299#0 : i32 to vector<16xi32>
      %lt3A_573 = arith.cmpi slt, %add3A_571, %lt3A_572 : vector<16xi32>
      %add3A_574 = vector.broadcast %reduce_sum3A_334 : i32 to vector<16xi32>
      %add3A_575 = arith.addi %add3A_571, %add3A_574 : vector<16xi32>
      %add3A_576 = arith.constant 1024 : i32
      %add3A_577 = vector.broadcast %add3A_576 : i32 to vector<16xi32>
      %add3A_578 = arith.addi %add3A_577, %iota3A : vector<16xi32>
      %select_n3A_579 = arith.select %lt3A_573, %add3A_575, %add3A_578 : vector<16xi1>, vector<16xi32>
      %swap3A_580 = arith.constant 0 : i32
      %swap3A_581 = arith.index_cast %swap3A_580 : i32 to index
      %swap3A_582 = arith.constant 96 : index
      %swap3A_583 = tpu.vector_load %arg14[%swap3A_581, %swap3A_582] {strides = array<i32>} : memref<1x128xi32, #tpu.memory_space<vmem>>, vector<16xi32>,
      tpu.vector_store %arg14[%swap3A_581, %swap3A_582], %select_n3A_579 {strides = array<i32>} : memref<1x128xi32, #tpu.memory_space<vmem>>, vector<16xi32>,
      %mul3A_584 = arith.constant 128 : i32
      %mul3A_585 = arith.muli %mul3A_584, %while3A_457 : i32
      %add3A_586 = arith.constant 112 : i32
      %add3A_587 = arith.addi %add3A_586, %mul3A_585 : i32
      %add3A_588 = vector.broadcast %add3A_587 : i32 to vector<16xi32>
      %add3A_589 = arith.addi %iota3A, %add3A_588 : vector<16xi32>
      %lt3A_590 = vector.broadcast %scan3A_299#0 : i32 to vector<16xi32>
      %lt3A_591 = arith.cmpi slt, %add3A_589, %lt3A_590 : vector<16xi32>
      %add3A_592 = vector.broadcast %reduce_sum3A_334 : i32 to vector<16xi32>
      %add3A_593 = arith.addi %add3A_589, %add3A_592 : vector<16xi32>
      %add3A_594 = arith.constant 1024 : i32
      %add3A_595 = vector.broadcast %add3A_594 : i32 to vector<16xi32>
      %add3A_596 = arith.addi %add3A_595, %iota3A : vector<16xi32>
      %select_n3A_597 = arith.select %lt3A_591, %add3A_593, %add3A_596 : vector<16xi1>, vector<16xi32>
      %swap3A_598 = arith.constant 0 : i32
      %swap3A_599 = arith.index_cast %swap3A_598 : i32 to index
      %swap3A_600 = arith.constant 112 : index
      %swap3A_601 = tpu.vector_load %arg14[%swap3A_599, %swap3A_600] {strides = array<i32>} : memref<1x128xi32, #tpu.memory_space<vmem>>, vector<16xi32>,
      tpu.vector_store %arg14[%swap3A_599, %swap3A_600], %select_n3A_597 {strides = array<i32>} : memref<1x128xi32, #tpu.memory_space<vmem>>, vector<16xi32>,
      %mul3A_602 = arith.constant 128 : i32
      %mul3A_603 = arith.muli %mul3A_602, %while3A_457 : i32
      %run_scoped3A = arith.constant 0 : i32
      "tpu.region"() ({
        %run_scoped3A_608 = tpu.sem_alloc : memref<!tpu.dma_semaphore, #tpu.memory_space<semaphore_mem>>
        %dma_start3A_609 = tpu.memref_slice %arg11[%mul3A_603] : memref<2064xi32, #tpu.memory_space<vmem>> -> memref<128xi32, #tpu.memory_space<vmem>>
        %dma_start3A_610 = arith.constant 0 : i32
        %dma_start3A_611 = tpu.memref_slice %arg14[%run_scoped3A, %dma_start3A_610] : memref<1x128xi32, #tpu.memory_space<vmem>> -> memref<1x128xi32, #tpu.memory_space<vmem>>
        %dma_start3A_612 = tpu.memref_squeeze %dma_start3A_611 : memref<1x128xi32, #tpu.memory_space<vmem>> -> memref<128xi32, #tpu.memory_space<vmem>>
        %dma_start3A_613 = arith.constant 0 : i32
        %dma_start3A_614 = tpu.memref_slice %arg28[%dma_start3A_613] : memref<1040xi32, #tpu.memory_space<vmem_shared>> -> memref<1040xi32, #tpu.memory_space<vmem_shared>>
        tpu.enqueue_indirect_dma source(%dma_start3A_609 : memref<128xi32, #tpu.memory_space<vmem>>) target(%dma_start3A_614 : memref<1040xi32, #tpu.memory_space<vmem_shared>>) offsets(%dma_start3A_612 : memref<128xi32, #tpu.memory_space<vmem>>) semaphore(%run_scoped3A_608 : memref<!tpu.dma_semaphore, #tpu.memory_space<semaphore_mem>>)
        %dma_wait3A_615 = tpu.memref_slice %arg11[%mul3A_603] : memref<2064xi32, #tpu.memory_space<vmem>> -> memref<128xi32, #tpu.memory_space<vmem>>
        %dma_wait3A_616 = arith.constant 0 : i32
        %dma_wait3A_617 = tpu.memref_slice %arg14[%run_scoped3A, %dma_wait3A_616] : memref<1x128xi32, #tpu.memory_space<vmem>> -> memref<1x128xi32, #tpu.memory_space<vmem>>
        %dma_wait3A_618 = tpu.memref_squeeze %dma_wait3A_617 : memref<1x128xi32, #tpu.memory_space<vmem>> -> memref<128xi32, #tpu.memory_space<vmem>>
        %dma_wait3A_619 = arith.constant 0 : i32
        %dma_wait3A_620 = tpu.memref_slice %arg28[%dma_wait3A_619] : memref<1040xi32, #tpu.memory_space<vmem_shared>> -> memref<1040xi32, #tpu.memory_space<vmem_shared>>
        tpu.wait_indirect_dma semaphore(%run_scoped3A_608 : memref<!tpu.dma_semaphore, #tpu.memory_space<semaphore_mem>>) src(%dma_wait3A_615 : memref<128xi32, #tpu.memory_space<vmem>>) dst(%dma_wait3A_620 : memref<1040xi32, #tpu.memory_space<vmem_shared>>)
        tpu.yield
      }) : () -> ()
      %mul3A_604 = arith.constant 128 : i32
      %mul3A_605 = arith.muli %mul3A_604, %while3A_457 : i32
      %run_scoped3A_606 = arith.constant 0 : i32
      "tpu.region"() ({
        %run_scoped3A_608 = tpu.sem_alloc : memref<!tpu.dma_semaphore, #tpu.memory_space<semaphore_mem>>
        %dma_start3A_609 = tpu.memref_slice %arg12[%mul3A_605] : memref<2064xi32, #tpu.memory_space<vmem>> -> memref<128xi32, #tpu.memory_space<vmem>>
        %dma_start3A_610 = arith.constant 0 : i32
        %dma_start3A_611 = tpu.memref_slice %arg14[%run_scoped3A_606, %dma_start3A_610] : memref<1x128xi32, #tpu.memory_space<vmem>> -> memref<1x128xi32, #tpu.memory_space<vmem>>
        %dma_start3A_612 = tpu.memref_squeeze %dma_start3A_611 : memref<1x128xi32, #tpu.memory_space<vmem>> -> memref<128xi32, #tpu.memory_space<vmem>>
        %dma_start3A_613 = arith.constant 0 : i32
        %dma_start3A_614 = tpu.memref_slice %arg29[%dma_start3A_613] : memref<1040xi32, #tpu.memory_space<vmem_shared>> -> memref<1040xi32, #tpu.memory_space<vmem_shared>>
        tpu.enqueue_indirect_dma source(%dma_start3A_609 : memref<128xi32, #tpu.memory_space<vmem>>) target(%dma_start3A_614 : memref<1040xi32, #tpu.memory_space<vmem_shared>>) offsets(%dma_start3A_612 : memref<128xi32, #tpu.memory_space<vmem>>) semaphore(%run_scoped3A_608 : memref<!tpu.dma_semaphore, #tpu.memory_space<semaphore_mem>>)
        %dma_wait3A_615 = tpu.memref_slice %arg12[%mul3A_605] : memref<2064xi32, #tpu.memory_space<vmem>> -> memref<128xi32, #tpu.memory_space<vmem>>
        %dma_wait3A_616 = arith.constant 0 : i32
        %dma_wait3A_617 = tpu.memref_slice %arg14[%run_scoped3A_606, %dma_wait3A_616] : memref<1x128xi32, #tpu.memory_space<vmem>> -> memref<1x128xi32, #tpu.memory_space<vmem>>
        %dma_wait3A_618 = tpu.memref_squeeze %dma_wait3A_617 : memref<1x128xi32, #tpu.memory_space<vmem>> -> memref<128xi32, #tpu.memory_space<vmem>>
        %dma_wait3A_619 = arith.constant 0 : i32
        %dma_wait3A_620 = tpu.memref_slice %arg29[%dma_wait3A_619] : memref<1040xi32, #tpu.memory_space<vmem_shared>> -> memref<1040xi32, #tpu.memory_space<vmem_shared>>
        tpu.wait_indirect_dma semaphore(%run_scoped3A_608 : memref<!tpu.dma_semaphore, #tpu.memory_space<semaphore_mem>>) src(%dma_wait3A_615 : memref<128xi32, #tpu.memory_space<vmem>>) dst(%dma_wait3A_620 : memref<1040xi32, #tpu.memory_space<vmem_shared>>)
        tpu.yield
      }) : () -> ()
      %while3A_607 = arith.constant 0 : i32
      scf.yield %while3A_607 : i32
    }
    %add3A_403 = arith.constant 127 : i32
    %add3A_404 = arith.addi %scan3A_299#1, %add3A_403 : i32
    %jit3A_405 = arith.constant 128 : i32
    %div3A_406 = arith.divsi %add3A_404, %jit3A_405 : i32
    %sign3A_407 = arith.constant 0 : i32
    %sign3A_408 = arith.cmpi sgt, %add3A_404, %sign3A_407 : i32
    %sign3A_409 = arith.extui %sign3A_408 : i1 to i32
    %sign3A_410 = arith.constant 0 : i32
    %sign3A_411 = arith.cmpi slt, %add3A_404, %sign3A_410 : i32
    %sign3A_412 = arith.extui %sign3A_411 : i1 to i32
    %sign3A_413 = arith.subi %sign3A_409, %sign3A_412 : i32
    %sign3A_414 = arith.constant 0 : i32
    %sign3A_415 = arith.cmpi sgt, %jit3A_405, %sign3A_414 : i32
    %sign3A_416 = arith.extui %sign3A_415 : i1 to i32
    %sign3A_417 = arith.constant 0 : i32
    %sign3A_418 = arith.cmpi slt, %jit3A_405, %sign3A_417 : i32
    %sign3A_419 = arith.extui %sign3A_418 : i1 to i32
    %sign3A_420 = arith.subi %sign3A_416, %sign3A_419 : i32
    %ne3A_421 = arith.cmpi ne, %sign3A_413, %sign3A_420 : i32
    %rem3A_422 = arith.remsi %add3A_404, %jit3A_405 : i32
    %ne3A_423 = arith.constant 0 : i32
    %ne3A_424 = arith.cmpi ne, %rem3A_422, %ne3A_423 : i32
    %and3A_425 = arith.andi %ne3A_421, %ne3A_424 : i1
    %sub3A_426 = arith.constant 1 : i32
    %sub3A_427 = arith.subi %div3A_406, %sub3A_426 : i32
    %select_n3A_428 = arith.select %and3A_425, %sub3A_427, %div3A_406 : i32
    %while3A_429 = arith.constant 0 : i32
    %while3A_430 = arith.constant 0 : i32
    %while3A_431 = arith.subi %select_n3A_428, %while3A_429 : i32
    %while3A_432 = arith.addi %while3A_429, %while3A_431 : i32
    %while3A_433 = arith.constant 1 : i32
    %while3A_434 = arith.divsi %while3A_431, %while3A_433 : i32
    %while3A_435 = arith.muli %while3A_434, %while3A_433 : i32
    %while3A_436 = arith.addi %while3A_429, %while3A_435 : i32
    %while3A_437 = arith.constant 1 : i32
    %while3A_438 = scf.for %while3A_457 = %while3A_429 to %while3A_436 step %while3A_437 iter_args(%while3A_458 = %while3A_430) -> (i32)  : i32 {
      %mul3A_459 = arith.constant 128 : i32
      %mul3A_460 = arith.muli %mul3A_459, %while3A_457 : i32
      %add3A_461 = arith.constant 0 : i32
      %add3A_462 = arith.addi %add3A_461, %mul3A_460 : i32
      %add3A_463 = vector.broadcast %add3A_462 : i32 to vector<16xi32>
      %add3A_464 = arith.addi %iota3A, %add3A_463 : vector<16xi32>
      %add3A_465 = vector.broadcast %reduce_sum3A_344 : i32 to vector<16xi32>
      %add3A_466 = arith.addi %add3A_464, %add3A_465 : vector<16xi32>
      %lt3A = vector.broadcast %scan3A_299#1 : i32 to vector<16xi32>
      %lt3A_467 = arith.cmpi slt, %add3A_464, %lt3A : vector<16xi32>
      %lt3A_468 = vector.broadcast %sub3A_292 : i32 to vector<16xi32>
      %lt3A_469 = arith.cmpi slt, %add3A_466, %lt3A_468 : vector<16xi32>
      %and3A_470 = arith.andi %lt3A_467, %lt3A_469 : vector<16xi1>
      %add3A_471 = vector.broadcast %add3A_290 : i32 to vector<16xi32>
      %add3A_472 = arith.addi %add3A_466, %add3A_471 : vector<16xi32>
      %add3A_473 = arith.constant 1024 : i32
      %add3A_474 = vector.broadcast %add3A_473 : i32 to vector<16xi32>
      %add3A_475 = arith.addi %add3A_474, %iota3A : vector<16xi32>
      %select_n3A_476 = arith.select %and3A_470, %add3A_472, %add3A_475 : vector<16xi1>, vector<16xi32>
      %swap3A_477 = arith.constant 0 : i32
      %swap3A_478 = arith.index_cast %swap3A_477 : i32 to index
      %swap3A_479 = arith.constant 0 : index
      %swap3A_480 = tpu.vector_load %arg14[%swap3A_478, %swap3A_479] {strides = array<i32>} : memref<1x128xi32, #tpu.memory_space<vmem>>, vector<16xi32>,
      tpu.vector_store %arg14[%swap3A_478, %swap3A_479], %select_n3A_476 {strides = array<i32>} : memref<1x128xi32, #tpu.memory_space<vmem>>, vector<16xi32>,
      %mul3A_481 = arith.constant 128 : i32
      %mul3A_482 = arith.muli %mul3A_481, %while3A_457 : i32
      %add3A_483 = arith.constant 16 : i32
      %add3A_484 = arith.addi %add3A_483, %mul3A_482 : i32
      %add3A_485 = vector.broadcast %add3A_484 : i32 to vector<16xi32>
      %add3A_486 = arith.addi %iota3A, %add3A_485 : vector<16xi32>
      %add3A_487 = vector.broadcast %reduce_sum3A_344 : i32 to vector<16xi32>
      %add3A_488 = arith.addi %add3A_486, %add3A_487 : vector<16xi32>
      %lt3A_489 = vector.broadcast %scan3A_299#1 : i32 to vector<16xi32>
      %lt3A_490 = arith.cmpi slt, %add3A_486, %lt3A_489 : vector<16xi32>
      %lt3A_491 = vector.broadcast %sub3A_292 : i32 to vector<16xi32>
      %lt3A_492 = arith.cmpi slt, %add3A_488, %lt3A_491 : vector<16xi32>
      %and3A_493 = arith.andi %lt3A_490, %lt3A_492 : vector<16xi1>
      %add3A_494 = vector.broadcast %add3A_290 : i32 to vector<16xi32>
      %add3A_495 = arith.addi %add3A_488, %add3A_494 : vector<16xi32>
      %add3A_496 = arith.constant 1024 : i32
      %add3A_497 = vector.broadcast %add3A_496 : i32 to vector<16xi32>
      %add3A_498 = arith.addi %add3A_497, %iota3A : vector<16xi32>
      %select_n3A_499 = arith.select %and3A_493, %add3A_495, %add3A_498 : vector<16xi1>, vector<16xi32>
      %swap3A_500 = arith.constant 0 : i32
      %swap3A_501 = arith.index_cast %swap3A_500 : i32 to index
      %swap3A_502 = arith.constant 16 : index
      %swap3A_503 = tpu.vector_load %arg14[%swap3A_501, %swap3A_502] {strides = array<i32>} : memref<1x128xi32, #tpu.memory_space<vmem>>, vector<16xi32>,
      tpu.vector_store %arg14[%swap3A_501, %swap3A_502], %select_n3A_499 {strides = array<i32>} : memref<1x128xi32, #tpu.memory_space<vmem>>, vector<16xi32>,
      %mul3A_504 = arith.constant 128 : i32
      %mul3A_505 = arith.muli %mul3A_504, %while3A_457 : i32
      %add3A_506 = arith.constant 32 : i32
      %add3A_507 = arith.addi %add3A_506, %mul3A_505 : i32
      %add3A_508 = vector.broadcast %add3A_507 : i32 to vector<16xi32>
      %add3A_509 = arith.addi %iota3A, %add3A_508 : vector<16xi32>
      %add3A_510 = vector.broadcast %reduce_sum3A_344 : i32 to vector<16xi32>
      %add3A_511 = arith.addi %add3A_509, %add3A_510 : vector<16xi32>
      %lt3A_512 = vector.broadcast %scan3A_299#1 : i32 to vector<16xi32>
      %lt3A_513 = arith.cmpi slt, %add3A_509, %lt3A_512 : vector<16xi32>
      %lt3A_514 = vector.broadcast %sub3A_292 : i32 to vector<16xi32>
      %lt3A_515 = arith.cmpi slt, %add3A_511, %lt3A_514 : vector<16xi32>
      %and3A_516 = arith.andi %lt3A_513, %lt3A_515 : vector<16xi1>
      %add3A_517 = vector.broadcast %add3A_290 : i32 to vector<16xi32>
      %add3A_518 = arith.addi %add3A_511, %add3A_517 : vector<16xi32>
      %add3A_519 = arith.constant 1024 : i32
      %add3A_520 = vector.broadcast %add3A_519 : i32 to vector<16xi32>
      %add3A_521 = arith.addi %add3A_520, %iota3A : vector<16xi32>
      %select_n3A_522 = arith.select %and3A_516, %add3A_518, %add3A_521 : vector<16xi1>, vector<16xi32>
      %swap3A_523 = arith.constant 0 : i32
      %swap3A_524 = arith.index_cast %swap3A_523 : i32 to index
      %swap3A_525 = arith.constant 32 : index
      %swap3A_526 = tpu.vector_load %arg14[%swap3A_524, %swap3A_525] {strides = array<i32>} : memref<1x128xi32, #tpu.memory_space<vmem>>, vector<16xi32>,
      tpu.vector_store %arg14[%swap3A_524, %swap3A_525], %select_n3A_522 {strides = array<i32>} : memref<1x128xi32, #tpu.memory_space<vmem>>, vector<16xi32>,
      %mul3A_527 = arith.constant 128 : i32
      %mul3A_528 = arith.muli %mul3A_527, %while3A_457 : i32
      %add3A_529 = arith.constant 48 : i32
      %add3A_530 = arith.addi %add3A_529, %mul3A_528 : i32
      %add3A_531 = vector.broadcast %add3A_530 : i32 to vector<16xi32>
      %add3A_532 = arith.addi %iota3A, %add3A_531 : vector<16xi32>
      %add3A_533 = vector.broadcast %reduce_sum3A_344 : i32 to vector<16xi32>
      %add3A_534 = arith.addi %add3A_532, %add3A_533 : vector<16xi32>
      %lt3A_535 = vector.broadcast %scan3A_299#1 : i32 to vector<16xi32>
      %lt3A_536 = arith.cmpi slt, %add3A_532, %lt3A_535 : vector<16xi32>
      %lt3A_537 = vector.broadcast %sub3A_292 : i32 to vector<16xi32>
      %lt3A_538 = arith.cmpi slt, %add3A_534, %lt3A_537 : vector<16xi32>
      %and3A_539 = arith.andi %lt3A_536, %lt3A_538 : vector<16xi1>
      %add3A_540 = vector.broadcast %add3A_290 : i32 to vector<16xi32>
      %add3A_541 = arith.addi %add3A_534, %add3A_540 : vector<16xi32>
      %add3A_542 = arith.constant 1024 : i32
      %add3A_543 = vector.broadcast %add3A_542 : i32 to vector<16xi32>
      %add3A_544 = arith.addi %add3A_543, %iota3A : vector<16xi32>
      %select_n3A_545 = arith.select %and3A_539, %add3A_541, %add3A_544 : vector<16xi1>, vector<16xi32>
      %swap3A_546 = arith.constant 0 : i32
      %swap3A_547 = arith.index_cast %swap3A_546 : i32 to index
      %swap3A_548 = arith.constant 48 : index
      %swap3A_549 = tpu.vector_load %arg14[%swap3A_547, %swap3A_548] {strides = array<i32>} : memref<1x128xi32, #tpu.memory_space<vmem>>, vector<16xi32>,
      tpu.vector_store %arg14[%swap3A_547, %swap3A_548], %select_n3A_545 {strides = array<i32>} : memref<1x128xi32, #tpu.memory_space<vmem>>, vector<16xi32>,
      %mul3A_550 = arith.constant 128 : i32
      %mul3A_551 = arith.muli %mul3A_550, %while3A_457 : i32
      %add3A_552 = arith.constant 64 : i32
      %add3A_553 = arith.addi %add3A_552, %mul3A_551 : i32
      %add3A_554 = vector.broadcast %add3A_553 : i32 to vector<16xi32>
      %add3A_555 = arith.addi %iota3A, %add3A_554 : vector<16xi32>
      %add3A_556 = vector.broadcast %reduce_sum3A_344 : i32 to vector<16xi32>
      %add3A_557 = arith.addi %add3A_555, %add3A_556 : vector<16xi32>
      %lt3A_558 = vector.broadcast %scan3A_299#1 : i32 to vector<16xi32>
      %lt3A_559 = arith.cmpi slt, %add3A_555, %lt3A_558 : vector<16xi32>
      %lt3A_560 = vector.broadcast %sub3A_292 : i32 to vector<16xi32>
      %lt3A_561 = arith.cmpi slt, %add3A_557, %lt3A_560 : vector<16xi32>
      %and3A_562 = arith.andi %lt3A_559, %lt3A_561 : vector<16xi1>
      %add3A_563 = vector.broadcast %add3A_290 : i32 to vector<16xi32>
      %add3A_564 = arith.addi %add3A_557, %add3A_563 : vector<16xi32>
      %add3A_565 = arith.constant 1024 : i32
      %add3A_566 = vector.broadcast %add3A_565 : i32 to vector<16xi32>
      %add3A_567 = arith.addi %add3A_566, %iota3A : vector<16xi32>
      %select_n3A_568 = arith.select %and3A_562, %add3A_564, %add3A_567 : vector<16xi1>, vector<16xi32>
      %swap3A_569 = arith.constant 0 : i32
      %swap3A_570 = arith.index_cast %swap3A_569 : i32 to index
      %swap3A_571 = arith.constant 64 : index
      %swap3A_572 = tpu.vector_load %arg14[%swap3A_570, %swap3A_571] {strides = array<i32>} : memref<1x128xi32, #tpu.memory_space<vmem>>, vector<16xi32>,
      tpu.vector_store %arg14[%swap3A_570, %swap3A_571], %select_n3A_568 {strides = array<i32>} : memref<1x128xi32, #tpu.memory_space<vmem>>, vector<16xi32>,
      %mul3A_573 = arith.constant 128 : i32
      %mul3A_574 = arith.muli %mul3A_573, %while3A_457 : i32
      %add3A_575 = arith.constant 80 : i32
      %add3A_576 = arith.addi %add3A_575, %mul3A_574 : i32
      %add3A_577 = vector.broadcast %add3A_576 : i32 to vector<16xi32>
      %add3A_578 = arith.addi %iota3A, %add3A_577 : vector<16xi32>
      %add3A_579 = vector.broadcast %reduce_sum3A_344 : i32 to vector<16xi32>
      %add3A_580 = arith.addi %add3A_578, %add3A_579 : vector<16xi32>
      %lt3A_581 = vector.broadcast %scan3A_299#1 : i32 to vector<16xi32>
      %lt3A_582 = arith.cmpi slt, %add3A_578, %lt3A_581 : vector<16xi32>
      %lt3A_583 = vector.broadcast %sub3A_292 : i32 to vector<16xi32>
      %lt3A_584 = arith.cmpi slt, %add3A_580, %lt3A_583 : vector<16xi32>
      %and3A_585 = arith.andi %lt3A_582, %lt3A_584 : vector<16xi1>
      %add3A_586 = vector.broadcast %add3A_290 : i32 to vector<16xi32>
      %add3A_587 = arith.addi %add3A_580, %add3A_586 : vector<16xi32>
      %add3A_588 = arith.constant 1024 : i32
      %add3A_589 = vector.broadcast %add3A_588 : i32 to vector<16xi32>
      %add3A_590 = arith.addi %add3A_589, %iota3A : vector<16xi32>
      %select_n3A_591 = arith.select %and3A_585, %add3A_587, %add3A_590 : vector<16xi1>, vector<16xi32>
      %swap3A_592 = arith.constant 0 : i32
      %swap3A_593 = arith.index_cast %swap3A_592 : i32 to index
      %swap3A_594 = arith.constant 80 : index
      %swap3A_595 = tpu.vector_load %arg14[%swap3A_593, %swap3A_594] {strides = array<i32>} : memref<1x128xi32, #tpu.memory_space<vmem>>, vector<16xi32>,
      tpu.vector_store %arg14[%swap3A_593, %swap3A_594], %select_n3A_591 {strides = array<i32>} : memref<1x128xi32, #tpu.memory_space<vmem>>, vector<16xi32>,
      %mul3A_596 = arith.constant 128 : i32
      %mul3A_597 = arith.muli %mul3A_596, %while3A_457 : i32
      %add3A_598 = arith.constant 96 : i32
      %add3A_599 = arith.addi %add3A_598, %mul3A_597 : i32
      %add3A_600 = vector.broadcast %add3A_599 : i32 to vector<16xi32>
      %add3A_601 = arith.addi %iota3A, %add3A_600 : vector<16xi32>
      %add3A_602 = vector.broadcast %reduce_sum3A_344 : i32 to vector<16xi32>
      %add3A_603 = arith.addi %add3A_601, %add3A_602 : vector<16xi32>
      %lt3A_604 = vector.broadcast %scan3A_299#1 : i32 to vector<16xi32>
      %lt3A_605 = arith.cmpi slt, %add3A_601, %lt3A_604 : vector<16xi32>
      %lt3A_606 = vector.broadcast %sub3A_292 : i32 to vector<16xi32>
      %lt3A_607 = arith.cmpi slt, %add3A_603, %lt3A_606 : vector<16xi32>
      %and3A_608 = arith.andi %lt3A_605, %lt3A_607 : vector<16xi1>
      %add3A_609 = vector.broadcast %add3A_290 : i32 to vector<16xi32>
      %add3A_610 = arith.addi %add3A_603, %add3A_609 : vector<16xi32>
      %add3A_611 = arith.constant 1024 : i32
      %add3A_612 = vector.broadcast %add3A_611 : i32 to vector<16xi32>
      %add3A_613 = arith.addi %add3A_612, %iota3A : vector<16xi32>
      %select_n3A_614 = arith.select %and3A_608, %add3A_610, %add3A_613 : vector<16xi1>, vector<16xi32>
      %swap3A_615 = arith.constant 0 : i32
      %swap3A_616 = arith.index_cast %swap3A_615 : i32 to index
      %swap3A_617 = arith.constant 96 : index
      %swap3A_618 = tpu.vector_load %arg14[%swap3A_616, %swap3A_617] {strides = array<i32>} : memref<1x128xi32, #tpu.memory_space<vmem>>, vector<16xi32>,
      tpu.vector_store %arg14[%swap3A_616, %swap3A_617], %select_n3A_614 {strides = array<i32>} : memref<1x128xi32, #tpu.memory_space<vmem>>, vector<16xi32>,
      %mul3A_619 = arith.constant 128 : i32
      %mul3A_620 = arith.muli %mul3A_619, %while3A_457 : i32
      %add3A_621 = arith.constant 112 : i32
      %add3A_622 = arith.addi %add3A_621, %mul3A_620 : i32
      %add3A_623 = vector.broadcast %add3A_622 : i32 to vector<16xi32>
      %add3A_624 = arith.addi %iota3A, %add3A_623 : vector<16xi32>
      %add3A_625 = vector.broadcast %reduce_sum3A_344 : i32 to vector<16xi32>
      %add3A_626 = arith.addi %add3A_624, %add3A_625 : vector<16xi32>
      %lt3A_627 = vector.broadcast %scan3A_299#1 : i32 to vector<16xi32>
      %lt3A_628 = arith.cmpi slt, %add3A_624, %lt3A_627 : vector<16xi32>
      %lt3A_629 = vector.broadcast %sub3A_292 : i32 to vector<16xi32>
      %lt3A_630 = arith.cmpi slt, %add3A_626, %lt3A_629 : vector<16xi32>
      %and3A_631 = arith.andi %lt3A_628, %lt3A_630 : vector<16xi1>
      %add3A_632 = vector.broadcast %add3A_290 : i32 to vector<16xi32>
      %add3A_633 = arith.addi %add3A_626, %add3A_632 : vector<16xi32>
      %add3A_634 = arith.constant 1024 : i32
      %add3A_635 = vector.broadcast %add3A_634 : i32 to vector<16xi32>
      %add3A_636 = arith.addi %add3A_635, %iota3A : vector<16xi32>
      %select_n3A_637 = arith.select %and3A_631, %add3A_633, %add3A_636 : vector<16xi1>, vector<16xi32>
      %swap3A_638 = arith.constant 0 : i32
      %swap3A_639 = arith.index_cast %swap3A_638 : i32 to index
      %swap3A_640 = arith.constant 112 : index
      %swap3A_641 = tpu.vector_load %arg14[%swap3A_639, %swap3A_640] {strides = array<i32>} : memref<1x128xi32, #tpu.memory_space<vmem>>, vector<16xi32>,
      tpu.vector_store %arg14[%swap3A_639, %swap3A_640], %select_n3A_637 {strides = array<i32>} : memref<1x128xi32, #tpu.memory_space<vmem>>, vector<16xi32>,
      %run_scoped3A = arith.constant 0 : i32
      "tpu.region"() ({
        %run_scoped3A_646 = tpu.sem_alloc : memref<!tpu.dma_semaphore, #tpu.memory_space<semaphore_mem>>
        %dma_start3A_647 = arith.constant 0 : i32
        %dma_start3A_648 = tpu.memref_slice %arg17[%dma_start3A_647] : memref<1024xi32, #tpu.memory_space<vmem>> -> memref<128xi32, #tpu.memory_space<vmem>>
        %dma_start3A_649 = arith.constant 0 : i32
        %dma_start3A_650 = tpu.memref_slice %arg14[%run_scoped3A, %dma_start3A_649] : memref<1x128xi32, #tpu.memory_space<vmem>> -> memref<1x128xi32, #tpu.memory_space<vmem>>
        %dma_start3A_651 = tpu.memref_squeeze %dma_start3A_650 : memref<1x128xi32, #tpu.memory_space<vmem>> -> memref<128xi32, #tpu.memory_space<vmem>>
        %dma_start3A_652 = arith.constant 0 : i32
        %dma_start3A_653 = tpu.memref_slice %arg28[%dma_start3A_652] : memref<1040xi32, #tpu.memory_space<vmem_shared>> -> memref<1040xi32, #tpu.memory_space<vmem_shared>>
        tpu.enqueue_indirect_dma source(%dma_start3A_648 : memref<128xi32, #tpu.memory_space<vmem>>) target(%dma_start3A_653 : memref<1040xi32, #tpu.memory_space<vmem_shared>>) offsets(%dma_start3A_651 : memref<128xi32, #tpu.memory_space<vmem>>) semaphore(%run_scoped3A_646 : memref<!tpu.dma_semaphore, #tpu.memory_space<semaphore_mem>>)
        %dma_wait3A_654 = arith.constant 0 : i32
        %dma_wait3A_655 = tpu.memref_slice %arg17[%dma_wait3A_654] : memref<1024xi32, #tpu.memory_space<vmem>> -> memref<128xi32, #tpu.memory_space<vmem>>
        %dma_wait3A_656 = arith.constant 0 : i32
        %dma_wait3A_657 = tpu.memref_slice %arg14[%run_scoped3A, %dma_wait3A_656] : memref<1x128xi32, #tpu.memory_space<vmem>> -> memref<1x128xi32, #tpu.memory_space<vmem>>
        %dma_wait3A_658 = tpu.memref_squeeze %dma_wait3A_657 : memref<1x128xi32, #tpu.memory_space<vmem>> -> memref<128xi32, #tpu.memory_space<vmem>>
        %dma_wait3A_659 = arith.constant 0 : i32
        %dma_wait3A_660 = tpu.memref_slice %arg28[%dma_wait3A_659] : memref<1040xi32, #tpu.memory_space<vmem_shared>> -> memref<1040xi32, #tpu.memory_space<vmem_shared>>
        tpu.wait_indirect_dma semaphore(%run_scoped3A_646 : memref<!tpu.dma_semaphore, #tpu.memory_space<semaphore_mem>>) src(%dma_wait3A_655 : memref<128xi32, #tpu.memory_space<vmem>>) dst(%dma_wait3A_660 : memref<1040xi32, #tpu.memory_space<vmem_shared>>)
        tpu.yield
      }) : () -> ()
      %mul3A_642 = arith.constant 128 : i32
      %mul3A_643 = arith.muli %mul3A_642, %while3A_457 : i32
      %run_scoped3A_644 = arith.constant 0 : i32
      "tpu.region"() ({
        %run_scoped3A_646 = tpu.sem_alloc : memref<!tpu.dma_semaphore, #tpu.memory_space<semaphore_mem>>
        %dma_start3A_647 = tpu.memref_slice %arg13[%mul3A_643] : memref<2064xi32, #tpu.memory_space<vmem>> -> memref<128xi32, #tpu.memory_space<vmem>>
        %dma_start3A_648 = arith.constant 0 : i32
        %dma_start3A_649 = tpu.memref_slice %arg14[%run_scoped3A_644, %dma_start3A_648] : memref<1x128xi32, #tpu.memory_space<vmem>> -> memref<1x128xi32, #tpu.memory_space<vmem>>
        %dma_start3A_650 = tpu.memref_squeeze %dma_start3A_649 : memref<1x128xi32, #tpu.memory_space<vmem>> -> memref<128xi32, #tpu.memory_space<vmem>>
        %dma_start3A_651 = arith.constant 0 : i32
        %dma_start3A_652 = tpu.memref_slice %arg29[%dma_start3A_651] : memref<1040xi32, #tpu.memory_space<vmem_shared>> -> memref<1040xi32, #tpu.memory_space<vmem_shared>>
        tpu.enqueue_indirect_dma source(%dma_start3A_647 : memref<128xi32, #tpu.memory_space<vmem>>) target(%dma_start3A_652 : memref<1040xi32, #tpu.memory_space<vmem_shared>>) offsets(%dma_start3A_650 : memref<128xi32, #tpu.memory_space<vmem>>) semaphore(%run_scoped3A_646 : memref<!tpu.dma_semaphore, #tpu.memory_space<semaphore_mem>>)
        %dma_wait3A_653 = tpu.memref_slice %arg13[%mul3A_643] : memref<2064xi32, #tpu.memory_space<vmem>> -> memref<128xi32, #tpu.memory_space<vmem>>
        %dma_wait3A_654 = arith.constant 0 : i32
        %dma_wait3A_655 = tpu.memref_slice %arg14[%run_scoped3A_644, %dma_wait3A_654] : memref<1x128xi32, #tpu.memory_space<vmem>> -> memref<1x128xi32, #tpu.memory_space<vmem>>
        %dma_wait3A_656 = tpu.memref_squeeze %dma_wait3A_655 : memref<1x128xi32, #tpu.memory_space<vmem>> -> memref<128xi32, #tpu.memory_space<vmem>>
        %dma_wait3A_657 = arith.constant 0 : i32
        %dma_wait3A_658 = tpu.memref_slice %arg29[%dma_wait3A_657] : memref<1040xi32, #tpu.memory_space<vmem_shared>> -> memref<1040xi32, #tpu.memory_space<vmem_shared>>
        tpu.wait_indirect_dma semaphore(%run_scoped3A_646 : memref<!tpu.dma_semaphore, #tpu.memory_space<semaphore_mem>>) src(%dma_wait3A_653 : memref<128xi32, #tpu.memory_space<vmem>>) dst(%dma_wait3A_658 : memref<1040xi32, #tpu.memory_space<vmem_shared>>)
        tpu.yield
      }) : () -> ()
      %while3A_645 = arith.constant 0 : i32
      scf.yield %while3A_645 : i32
    }
    %while3A_439 = arith.constant 1 : i32
    %while3A_440 = scf.for %while3A_457 = %while3A_436 to %while3A_432 step %while3A_439 iter_args(%while3A_458 = %while3A_438) -> (i32)  : i32 {
      %mul3A_459 = arith.constant 128 : i32
      %mul3A_460 = arith.muli %mul3A_459, %while3A_457 : i32
      %add3A_461 = arith.constant 0 : i32
      %add3A_462 = arith.addi %add3A_461, %mul3A_460 : i32
      %add3A_463 = vector.broadcast %add3A_462 : i32 to vector<16xi32>
      %add3A_464 = arith.addi %iota3A, %add3A_463 : vector<16xi32>
      %add3A_465 = vector.broadcast %reduce_sum3A_344 : i32 to vector<16xi32>
      %add3A_466 = arith.addi %add3A_464, %add3A_465 : vector<16xi32>
      %lt3A = vector.broadcast %scan3A_299#1 : i32 to vector<16xi32>
      %lt3A_467 = arith.cmpi slt, %add3A_464, %lt3A : vector<16xi32>
      %lt3A_468 = vector.broadcast %sub3A_292 : i32 to vector<16xi32>
      %lt3A_469 = arith.cmpi slt, %add3A_466, %lt3A_468 : vector<16xi32>
      %and3A_470 = arith.andi %lt3A_467, %lt3A_469 : vector<16xi1>
      %add3A_471 = vector.broadcast %add3A_290 : i32 to vector<16xi32>
      %add3A_472 = arith.addi %add3A_466, %add3A_471 : vector<16xi32>
      %add3A_473 = arith.constant 1024 : i32
      %add3A_474 = vector.broadcast %add3A_473 : i32 to vector<16xi32>
      %add3A_475 = arith.addi %add3A_474, %iota3A : vector<16xi32>
      %select_n3A_476 = arith.select %and3A_470, %add3A_472, %add3A_475 : vector<16xi1>, vector<16xi32>
      %swap3A_477 = arith.constant 0 : i32
      %swap3A_478 = arith.index_cast %swap3A_477 : i32 to index
      %swap3A_479 = arith.constant 0 : index
      %swap3A_480 = tpu.vector_load %arg14[%swap3A_478, %swap3A_479] {strides = array<i32>} : memref<1x128xi32, #tpu.memory_space<vmem>>, vector<16xi32>,
      tpu.vector_store %arg14[%swap3A_478, %swap3A_479], %select_n3A_476 {strides = array<i32>} : memref<1x128xi32, #tpu.memory_space<vmem>>, vector<16xi32>,
      %mul3A_481 = arith.constant 128 : i32
      %mul3A_482 = arith.muli %mul3A_481, %while3A_457 : i32
      %add3A_483 = arith.constant 16 : i32
      %add3A_484 = arith.addi %add3A_483, %mul3A_482 : i32
      %add3A_485 = vector.broadcast %add3A_484 : i32 to vector<16xi32>
      %add3A_486 = arith.addi %iota3A, %add3A_485 : vector<16xi32>
      %add3A_487 = vector.broadcast %reduce_sum3A_344 : i32 to vector<16xi32>
      %add3A_488 = arith.addi %add3A_486, %add3A_487 : vector<16xi32>
      %lt3A_489 = vector.broadcast %scan3A_299#1 : i32 to vector<16xi32>
      %lt3A_490 = arith.cmpi slt, %add3A_486, %lt3A_489 : vector<16xi32>
      %lt3A_491 = vector.broadcast %sub3A_292 : i32 to vector<16xi32>
      %lt3A_492 = arith.cmpi slt, %add3A_488, %lt3A_491 : vector<16xi32>
      %and3A_493 = arith.andi %lt3A_490, %lt3A_492 : vector<16xi1>
      %add3A_494 = vector.broadcast %add3A_290 : i32 to vector<16xi32>
      %add3A_495 = arith.addi %add3A_488, %add3A_494 : vector<16xi32>
      %add3A_496 = arith.constant 1024 : i32
      %add3A_497 = vector.broadcast %add3A_496 : i32 to vector<16xi32>
      %add3A_498 = arith.addi %add3A_497, %iota3A : vector<16xi32>
      %select_n3A_499 = arith.select %and3A_493, %add3A_495, %add3A_498 : vector<16xi1>, vector<16xi32>
      %swap3A_500 = arith.constant 0 : i32
      %swap3A_501 = arith.index_cast %swap3A_500 : i32 to index
      %swap3A_502 = arith.constant 16 : index
      %swap3A_503 = tpu.vector_load %arg14[%swap3A_501, %swap3A_502] {strides = array<i32>} : memref<1x128xi32, #tpu.memory_space<vmem>>, vector<16xi32>,
      tpu.vector_store %arg14[%swap3A_501, %swap3A_502], %select_n3A_499 {strides = array<i32>} : memref<1x128xi32, #tpu.memory_space<vmem>>, vector<16xi32>,
      %mul3A_504 = arith.constant 128 : i32
      %mul3A_505 = arith.muli %mul3A_504, %while3A_457 : i32
      %add3A_506 = arith.constant 32 : i32
      %add3A_507 = arith.addi %add3A_506, %mul3A_505 : i32
      %add3A_508 = vector.broadcast %add3A_507 : i32 to vector<16xi32>
      %add3A_509 = arith.addi %iota3A, %add3A_508 : vector<16xi32>
      %add3A_510 = vector.broadcast %reduce_sum3A_344 : i32 to vector<16xi32>
      %add3A_511 = arith.addi %add3A_509, %add3A_510 : vector<16xi32>
      %lt3A_512 = vector.broadcast %scan3A_299#1 : i32 to vector<16xi32>
      %lt3A_513 = arith.cmpi slt, %add3A_509, %lt3A_512 : vector<16xi32>
      %lt3A_514 = vector.broadcast %sub3A_292 : i32 to vector<16xi32>
      %lt3A_515 = arith.cmpi slt, %add3A_511, %lt3A_514 : vector<16xi32>
      %and3A_516 = arith.andi %lt3A_513, %lt3A_515 : vector<16xi1>
      %add3A_517 = vector.broadcast %add3A_290 : i32 to vector<16xi32>
      %add3A_518 = arith.addi %add3A_511, %add3A_517 : vector<16xi32>
      %add3A_519 = arith.constant 1024 : i32
      %add3A_520 = vector.broadcast %add3A_519 : i32 to vector<16xi32>
      %add3A_521 = arith.addi %add3A_520, %iota3A : vector<16xi32>
      %select_n3A_522 = arith.select %and3A_516, %add3A_518, %add3A_521 : vector<16xi1>, vector<16xi32>
      %swap3A_523 = arith.constant 0 : i32
      %swap3A_524 = arith.index_cast %swap3A_523 : i32 to index
      %swap3A_525 = arith.constant 32 : index
      %swap3A_526 = tpu.vector_load %arg14[%swap3A_524, %swap3A_525] {strides = array<i32>} : memref<1x128xi32, #tpu.memory_space<vmem>>, vector<16xi32>,
      tpu.vector_store %arg14[%swap3A_524, %swap3A_525], %select_n3A_522 {strides = array<i32>} : memref<1x128xi32, #tpu.memory_space<vmem>>, vector<16xi32>,
      %mul3A_527 = arith.constant 128 : i32
      %mul3A_528 = arith.muli %mul3A_527, %while3A_457 : i32
      %add3A_529 = arith.constant 48 : i32
      %add3A_530 = arith.addi %add3A_529, %mul3A_528 : i32
      %add3A_531 = vector.broadcast %add3A_530 : i32 to vector<16xi32>
      %add3A_532 = arith.addi %iota3A, %add3A_531 : vector<16xi32>
      %add3A_533 = vector.broadcast %reduce_sum3A_344 : i32 to vector<16xi32>
      %add3A_534 = arith.addi %add3A_532, %add3A_533 : vector<16xi32>
      %lt3A_535 = vector.broadcast %scan3A_299#1 : i32 to vector<16xi32>
      %lt3A_536 = arith.cmpi slt, %add3A_532, %lt3A_535 : vector<16xi32>
      %lt3A_537 = vector.broadcast %sub3A_292 : i32 to vector<16xi32>
      %lt3A_538 = arith.cmpi slt, %add3A_534, %lt3A_537 : vector<16xi32>
      %and3A_539 = arith.andi %lt3A_536, %lt3A_538 : vector<16xi1>
      %add3A_540 = vector.broadcast %add3A_290 : i32 to vector<16xi32>
      %add3A_541 = arith.addi %add3A_534, %add3A_540 : vector<16xi32>
      %add3A_542 = arith.constant 1024 : i32
      %add3A_543 = vector.broadcast %add3A_542 : i32 to vector<16xi32>
      %add3A_544 = arith.addi %add3A_543, %iota3A : vector<16xi32>
      %select_n3A_545 = arith.select %and3A_539, %add3A_541, %add3A_544 : vector<16xi1>, vector<16xi32>
      %swap3A_546 = arith.constant 0 : i32
      %swap3A_547 = arith.index_cast %swap3A_546 : i32 to index
      %swap3A_548 = arith.constant 48 : index
      %swap3A_549 = tpu.vector_load %arg14[%swap3A_547, %swap3A_548] {strides = array<i32>} : memref<1x128xi32, #tpu.memory_space<vmem>>, vector<16xi32>,
      tpu.vector_store %arg14[%swap3A_547, %swap3A_548], %select_n3A_545 {strides = array<i32>} : memref<1x128xi32, #tpu.memory_space<vmem>>, vector<16xi32>,
      %mul3A_550 = arith.constant 128 : i32
      %mul3A_551 = arith.muli %mul3A_550, %while3A_457 : i32
      %add3A_552 = arith.constant 64 : i32
      %add3A_553 = arith.addi %add3A_552, %mul3A_551 : i32
      %add3A_554 = vector.broadcast %add3A_553 : i32 to vector<16xi32>
      %add3A_555 = arith.addi %iota3A, %add3A_554 : vector<16xi32>
      %add3A_556 = vector.broadcast %reduce_sum3A_344 : i32 to vector<16xi32>
      %add3A_557 = arith.addi %add3A_555, %add3A_556 : vector<16xi32>
      %lt3A_558 = vector.broadcast %scan3A_299#1 : i32 to vector<16xi32>
      %lt3A_559 = arith.cmpi slt, %add3A_555, %lt3A_558 : vector<16xi32>
      %lt3A_560 = vector.broadcast %sub3A_292 : i32 to vector<16xi32>
      %lt3A_561 = arith.cmpi slt, %add3A_557, %lt3A_560 : vector<16xi32>
      %and3A_562 = arith.andi %lt3A_559, %lt3A_561 : vector<16xi1>
      %add3A_563 = vector.broadcast %add3A_290 : i32 to vector<16xi32>
      %add3A_564 = arith.addi %add3A_557, %add3A_563 : vector<16xi32>
      %add3A_565 = arith.constant 1024 : i32
      %add3A_566 = vector.broadcast %add3A_565 : i32 to vector<16xi32>
      %add3A_567 = arith.addi %add3A_566, %iota3A : vector<16xi32>
      %select_n3A_568 = arith.select %and3A_562, %add3A_564, %add3A_567 : vector<16xi1>, vector<16xi32>
      %swap3A_569 = arith.constant 0 : i32
      %swap3A_570 = arith.index_cast %swap3A_569 : i32 to index
      %swap3A_571 = arith.constant 64 : index
      %swap3A_572 = tpu.vector_load %arg14[%swap3A_570, %swap3A_571] {strides = array<i32>} : memref<1x128xi32, #tpu.memory_space<vmem>>, vector<16xi32>,
      tpu.vector_store %arg14[%swap3A_570, %swap3A_571], %select_n3A_568 {strides = array<i32>} : memref<1x128xi32, #tpu.memory_space<vmem>>, vector<16xi32>,
      %mul3A_573 = arith.constant 128 : i32
      %mul3A_574 = arith.muli %mul3A_573, %while3A_457 : i32
      %add3A_575 = arith.constant 80 : i32
      %add3A_576 = arith.addi %add3A_575, %mul3A_574 : i32
      %add3A_577 = vector.broadcast %add3A_576 : i32 to vector<16xi32>
      %add3A_578 = arith.addi %iota3A, %add3A_577 : vector<16xi32>
      %add3A_579 = vector.broadcast %reduce_sum3A_344 : i32 to vector<16xi32>
      %add3A_580 = arith.addi %add3A_578, %add3A_579 : vector<16xi32>
      %lt3A_581 = vector.broadcast %scan3A_299#1 : i32 to vector<16xi32>
      %lt3A_582 = arith.cmpi slt, %add3A_578, %lt3A_581 : vector<16xi32>
      %lt3A_583 = vector.broadcast %sub3A_292 : i32 to vector<16xi32>
      %lt3A_584 = arith.cmpi slt, %add3A_580, %lt3A_583 : vector<16xi32>
      %and3A_585 = arith.andi %lt3A_582, %lt3A_584 : vector<16xi1>
      %add3A_586 = vector.broadcast %add3A_290 : i32 to vector<16xi32>
      %add3A_587 = arith.addi %add3A_580, %add3A_586 : vector<16xi32>
      %add3A_588 = arith.constant 1024 : i32
      %add3A_589 = vector.broadcast %add3A_588 : i32 to vector<16xi32>
      %add3A_590 = arith.addi %add3A_589, %iota3A : vector<16xi32>
      %select_n3A_591 = arith.select %and3A_585, %add3A_587, %add3A_590 : vector<16xi1>, vector<16xi32>
      %swap3A_592 = arith.constant 0 : i32
      %swap3A_593 = arith.index_cast %swap3A_592 : i32 to index
      %swap3A_594 = arith.constant 80 : index
      %swap3A_595 = tpu.vector_load %arg14[%swap3A_593, %swap3A_594] {strides = array<i32>} : memref<1x128xi32, #tpu.memory_space<vmem>>, vector<16xi32>,
      tpu.vector_store %arg14[%swap3A_593, %swap3A_594], %select_n3A_591 {strides = array<i32>} : memref<1x128xi32, #tpu.memory_space<vmem>>, vector<16xi32>,
      %mul3A_596 = arith.constant 128 : i32
      %mul3A_597 = arith.muli %mul3A_596, %while3A_457 : i32
      %add3A_598 = arith.constant 96 : i32
      %add3A_599 = arith.addi %add3A_598, %mul3A_597 : i32
      %add3A_600 = vector.broadcast %add3A_599 : i32 to vector<16xi32>
      %add3A_601 = arith.addi %iota3A, %add3A_600 : vector<16xi32>
      %add3A_602 = vector.broadcast %reduce_sum3A_344 : i32 to vector<16xi32>
      %add3A_603 = arith.addi %add3A_601, %add3A_602 : vector<16xi32>
      %lt3A_604 = vector.broadcast %scan3A_299#1 : i32 to vector<16xi32>
      %lt3A_605 = arith.cmpi slt, %add3A_601, %lt3A_604 : vector<16xi32>
      %lt3A_606 = vector.broadcast %sub3A_292 : i32 to vector<16xi32>
      %lt3A_607 = arith.cmpi slt, %add3A_603, %lt3A_606 : vector<16xi32>
      %and3A_608 = arith.andi %lt3A_605, %lt3A_607 : vector<16xi1>
      %add3A_609 = vector.broadcast %add3A_290 : i32 to vector<16xi32>
      %add3A_610 = arith.addi %add3A_603, %add3A_609 : vector<16xi32>
      %add3A_611 = arith.constant 1024 : i32
      %add3A_612 = vector.broadcast %add3A_611 : i32 to vector<16xi32>
      %add3A_613 = arith.addi %add3A_612, %iota3A : vector<16xi32>
      %select_n3A_614 = arith.select %and3A_608, %add3A_610, %add3A_613 : vector<16xi1>, vector<16xi32>
      %swap3A_615 = arith.constant 0 : i32
      %swap3A_616 = arith.index_cast %swap3A_615 : i32 to index
      %swap3A_617 = arith.constant 96 : index
      %swap3A_618 = tpu.vector_load %arg14[%swap3A_616, %swap3A_617] {strides = array<i32>} : memref<1x128xi32, #tpu.memory_space<vmem>>, vector<16xi32>,
      tpu.vector_store %arg14[%swap3A_616, %swap3A_617], %select_n3A_614 {strides = array<i32>} : memref<1x128xi32, #tpu.memory_space<vmem>>, vector<16xi32>,
      %mul3A_619 = arith.constant 128 : i32
      %mul3A_620 = arith.muli %mul3A_619, %while3A_457 : i32
      %add3A_621 = arith.constant 112 : i32
      %add3A_622 = arith.addi %add3A_621, %mul3A_620 : i32
      %add3A_623 = vector.broadcast %add3A_622 : i32 to vector<16xi32>
      %add3A_624 = arith.addi %iota3A, %add3A_623 : vector<16xi32>
      %add3A_625 = vector.broadcast %reduce_sum3A_344 : i32 to vector<16xi32>
      %add3A_626 = arith.addi %add3A_624, %add3A_625 : vector<16xi32>
      %lt3A_627 = vector.broadcast %scan3A_299#1 : i32 to vector<16xi32>
      %lt3A_628 = arith.cmpi slt, %add3A_624, %lt3A_627 : vector<16xi32>
      %lt3A_629 = vector.broadcast %sub3A_292 : i32 to vector<16xi32>
      %lt3A_630 = arith.cmpi slt, %add3A_626, %lt3A_629 : vector<16xi32>
      %and3A_631 = arith.andi %lt3A_628, %lt3A_630 : vector<16xi1>
      %add3A_632 = vector.broadcast %add3A_290 : i32 to vector<16xi32>
      %add3A_633 = arith.addi %add3A_626, %add3A_632 : vector<16xi32>
      %add3A_634 = arith.constant 1024 : i32
      %add3A_635 = vector.broadcast %add3A_634 : i32 to vector<16xi32>
      %add3A_636 = arith.addi %add3A_635, %iota3A : vector<16xi32>
      %select_n3A_637 = arith.select %and3A_631, %add3A_633, %add3A_636 : vector<16xi1>, vector<16xi32>
      %swap3A_638 = arith.constant 0 : i32
      %swap3A_639 = arith.index_cast %swap3A_638 : i32 to index
      %swap3A_640 = arith.constant 112 : index
      %swap3A_641 = tpu.vector_load %arg14[%swap3A_639, %swap3A_640] {strides = array<i32>} : memref<1x128xi32, #tpu.memory_space<vmem>>, vector<16xi32>,
      tpu.vector_store %arg14[%swap3A_639, %swap3A_640], %select_n3A_637 {strides = array<i32>} : memref<1x128xi32, #tpu.memory_space<vmem>>, vector<16xi32>,
      %run_scoped3A = arith.constant 0 : i32
      "tpu.region"() ({
        %run_scoped3A_646 = tpu.sem_alloc : memref<!tpu.dma_semaphore, #tpu.memory_space<semaphore_mem>>
        %dma_start3A_647 = arith.constant 0 : i32
        %dma_start3A_648 = tpu.memref_slice %arg17[%dma_start3A_647] : memref<1024xi32, #tpu.memory_space<vmem>> -> memref<128xi32, #tpu.memory_space<vmem>>
        %dma_start3A_649 = arith.constant 0 : i32
        %dma_start3A_650 = tpu.memref_slice %arg14[%run_scoped3A, %dma_start3A_649] : memref<1x128xi32, #tpu.memory_space<vmem>> -> memref<1x128xi32, #tpu.memory_space<vmem>>
        %dma_start3A_651 = tpu.memref_squeeze %dma_start3A_650 : memref<1x128xi32, #tpu.memory_space<vmem>> -> memref<128xi32, #tpu.memory_space<vmem>>
        %dma_start3A_652 = arith.constant 0 : i32
        %dma_start3A_653 = tpu.memref_slice %arg28[%dma_start3A_652] : memref<1040xi32, #tpu.memory_space<vmem_shared>> -> memref<1040xi32, #tpu.memory_space<vmem_shared>>
        tpu.enqueue_indirect_dma source(%dma_start3A_648 : memref<128xi32, #tpu.memory_space<vmem>>) target(%dma_start3A_653 : memref<1040xi32, #tpu.memory_space<vmem_shared>>) offsets(%dma_start3A_651 : memref<128xi32, #tpu.memory_space<vmem>>) semaphore(%run_scoped3A_646 : memref<!tpu.dma_semaphore, #tpu.memory_space<semaphore_mem>>)
        %dma_wait3A_654 = arith.constant 0 : i32
        %dma_wait3A_655 = tpu.memref_slice %arg17[%dma_wait3A_654] : memref<1024xi32, #tpu.memory_space<vmem>> -> memref<128xi32, #tpu.memory_space<vmem>>
        %dma_wait3A_656 = arith.constant 0 : i32
        %dma_wait3A_657 = tpu.memref_slice %arg14[%run_scoped3A, %dma_wait3A_656] : memref<1x128xi32, #tpu.memory_space<vmem>> -> memref<1x128xi32, #tpu.memory_space<vmem>>
        %dma_wait3A_658 = tpu.memref_squeeze %dma_wait3A_657 : memref<1x128xi32, #tpu.memory_space<vmem>> -> memref<128xi32, #tpu.memory_space<vmem>>
        %dma_wait3A_659 = arith.constant 0 : i32
        %dma_wait3A_660 = tpu.memref_slice %arg28[%dma_wait3A_659] : memref<1040xi32, #tpu.memory_space<vmem_shared>> -> memref<1040xi32, #tpu.memory_space<vmem_shared>>
        tpu.wait_indirect_dma semaphore(%run_scoped3A_646 : memref<!tpu.dma_semaphore, #tpu.memory_space<semaphore_mem>>) src(%dma_wait3A_655 : memref<128xi32, #tpu.memory_space<vmem>>) dst(%dma_wait3A_660 : memref<1040xi32, #tpu.memory_space<vmem_shared>>)
        tpu.yield
      }) : () -> ()
      %mul3A_642 = arith.constant 128 : i32
      %mul3A_643 = arith.muli %mul3A_642, %while3A_457 : i32
      %run_scoped3A_644 = arith.constant 0 : i32
      "tpu.region"() ({
        %run_scoped3A_646 = tpu.sem_alloc : memref<!tpu.dma_semaphore, #tpu.memory_space<semaphore_mem>>
        %dma_start3A_647 = tpu.memref_slice %arg13[%mul3A_643] : memref<2064xi32, #tpu.memory_space<vmem>> -> memref<128xi32, #tpu.memory_space<vmem>>
        %dma_start3A_648 = arith.constant 0 : i32
        %dma_start3A_649 = tpu.memref_slice %arg14[%run_scoped3A_644, %dma_start3A_648] : memref<1x128xi32, #tpu.memory_space<vmem>> -> memref<1x128xi32, #tpu.memory_space<vmem>>
        %dma_start3A_650 = tpu.memref_squeeze %dma_start3A_649 : memref<1x128xi32, #tpu.memory_space<vmem>> -> memref<128xi32, #tpu.memory_space<vmem>>
        %dma_start3A_651 = arith.constant 0 : i32
        %dma_start3A_652 = tpu.memref_slice %arg29[%dma_start3A_651] : memref<1040xi32, #tpu.memory_space<vmem_shared>> -> memref<1040xi32, #tpu.memory_space<vmem_shared>>
        tpu.enqueue_indirect_dma source(%dma_start3A_647 : memref<128xi32, #tpu.memory_space<vmem>>) target(%dma_start3A_652 : memref<1040xi32, #tpu.memory_space<vmem_shared>>) offsets(%dma_start3A_650 : memref<128xi32, #tpu.memory_space<vmem>>) semaphore(%run_scoped3A_646 : memref<!tpu.dma_semaphore, #tpu.memory_space<semaphore_mem>>)
        %dma_wait3A_653 = tpu.memref_slice %arg13[%mul3A_643] : memref<2064xi32, #tpu.memory_space<vmem>> -> memref<128xi32, #tpu.memory_space<vmem>>
        %dma_wait3A_654 = arith.constant 0 : i32
        %dma_wait3A_655 = tpu.memref_slice %arg14[%run_scoped3A_644, %dma_wait3A_654] : memref<1x128xi32, #tpu.memory_space<vmem>> -> memref<1x128xi32, #tpu.memory_space<vmem>>
        %dma_wait3A_656 = tpu.memref_squeeze %dma_wait3A_655 : memref<1x128xi32, #tpu.memory_space<vmem>> -> memref<128xi32, #tpu.memory_space<vmem>>
        %dma_wait3A_657 = arith.constant 0 : i32
        %dma_wait3A_658 = tpu.memref_slice %arg29[%dma_wait3A_657] : memref<1040xi32, #tpu.memory_space<vmem_shared>> -> memref<1040xi32, #tpu.memory_space<vmem_shared>>
        tpu.wait_indirect_dma semaphore(%run_scoped3A_646 : memref<!tpu.dma_semaphore, #tpu.memory_space<semaphore_mem>>) src(%dma_wait3A_653 : memref<128xi32, #tpu.memory_space<vmem>>) dst(%dma_wait3A_658 : memref<1040xi32, #tpu.memory_space<vmem_shared>>)
        tpu.yield
      }) : () -> ()
      %while3A_645 = arith.constant 0 : i32
      scf.yield %while3A_645 : i32
    }
    %barrier3A_441 = arith.constant 0 : index
    tpu.barrier barrier_id(%barrier3A_441)
    %eq3A_442 = arith.constant 0 : i32
    %eq3A_443 = arith.cmpi eq, %arg1, %eq3A_442 : i32
    %convert_element_type3A_444 = arith.extui %eq3A_443 : i1 to i32
    %cond3A_445 = arith.constant 0 : i32
    %cond3A_446 = arith.cmpi ne, %convert_element_type3A_444, %cond3A_445 : i32
    scf.if %cond3A_446 {
      "tpu.region"() ({
        %run_scoped3A = tpu.sem_alloc : memref<!tpu.dma_semaphore, #tpu.memory_space<semaphore_mem>>
        %dma_start3A_541 = arith.constant 0 : i32
        %dma_start3A_542 = tpu.memref_slice %arg28[%dma_start3A_541] : memref<1040xi32, #tpu.memory_space<vmem_shared>> -> memref<1024xi32, #tpu.memory_space<vmem_shared>>
        %dma_start3A_543 = arith.constant 0 : i32
        %dma_start3A_544 = tpu.memref_slice %arg28[%dma_start3A_543] : memref<1040xi32, #tpu.memory_space<vmem_shared>> -> memref<1024xi32, #tpu.memory_space<vmem_shared>>
        tpu.enqueue_dma source(%dma_start3A_544 : memref<1024xi32, #tpu.memory_space<vmem_shared>>) target(%arg17 : memref<1024xi32, #tpu.memory_space<vmem>>) target_semaphore(%run_scoped3A : memref<!tpu.dma_semaphore, #tpu.memory_space<semaphore_mem>>)
        %dma_wait3A_545 = arith.constant 0 : i32
        %dma_wait3A_546 = tpu.memref_slice %arg28[%dma_wait3A_545] : memref<1040xi32, #tpu.memory_space<vmem_shared>> -> memref<1024xi32, #tpu.memory_space<vmem_shared>>
        %dma_wait3A_547 = arith.constant 0 : i32
        %dma_wait3A_548 = tpu.memref_slice %arg28[%dma_wait3A_547] : memref<1040xi32, #tpu.memory_space<vmem_shared>> -> memref<1024xi32, #tpu.memory_space<vmem_shared>>
        tpu.wait_dma2 semaphore(%run_scoped3A : memref<!tpu.dma_semaphore, #tpu.memory_space<semaphore_mem>>) src(%dma_wait3A_548 : memref<1024xi32, #tpu.memory_space<vmem_shared>>) dst(%arg17 : memref<1024xi32, #tpu.memory_space<vmem>>)
        tpu.yield
      }) : () -> ()
      "tpu.region"() ({
        %run_scoped3A = tpu.sem_alloc : memref<!tpu.dma_semaphore, #tpu.memory_space<semaphore_mem>>
        %dma_start3A_541 = arith.constant 0 : i32
        %dma_start3A_542 = tpu.memref_slice %arg29[%dma_start3A_541] : memref<1040xi32, #tpu.memory_space<vmem_shared>> -> memref<1024xi32, #tpu.memory_space<vmem_shared>>
        %dma_start3A_543 = arith.constant 0 : i32
        %dma_start3A_544 = tpu.memref_slice %arg29[%dma_start3A_543] : memref<1040xi32, #tpu.memory_space<vmem_shared>> -> memref<1024xi32, #tpu.memory_space<vmem_shared>>
        tpu.enqueue_dma source(%dma_start3A_544 : memref<1024xi32, #tpu.memory_space<vmem_shared>>) target(%arg18 : memref<1024xi32, #tpu.memory_space<vmem>>) target_semaphore(%run_scoped3A : memref<!tpu.dma_semaphore, #tpu.memory_space<semaphore_mem>>)
        %dma_wait3A_545 = arith.constant 0 : i32
        %dma_wait3A_546 = tpu.memref_slice %arg29[%dma_wait3A_545] : memref<1040xi32, #tpu.memory_space<vmem_shared>> -> memref<1024xi32, #tpu.memory_space<vmem_shared>>
        %dma_wait3A_547 = arith.constant 0 : i32
        %dma_wait3A_548 = tpu.memref_slice %arg29[%dma_wait3A_547] : memref<1040xi32, #tpu.memory_space<vmem_shared>> -> memref<1024xi32, #tpu.memory_space<vmem_shared>>
        tpu.wait_dma2 semaphore(%run_scoped3A : memref<!tpu.dma_semaphore, #tpu.memory_space<semaphore_mem>>) src(%dma_wait3A_548 : memref<1024xi32, #tpu.memory_space<vmem_shared>>) dst(%arg18 : memref<1024xi32, #tpu.memory_space<vmem>>)
        tpu.yield
      }) : () -> ()
      %scan3A_457 = arith.constant 0 : i32
      %scan3A_458 = arith.constant 0 : i32
      %scan3A_459 = arith.constant 16 : i32
      %scan3A_460 = arith.addi %scan3A_458, %scan3A_459 : i32
      %scan3A_461 = arith.constant 1 : i32
      %scan3A_462 = scf.for %scan3A_541 = %scan3A_458 to %scan3A_460 step %scan3A_461 iter_args(%scan3A_542 = %scan3A_457) -> (i32)  : i32 {
        %mul3A_543 = arith.constant 128 : i32
        %mul3A_544 = arith.muli %mul3A_543, %scan3A_541 : i32
        %add3A_545 = arith.constant 0 : i32
        %add3A_546 = arith.addi %mul3A_544, %add3A_545 : i32
        %swap3A_547 = arith.index_cast %add3A_546 : i32 to index
        %swap3A_548 = tpu.vector_load %arg9[%swap3A_547] {strides = array<i32>} : memref<2048xi32, #tpu.memory_space<vmem>>, vector<16xi32>,
        tpu.vector_store %arg9[%swap3A_547], %broadcast_in_dim3A_0 {strides = array<i32>} : memref<2048xi32, #tpu.memory_space<vmem>>, vector<16xi32>,
        %mul3A_549 = arith.constant 128 : i32
        %mul3A_550 = arith.muli %mul3A_549, %scan3A_541 : i32
        %add3A_551 = arith.constant 16 : i32
        %add3A_552 = arith.addi %mul3A_550, %add3A_551 : i32
        %swap3A_553 = arith.index_cast %add3A_552 : i32 to index
        %swap3A_554 = tpu.vector_load %arg9[%swap3A_553] {strides = array<i32>} : memref<2048xi32, #tpu.memory_space<vmem>>, vector<16xi32>,
        tpu.vector_store %arg9[%swap3A_553], %broadcast_in_dim3A_0 {strides = array<i32>} : memref<2048xi32, #tpu.memory_space<vmem>>, vector<16xi32>,
        %mul3A_555 = arith.constant 128 : i32
        %mul3A_556 = arith.muli %mul3A_555, %scan3A_541 : i32
        %add3A_557 = arith.constant 32 : i32
        %add3A_558 = arith.addi %mul3A_556, %add3A_557 : i32
        %swap3A_559 = arith.index_cast %add3A_558 : i32 to index
        %swap3A_560 = tpu.vector_load %arg9[%swap3A_559] {strides = array<i32>} : memref<2048xi32, #tpu.memory_space<vmem>>, vector<16xi32>,
        tpu.vector_store %arg9[%swap3A_559], %broadcast_in_dim3A_0 {strides = array<i32>} : memref<2048xi32, #tpu.memory_space<vmem>>, vector<16xi32>,
        %mul3A_561 = arith.constant 128 : i32
        %mul3A_562 = arith.muli %mul3A_561, %scan3A_541 : i32
        %add3A_563 = arith.constant 48 : i32
        %add3A_564 = arith.addi %mul3A_562, %add3A_563 : i32
        %swap3A_565 = arith.index_cast %add3A_564 : i32 to index
        %swap3A_566 = tpu.vector_load %arg9[%swap3A_565] {strides = array<i32>} : memref<2048xi32, #tpu.memory_space<vmem>>, vector<16xi32>,
        tpu.vector_store %arg9[%swap3A_565], %broadcast_in_dim3A_0 {strides = array<i32>} : memref<2048xi32, #tpu.memory_space<vmem>>, vector<16xi32>,
        %mul3A_567 = arith.constant 128 : i32
        %mul3A_568 = arith.muli %mul3A_567, %scan3A_541 : i32
        %add3A_569 = arith.constant 64 : i32
        %add3A_570 = arith.addi %mul3A_568, %add3A_569 : i32
        %swap3A_571 = arith.index_cast %add3A_570 : i32 to index
        %swap3A_572 = tpu.vector_load %arg9[%swap3A_571] {strides = array<i32>} : memref<2048xi32, #tpu.memory_space<vmem>>, vector<16xi32>,
        tpu.vector_store %arg9[%swap3A_571], %broadcast_in_dim3A_0 {strides = array<i32>} : memref<2048xi32, #tpu.memory_space<vmem>>, vector<16xi32>,
        %mul3A_573 = arith.constant 128 : i32
        %mul3A_574 = arith.muli %mul3A_573, %scan3A_541 : i32
        %add3A_575 = arith.constant 80 : i32
        %add3A_576 = arith.addi %mul3A_574, %add3A_575 : i32
        %swap3A_577 = arith.index_cast %add3A_576 : i32 to index
        %swap3A_578 = tpu.vector_load %arg9[%swap3A_577] {strides = array<i32>} : memref<2048xi32, #tpu.memory_space<vmem>>, vector<16xi32>,
        tpu.vector_store %arg9[%swap3A_577], %broadcast_in_dim3A_0 {strides = array<i32>} : memref<2048xi32, #tpu.memory_space<vmem>>, vector<16xi32>,
        %mul3A_579 = arith.constant 128 : i32
        %mul3A_580 = arith.muli %mul3A_579, %scan3A_541 : i32
        %add3A_581 = arith.constant 96 : i32
        %add3A_582 = arith.addi %mul3A_580, %add3A_581 : i32
        %swap3A_583 = arith.index_cast %add3A_582 : i32 to index
        %swap3A_584 = tpu.vector_load %arg9[%swap3A_583] {strides = array<i32>} : memref<2048xi32, #tpu.memory_space<vmem>>, vector<16xi32>,
        tpu.vector_store %arg9[%swap3A_583], %broadcast_in_dim3A_0 {strides = array<i32>} : memref<2048xi32, #tpu.memory_space<vmem>>, vector<16xi32>,
        %mul3A_585 = arith.constant 128 : i32
        %mul3A_586 = arith.muli %mul3A_585, %scan3A_541 : i32
        %add3A_587 = arith.constant 112 : i32
        %add3A_588 = arith.addi %mul3A_586, %add3A_587 : i32
        %swap3A_589 = arith.index_cast %add3A_588 : i32 to index
        %swap3A_590 = tpu.vector_load %arg9[%swap3A_589] {strides = array<i32>} : memref<2048xi32, #tpu.memory_space<vmem>>, vector<16xi32>,
        tpu.vector_store %arg9[%swap3A_589], %broadcast_in_dim3A_0 {strides = array<i32>} : memref<2048xi32, #tpu.memory_space<vmem>>, vector<16xi32>,
        %scan3A_591 = arith.constant 0 : i32
        scf.yield %scan3A_591 : i32
      }
      %scan3A_463 = arith.constant 16 : i32
      %scan3A_464 = arith.constant 0 : i32
      %scan3A_465 = arith.constant 0 : i32
      %scan3A_466 = arith.constant 16 : i32
      %scan3A_467 = arith.addi %scan3A_465, %scan3A_466 : i32
      %scan3A_468 = arith.constant 1 : i32
      %scan3A_469 = scf.for %scan3A_541 = %scan3A_465 to %scan3A_467 step %scan3A_468 iter_args(%scan3A_542 = %scan3A_464) -> (i32)  : i32 {
        %mul3A_543 = arith.constant 64 : i32
        %mul3A_544 = arith.muli %mul3A_543, %scan3A_541 : i32
        %add3A_545 = arith.constant 0 : i32
        %add3A_546 = arith.addi %mul3A_544, %add3A_545 : i32
        %get3A_547 = arith.index_cast %add3A_546 : i32 to index
        %get3A_548 = tpu.vector_load %arg17[%get3A_547] {strides = array<i32>} : memref<1024xi32, #tpu.memory_space<vmem>>, vector<16xi32>,
        %bitcast3A_549 = vector.bitcast %get3A_548 : vector<16xi32> to vector<16xi32>
        %shift_right_logical3A = arith.constant 0 : i32
        %shift_right_logical3A_550 = vector.broadcast %shift_right_logical3A : i32 to vector<16xi32>
        %shift_right_logical3A_551 = arith.shrui %bitcast3A_549, %shift_right_logical3A_550 : vector<16xi32>
        %and3A_552 = arith.constant 2047 : i32
        %and3A_553 = vector.broadcast %and3A_552 : i32 to vector<16xi32>
        %and3A_554 = arith.andi %shift_right_logical3A_551, %and3A_553 : vector<16xi32>
        %broadcast_in_dim3A_555 = arith.constant true
        %broadcast_in_dim3A_556 = vector.broadcast %broadcast_in_dim3A_555 : i1 to vector<16xi1>
        %unique3A_557, %unique3A_558 = tpu.scan_count mask(%broadcast_in_dim3A_556 : vector<16xi1>) value(%and3A_554 : vector<16xi32>) : vector<16xi1>, vector<16xi32>
        %sub3A_559 = vector.broadcast %reduce_min3A_10 : i32 to vector<16xi32>
        %sub3A_560 = arith.subi %unique3A_558, %sub3A_559 : vector<16xi32>
        %add3A_561 = arith.constant 1 : i32
        %add3A_562 = vector.broadcast %add3A_561 : i32 to vector<16xi32>
        %add3A_563 = arith.addi %sub3A_560, %add3A_562 : vector<16xi32>
        tpu.vector_store_idx %arg9[%and3A_554], %add3A_563 masked %unique3A_557 {add = true} : memref<2048xi32, #tpu.memory_space<vmem>>[vector<16xi32>], vector<16xi32>, vector<16xi1>
        %mul3A_564 = arith.constant 64 : i32
        %mul3A_565 = arith.muli %mul3A_564, %scan3A_541 : i32
        %add3A_566 = arith.constant 16 : i32
        %add3A_567 = arith.addi %mul3A_565, %add3A_566 : i32
        %get3A_568 = arith.index_cast %add3A_567 : i32 to index
        %get3A_569 = tpu.vector_load %arg17[%get3A_568] {strides = array<i32>} : memref<1024xi32, #tpu.memory_space<vmem>>, vector<16xi32>,
        %bitcast3A_570 = vector.bitcast %get3A_569 : vector<16xi32> to vector<16xi32>
        %shift_right_logical3A_571 = arith.constant 0 : i32
        %shift_right_logical3A_572 = vector.broadcast %shift_right_logical3A_571 : i32 to vector<16xi32>
        %shift_right_logical3A_573 = arith.shrui %bitcast3A_570, %shift_right_logical3A_572 : vector<16xi32>
        %and3A_574 = arith.constant 2047 : i32
        %and3A_575 = vector.broadcast %and3A_574 : i32 to vector<16xi32>
        %and3A_576 = arith.andi %shift_right_logical3A_573, %and3A_575 : vector<16xi32>
        %broadcast_in_dim3A_577 = arith.constant true
        %broadcast_in_dim3A_578 = vector.broadcast %broadcast_in_dim3A_577 : i1 to vector<16xi1>
        %unique3A_579, %unique3A_580 = tpu.scan_count mask(%broadcast_in_dim3A_578 : vector<16xi1>) value(%and3A_576 : vector<16xi32>) : vector<16xi1>, vector<16xi32>
        %sub3A_581 = vector.broadcast %reduce_min3A_10 : i32 to vector<16xi32>
        %sub3A_582 = arith.subi %unique3A_580, %sub3A_581 : vector<16xi32>
        %add3A_583 = arith.constant 1 : i32
        %add3A_584 = vector.broadcast %add3A_583 : i32 to vector<16xi32>
        %add3A_585 = arith.addi %sub3A_582, %add3A_584 : vector<16xi32>
        tpu.vector_store_idx %arg9[%and3A_576], %add3A_585 masked %unique3A_579 {add = true} : memref<2048xi32, #tpu.memory_space<vmem>>[vector<16xi32>], vector<16xi32>, vector<16xi1>
        %mul3A_586 = arith.constant 64 : i32
        %mul3A_587 = arith.muli %mul3A_586, %scan3A_541 : i32
        %add3A_588 = arith.constant 32 : i32
        %add3A_589 = arith.addi %mul3A_587, %add3A_588 : i32
        %get3A_590 = arith.index_cast %add3A_589 : i32 to index
        %get3A_591 = tpu.vector_load %arg17[%get3A_590] {strides = array<i32>} : memref<1024xi32, #tpu.memory_space<vmem>>, vector<16xi32>,
        %bitcast3A_592 = vector.bitcast %get3A_591 : vector<16xi32> to vector<16xi32>
        %shift_right_logical3A_593 = arith.constant 0 : i32
        %shift_right_logical3A_594 = vector.broadcast %shift_right_logical3A_593 : i32 to vector<16xi32>
        %shift_right_logical3A_595 = arith.shrui %bitcast3A_592, %shift_right_logical3A_594 : vector<16xi32>
        %and3A_596 = arith.constant 2047 : i32
        %and3A_597 = vector.broadcast %and3A_596 : i32 to vector<16xi32>
        %and3A_598 = arith.andi %shift_right_logical3A_595, %and3A_597 : vector<16xi32>
        %broadcast_in_dim3A_599 = arith.constant true
        %broadcast_in_dim3A_600 = vector.broadcast %broadcast_in_dim3A_599 : i1 to vector<16xi1>
        %unique3A_601, %unique3A_602 = tpu.scan_count mask(%broadcast_in_dim3A_600 : vector<16xi1>) value(%and3A_598 : vector<16xi32>) : vector<16xi1>, vector<16xi32>
        %sub3A_603 = vector.broadcast %reduce_min3A_10 : i32 to vector<16xi32>
        %sub3A_604 = arith.subi %unique3A_602, %sub3A_603 : vector<16xi32>
        %add3A_605 = arith.constant 1 : i32
        %add3A_606 = vector.broadcast %add3A_605 : i32 to vector<16xi32>
        %add3A_607 = arith.addi %sub3A_604, %add3A_606 : vector<16xi32>
        tpu.vector_store_idx %arg9[%and3A_598], %add3A_607 masked %unique3A_601 {add = true} : memref<2048xi32, #tpu.memory_space<vmem>>[vector<16xi32>], vector<16xi32>, vector<16xi1>
        %mul3A_608 = arith.constant 64 : i32
        %mul3A_609 = arith.muli %mul3A_608, %scan3A_541 : i32
        %add3A_610 = arith.constant 48 : i32
        %add3A_611 = arith.addi %mul3A_609, %add3A_610 : i32
        %get3A_612 = arith.index_cast %add3A_611 : i32 to index
        %get3A_613 = tpu.vector_load %arg17[%get3A_612] {strides = array<i32>} : memref<1024xi32, #tpu.memory_space<vmem>>, vector<16xi32>,
        %bitcast3A_614 = vector.bitcast %get3A_613 : vector<16xi32> to vector<16xi32>
        %shift_right_logical3A_615 = arith.constant 0 : i32
        %shift_right_logical3A_616 = vector.broadcast %shift_right_logical3A_615 : i32 to vector<16xi32>
        %shift_right_logical3A_617 = arith.shrui %bitcast3A_614, %shift_right_logical3A_616 : vector<16xi32>
        %and3A_618 = arith.constant 2047 : i32
        %and3A_619 = vector.broadcast %and3A_618 : i32 to vector<16xi32>
        %and3A_620 = arith.andi %shift_right_logical3A_617, %and3A_619 : vector<16xi32>
        %broadcast_in_dim3A_621 = arith.constant true
        %broadcast_in_dim3A_622 = vector.broadcast %broadcast_in_dim3A_621 : i1 to vector<16xi1>
        %unique3A_623, %unique3A_624 = tpu.scan_count mask(%broadcast_in_dim3A_622 : vector<16xi1>) value(%and3A_620 : vector<16xi32>) : vector<16xi1>, vector<16xi32>
        %sub3A_625 = vector.broadcast %reduce_min3A_10 : i32 to vector<16xi32>
        %sub3A_626 = arith.subi %unique3A_624, %sub3A_625 : vector<16xi32>
        %add3A_627 = arith.constant 1 : i32
        %add3A_628 = vector.broadcast %add3A_627 : i32 to vector<16xi32>
        %add3A_629 = arith.addi %sub3A_626, %add3A_628 : vector<16xi32>
        tpu.vector_store_idx %arg9[%and3A_620], %add3A_629 masked %unique3A_623 {add = true} : memref<2048xi32, #tpu.memory_space<vmem>>[vector<16xi32>], vector<16xi32>, vector<16xi1>
        %scan3A_630 = arith.constant 0 : i32
        scf.yield %scan3A_630 : i32
      }
      %scan3A_470 = arith.constant 16 : i32
      %scan3A_471 = arith.constant 0 : i32
      %scan3A_472 = arith.constant 0 : i32
      %scan3A_473 = arith.constant 32 : i32
      %scan3A_474 = arith.addi %scan3A_472, %scan3A_473 : i32
      %scan3A_475 = arith.constant 1 : i32
      %scan3A_476 = scf.for %scan3A_541 = %scan3A_472 to %scan3A_474 step %scan3A_475 iter_args(%scan3A_542 = %scan3A_471) -> (i32)  : i32 {
        %mul3A_543 = arith.constant 64 : i32
        %mul3A_544 = arith.muli %mul3A_543, %scan3A_541 : i32
        %add3A_545 = arith.constant 0 : i32
        %add3A_546 = arith.addi %mul3A_544, %add3A_545 : i32
        %get3A_547 = arith.index_cast %add3A_546 : i32 to index
        %get3A_548 = tpu.vector_load %arg9[%get3A_547] {strides = array<i32>} : memref<2048xi32, #tpu.memory_space<vmem>>, vector<16xi32>,
        %broadcast_in_dim3A_549 = arith.constant true
        %broadcast_in_dim3A_550 = vector.broadcast %broadcast_in_dim3A_549 : i1 to vector<16xi1>
        %masked_cumsum3A_551 = tpu.scan <sum>, %get3A_548 masked %broadcast_in_dim3A_550 : vector<16xi32>, vector<16xi1> -> vector<16xi32>
        %sub3A_552 = arith.subi %masked_cumsum3A_551, %get3A_548 : vector<16xi32>
        %add3A_553 = vector.broadcast %scan3A_542 : i32 to vector<16xi32>
        %add3A_554 = arith.addi %sub3A_552, %add3A_553 : vector<16xi32>
        %swap3A_555 = arith.index_cast %add3A_546 : i32 to index
        %swap3A_556 = tpu.vector_load %arg10[%swap3A_555] {strides = array<i32>} : memref<2048xi32, #tpu.memory_space<vmem>>, vector<16xi32>,
        tpu.vector_store %arg10[%swap3A_555], %add3A_554 {strides = array<i32>} : memref<2048xi32, #tpu.memory_space<vmem>>, vector<16xi32>,
        %reduce_max3A = arith.constant true
        %reduce_max3A_557 = vector.broadcast %reduce_max3A : i1 to vector<16xi1>
        %reduce_max3A_558 = arith.constant -2147483648 : i32
        %reduce_max3A_559 = vector.broadcast %reduce_max3A_558 : i32 to vector<16xi32>
        %reduce_max3A_560 = arith.xori %masked_cumsum3A_551, %reduce_max3A_559 : vector<16xi32>
        %reduce_max3A_561 = tpu.scan <max>, %reduce_max3A_560 masked %reduce_max3A_557 : vector<16xi32>, vector<16xi1> -> vector<16xi32>
        %reduce_max3A_562 = arith.xori %reduce_max3A_561, %reduce_max3A_559 : vector<16xi32>
        %reduce_max3A_563 = vector.extract %reduce_max3A_562[15] : i32 from vector<16xi32>
        %add3A_564 = arith.addi %scan3A_542, %reduce_max3A_563 : i32
        %mul3A_565 = arith.constant 64 : i32
        %mul3A_566 = arith.muli %mul3A_565, %scan3A_541 : i32
        %add3A_567 = arith.constant 16 : i32
        %add3A_568 = arith.addi %mul3A_566, %add3A_567 : i32
        %get3A_569 = arith.index_cast %add3A_568 : i32 to index
        %get3A_570 = tpu.vector_load %arg9[%get3A_569] {strides = array<i32>} : memref<2048xi32, #tpu.memory_space<vmem>>, vector<16xi32>,
        %broadcast_in_dim3A_571 = arith.constant true
        %broadcast_in_dim3A_572 = vector.broadcast %broadcast_in_dim3A_571 : i1 to vector<16xi1>
        %masked_cumsum3A_573 = tpu.scan <sum>, %get3A_570 masked %broadcast_in_dim3A_572 : vector<16xi32>, vector<16xi1> -> vector<16xi32>
        %sub3A_574 = arith.subi %masked_cumsum3A_573, %get3A_570 : vector<16xi32>
        %add3A_575 = vector.broadcast %add3A_564 : i32 to vector<16xi32>
        %add3A_576 = arith.addi %sub3A_574, %add3A_575 : vector<16xi32>
        %swap3A_577 = arith.index_cast %add3A_568 : i32 to index
        %swap3A_578 = tpu.vector_load %arg10[%swap3A_577] {strides = array<i32>} : memref<2048xi32, #tpu.memory_space<vmem>>, vector<16xi32>,
        tpu.vector_store %arg10[%swap3A_577], %add3A_576 {strides = array<i32>} : memref<2048xi32, #tpu.memory_space<vmem>>, vector<16xi32>,
        %reduce_max3A_579 = arith.constant true
        %reduce_max3A_580 = vector.broadcast %reduce_max3A_579 : i1 to vector<16xi1>
        %reduce_max3A_581 = arith.constant -2147483648 : i32
        %reduce_max3A_582 = vector.broadcast %reduce_max3A_581 : i32 to vector<16xi32>
        %reduce_max3A_583 = arith.xori %masked_cumsum3A_573, %reduce_max3A_582 : vector<16xi32>
        %reduce_max3A_584 = tpu.scan <max>, %reduce_max3A_583 masked %reduce_max3A_580 : vector<16xi32>, vector<16xi1> -> vector<16xi32>
        %reduce_max3A_585 = arith.xori %reduce_max3A_584, %reduce_max3A_582 : vector<16xi32>
        %reduce_max3A_586 = vector.extract %reduce_max3A_585[15] : i32 from vector<16xi32>
        %add3A_587 = arith.addi %add3A_564, %reduce_max3A_586 : i32
        %mul3A_588 = arith.constant 64 : i32
        %mul3A_589 = arith.muli %mul3A_588, %scan3A_541 : i32
        %add3A_590 = arith.constant 32 : i32
        %add3A_591 = arith.addi %mul3A_589, %add3A_590 : i32
        %get3A_592 = arith.index_cast %add3A_591 : i32 to index
        %get3A_593 = tpu.vector_load %arg9[%get3A_592] {strides = array<i32>} : memref<2048xi32, #tpu.memory_space<vmem>>, vector<16xi32>,
        %broadcast_in_dim3A_594 = arith.constant true
        %broadcast_in_dim3A_595 = vector.broadcast %broadcast_in_dim3A_594 : i1 to vector<16xi1>
        %masked_cumsum3A_596 = tpu.scan <sum>, %get3A_593 masked %broadcast_in_dim3A_595 : vector<16xi32>, vector<16xi1> -> vector<16xi32>
        %sub3A_597 = arith.subi %masked_cumsum3A_596, %get3A_593 : vector<16xi32>
        %add3A_598 = vector.broadcast %add3A_587 : i32 to vector<16xi32>
        %add3A_599 = arith.addi %sub3A_597, %add3A_598 : vector<16xi32>
        %swap3A_600 = arith.index_cast %add3A_591 : i32 to index
        %swap3A_601 = tpu.vector_load %arg10[%swap3A_600] {strides = array<i32>} : memref<2048xi32, #tpu.memory_space<vmem>>, vector<16xi32>,
        tpu.vector_store %arg10[%swap3A_600], %add3A_599 {strides = array<i32>} : memref<2048xi32, #tpu.memory_space<vmem>>, vector<16xi32>,
        %reduce_max3A_602 = arith.constant true
        %reduce_max3A_603 = vector.broadcast %reduce_max3A_602 : i1 to vector<16xi1>
        %reduce_max3A_604 = arith.constant -2147483648 : i32
        %reduce_max3A_605 = vector.broadcast %reduce_max3A_604 : i32 to vector<16xi32>
        %reduce_max3A_606 = arith.xori %masked_cumsum3A_596, %reduce_max3A_605 : vector<16xi32>
        %reduce_max3A_607 = tpu.scan <max>, %reduce_max3A_606 masked %reduce_max3A_603 : vector<16xi32>, vector<16xi1> -> vector<16xi32>
        %reduce_max3A_608 = arith.xori %reduce_max3A_607, %reduce_max3A_605 : vector<16xi32>
        %reduce_max3A_609 = vector.extract %reduce_max3A_608[15] : i32 from vector<16xi32>
        %add3A_610 = arith.addi %add3A_587, %reduce_max3A_609 : i32
        %mul3A_611 = arith.constant 64 : i32
        %mul3A_612 = arith.muli %mul3A_611, %scan3A_541 : i32
        %add3A_613 = arith.constant 48 : i32
        %add3A_614 = arith.addi %mul3A_612, %add3A_613 : i32
        %get3A_615 = arith.index_cast %add3A_614 : i32 to index
        %get3A_616 = tpu.vector_load %arg9[%get3A_615] {strides = array<i32>} : memref<2048xi32, #tpu.memory_space<vmem>>, vector<16xi32>,
        %broadcast_in_dim3A_617 = arith.constant true
        %broadcast_in_dim3A_618 = vector.broadcast %broadcast_in_dim3A_617 : i1 to vector<16xi1>
        %masked_cumsum3A_619 = tpu.scan <sum>, %get3A_616 masked %broadcast_in_dim3A_618 : vector<16xi32>, vector<16xi1> -> vector<16xi32>
        %sub3A_620 = arith.subi %masked_cumsum3A_619, %get3A_616 : vector<16xi32>
        %add3A_621 = vector.broadcast %add3A_610 : i32 to vector<16xi32>
        %add3A_622 = arith.addi %sub3A_620, %add3A_621 : vector<16xi32>
        %swap3A_623 = arith.index_cast %add3A_614 : i32 to index
        %swap3A_624 = tpu.vector_load %arg10[%swap3A_623] {strides = array<i32>} : memref<2048xi32, #tpu.memory_space<vmem>>, vector<16xi32>,
        tpu.vector_store %arg10[%swap3A_623], %add3A_622 {strides = array<i32>} : memref<2048xi32, #tpu.memory_space<vmem>>, vector<16xi32>,
        %reduce_max3A_625 = arith.constant true
        %reduce_max3A_626 = vector.broadcast %reduce_max3A_625 : i1 to vector<16xi1>
        %reduce_max3A_627 = arith.constant -2147483648 : i32
        %reduce_max3A_628 = vector.broadcast %reduce_max3A_627 : i32 to vector<16xi32>
        %reduce_max3A_629 = arith.xori %masked_cumsum3A_619, %reduce_max3A_628 : vector<16xi32>
        %reduce_max3A_630 = tpu.scan <max>, %reduce_max3A_629 masked %reduce_max3A_626 : vector<16xi32>, vector<16xi1> -> vector<16xi32>
        %reduce_max3A_631 = arith.xori %reduce_max3A_630, %reduce_max3A_628 : vector<16xi32>
        %reduce_max3A_632 = vector.extract %reduce_max3A_631[15] : i32 from vector<16xi32>
        %add3A_633 = arith.addi %add3A_610, %reduce_max3A_632 : i32
        scf.yield %add3A_633 : i32
      }
      %scan3A_477 = arith.constant 32 : i32
      %scan3A_478 = arith.constant 0 : i32
      %scan3A_479 = arith.constant 0 : i32
      %scan3A_480 = arith.constant 64 : i32
      %scan3A_481 = arith.addi %scan3A_479, %scan3A_480 : i32
      %scan3A_482 = arith.constant 1 : i32
      %scan3A_483 = scf.for %scan3A_541 = %scan3A_479 to %scan3A_481 step %scan3A_482 iter_args(%scan3A_542 = %scan3A_478) -> (i32)  : i32 {
        %mul3A_543 = arith.constant 16 : i32
        %mul3A_544 = arith.muli %mul3A_543, %scan3A_541 : i32
        %get3A_545 = arith.index_cast %mul3A_544 : i32 to index
        %get3A_546 = tpu.vector_load %arg17[%get3A_545] {strides = array<i32>} : memref<1024xi32, #tpu.memory_space<vmem>>, vector<16xi32>,
        %bitcast3A_547 = vector.bitcast %get3A_546 : vector<16xi32> to vector<16xi32>
        %shift_right_logical3A = arith.constant 0 : i32
        %shift_right_logical3A_548 = vector.broadcast %shift_right_logical3A : i32 to vector<16xi32>
        %shift_right_logical3A_549 = arith.shrui %bitcast3A_547, %shift_right_logical3A_548 : vector<16xi32>
        %and3A_550 = arith.constant 2047 : i32
        %and3A_551 = vector.broadcast %and3A_550 : i32 to vector<16xi32>
        %and3A_552 = arith.andi %shift_right_logical3A_549, %and3A_551 : vector<16xi32>
        %broadcast_in_dim3A_553 = arith.constant true
        %broadcast_in_dim3A_554 = vector.broadcast %broadcast_in_dim3A_553 : i1 to vector<16xi1>
        %unique3A_555, %unique3A_556 = tpu.scan_count mask(%broadcast_in_dim3A_554 : vector<16xi1>) value(%and3A_552 : vector<16xi32>) : vector<16xi1>, vector<16xi32>
        %sub3A_557 = vector.broadcast %reduce_min3A_10 : i32 to vector<16xi32>
        %sub3A_558 = arith.subi %unique3A_556, %sub3A_557 : vector<16xi32>
        %gather3A_559 = tpu.vector_load_idx %arg10[%and3A_552] : memref<2048xi32, #tpu.memory_space<vmem>>[vector<16xi32>], vector<16xi32>,
        %add3A_560 = arith.addi %gather3A_559, %sub3A_558 : vector<16xi32>
        %bitcast3A_561 = vector.bitcast %bitcast3A_547 : vector<16xi32> to vector<16xi32>
        tpu.vector_store_idx %arg19[%add3A_560], %bitcast3A_561 : memref<1024xi32, #tpu.memory_space<vmem>>[vector<16xi32>], vector<16xi32>,
        %mul3A_562 = arith.constant 16 : i32
        %mul3A_563 = arith.muli %mul3A_562, %scan3A_541 : i32
        %get3A_564 = arith.index_cast %mul3A_563 : i32 to index
        %get3A_565 = tpu.vector_load %arg18[%get3A_564] {strides = array<i32>} : memref<1024xi32, #tpu.memory_space<vmem>>, vector<16xi32>,
        tpu.vector_store_idx %arg20[%add3A_560], %get3A_565 : memref<1024xi32, #tpu.memory_space<vmem>>[vector<16xi32>], vector<16xi32>,
        %add3A_566 = arith.constant 1 : i32
        %add3A_567 = vector.broadcast %add3A_566 : i32 to vector<16xi32>
        %add3A_568 = arith.addi %sub3A_558, %add3A_567 : vector<16xi32>
        tpu.vector_store_idx %arg10[%and3A_552], %add3A_568 masked %unique3A_555 {add = true} : memref<2048xi32, #tpu.memory_space<vmem>>[vector<16xi32>], vector<16xi32>, vector<16xi1>
        %scan3A_569 = arith.constant 0 : i32
        scf.yield %scan3A_569 : i32
      }
      %scan3A_484 = arith.constant 64 : i32
      %scan3A_485 = arith.constant 0 : i32
      %scan3A_486 = arith.constant 0 : i32
      %scan3A_487 = arith.constant 16 : i32
      %scan3A_488 = arith.addi %scan3A_486, %scan3A_487 : i32
      %scan3A_489 = arith.constant 1 : i32
      %scan3A_490 = scf.for %scan3A_541 = %scan3A_486 to %scan3A_488 step %scan3A_489 iter_args(%scan3A_542 = %scan3A_485) -> (i32)  : i32 {
        %mul3A_543 = arith.constant 128 : i32
        %mul3A_544 = arith.muli %mul3A_543, %scan3A_541 : i32
        %add3A_545 = arith.constant 0 : i32
        %add3A_546 = arith.addi %mul3A_544, %add3A_545 : i32
        %swap3A_547 = arith.index_cast %add3A_546 : i32 to index
        %swap3A_548 = tpu.vector_load %arg9[%swap3A_547] {strides = array<i32>} : memref<2048xi32, #tpu.memory_space<vmem>>, vector<16xi32>,
        tpu.vector_store %arg9[%swap3A_547], %broadcast_in_dim3A_0 {strides = array<i32>} : memref<2048xi32, #tpu.memory_space<vmem>>, vector<16xi32>,
        %mul3A_549 = arith.constant 128 : i32
        %mul3A_550 = arith.muli %mul3A_549, %scan3A_541 : i32
        %add3A_551 = arith.constant 16 : i32
        %add3A_552 = arith.addi %mul3A_550, %add3A_551 : i32
        %swap3A_553 = arith.index_cast %add3A_552 : i32 to index
        %swap3A_554 = tpu.vector_load %arg9[%swap3A_553] {strides = array<i32>} : memref<2048xi32, #tpu.memory_space<vmem>>, vector<16xi32>,
        tpu.vector_store %arg9[%swap3A_553], %broadcast_in_dim3A_0 {strides = array<i32>} : memref<2048xi32, #tpu.memory_space<vmem>>, vector<16xi32>,
        %mul3A_555 = arith.constant 128 : i32
        %mul3A_556 = arith.muli %mul3A_555, %scan3A_541 : i32
        %add3A_557 = arith.constant 32 : i32
        %add3A_558 = arith.addi %mul3A_556, %add3A_557 : i32
        %swap3A_559 = arith.index_cast %add3A_558 : i32 to index
        %swap3A_560 = tpu.vector_load %arg9[%swap3A_559] {strides = array<i32>} : memref<2048xi32, #tpu.memory_space<vmem>>, vector<16xi32>,
        tpu.vector_store %arg9[%swap3A_559], %broadcast_in_dim3A_0 {strides = array<i32>} : memref<2048xi32, #tpu.memory_space<vmem>>, vector<16xi32>,
        %mul3A_561 = arith.constant 128 : i32
        %mul3A_562 = arith.muli %mul3A_561, %scan3A_541 : i32
        %add3A_563 = arith.constant 48 : i32
        %add3A_564 = arith.addi %mul3A_562, %add3A_563 : i32
        %swap3A_565 = arith.index_cast %add3A_564 : i32 to index
        %swap3A_566 = tpu.vector_load %arg9[%swap3A_565] {strides = array<i32>} : memref<2048xi32, #tpu.memory_space<vmem>>, vector<16xi32>,
        tpu.vector_store %arg9[%swap3A_565], %broadcast_in_dim3A_0 {strides = array<i32>} : memref<2048xi32, #tpu.memory_space<vmem>>, vector<16xi32>,
        %mul3A_567 = arith.constant 128 : i32
        %mul3A_568 = arith.muli %mul3A_567, %scan3A_541 : i32
        %add3A_569 = arith.constant 64 : i32
        %add3A_570 = arith.addi %mul3A_568, %add3A_569 : i32
        %swap3A_571 = arith.index_cast %add3A_570 : i32 to index
        %swap3A_572 = tpu.vector_load %arg9[%swap3A_571] {strides = array<i32>} : memref<2048xi32, #tpu.memory_space<vmem>>, vector<16xi32>,
        tpu.vector_store %arg9[%swap3A_571], %broadcast_in_dim3A_0 {strides = array<i32>} : memref<2048xi32, #tpu.memory_space<vmem>>, vector<16xi32>,
        %mul3A_573 = arith.constant 128 : i32
        %mul3A_574 = arith.muli %mul3A_573, %scan3A_541 : i32
        %add3A_575 = arith.constant 80 : i32
        %add3A_576 = arith.addi %mul3A_574, %add3A_575 : i32
        %swap3A_577 = arith.index_cast %add3A_576 : i32 to index
        %swap3A_578 = tpu.vector_load %arg9[%swap3A_577] {strides = array<i32>} : memref<2048xi32, #tpu.memory_space<vmem>>, vector<16xi32>,
        tpu.vector_store %arg9[%swap3A_577], %broadcast_in_dim3A_0 {strides = array<i32>} : memref<2048xi32, #tpu.memory_space<vmem>>, vector<16xi32>,
        %mul3A_579 = arith.constant 128 : i32
        %mul3A_580 = arith.muli %mul3A_579, %scan3A_541 : i32
        %add3A_581 = arith.constant 96 : i32
        %add3A_582 = arith.addi %mul3A_580, %add3A_581 : i32
        %swap3A_583 = arith.index_cast %add3A_582 : i32 to index
        %swap3A_584 = tpu.vector_load %arg9[%swap3A_583] {strides = array<i32>} : memref<2048xi32, #tpu.memory_space<vmem>>, vector<16xi32>,
        tpu.vector_store %arg9[%swap3A_583], %broadcast_in_dim3A_0 {strides = array<i32>} : memref<2048xi32, #tpu.memory_space<vmem>>, vector<16xi32>,
        %mul3A_585 = arith.constant 128 : i32
        %mul3A_586 = arith.muli %mul3A_585, %scan3A_541 : i32
        %add3A_587 = arith.constant 112 : i32
        %add3A_588 = arith.addi %mul3A_586, %add3A_587 : i32
        %swap3A_589 = arith.index_cast %add3A_588 : i32 to index
        %swap3A_590 = tpu.vector_load %arg9[%swap3A_589] {strides = array<i32>} : memref<2048xi32, #tpu.memory_space<vmem>>, vector<16xi32>,
        tpu.vector_store %arg9[%swap3A_589], %broadcast_in_dim3A_0 {strides = array<i32>} : memref<2048xi32, #tpu.memory_space<vmem>>, vector<16xi32>,
        %scan3A_591 = arith.constant 0 : i32
        scf.yield %scan3A_591 : i32
      }
      %scan3A_491 = arith.constant 16 : i32
      %scan3A_492 = arith.constant 0 : i32
      %scan3A_493 = arith.constant 0 : i32
      %scan3A_494 = arith.constant 16 : i32
      %scan3A_495 = arith.addi %scan3A_493, %scan3A_494 : i32
      %scan3A_496 = arith.constant 1 : i32
      %scan3A_497 = scf.for %scan3A_541 = %scan3A_493 to %scan3A_495 step %scan3A_496 iter_args(%scan3A_542 = %scan3A_492) -> (i32)  : i32 {
        %mul3A_543 = arith.constant 64 : i32
        %mul3A_544 = arith.muli %mul3A_543, %scan3A_541 : i32
        %add3A_545 = arith.constant 0 : i32
        %add3A_546 = arith.addi %mul3A_544, %add3A_545 : i32
        %get3A_547 = arith.index_cast %add3A_546 : i32 to index
        %get3A_548 = tpu.vector_load %arg19[%get3A_547] {strides = array<i32>} : memref<1024xi32, #tpu.memory_space<vmem>>, vector<16xi32>,
        %bitcast3A_549 = vector.bitcast %get3A_548 : vector<16xi32> to vector<16xi32>
        %shift_right_logical3A = arith.constant 11 : i32
        %shift_right_logical3A_550 = vector.broadcast %shift_right_logical3A : i32 to vector<16xi32>
        %shift_right_logical3A_551 = arith.shrui %bitcast3A_549, %shift_right_logical3A_550 : vector<16xi32>
        %and3A_552 = arith.constant 2047 : i32
        %and3A_553 = vector.broadcast %and3A_552 : i32 to vector<16xi32>
        %and3A_554 = arith.andi %shift_right_logical3A_551, %and3A_553 : vector<16xi32>
        %broadcast_in_dim3A_555 = arith.constant true
        %broadcast_in_dim3A_556 = vector.broadcast %broadcast_in_dim3A_555 : i1 to vector<16xi1>
        %unique3A_557, %unique3A_558 = tpu.scan_count mask(%broadcast_in_dim3A_556 : vector<16xi1>) value(%and3A_554 : vector<16xi32>) : vector<16xi1>, vector<16xi32>
        %sub3A_559 = vector.broadcast %reduce_min3A_10 : i32 to vector<16xi32>
        %sub3A_560 = arith.subi %unique3A_558, %sub3A_559 : vector<16xi32>
        %add3A_561 = arith.constant 1 : i32
        %add3A_562 = vector.broadcast %add3A_561 : i32 to vector<16xi32>
        %add3A_563 = arith.addi %sub3A_560, %add3A_562 : vector<16xi32>
        tpu.vector_store_idx %arg9[%and3A_554], %add3A_563 masked %unique3A_557 {add = true} : memref<2048xi32, #tpu.memory_space<vmem>>[vector<16xi32>], vector<16xi32>, vector<16xi1>
        %mul3A_564 = arith.constant 64 : i32
        %mul3A_565 = arith.muli %mul3A_564, %scan3A_541 : i32
        %add3A_566 = arith.constant 16 : i32
        %add3A_567 = arith.addi %mul3A_565, %add3A_566 : i32
        %get3A_568 = arith.index_cast %add3A_567 : i32 to index
        %get3A_569 = tpu.vector_load %arg19[%get3A_568] {strides = array<i32>} : memref<1024xi32, #tpu.memory_space<vmem>>, vector<16xi32>,
        %bitcast3A_570 = vector.bitcast %get3A_569 : vector<16xi32> to vector<16xi32>
        %shift_right_logical3A_571 = arith.constant 11 : i32
        %shift_right_logical3A_572 = vector.broadcast %shift_right_logical3A_571 : i32 to vector<16xi32>
        %shift_right_logical3A_573 = arith.shrui %bitcast3A_570, %shift_right_logical3A_572 : vector<16xi32>
        %and3A_574 = arith.constant 2047 : i32
        %and3A_575 = vector.broadcast %and3A_574 : i32 to vector<16xi32>
        %and3A_576 = arith.andi %shift_right_logical3A_573, %and3A_575 : vector<16xi32>
        %broadcast_in_dim3A_577 = arith.constant true
        %broadcast_in_dim3A_578 = vector.broadcast %broadcast_in_dim3A_577 : i1 to vector<16xi1>
        %unique3A_579, %unique3A_580 = tpu.scan_count mask(%broadcast_in_dim3A_578 : vector<16xi1>) value(%and3A_576 : vector<16xi32>) : vector<16xi1>, vector<16xi32>
        %sub3A_581 = vector.broadcast %reduce_min3A_10 : i32 to vector<16xi32>
        %sub3A_582 = arith.subi %unique3A_580, %sub3A_581 : vector<16xi32>
        %add3A_583 = arith.constant 1 : i32
        %add3A_584 = vector.broadcast %add3A_583 : i32 to vector<16xi32>
        %add3A_585 = arith.addi %sub3A_582, %add3A_584 : vector<16xi32>
        tpu.vector_store_idx %arg9[%and3A_576], %add3A_585 masked %unique3A_579 {add = true} : memref<2048xi32, #tpu.memory_space<vmem>>[vector<16xi32>], vector<16xi32>, vector<16xi1>
        %mul3A_586 = arith.constant 64 : i32
        %mul3A_587 = arith.muli %mul3A_586, %scan3A_541 : i32
        %add3A_588 = arith.constant 32 : i32
        %add3A_589 = arith.addi %mul3A_587, %add3A_588 : i32
        %get3A_590 = arith.index_cast %add3A_589 : i32 to index
        %get3A_591 = tpu.vector_load %arg19[%get3A_590] {strides = array<i32>} : memref<1024xi32, #tpu.memory_space<vmem>>, vector<16xi32>,
        %bitcast3A_592 = vector.bitcast %get3A_591 : vector<16xi32> to vector<16xi32>
        %shift_right_logical3A_593 = arith.constant 11 : i32
        %shift_right_logical3A_594 = vector.broadcast %shift_right_logical3A_593 : i32 to vector<16xi32>
        %shift_right_logical3A_595 = arith.shrui %bitcast3A_592, %shift_right_logical3A_594 : vector<16xi32>
        %and3A_596 = arith.constant 2047 : i32
        %and3A_597 = vector.broadcast %and3A_596 : i32 to vector<16xi32>
        %and3A_598 = arith.andi %shift_right_logical3A_595, %and3A_597 : vector<16xi32>
        %broadcast_in_dim3A_599 = arith.constant true
        %broadcast_in_dim3A_600 = vector.broadcast %broadcast_in_dim3A_599 : i1 to vector<16xi1>
        %unique3A_601, %unique3A_602 = tpu.scan_count mask(%broadcast_in_dim3A_600 : vector<16xi1>) value(%and3A_598 : vector<16xi32>) : vector<16xi1>, vector<16xi32>
        %sub3A_603 = vector.broadcast %reduce_min3A_10 : i32 to vector<16xi32>
        %sub3A_604 = arith.subi %unique3A_602, %sub3A_603 : vector<16xi32>
        %add3A_605 = arith.constant 1 : i32
        %add3A_606 = vector.broadcast %add3A_605 : i32 to vector<16xi32>
        %add3A_607 = arith.addi %sub3A_604, %add3A_606 : vector<16xi32>
        tpu.vector_store_idx %arg9[%and3A_598], %add3A_607 masked %unique3A_601 {add = true} : memref<2048xi32, #tpu.memory_space<vmem>>[vector<16xi32>], vector<16xi32>, vector<16xi1>
        %mul3A_608 = arith.constant 64 : i32
        %mul3A_609 = arith.muli %mul3A_608, %scan3A_541 : i32
        %add3A_610 = arith.constant 48 : i32
        %add3A_611 = arith.addi %mul3A_609, %add3A_610 : i32
        %get3A_612 = arith.index_cast %add3A_611 : i32 to index
        %get3A_613 = tpu.vector_load %arg19[%get3A_612] {strides = array<i32>} : memref<1024xi32, #tpu.memory_space<vmem>>, vector<16xi32>,
        %bitcast3A_614 = vector.bitcast %get3A_613 : vector<16xi32> to vector<16xi32>
        %shift_right_logical3A_615 = arith.constant 11 : i32
        %shift_right_logical3A_616 = vector.broadcast %shift_right_logical3A_615 : i32 to vector<16xi32>
        %shift_right_logical3A_617 = arith.shrui %bitcast3A_614, %shift_right_logical3A_616 : vector<16xi32>
        %and3A_618 = arith.constant 2047 : i32
        %and3A_619 = vector.broadcast %and3A_618 : i32 to vector<16xi32>
        %and3A_620 = arith.andi %shift_right_logical3A_617, %and3A_619 : vector<16xi32>
        %broadcast_in_dim3A_621 = arith.constant true
        %broadcast_in_dim3A_622 = vector.broadcast %broadcast_in_dim3A_621 : i1 to vector<16xi1>
        %unique3A_623, %unique3A_624 = tpu.scan_count mask(%broadcast_in_dim3A_622 : vector<16xi1>) value(%and3A_620 : vector<16xi32>) : vector<16xi1>, vector<16xi32>
        %sub3A_625 = vector.broadcast %reduce_min3A_10 : i32 to vector<16xi32>
        %sub3A_626 = arith.subi %unique3A_624, %sub3A_625 : vector<16xi32>
        %add3A_627 = arith.constant 1 : i32
        %add3A_628 = vector.broadcast %add3A_627 : i32 to vector<16xi32>
        %add3A_629 = arith.addi %sub3A_626, %add3A_628 : vector<16xi32>
        tpu.vector_store_idx %arg9[%and3A_620], %add3A_629 masked %unique3A_623 {add = true} : memref<2048xi32, #tpu.memory_space<vmem>>[vector<16xi32>], vector<16xi32>, vector<16xi1>
        %scan3A_630 = arith.constant 0 : i32
        scf.yield %scan3A_630 : i32
      }
      %scan3A_498 = arith.constant 16 : i32
      %scan3A_499 = arith.constant 0 : i32
      %scan3A_500 = arith.constant 0 : i32
      %scan3A_501 = arith.constant 32 : i32
      %scan3A_502 = arith.addi %scan3A_500, %scan3A_501 : i32
      %scan3A_503 = arith.constant 1 : i32
      %scan3A_504 = scf.for %scan3A_541 = %scan3A_500 to %scan3A_502 step %scan3A_503 iter_args(%scan3A_542 = %scan3A_499) -> (i32)  : i32 {
        %mul3A_543 = arith.constant 64 : i32
        %mul3A_544 = arith.muli %mul3A_543, %scan3A_541 : i32
        %add3A_545 = arith.constant 0 : i32
        %add3A_546 = arith.addi %mul3A_544, %add3A_545 : i32
        %get3A_547 = arith.index_cast %add3A_546 : i32 to index
        %get3A_548 = tpu.vector_load %arg9[%get3A_547] {strides = array<i32>} : memref<2048xi32, #tpu.memory_space<vmem>>, vector<16xi32>,
        %broadcast_in_dim3A_549 = arith.constant true
        %broadcast_in_dim3A_550 = vector.broadcast %broadcast_in_dim3A_549 : i1 to vector<16xi1>
        %masked_cumsum3A_551 = tpu.scan <sum>, %get3A_548 masked %broadcast_in_dim3A_550 : vector<16xi32>, vector<16xi1> -> vector<16xi32>
        %sub3A_552 = arith.subi %masked_cumsum3A_551, %get3A_548 : vector<16xi32>
        %add3A_553 = vector.broadcast %scan3A_542 : i32 to vector<16xi32>
        %add3A_554 = arith.addi %sub3A_552, %add3A_553 : vector<16xi32>
        %swap3A_555 = arith.index_cast %add3A_546 : i32 to index
        %swap3A_556 = tpu.vector_load %arg10[%swap3A_555] {strides = array<i32>} : memref<2048xi32, #tpu.memory_space<vmem>>, vector<16xi32>,
        tpu.vector_store %arg10[%swap3A_555], %add3A_554 {strides = array<i32>} : memref<2048xi32, #tpu.memory_space<vmem>>, vector<16xi32>,
        %reduce_max3A = arith.constant true
        %reduce_max3A_557 = vector.broadcast %reduce_max3A : i1 to vector<16xi1>
        %reduce_max3A_558 = arith.constant -2147483648 : i32
        %reduce_max3A_559 = vector.broadcast %reduce_max3A_558 : i32 to vector<16xi32>
        %reduce_max3A_560 = arith.xori %masked_cumsum3A_551, %reduce_max3A_559 : vector<16xi32>
        %reduce_max3A_561 = tpu.scan <max>, %reduce_max3A_560 masked %reduce_max3A_557 : vector<16xi32>, vector<16xi1> -> vector<16xi32>
        %reduce_max3A_562 = arith.xori %reduce_max3A_561, %reduce_max3A_559 : vector<16xi32>
        %reduce_max3A_563 = vector.extract %reduce_max3A_562[15] : i32 from vector<16xi32>
        %add3A_564 = arith.addi %scan3A_542, %reduce_max3A_563 : i32
        %mul3A_565 = arith.constant 64 : i32
        %mul3A_566 = arith.muli %mul3A_565, %scan3A_541 : i32
        %add3A_567 = arith.constant 16 : i32
        %add3A_568 = arith.addi %mul3A_566, %add3A_567 : i32
        %get3A_569 = arith.index_cast %add3A_568 : i32 to index
        %get3A_570 = tpu.vector_load %arg9[%get3A_569] {strides = array<i32>} : memref<2048xi32, #tpu.memory_space<vmem>>, vector<16xi32>,
        %broadcast_in_dim3A_571 = arith.constant true
        %broadcast_in_dim3A_572 = vector.broadcast %broadcast_in_dim3A_571 : i1 to vector<16xi1>
        %masked_cumsum3A_573 = tpu.scan <sum>, %get3A_570 masked %broadcast_in_dim3A_572 : vector<16xi32>, vector<16xi1> -> vector<16xi32>
        %sub3A_574 = arith.subi %masked_cumsum3A_573, %get3A_570 : vector<16xi32>
        %add3A_575 = vector.broadcast %add3A_564 : i32 to vector<16xi32>
        %add3A_576 = arith.addi %sub3A_574, %add3A_575 : vector<16xi32>
        %swap3A_577 = arith.index_cast %add3A_568 : i32 to index
        %swap3A_578 = tpu.vector_load %arg10[%swap3A_577] {strides = array<i32>} : memref<2048xi32, #tpu.memory_space<vmem>>, vector<16xi32>,
        tpu.vector_store %arg10[%swap3A_577], %add3A_576 {strides = array<i32>} : memref<2048xi32, #tpu.memory_space<vmem>>, vector<16xi32>,
        %reduce_max3A_579 = arith.constant true
        %reduce_max3A_580 = vector.broadcast %reduce_max3A_579 : i1 to vector<16xi1>
        %reduce_max3A_581 = arith.constant -2147483648 : i32
        %reduce_max3A_582 = vector.broadcast %reduce_max3A_581 : i32 to vector<16xi32>
        %reduce_max3A_583 = arith.xori %masked_cumsum3A_573, %reduce_max3A_582 : vector<16xi32>
        %reduce_max3A_584 = tpu.scan <max>, %reduce_max3A_583 masked %reduce_max3A_580 : vector<16xi32>, vector<16xi1> -> vector<16xi32>
        %reduce_max3A_585 = arith.xori %reduce_max3A_584, %reduce_max3A_582 : vector<16xi32>
        %reduce_max3A_586 = vector.extract %reduce_max3A_585[15] : i32 from vector<16xi32>
        %add3A_587 = arith.addi %add3A_564, %reduce_max3A_586 : i32
        %mul3A_588 = arith.constant 64 : i32
        %mul3A_589 = arith.muli %mul3A_588, %scan3A_541 : i32
        %add3A_590 = arith.constant 32 : i32
        %add3A_591 = arith.addi %mul3A_589, %add3A_590 : i32
        %get3A_592 = arith.index_cast %add3A_591 : i32 to index
        %get3A_593 = tpu.vector_load %arg9[%get3A_592] {strides = array<i32>} : memref<2048xi32, #tpu.memory_space<vmem>>, vector<16xi32>,
        %broadcast_in_dim3A_594 = arith.constant true
        %broadcast_in_dim3A_595 = vector.broadcast %broadcast_in_dim3A_594 : i1 to vector<16xi1>
        %masked_cumsum3A_596 = tpu.scan <sum>, %get3A_593 masked %broadcast_in_dim3A_595 : vector<16xi32>, vector<16xi1> -> vector<16xi32>
        %sub3A_597 = arith.subi %masked_cumsum3A_596, %get3A_593 : vector<16xi32>
        %add3A_598 = vector.broadcast %add3A_587 : i32 to vector<16xi32>
        %add3A_599 = arith.addi %sub3A_597, %add3A_598 : vector<16xi32>
        %swap3A_600 = arith.index_cast %add3A_591 : i32 to index
        %swap3A_601 = tpu.vector_load %arg10[%swap3A_600] {strides = array<i32>} : memref<2048xi32, #tpu.memory_space<vmem>>, vector<16xi32>,
        tpu.vector_store %arg10[%swap3A_600], %add3A_599 {strides = array<i32>} : memref<2048xi32, #tpu.memory_space<vmem>>, vector<16xi32>,
        %reduce_max3A_602 = arith.constant true
        %reduce_max3A_603 = vector.broadcast %reduce_max3A_602 : i1 to vector<16xi1>
        %reduce_max3A_604 = arith.constant -2147483648 : i32
        %reduce_max3A_605 = vector.broadcast %reduce_max3A_604 : i32 to vector<16xi32>
        %reduce_max3A_606 = arith.xori %masked_cumsum3A_596, %reduce_max3A_605 : vector<16xi32>
        %reduce_max3A_607 = tpu.scan <max>, %reduce_max3A_606 masked %reduce_max3A_603 : vector<16xi32>, vector<16xi1> -> vector<16xi32>
        %reduce_max3A_608 = arith.xori %reduce_max3A_607, %reduce_max3A_605 : vector<16xi32>
        %reduce_max3A_609 = vector.extract %reduce_max3A_608[15] : i32 from vector<16xi32>
        %add3A_610 = arith.addi %add3A_587, %reduce_max3A_609 : i32
        %mul3A_611 = arith.constant 64 : i32
        %mul3A_612 = arith.muli %mul3A_611, %scan3A_541 : i32
        %add3A_613 = arith.constant 48 : i32
        %add3A_614 = arith.addi %mul3A_612, %add3A_613 : i32
        %get3A_615 = arith.index_cast %add3A_614 : i32 to index
        %get3A_616 = tpu.vector_load %arg9[%get3A_615] {strides = array<i32>} : memref<2048xi32, #tpu.memory_space<vmem>>, vector<16xi32>,
        %broadcast_in_dim3A_617 = arith.constant true
        %broadcast_in_dim3A_618 = vector.broadcast %broadcast_in_dim3A_617 : i1 to vector<16xi1>
        %masked_cumsum3A_619 = tpu.scan <sum>, %get3A_616 masked %broadcast_in_dim3A_618 : vector<16xi32>, vector<16xi1> -> vector<16xi32>
        %sub3A_620 = arith.subi %masked_cumsum3A_619, %get3A_616 : vector<16xi32>
        %add3A_621 = vector.broadcast %add3A_610 : i32 to vector<16xi32>
        %add3A_622 = arith.addi %sub3A_620, %add3A_621 : vector<16xi32>
        %swap3A_623 = arith.index_cast %add3A_614 : i32 to index
        %swap3A_624 = tpu.vector_load %arg10[%swap3A_623] {strides = array<i32>} : memref<2048xi32, #tpu.memory_space<vmem>>, vector<16xi32>,
        tpu.vector_store %arg10[%swap3A_623], %add3A_622 {strides = array<i32>} : memref<2048xi32, #tpu.memory_space<vmem>>, vector<16xi32>,
        %reduce_max3A_625 = arith.constant true
        %reduce_max3A_626 = vector.broadcast %reduce_max3A_625 : i1 to vector<16xi1>
        %reduce_max3A_627 = arith.constant -2147483648 : i32
        %reduce_max3A_628 = vector.broadcast %reduce_max3A_627 : i32 to vector<16xi32>
        %reduce_max3A_629 = arith.xori %masked_cumsum3A_619, %reduce_max3A_628 : vector<16xi32>
        %reduce_max3A_630 = tpu.scan <max>, %reduce_max3A_629 masked %reduce_max3A_626 : vector<16xi32>, vector<16xi1> -> vector<16xi32>
        %reduce_max3A_631 = arith.xori %reduce_max3A_630, %reduce_max3A_628 : vector<16xi32>
        %reduce_max3A_632 = vector.extract %reduce_max3A_631[15] : i32 from vector<16xi32>
        %add3A_633 = arith.addi %add3A_610, %reduce_max3A_632 : i32
        scf.yield %add3A_633 : i32
      }
      %scan3A_505 = arith.constant 32 : i32
      %scan3A_506 = arith.constant 0 : i32
      %scan3A_507 = arith.constant 0 : i32
      %scan3A_508 = arith.constant 64 : i32
      %scan3A_509 = arith.addi %scan3A_507, %scan3A_508 : i32
      %scan3A_510 = arith.constant 1 : i32
      %scan3A_511 = scf.for %scan3A_541 = %scan3A_507 to %scan3A_509 step %scan3A_510 iter_args(%scan3A_542 = %scan3A_506) -> (i32)  : i32 {
        %mul3A_543 = arith.constant 16 : i32
        %mul3A_544 = arith.muli %mul3A_543, %scan3A_541 : i32
        %get3A_545 = arith.index_cast %mul3A_544 : i32 to index
        %get3A_546 = tpu.vector_load %arg19[%get3A_545] {strides = array<i32>} : memref<1024xi32, #tpu.memory_space<vmem>>, vector<16xi32>,
        %bitcast3A_547 = vector.bitcast %get3A_546 : vector<16xi32> to vector<16xi32>
        %shift_right_logical3A = arith.constant 11 : i32
        %shift_right_logical3A_548 = vector.broadcast %shift_right_logical3A : i32 to vector<16xi32>
        %shift_right_logical3A_549 = arith.shrui %bitcast3A_547, %shift_right_logical3A_548 : vector<16xi32>
        %and3A_550 = arith.constant 2047 : i32
        %and3A_551 = vector.broadcast %and3A_550 : i32 to vector<16xi32>
        %and3A_552 = arith.andi %shift_right_logical3A_549, %and3A_551 : vector<16xi32>
        %broadcast_in_dim3A_553 = arith.constant true
        %broadcast_in_dim3A_554 = vector.broadcast %broadcast_in_dim3A_553 : i1 to vector<16xi1>
        %unique3A_555, %unique3A_556 = tpu.scan_count mask(%broadcast_in_dim3A_554 : vector<16xi1>) value(%and3A_552 : vector<16xi32>) : vector<16xi1>, vector<16xi32>
        %sub3A_557 = vector.broadcast %reduce_min3A_10 : i32 to vector<16xi32>
        %sub3A_558 = arith.subi %unique3A_556, %sub3A_557 : vector<16xi32>
        %gather3A_559 = tpu.vector_load_idx %arg10[%and3A_552] : memref<2048xi32, #tpu.memory_space<vmem>>[vector<16xi32>], vector<16xi32>,
        %add3A_560 = arith.addi %gather3A_559, %sub3A_558 : vector<16xi32>
        %bitcast3A_561 = vector.bitcast %bitcast3A_547 : vector<16xi32> to vector<16xi32>
        tpu.vector_store_idx %arg17[%add3A_560], %bitcast3A_561 : memref<1024xi32, #tpu.memory_space<vmem>>[vector<16xi32>], vector<16xi32>,
        %mul3A_562 = arith.constant 16 : i32
        %mul3A_563 = arith.muli %mul3A_562, %scan3A_541 : i32
        %get3A_564 = arith.index_cast %mul3A_563 : i32 to index
        %get3A_565 = tpu.vector_load %arg20[%get3A_564] {strides = array<i32>} : memref<1024xi32, #tpu.memory_space<vmem>>, vector<16xi32>,
        tpu.vector_store_idx %arg18[%add3A_560], %get3A_565 : memref<1024xi32, #tpu.memory_space<vmem>>[vector<16xi32>], vector<16xi32>,
        %add3A_566 = arith.constant 1 : i32
        %add3A_567 = vector.broadcast %add3A_566 : i32 to vector<16xi32>
        %add3A_568 = arith.addi %sub3A_558, %add3A_567 : vector<16xi32>
        tpu.vector_store_idx %arg10[%and3A_552], %add3A_568 masked %unique3A_555 {add = true} : memref<2048xi32, #tpu.memory_space<vmem>>[vector<16xi32>], vector<16xi32>, vector<16xi1>
        %scan3A_569 = arith.constant 0 : i32
        scf.yield %scan3A_569 : i32
      }
      %scan3A_512 = arith.constant 64 : i32
      %scan3A_513 = arith.constant 0 : i32
      %scan3A_514 = arith.constant 0 : i32
      %scan3A_515 = arith.constant 16 : i32
      %scan3A_516 = arith.addi %scan3A_514, %scan3A_515 : i32
      %scan3A_517 = arith.constant 1 : i32
      %scan3A_518 = scf.for %scan3A_541 = %scan3A_514 to %scan3A_516 step %scan3A_517 iter_args(%scan3A_542 = %scan3A_513) -> (i32)  : i32 {
        %mul3A_543 = arith.constant 128 : i32
        %mul3A_544 = arith.muli %mul3A_543, %scan3A_541 : i32
        %add3A_545 = arith.constant 0 : i32
        %add3A_546 = arith.addi %mul3A_544, %add3A_545 : i32
        %swap3A_547 = arith.index_cast %add3A_546 : i32 to index
        %swap3A_548 = tpu.vector_load %arg9[%swap3A_547] {strides = array<i32>} : memref<2048xi32, #tpu.memory_space<vmem>>, vector<16xi32>,
        tpu.vector_store %arg9[%swap3A_547], %broadcast_in_dim3A_0 {strides = array<i32>} : memref<2048xi32, #tpu.memory_space<vmem>>, vector<16xi32>,
        %mul3A_549 = arith.constant 128 : i32
        %mul3A_550 = arith.muli %mul3A_549, %scan3A_541 : i32
        %add3A_551 = arith.constant 16 : i32
        %add3A_552 = arith.addi %mul3A_550, %add3A_551 : i32
        %swap3A_553 = arith.index_cast %add3A_552 : i32 to index
        %swap3A_554 = tpu.vector_load %arg9[%swap3A_553] {strides = array<i32>} : memref<2048xi32, #tpu.memory_space<vmem>>, vector<16xi32>,
        tpu.vector_store %arg9[%swap3A_553], %broadcast_in_dim3A_0 {strides = array<i32>} : memref<2048xi32, #tpu.memory_space<vmem>>, vector<16xi32>,
        %mul3A_555 = arith.constant 128 : i32
        %mul3A_556 = arith.muli %mul3A_555, %scan3A_541 : i32
        %add3A_557 = arith.constant 32 : i32
        %add3A_558 = arith.addi %mul3A_556, %add3A_557 : i32
        %swap3A_559 = arith.index_cast %add3A_558 : i32 to index
        %swap3A_560 = tpu.vector_load %arg9[%swap3A_559] {strides = array<i32>} : memref<2048xi32, #tpu.memory_space<vmem>>, vector<16xi32>,
        tpu.vector_store %arg9[%swap3A_559], %broadcast_in_dim3A_0 {strides = array<i32>} : memref<2048xi32, #tpu.memory_space<vmem>>, vector<16xi32>,
        %mul3A_561 = arith.constant 128 : i32
        %mul3A_562 = arith.muli %mul3A_561, %scan3A_541 : i32
        %add3A_563 = arith.constant 48 : i32
        %add3A_564 = arith.addi %mul3A_562, %add3A_563 : i32
        %swap3A_565 = arith.index_cast %add3A_564 : i32 to index
        %swap3A_566 = tpu.vector_load %arg9[%swap3A_565] {strides = array<i32>} : memref<2048xi32, #tpu.memory_space<vmem>>, vector<16xi32>,
        tpu.vector_store %arg9[%swap3A_565], %broadcast_in_dim3A_0 {strides = array<i32>} : memref<2048xi32, #tpu.memory_space<vmem>>, vector<16xi32>,
        %mul3A_567 = arith.constant 128 : i32
        %mul3A_568 = arith.muli %mul3A_567, %scan3A_541 : i32
        %add3A_569 = arith.constant 64 : i32
        %add3A_570 = arith.addi %mul3A_568, %add3A_569 : i32
        %swap3A_571 = arith.index_cast %add3A_570 : i32 to index
        %swap3A_572 = tpu.vector_load %arg9[%swap3A_571] {strides = array<i32>} : memref<2048xi32, #tpu.memory_space<vmem>>, vector<16xi32>,
        tpu.vector_store %arg9[%swap3A_571], %broadcast_in_dim3A_0 {strides = array<i32>} : memref<2048xi32, #tpu.memory_space<vmem>>, vector<16xi32>,
        %mul3A_573 = arith.constant 128 : i32
        %mul3A_574 = arith.muli %mul3A_573, %scan3A_541 : i32
        %add3A_575 = arith.constant 80 : i32
        %add3A_576 = arith.addi %mul3A_574, %add3A_575 : i32
        %swap3A_577 = arith.index_cast %add3A_576 : i32 to index
        %swap3A_578 = tpu.vector_load %arg9[%swap3A_577] {strides = array<i32>} : memref<2048xi32, #tpu.memory_space<vmem>>, vector<16xi32>,
        tpu.vector_store %arg9[%swap3A_577], %broadcast_in_dim3A_0 {strides = array<i32>} : memref<2048xi32, #tpu.memory_space<vmem>>, vector<16xi32>,
        %mul3A_579 = arith.constant 128 : i32
        %mul3A_580 = arith.muli %mul3A_579, %scan3A_541 : i32
        %add3A_581 = arith.constant 96 : i32
        %add3A_582 = arith.addi %mul3A_580, %add3A_581 : i32
        %swap3A_583 = arith.index_cast %add3A_582 : i32 to index
        %swap3A_584 = tpu.vector_load %arg9[%swap3A_583] {strides = array<i32>} : memref<2048xi32, #tpu.memory_space<vmem>>, vector<16xi32>,
        tpu.vector_store %arg9[%swap3A_583], %broadcast_in_dim3A_0 {strides = array<i32>} : memref<2048xi32, #tpu.memory_space<vmem>>, vector<16xi32>,
        %mul3A_585 = arith.constant 128 : i32
        %mul3A_586 = arith.muli %mul3A_585, %scan3A_541 : i32
        %add3A_587 = arith.constant 112 : i32
        %add3A_588 = arith.addi %mul3A_586, %add3A_587 : i32
        %swap3A_589 = arith.index_cast %add3A_588 : i32 to index
        %swap3A_590 = tpu.vector_load %arg9[%swap3A_589] {strides = array<i32>} : memref<2048xi32, #tpu.memory_space<vmem>>, vector<16xi32>,
        tpu.vector_store %arg9[%swap3A_589], %broadcast_in_dim3A_0 {strides = array<i32>} : memref<2048xi32, #tpu.memory_space<vmem>>, vector<16xi32>,
        %scan3A_591 = arith.constant 0 : i32
        scf.yield %scan3A_591 : i32
      }
      %scan3A_519 = arith.constant 16 : i32
      %scan3A_520 = arith.constant 0 : i32
      %scan3A_521 = arith.constant 0 : i32
      %scan3A_522 = arith.constant 16 : i32
      %scan3A_523 = arith.addi %scan3A_521, %scan3A_522 : i32
      %scan3A_524 = arith.constant 1 : i32
      %scan3A_525 = scf.for %scan3A_541 = %scan3A_521 to %scan3A_523 step %scan3A_524 iter_args(%scan3A_542 = %scan3A_520) -> (i32)  : i32 {
        %mul3A_543 = arith.constant 64 : i32
        %mul3A_544 = arith.muli %mul3A_543, %scan3A_541 : i32
        %add3A_545 = arith.constant 0 : i32
        %add3A_546 = arith.addi %mul3A_544, %add3A_545 : i32
        %get3A_547 = arith.index_cast %add3A_546 : i32 to index
        %get3A_548 = tpu.vector_load %arg17[%get3A_547] {strides = array<i32>} : memref<1024xi32, #tpu.memory_space<vmem>>, vector<16xi32>,
        %bitcast3A_549 = vector.bitcast %get3A_548 : vector<16xi32> to vector<16xi32>
        %shift_right_logical3A = arith.constant 22 : i32
        %shift_right_logical3A_550 = vector.broadcast %shift_right_logical3A : i32 to vector<16xi32>
        %shift_right_logical3A_551 = arith.shrui %bitcast3A_549, %shift_right_logical3A_550 : vector<16xi32>
        %and3A_552 = arith.constant 1023 : i32
        %and3A_553 = vector.broadcast %and3A_552 : i32 to vector<16xi32>
        %and3A_554 = arith.andi %shift_right_logical3A_551, %and3A_553 : vector<16xi32>
        %broadcast_in_dim3A_555 = arith.constant true
        %broadcast_in_dim3A_556 = vector.broadcast %broadcast_in_dim3A_555 : i1 to vector<16xi1>
        %unique3A_557, %unique3A_558 = tpu.scan_count mask(%broadcast_in_dim3A_556 : vector<16xi1>) value(%and3A_554 : vector<16xi32>) : vector<16xi1>, vector<16xi32>
        %sub3A_559 = vector.broadcast %reduce_min3A_10 : i32 to vector<16xi32>
        %sub3A_560 = arith.subi %unique3A_558, %sub3A_559 : vector<16xi32>
        %add3A_561 = arith.constant 1 : i32
        %add3A_562 = vector.broadcast %add3A_561 : i32 to vector<16xi32>
        %add3A_563 = arith.addi %sub3A_560, %add3A_562 : vector<16xi32>
        tpu.vector_store_idx %arg9[%and3A_554], %add3A_563 masked %unique3A_557 {add = true} : memref<2048xi32, #tpu.memory_space<vmem>>[vector<16xi32>], vector<16xi32>, vector<16xi1>
        %mul3A_564 = arith.constant 64 : i32
        %mul3A_565 = arith.muli %mul3A_564, %scan3A_541 : i32
        %add3A_566 = arith.constant 16 : i32
        %add3A_567 = arith.addi %mul3A_565, %add3A_566 : i32
        %get3A_568 = arith.index_cast %add3A_567 : i32 to index
        %get3A_569 = tpu.vector_load %arg17[%get3A_568] {strides = array<i32>} : memref<1024xi32, #tpu.memory_space<vmem>>, vector<16xi32>,
        %bitcast3A_570 = vector.bitcast %get3A_569 : vector<16xi32> to vector<16xi32>
        %shift_right_logical3A_571 = arith.constant 22 : i32
        %shift_right_logical3A_572 = vector.broadcast %shift_right_logical3A_571 : i32 to vector<16xi32>
        %shift_right_logical3A_573 = arith.shrui %bitcast3A_570, %shift_right_logical3A_572 : vector<16xi32>
        %and3A_574 = arith.constant 1023 : i32
        %and3A_575 = vector.broadcast %and3A_574 : i32 to vector<16xi32>
        %and3A_576 = arith.andi %shift_right_logical3A_573, %and3A_575 : vector<16xi32>
        %broadcast_in_dim3A_577 = arith.constant true
        %broadcast_in_dim3A_578 = vector.broadcast %broadcast_in_dim3A_577 : i1 to vector<16xi1>
        %unique3A_579, %unique3A_580 = tpu.scan_count mask(%broadcast_in_dim3A_578 : vector<16xi1>) value(%and3A_576 : vector<16xi32>) : vector<16xi1>, vector<16xi32>
        %sub3A_581 = vector.broadcast %reduce_min3A_10 : i32 to vector<16xi32>
        %sub3A_582 = arith.subi %unique3A_580, %sub3A_581 : vector<16xi32>
        %add3A_583 = arith.constant 1 : i32
        %add3A_584 = vector.broadcast %add3A_583 : i32 to vector<16xi32>
        %add3A_585 = arith.addi %sub3A_582, %add3A_584 : vector<16xi32>
        tpu.vector_store_idx %arg9[%and3A_576], %add3A_585 masked %unique3A_579 {add = true} : memref<2048xi32, #tpu.memory_space<vmem>>[vector<16xi32>], vector<16xi32>, vector<16xi1>
        %mul3A_586 = arith.constant 64 : i32
        %mul3A_587 = arith.muli %mul3A_586, %scan3A_541 : i32
        %add3A_588 = arith.constant 32 : i32
        %add3A_589 = arith.addi %mul3A_587, %add3A_588 : i32
        %get3A_590 = arith.index_cast %add3A_589 : i32 to index
        %get3A_591 = tpu.vector_load %arg17[%get3A_590] {strides = array<i32>} : memref<1024xi32, #tpu.memory_space<vmem>>, vector<16xi32>,
        %bitcast3A_592 = vector.bitcast %get3A_591 : vector<16xi32> to vector<16xi32>
        %shift_right_logical3A_593 = arith.constant 22 : i32
        %shift_right_logical3A_594 = vector.broadcast %shift_right_logical3A_593 : i32 to vector<16xi32>
        %shift_right_logical3A_595 = arith.shrui %bitcast3A_592, %shift_right_logical3A_594 : vector<16xi32>
        %and3A_596 = arith.constant 1023 : i32
        %and3A_597 = vector.broadcast %and3A_596 : i32 to vector<16xi32>
        %and3A_598 = arith.andi %shift_right_logical3A_595, %and3A_597 : vector<16xi32>
        %broadcast_in_dim3A_599 = arith.constant true
        %broadcast_in_dim3A_600 = vector.broadcast %broadcast_in_dim3A_599 : i1 to vector<16xi1>
        %unique3A_601, %unique3A_602 = tpu.scan_count mask(%broadcast_in_dim3A_600 : vector<16xi1>) value(%and3A_598 : vector<16xi32>) : vector<16xi1>, vector<16xi32>
        %sub3A_603 = vector.broadcast %reduce_min3A_10 : i32 to vector<16xi32>
        %sub3A_604 = arith.subi %unique3A_602, %sub3A_603 : vector<16xi32>
        %add3A_605 = arith.constant 1 : i32
        %add3A_606 = vector.broadcast %add3A_605 : i32 to vector<16xi32>
        %add3A_607 = arith.addi %sub3A_604, %add3A_606 : vector<16xi32>
        tpu.vector_store_idx %arg9[%and3A_598], %add3A_607 masked %unique3A_601 {add = true} : memref<2048xi32, #tpu.memory_space<vmem>>[vector<16xi32>], vector<16xi32>, vector<16xi1>
        %mul3A_608 = arith.constant 64 : i32
        %mul3A_609 = arith.muli %mul3A_608, %scan3A_541 : i32
        %add3A_610 = arith.constant 48 : i32
        %add3A_611 = arith.addi %mul3A_609, %add3A_610 : i32
        %get3A_612 = arith.index_cast %add3A_611 : i32 to index
        %get3A_613 = tpu.vector_load %arg17[%get3A_612] {strides = array<i32>} : memref<1024xi32, #tpu.memory_space<vmem>>, vector<16xi32>,
        %bitcast3A_614 = vector.bitcast %get3A_613 : vector<16xi32> to vector<16xi32>
        %shift_right_logical3A_615 = arith.constant 22 : i32
        %shift_right_logical3A_616 = vector.broadcast %shift_right_logical3A_615 : i32 to vector<16xi32>
        %shift_right_logical3A_617 = arith.shrui %bitcast3A_614, %shift_right_logical3A_616 : vector<16xi32>
        %and3A_618 = arith.constant 1023 : i32
        %and3A_619 = vector.broadcast %and3A_618 : i32 to vector<16xi32>
        %and3A_620 = arith.andi %shift_right_logical3A_617, %and3A_619 : vector<16xi32>
        %broadcast_in_dim3A_621 = arith.constant true
        %broadcast_in_dim3A_622 = vector.broadcast %broadcast_in_dim3A_621 : i1 to vector<16xi1>
        %unique3A_623, %unique3A_624 = tpu.scan_count mask(%broadcast_in_dim3A_622 : vector<16xi1>) value(%and3A_620 : vector<16xi32>) : vector<16xi1>, vector<16xi32>
        %sub3A_625 = vector.broadcast %reduce_min3A_10 : i32 to vector<16xi32>
        %sub3A_626 = arith.subi %unique3A_624, %sub3A_625 : vector<16xi32>
        %add3A_627 = arith.constant 1 : i32
        %add3A_628 = vector.broadcast %add3A_627 : i32 to vector<16xi32>
        %add3A_629 = arith.addi %sub3A_626, %add3A_628 : vector<16xi32>
        tpu.vector_store_idx %arg9[%and3A_620], %add3A_629 masked %unique3A_623 {add = true} : memref<2048xi32, #tpu.memory_space<vmem>>[vector<16xi32>], vector<16xi32>, vector<16xi1>
        %scan3A_630 = arith.constant 0 : i32
        scf.yield %scan3A_630 : i32
      }
      %scan3A_526 = arith.constant 16 : i32
      %scan3A_527 = arith.constant 0 : i32
      %scan3A_528 = arith.constant 0 : i32
      %scan3A_529 = arith.constant 32 : i32
      %scan3A_530 = arith.addi %scan3A_528, %scan3A_529 : i32
      %scan3A_531 = arith.constant 1 : i32
      %scan3A_532 = scf.for %scan3A_541 = %scan3A_528 to %scan3A_530 step %scan3A_531 iter_args(%scan3A_542 = %scan3A_527) -> (i32)  : i32 {
        %mul3A_543 = arith.constant 64 : i32
        %mul3A_544 = arith.muli %mul3A_543, %scan3A_541 : i32
        %add3A_545 = arith.constant 0 : i32
        %add3A_546 = arith.addi %mul3A_544, %add3A_545 : i32
        %get3A_547 = arith.index_cast %add3A_546 : i32 to index
        %get3A_548 = tpu.vector_load %arg9[%get3A_547] {strides = array<i32>} : memref<2048xi32, #tpu.memory_space<vmem>>, vector<16xi32>,
        %broadcast_in_dim3A_549 = arith.constant true
        %broadcast_in_dim3A_550 = vector.broadcast %broadcast_in_dim3A_549 : i1 to vector<16xi1>
        %masked_cumsum3A_551 = tpu.scan <sum>, %get3A_548 masked %broadcast_in_dim3A_550 : vector<16xi32>, vector<16xi1> -> vector<16xi32>
        %sub3A_552 = arith.subi %masked_cumsum3A_551, %get3A_548 : vector<16xi32>
        %add3A_553 = vector.broadcast %scan3A_542 : i32 to vector<16xi32>
        %add3A_554 = arith.addi %sub3A_552, %add3A_553 : vector<16xi32>
        %swap3A_555 = arith.index_cast %add3A_546 : i32 to index
        %swap3A_556 = tpu.vector_load %arg10[%swap3A_555] {strides = array<i32>} : memref<2048xi32, #tpu.memory_space<vmem>>, vector<16xi32>,
        tpu.vector_store %arg10[%swap3A_555], %add3A_554 {strides = array<i32>} : memref<2048xi32, #tpu.memory_space<vmem>>, vector<16xi32>,
        %reduce_max3A = arith.constant true
        %reduce_max3A_557 = vector.broadcast %reduce_max3A : i1 to vector<16xi1>
        %reduce_max3A_558 = arith.constant -2147483648 : i32
        %reduce_max3A_559 = vector.broadcast %reduce_max3A_558 : i32 to vector<16xi32>
        %reduce_max3A_560 = arith.xori %masked_cumsum3A_551, %reduce_max3A_559 : vector<16xi32>
        %reduce_max3A_561 = tpu.scan <max>, %reduce_max3A_560 masked %reduce_max3A_557 : vector<16xi32>, vector<16xi1> -> vector<16xi32>
        %reduce_max3A_562 = arith.xori %reduce_max3A_561, %reduce_max3A_559 : vector<16xi32>
        %reduce_max3A_563 = vector.extract %reduce_max3A_562[15] : i32 from vector<16xi32>
        %add3A_564 = arith.addi %scan3A_542, %reduce_max3A_563 : i32
        %mul3A_565 = arith.constant 64 : i32
        %mul3A_566 = arith.muli %mul3A_565, %scan3A_541 : i32
        %add3A_567 = arith.constant 16 : i32
        %add3A_568 = arith.addi %mul3A_566, %add3A_567 : i32
        %get3A_569 = arith.index_cast %add3A_568 : i32 to index
        %get3A_570 = tpu.vector_load %arg9[%get3A_569] {strides = array<i32>} : memref<2048xi32, #tpu.memory_space<vmem>>, vector<16xi32>,
        %broadcast_in_dim3A_571 = arith.constant true
        %broadcast_in_dim3A_572 = vector.broadcast %broadcast_in_dim3A_571 : i1 to vector<16xi1>
        %masked_cumsum3A_573 = tpu.scan <sum>, %get3A_570 masked %broadcast_in_dim3A_572 : vector<16xi32>, vector<16xi1> -> vector<16xi32>
        %sub3A_574 = arith.subi %masked_cumsum3A_573, %get3A_570 : vector<16xi32>
        %add3A_575 = vector.broadcast %add3A_564 : i32 to vector<16xi32>
        %add3A_576 = arith.addi %sub3A_574, %add3A_575 : vector<16xi32>
        %swap3A_577 = arith.index_cast %add3A_568 : i32 to index
        %swap3A_578 = tpu.vector_load %arg10[%swap3A_577] {strides = array<i32>} : memref<2048xi32, #tpu.memory_space<vmem>>, vector<16xi32>,
        tpu.vector_store %arg10[%swap3A_577], %add3A_576 {strides = array<i32>} : memref<2048xi32, #tpu.memory_space<vmem>>, vector<16xi32>,
        %reduce_max3A_579 = arith.constant true
        %reduce_max3A_580 = vector.broadcast %reduce_max3A_579 : i1 to vector<16xi1>
        %reduce_max3A_581 = arith.constant -2147483648 : i32
        %reduce_max3A_582 = vector.broadcast %reduce_max3A_581 : i32 to vector<16xi32>
        %reduce_max3A_583 = arith.xori %masked_cumsum3A_573, %reduce_max3A_582 : vector<16xi32>
        %reduce_max3A_584 = tpu.scan <max>, %reduce_max3A_583 masked %reduce_max3A_580 : vector<16xi32>, vector<16xi1> -> vector<16xi32>
        %reduce_max3A_585 = arith.xori %reduce_max3A_584, %reduce_max3A_582 : vector<16xi32>
        %reduce_max3A_586 = vector.extract %reduce_max3A_585[15] : i32 from vector<16xi32>
        %add3A_587 = arith.addi %add3A_564, %reduce_max3A_586 : i32
        %mul3A_588 = arith.constant 64 : i32
        %mul3A_589 = arith.muli %mul3A_588, %scan3A_541 : i32
        %add3A_590 = arith.constant 32 : i32
        %add3A_591 = arith.addi %mul3A_589, %add3A_590 : i32
        %get3A_592 = arith.index_cast %add3A_591 : i32 to index
        %get3A_593 = tpu.vector_load %arg9[%get3A_592] {strides = array<i32>} : memref<2048xi32, #tpu.memory_space<vmem>>, vector<16xi32>,
        %broadcast_in_dim3A_594 = arith.constant true
        %broadcast_in_dim3A_595 = vector.broadcast %broadcast_in_dim3A_594 : i1 to vector<16xi1>
        %masked_cumsum3A_596 = tpu.scan <sum>, %get3A_593 masked %broadcast_in_dim3A_595 : vector<16xi32>, vector<16xi1> -> vector<16xi32>
        %sub3A_597 = arith.subi %masked_cumsum3A_596, %get3A_593 : vector<16xi32>
        %add3A_598 = vector.broadcast %add3A_587 : i32 to vector<16xi32>
        %add3A_599 = arith.addi %sub3A_597, %add3A_598 : vector<16xi32>
        %swap3A_600 = arith.index_cast %add3A_591 : i32 to index
        %swap3A_601 = tpu.vector_load %arg10[%swap3A_600] {strides = array<i32>} : memref<2048xi32, #tpu.memory_space<vmem>>, vector<16xi32>,
        tpu.vector_store %arg10[%swap3A_600], %add3A_599 {strides = array<i32>} : memref<2048xi32, #tpu.memory_space<vmem>>, vector<16xi32>,
        %reduce_max3A_602 = arith.constant true
        %reduce_max3A_603 = vector.broadcast %reduce_max3A_602 : i1 to vector<16xi1>
        %reduce_max3A_604 = arith.constant -2147483648 : i32
        %reduce_max3A_605 = vector.broadcast %reduce_max3A_604 : i32 to vector<16xi32>
        %reduce_max3A_606 = arith.xori %masked_cumsum3A_596, %reduce_max3A_605 : vector<16xi32>
        %reduce_max3A_607 = tpu.scan <max>, %reduce_max3A_606 masked %reduce_max3A_603 : vector<16xi32>, vector<16xi1> -> vector<16xi32>
        %reduce_max3A_608 = arith.xori %reduce_max3A_607, %reduce_max3A_605 : vector<16xi32>
        %reduce_max3A_609 = vector.extract %reduce_max3A_608[15] : i32 from vector<16xi32>
        %add3A_610 = arith.addi %add3A_587, %reduce_max3A_609 : i32
        %mul3A_611 = arith.constant 64 : i32
        %mul3A_612 = arith.muli %mul3A_611, %scan3A_541 : i32
        %add3A_613 = arith.constant 48 : i32
        %add3A_614 = arith.addi %mul3A_612, %add3A_613 : i32
        %get3A_615 = arith.index_cast %add3A_614 : i32 to index
        %get3A_616 = tpu.vector_load %arg9[%get3A_615] {strides = array<i32>} : memref<2048xi32, #tpu.memory_space<vmem>>, vector<16xi32>,
        %broadcast_in_dim3A_617 = arith.constant true
        %broadcast_in_dim3A_618 = vector.broadcast %broadcast_in_dim3A_617 : i1 to vector<16xi1>
        %masked_cumsum3A_619 = tpu.scan <sum>, %get3A_616 masked %broadcast_in_dim3A_618 : vector<16xi32>, vector<16xi1> -> vector<16xi32>
        %sub3A_620 = arith.subi %masked_cumsum3A_619, %get3A_616 : vector<16xi32>
        %add3A_621 = vector.broadcast %add3A_610 : i32 to vector<16xi32>
        %add3A_622 = arith.addi %sub3A_620, %add3A_621 : vector<16xi32>
        %swap3A_623 = arith.index_cast %add3A_614 : i32 to index
        %swap3A_624 = tpu.vector_load %arg10[%swap3A_623] {strides = array<i32>} : memref<2048xi32, #tpu.memory_space<vmem>>, vector<16xi32>,
        tpu.vector_store %arg10[%swap3A_623], %add3A_622 {strides = array<i32>} : memref<2048xi32, #tpu.memory_space<vmem>>, vector<16xi32>,
        %reduce_max3A_625 = arith.constant true
        %reduce_max3A_626 = vector.broadcast %reduce_max3A_625 : i1 to vector<16xi1>
        %reduce_max3A_627 = arith.constant -2147483648 : i32
        %reduce_max3A_628 = vector.broadcast %reduce_max3A_627 : i32 to vector<16xi32>
        %reduce_max3A_629 = arith.xori %masked_cumsum3A_619, %reduce_max3A_628 : vector<16xi32>
        %reduce_max3A_630 = tpu.scan <max>, %reduce_max3A_629 masked %reduce_max3A_626 : vector<16xi32>, vector<16xi1> -> vector<16xi32>
        %reduce_max3A_631 = arith.xori %reduce_max3A_630, %reduce_max3A_628 : vector<16xi32>
        %reduce_max3A_632 = vector.extract %reduce_max3A_631[15] : i32 from vector<16xi32>
        %add3A_633 = arith.addi %add3A_610, %reduce_max3A_632 : i32
        scf.yield %add3A_633 : i32
      }
      %scan3A_533 = arith.constant 32 : i32
      %scan3A_534 = arith.constant 0 : i32
      %scan3A_535 = arith.constant 0 : i32
      %scan3A_536 = arith.constant 64 : i32
      %scan3A_537 = arith.addi %scan3A_535, %scan3A_536 : i32
      %scan3A_538 = arith.constant 1 : i32
      %scan3A_539 = scf.for %scan3A_541 = %scan3A_535 to %scan3A_537 step %scan3A_538 iter_args(%scan3A_542 = %scan3A_534) -> (i32)  : i32 {
        %mul3A_543 = arith.constant 16 : i32
        %mul3A_544 = arith.muli %mul3A_543, %scan3A_541 : i32
        %get3A_545 = arith.index_cast %mul3A_544 : i32 to index
        %get3A_546 = tpu.vector_load %arg17[%get3A_545] {strides = array<i32>} : memref<1024xi32, #tpu.memory_space<vmem>>, vector<16xi32>,
        %bitcast3A_547 = vector.bitcast %get3A_546 : vector<16xi32> to vector<16xi32>
        %shift_right_logical3A = arith.constant 22 : i32
        %shift_right_logical3A_548 = vector.broadcast %shift_right_logical3A : i32 to vector<16xi32>
        %shift_right_logical3A_549 = arith.shrui %bitcast3A_547, %shift_right_logical3A_548 : vector<16xi32>
        %and3A_550 = arith.constant 1023 : i32
        %and3A_551 = vector.broadcast %and3A_550 : i32 to vector<16xi32>
        %and3A_552 = arith.andi %shift_right_logical3A_549, %and3A_551 : vector<16xi32>
        %broadcast_in_dim3A_553 = arith.constant true
        %broadcast_in_dim3A_554 = vector.broadcast %broadcast_in_dim3A_553 : i1 to vector<16xi1>
        %unique3A_555, %unique3A_556 = tpu.scan_count mask(%broadcast_in_dim3A_554 : vector<16xi1>) value(%and3A_552 : vector<16xi32>) : vector<16xi1>, vector<16xi32>
        %sub3A_557 = vector.broadcast %reduce_min3A_10 : i32 to vector<16xi32>
        %sub3A_558 = arith.subi %unique3A_556, %sub3A_557 : vector<16xi32>
        %gather3A_559 = tpu.vector_load_idx %arg10[%and3A_552] : memref<2048xi32, #tpu.memory_space<vmem>>[vector<16xi32>], vector<16xi32>,
        %add3A_560 = arith.addi %gather3A_559, %sub3A_558 : vector<16xi32>
        %bitcast3A_561 = vector.bitcast %bitcast3A_547 : vector<16xi32> to vector<16xi32>
        tpu.vector_store_idx %arg19[%add3A_560], %bitcast3A_561 : memref<1024xi32, #tpu.memory_space<vmem>>[vector<16xi32>], vector<16xi32>,
        %mul3A_562 = arith.constant 16 : i32
        %mul3A_563 = arith.muli %mul3A_562, %scan3A_541 : i32
        %get3A_564 = arith.index_cast %mul3A_563 : i32 to index
        %get3A_565 = tpu.vector_load %arg18[%get3A_564] {strides = array<i32>} : memref<1024xi32, #tpu.memory_space<vmem>>, vector<16xi32>,
        tpu.vector_store_idx %arg20[%add3A_560], %get3A_565 : memref<1024xi32, #tpu.memory_space<vmem>>[vector<16xi32>], vector<16xi32>,
        %add3A_566 = arith.constant 1 : i32
        %add3A_567 = vector.broadcast %add3A_566 : i32 to vector<16xi32>
        %add3A_568 = arith.addi %sub3A_558, %add3A_567 : vector<16xi32>
        tpu.vector_store_idx %arg10[%and3A_552], %add3A_568 masked %unique3A_555 {add = true} : memref<2048xi32, #tpu.memory_space<vmem>>[vector<16xi32>], vector<16xi32>, vector<16xi1>
        %scan3A_569 = arith.constant 0 : i32
        scf.yield %scan3A_569 : i32
      }
      %scan3A_540 = arith.constant 64 : i32
      "tpu.region"() ({
        %run_scoped3A = tpu.sem_alloc : memref<!tpu.dma_semaphore, #tpu.memory_space<semaphore_mem>>
        tpu.enqueue_dma source(%arg20 : memref<1024xi32, #tpu.memory_space<vmem>>) target(%arg30 : memref<1024xi32, #tpu.memory_space<vmem_shared>>) target_semaphore(%run_scoped3A : memref<!tpu.dma_semaphore, #tpu.memory_space<semaphore_mem>>)
        tpu.wait_dma2 semaphore(%run_scoped3A : memref<!tpu.dma_semaphore, #tpu.memory_space<semaphore_mem>>) src(%arg20 : memref<1024xi32, #tpu.memory_space<vmem>>) dst(%arg30 : memref<1024xi32, #tpu.memory_space<vmem_shared>>)
        tpu.yield
      }) : () -> ()
    } else {
    }
    %barrier3A_447 = arith.constant 0 : index
    tpu.barrier barrier_id(%barrier3A_447)
    %mul3A_448 = arith.constant 16 : i32
    %mul3A_449 = arith.muli %arg0, %mul3A_448 : i32
    %add3A_450 = arith.addi %mul3A_449, %arg1 : i32
    %mul3A_451 = arith.constant 32 : i32
    %mul3A_452 = arith.muli %add3A_450, %mul3A_451 : i32
    "tpu.region"() ({
      %run_scoped3A = tpu.sem_alloc : memref<!tpu.dma_semaphore, #tpu.memory_space<semaphore_mem>>
      %dma_start3A_457 = tpu.memref_slice %arg30[%mul3A_452] : memref<1024xi32, #tpu.memory_space<vmem_shared>> -> memref<32xi32, #tpu.memory_space<vmem_shared>>
      %dma_start3A_458 = tpu.memref_slice %arg30[%mul3A_452] : memref<1024xi32, #tpu.memory_space<vmem_shared>> -> memref<32xi32, #tpu.memory_space<vmem_shared>>
      tpu.enqueue_dma source(%dma_start3A_458 : memref<32xi32, #tpu.memory_space<vmem_shared>>) target(%arg21 : memref<32xi32, #tpu.memory_space<vmem>>) target_semaphore(%run_scoped3A : memref<!tpu.dma_semaphore, #tpu.memory_space<semaphore_mem>>)
      %dma_wait3A_459 = tpu.memref_slice %arg30[%mul3A_452] : memref<1024xi32, #tpu.memory_space<vmem_shared>> -> memref<32xi32, #tpu.memory_space<vmem_shared>>
      %dma_wait3A_460 = tpu.memref_slice %arg30[%mul3A_452] : memref<1024xi32, #tpu.memory_space<vmem_shared>> -> memref<32xi32, #tpu.memory_space<vmem_shared>>
      tpu.wait_dma2 semaphore(%run_scoped3A : memref<!tpu.dma_semaphore, #tpu.memory_space<semaphore_mem>>) src(%dma_wait3A_460 : memref<32xi32, #tpu.memory_space<vmem_shared>>) dst(%arg21 : memref<32xi32, #tpu.memory_space<vmem>>)
      tpu.yield
    }) : () -> ()
    %dma_start3A = arith.constant 0 : i32
    %dma_start3A_453 = arith.constant 0 : i32
    %dma_start3A_454 = tpu.memref_slice %arg3[%dma_start3A, %dma_start3A_453] : memref<32768x128xf32, #tpu.memory_space<hbm>> -> memref<32768x128xf32, #tpu.memory_space<hbm>>
    tpu.enqueue_indirect_dma source(%dma_start3A_454 : memref<32768x128xf32, #tpu.memory_space<hbm>>) target(%arg22 : memref<32x128xf32, #tpu.memory_space<vmem>>) offsets(%arg21 : memref<32xi32, #tpu.memory_space<vmem>>) semaphore(%arg31 : memref<!tpu.dma_semaphore, #tpu.memory_space<semaphore_mem>>)
    %dma_wait3A = arith.constant 0 : i32
    %dma_wait3A_455 = arith.constant 0 : i32
    %dma_wait3A_456 = tpu.memref_slice %arg3[%dma_wait3A, %dma_wait3A_455] : memref<32768x128xf32, #tpu.memory_space<hbm>> -> memref<32768x128xf32, #tpu.memory_space<hbm>>
    tpu.wait_indirect_dma semaphore(%arg31 : memref<!tpu.dma_semaphore, #tpu.memory_space<semaphore_mem>>) src(%dma_wait3A_456 : memref<32768x128xf32, #tpu.memory_space<hbm>>) dst(%arg22 : memref<32x128xf32, #tpu.memory_space<vmem>>)
    "tpu.region"() ({
      %run_scoped3A = tpu.sem_alloc : memref<!tpu.dma_semaphore, #tpu.memory_space<semaphore_mem>>
      %dma_start3A_457 = arith.constant 0 : i32
      %dma_start3A_458 = tpu.memref_slice %arg4[%mul3A_452, %dma_start3A_457] : memref<1024x128xf32, #tpu.memory_space<hbm>> -> memref<32x128xf32, #tpu.memory_space<hbm>>
      %dma_start3A_459 = arith.constant 0 : i32
      %dma_start3A_460 = tpu.memref_slice %arg4[%mul3A_452, %dma_start3A_459] : memref<1024x128xf32, #tpu.memory_space<hbm>> -> memref<32x128xf32, #tpu.memory_space<hbm>>
      tpu.enqueue_dma source(%arg22 : memref<32x128xf32, #tpu.memory_space<vmem>>) target(%dma_start3A_460 : memref<32x128xf32, #tpu.memory_space<hbm>>) target_semaphore(%run_scoped3A : memref<!tpu.dma_semaphore, #tpu.memory_space<semaphore_mem>>)
      %dma_wait3A_461 = arith.constant 0 : i32
      %dma_wait3A_462 = tpu.memref_slice %arg4[%mul3A_452, %dma_wait3A_461] : memref<1024x128xf32, #tpu.memory_space<hbm>> -> memref<32x128xf32, #tpu.memory_space<hbm>>
      %dma_wait3A_463 = arith.constant 0 : i32
      %dma_wait3A_464 = tpu.memref_slice %arg4[%mul3A_452, %dma_wait3A_463] : memref<1024x128xf32, #tpu.memory_space<hbm>> -> memref<32x128xf32, #tpu.memory_space<hbm>>
      tpu.wait_dma2 semaphore(%run_scoped3A : memref<!tpu.dma_semaphore, #tpu.memory_space<semaphore_mem>>) src(%arg22 : memref<32x128xf32, #tpu.memory_space<vmem>>) dst(%dma_wait3A_464 : memref<32x128xf32, #tpu.memory_space<hbm>>)
      tpu.yield
    }) : () -> ()
    return
  }
}

</mosaic_0001>

<sc_bundles>
// kernel: kernel.3.cloned.1.call-start
scs
__scs_entry_jumppad:
0x0: {  	(pc) =	sbr.rel $0x88, $3  }
0x1: {  	(tag) =	ssettag $0x0;
	lr =	simm.s32 $0x1  }
0x2: {  	[smem:$0x3F9F] =	sst lr;
	_ =	strace $0xD0000000  }
0x3: {  	_ = 	snop  }
0x4: {  	_ = 	snop  }
0x5: {  	_ = 	snop  }
0x6: {  	_ = 	snop  }
0x7: {  	_ = 	snop  }
__scs_overlays_trampoline_lowered:
0x8: {  	[smem:$0x3FAE] =	sst s0  }
0x9: {  	[smem:$0x3FAF] =	sst s1  }
0xa: {  	[smem:$0x3FB0] =	sst s2  }
0xb: {  	[smem:$0x3FB1] =	sst s3  }
0xc: {  	[smem:$0x3FB2] =	sst s4  }
0xd: {  	[smem:$0x3FB3] =	sst s5  }
0xe: {  	[smem:$0x3FB4] =	sst s6  }
0xf: {  	[smem:$0x3FB5] =	sst s7  }
0x10: {  	[smem:$0x3FB6] =	sst s8  }
0x11: {  	[smem:$0x3FB7] =	sst s9;
	s0 =	simm.s32 @!p0 $0x0  }
0x12: {  	s1 =	sld [smem:$0x3F9D];
	s0 =	simm.s32 @p0 $0x1  }
0x13: {  	[smem:$0x3FB8] =	sst s0;
	s0 =	simm.s32 @!p1 $0x0  }
0x14: {  	s2 =	sld [smem:$0x3F9C];
	s0 =	simm.s32 @p1 $0x1  }
0x15: {  	[smem:$0x3FB9] =	sst s0;
	s0 =	simm.s32 @!p2 $0x0  }
0x16: {  	s3 =	sld [smem:$0x3FDB];
	s0 =	simm.s32 @p2 $0x1  }
0x17: {  	s4 =	simm.s32 $0x1BF5;
	[smem:$0x3FBB] =	sst s0  }
0x18: {  	s0 =	sld [smem:$0x3F9E];
	_ =	swait.ge [sflag:s4], $0x0  }
0x19: {  	s7 =	sld [smem:$0x3F9F]  }
0x1a: {  	s8 =	sadd.s32 $0xFFFFE003, lr  }
0x1b: {  	s9 =	sadd.s32 $0xFFFFFEF7, lr;
	s5 =	simm.s32 $0xFFFFFFFF;
	p2 =	slt.u32 s8, $0xFFFFF086  }
0x1c: {  	p1 =	slt.u32 s9, $0xF7A;
	s5 =	simm.s32 @!p2 $0x0  }
0x1d: {  	s5 =	simm.s32 @p1 $0x1;
	p0 =	seq.s32 s7, s2  }
0x1e: {  	s7 =	smul.u32 @!p0 $0xF7A, s2;
	p2 =	seq.s32 @!p0 s5, $0x0  }
0x1f: {  	s9 =	smul.u32 $0xF7A, s1;
	s8 =	simm.s32 @!p0 $0x1BF5;
	p2 =	por !p2, p0  }
0x20: {  	[sflag:s8] =	ssyncset.s32 @!p0 $0xFFFFF086;
	s6 =	sadd.s32 @!p0 s3, s7;
	s7 =	simm.s32 @!p0 $0x108  }
0x21: {  	s3 =	sadd.s32 s3, s9;
	s6 =	sadd.s32 @!p0 $0x88, s6;
	s7 =	simm.s32 @p2 $0x1082  }
0x22: {  	[simem:s7], [sflag:s8] =	dma.local @!p0 [hbm:s6], $0xF7A  }
0x23: {  	s9 =	sor.u32 $0xD0000000, s2;
	s6 =	simm.s32 $0x108;
	_ =	swait.ge @!p0 [sflag:s8], $0x0  }
0x24: {  	s3 =	sadd.s32 $0x88, s3;
	s6 =	simm.s32 @!p1 $0x1082;
	[sflag:s4] =	ssyncset.s32 $0xFFFFF086  }
0x25: {  	[simem:s6], [sflag:s4] =	dma.local [hbm:s3], $0xF7A  }
0x26: {  	[smem:$0x3F9F] =	sst s1;
	(tag) =	ssettag s2;
	_ =	strace s9  }
0x27: {  	s1 =	sld [smem:$0x3FAF]  }
0x28: {  	s2 =	sld [smem:$0x3FB0]  }
0x29: {  	s4 =	sld [smem:$0x3FB2]  }
0x2a: {  	p0 =	seq.s32 s5, $0x0;
	s5 =	sld [smem:$0x3FB3]  }
0x2b: {  	s6 =	sld [smem:$0x3FB4]  }
0x2c: {  	s7 =	sld [smem:$0x3FB5]  }
0x2d: {  	s3 =	simm.s32 $0x108;
	s8 =	sld [smem:$0x3FB6]  }
0x2e: {  	s3 =	simm.s32 @!p0 $0x1082;
	s9 =	sld [smem:$0x3FB7]  }
0x2f: {  	lr =	sadd.s32 s0, s3;
	s0 =	sld [smem:$0x3FAE]  }
0x30: {  	s3 =	sld [smem:$0x3FB1]  }
0x31: {  	[smem:$0x3FBA] =	sst s10  }
0x32: {  	s10 =	sld [smem:$0x3FB8];
	_ =	sdelay $0x3  }
0x33: {  	p0 =	seq.s32 s10, $0x1;
	s10 =	sld [smem:$0x3FBA];
	_ =	sdelay $0x3  }
0x34: {  	[smem:$0x3FBA] =	sst s10  }
0x35: {  	s10 =	sld [smem:$0x3FB9];
	_ =	sdelay $0x3  }
0x36: {  	p1 =	seq.s32 s10, $0x1;
	s10 =	sld [smem:$0x3FBA];
	_ =	sdelay $0x3  }
0x37: {  	[smem:$0x3FBA] =	sst s10  }
0x38: {  	s10 =	sld [smem:$0x3FBB]  }
0x39: {  	_ = 	snop;
	(pc) =	sbr.ind lr, $3  }
0x3a: {  	_ = 	snop  }
0x3b: {  	_ = 	snop  }
0x3c: {  	p2 =	seq.s32 s10, $0x1;
	s10 =	sld [smem:$0x3FBA]  }
0x3d: {  	_ =	shalt  }
0x3e: {  	_ =	shalt  }
0x3f: {  	_ =	shalt  }
0x40: {  	_ =	shalt  }
0x41: {  	_ =	shalt  }
0x42: {  	_ =	shalt  }
0x43: {  	_ =	shalt  }
0x44: {  	_ =	shalt  }
0x45: {  	_ =	shalt  }
0x46: {  	_ =	shalt  }
0x47: {  	_ =	shalt  }
0x48: {  	_ =	shalt  }
0x49: {  	_ =	shalt  }
0x4a: {  	_ =	shalt  }
0x4b: {  	_ =	shalt  }
0x4c: {  	_ =	shalt  }
0x4d: {  	_ =	shalt  }
0x4e: {  	_ =	shalt  }
0x4f: {  	_ =	shalt  }
0x50: {  	_ =	shalt  }
0x51: {  	_ =	shalt  }
0x52: {  	_ =	shalt  }
0x53: {  	_ =	shalt  }
0x54: {  	_ =	shalt  }
0x55: {  	_ =	shalt  }
0x56: {  	_ =	shalt  }
0x57: {  	_ =	shalt  }
0x58: {  	_ =	shalt  }
0x59: {  	_ =	shalt  }
0x5a: {  	_ =	shalt  }
0x5b: {  	_ =	shalt  }
0x5c: {  	_ =	shalt  }
0x5d: {  	_ =	shalt  }
0x5e: {  	_ =	shalt  }
0x5f: {  	_ =	shalt  }
0x60: {  	_ =	shalt  }
0x61: {  	_ =	shalt  }
0x62: {  	_ =	shalt  }
0x63: {  	_ =	shalt  }
0x64: {  	_ =	shalt  }
0x65: {  	_ =	shalt  }
0x66: {  	_ =	shalt  }
0x67: {  	_ =	shalt  }
0x68: {  	_ =	shalt  }
0x69: {  	_ =	shalt  }
0x6a: {  	_ =	shalt  }
0x6b: {  	_ =	shalt  }
0x6c: {  	_ =	shalt  }
0x6d: {  	_ =	shalt  }
0x6e: {  	_ =	shalt  }
0x6f: {  	_ =	shalt  }
0x70: {  	_ =	shalt  }
0x71: {  	_ =	shalt  }
0x72: {  	_ =	shalt  }
0x73: {  	_ =	shalt  }
0x74: {  	_ =	shalt  }
0x75: {  	_ =	shalt  }
0x76: {  	_ =	shalt  }
0x77: {  	_ =	shalt  }
0x78: {  	_ =	shalt  }
0x79: {  	_ =	shalt  }
0x7a: {  	_ =	shalt  }
0x7b: {  	_ =	shalt  }
0x7c: {  	_ =	shalt  }
0x7d: {  	_ =	shalt  }
0x7e: {  	_ =	shalt  }
0x7f: {  	_ =	shalt  }
0x80: {  	_ =	shalt  }
0x81: {  	_ =	shalt  }
0x82: {  	_ =	shalt  }
0x83: {  	_ =	shalt  }
0x84: {  	_ =	shalt  }
0x85: {  	_ =	shalt  }
0x86: {  	_ =	shalt  }
0x87: {  	_ =	shalt  }
.Lfunc_end0:
.L_simem_size_0:
called_computation_lowered:
.L_overlay_start_0:
0x88: {  	s2 =	sld [smem:$0x3FD9]  }
0x89: {  	s3 =	sld [smem:$0x3FFE];
	_ =	sdelay $0x1  }
0x8a: {  	s1 =	srdreg.scid  }
0x8b: {  	s0 =	sand.u32 $0x1, s1  }
0x8c: {  	s17 =	sshll.u32 s0, $0xA;
	s2 =	sadd.s32 s3, s2  }
0x8d: {  	s2 =	sadd.s32 s2, s17  }
0x8e: {  	[smem:$0x3FC6] =	sst s2  }
0x8f: {  	_ = 	snop  }
0x90: {  	s2 =	sld [smem:$0x3FC8];
	(tm) =	ssettm $0x1  }
0x91: {  	s18 =	sld [smem:$0x3FFB];
	_ =	sdelay $0x3  }
0x92: {  	_ =	strace s18  }
0x93: {  	s3 =	sld [smem:$0x3FFC];
	_ =	sdelay $0x3  }
0x94: {  	_ =	strace s3  }
0x95: {  	s3 =	sld [smem:$0x3FFD];
	_ =	sdelay $0x3  }
0x96: {  	_ =	strace s3  }
0x97: {  	_ =	strace $0x8FFFFFFF  }
0x98: {  	s19 =	sld [smem:$0x3FDB];
	_ =	sdelay $0x1  }
0x99: {  	s4 =	simm.s32 $_scs_section_size  }
0x9a: {  	s5 =	simm.s32 $_size__tile_overlayer_lowered;
	s6 =	simm.s32 $_tile_overlayer_lowered  }
0x9b: {  	s22 =	simm.s32 $0x1BFF;
	s21 =	sshll.u32 s6, $0x1;
	s3 =	sadd.s32 s4, s19  }
0x9c: {  	s7 =	simm.s32 $0x0;
	s20 =	sshll.u32 s5, $0x1;
	s5 =	sadd.s32 s21, s3  }
0x9d: {  	[timem:s7], [sflag:s22] =	dma.local [hbm:s5], s20  }
0x9e: {  	_ =	swait.ge [sflag:s22], s20  }
0x9f: {  	s4 =	ssub.s32 $0x0, s20;
	[sflag:s22] =	ssyncset.done $0x0  }
0xa0: {  	[sflag:s22] =	ssyncadd.s32 s4;
	_ =	sdelay $0x1  }
0xa1: {  	s23 =	simm.s32 $0x1B8B  }
0xa2: {  	_ =	swait.ge [sflag:s23], $0x1  }
0xa3: {  	[sflag:s23] =	ssyncset.done $0x0  }
0xa4: {  	s25 =	simm.s32 $0x1B8E;
	s24 =	sld [smem:$0x3FFE];
	[sflag:s23] =	ssyncadd.s32 $0xFFFFFFFF  }
0xa5: {  	s26 =	simm.s32 $execute0_lowered;
	[smem:$0x3FD2] =	sst s25  }
0xa6: {  	s5 =	sshll.u32 s26, $0x1;
	_ =	strace $0x80000046;
	[dreg:$0x1] =	wrdreg $0xFFFFFFFF  }
0xa7: {  	s28 =	simm.s32 $_size_execute0_lowered;
	s3 =	sadd.s32 s3, s5;
	[dreg:$0x0] =	wrdreg $0x0  }
0xa8: {  	s5 =	sshll.u32 s28, $0x1;
	[dreg:$0x2] =	wrdreg s3  }
0xa9: {  	[dreg:$0x3] =	wrdreg s5  }
0xaa: {  	[dreg:$0x4] =	wrdreg $0xC0  }
0xab: {  	_ =	task [dreg:s7], $0x5FFFF  }
0xac: {  	[dreg:$0x1] =	wrdreg $0xFFFFFFFF  }
0xad: {  	[dreg:$0x0] =	wrdreg $0x60  }
0xae: {  	[dreg:$0x2] =	wrdreg s2  }
0xaf: {  	[dreg:$0x3] =	wrdreg s24  }
0xb0: {  	[dreg:$0x4] =	wrdreg $0x75400  }
0xb1: {  	[dreg:$0x5] =	wrdreg $0x74000  }
0xb2: {  	[dreg:$0x6] =	wrdreg $0x74800  }
0xb3: {  	[dreg:$0x7] =	wrdreg $0x75000  }
0xb4: {  	[dreg:$0x8] =	wrdreg $0x75500  }
0xb5: {  	[dreg:$0x9] =	wrdreg $0x75580  }
0xb6: {  	[dreg:$0xa] =	wrdreg $0x75A00  }
0xb7: {  	[dreg:$0xb] =	wrdreg $0x75E80  }
0xb8: {  	[dreg:$0xc] =	wrdreg $0x9  }
0xb9: {  	_ =	task.clear_ibuf [dreg:s7], $0xDFFFF;
	_ =	strace $0x90000046  }
0xba: {  	s29 =	simm.s32 $0x9;
	_ =	strace $0x80000048  }
0xbb: {  	_ =	swait.ge [sflag:s29], $0x1  }
0xbc: {  	[sflag:s29] =	ssyncadd.s32 $0xFFFFFFFF  }
0xbd: {  	_ =	strace $0x90000048  }
0xbe: {  	_ =	sfence  }
0xbf: {  	s30 =	sld [smem:$0x0];
	_ =	sdelay $0x2  }
0xc0: {  	s31 =	sshll.u32 s1, $0xD;
	s1 =	sshrl.u32 s1, $0x2  }
0xc1: {  	s3 =	sand.u32 $0x4000, s31;
	s1 =	sadd.s32 s1, s30  }
0xc2: {  	s0 =	sor.u32 s3, s0;
	s1 =	sshll.u32 s1, $0x11  }
0xc3: {  	s0 =	sor.u32 s1, s0  }
0xc4: {  	s0 =	sadd.s32 $0x8F2B, s0  }
0xc5: {  	[sflag:s0] =	ssyncadd.remote.s32 $0x1  }
0xc6: {  	_ =	sfence.sel $0xFFFF  }
0xc7: {  	[dreg:$0x0] =	wrdreg $0xFFFFFFFF;
	(pc) =	sbr.abs _section_cstart, $3  }
0xc8: {  	[dreg:$0x1] =	wrdreg $0xFFFFFFFF  }
0xc9: {  	_ =	task.clear_ibuf [dreg:s7], $0x2FFFF;
	_ =	strace $0x9FFFFFFF  }
0xca: {  	(tm) =	ssettm $0x7FFFFFFF  }
0xcb: {  	_ =	shalt  }
tec
execute0_lowered:
.L_overlay_start_1:
0x0: {  	(tag) =	ssettag $0x1  }
0x1: {  	s0 =	rddreg [dreg:$0x0]  }
0x2: {  	s3 =	rddreg [dreg:$0x1]  }
0x3: {  	s5 =	rddreg [dreg:$0x2]  }
0x4: {  	s1 =	rddreg [dreg:$0x3]  }
0x5: {  	s2 =	rddreg [dreg:$0x4]  }
0x6: {  	s4 =	rddreg [dreg:$0x5]  }
0x7: {  	s24 =	rddreg [dreg:$0x6]  }
0x8: {  	s6 =	rddreg [dreg:$0x7]  }
0x9: {  	s7 =	rddreg [dreg:$0x8];
	s8 =	simm.s32 $0x0  }
0xa: {  	[smem:$0x7FF] =	sst s8  }
0xb: {  	s14 =	rddreg [dreg:$0x9];
	v0 =	vimm.s32 $0x0;
	_ =	strace $0x80000047  }
0xc: {  	(xrf1) =	vunique.msk.u32 $0xffff, v0;
	_ =	sdelay $0xd  }
0xd: {  	_, v1, _ =	vpop (xrf1)  }
0xe: {  	v1 =	vxor.u32 $0x80000000, v1  }
0xf: {  	(xrf0) =	vmin.scan.msk.u32 $0xffff, v1;
	_ =	sdelay $0x5  }
0x10: {  	v1, _, _ =	vpop (xrf0)  }
0x11: {  	(v2sf) =	vpush v1, $0xF;
	_ =	sdelay $0x1  }
0x12: {  	s15 =	srdreg.scid  }
0x13: {  	s9 =	stileid.u32;
	s20 =	simm.s32 $0x2;
	s21 =	simm.s32 $0x2100  }
0x14: {  	s28 =	simm.s32 $0x5380;
	s29 =	simm.s32 $0x5780;
	s30 =	simm.s32 $0x2900  }
0x15: {  	s31 =	simm.s32 $0x5B80;
	s8 =	sand.u32 $0x1, s15;
	s11 =	sshll.u32 s9, $0x5  }
0x16: {  	s16 =	sadd.s32 $0x400, s3;
	s13 =	sshll.u32 s9, $0x8;
	s22 =	sshll.u32 s9, $0x7  }
0x17: {  	p3 =	sne.s32 s9, $0x0;
	s10 =	sshll.u32 s8, $0x9;
	s8 =	ssub.s32 $0x2, s8  }
0x18: {  	[dreg:$0xb] =	wrdreg s16;
	s0 =	sadd.s32 s0, s13;
	s13 =	sshrl.u32 s13, $0x2  }
0x19: {  	s15 =	sadd.s32 s22, s1;
	s23 =	sadd.s32 s22, s2;
	[dreg:$0xc] =	wrdreg s0  }
0x1a: {  	s10 =	sor.u32 s11, s10;
	s12 =	sshrl.u32 s8, $0x1;
	[dreg:$0xd] =	wrdreg s15  }
0x1b: {  	s11 =	sshll.u32 s9, $0xB;
	[dreg:$0xe] =	wrdreg s23;
	s13 =	sadd.s32 s13, s4  }
0x1c: {  	s0 =	sadd.s32 s22, s5;
	s22 =	simm.s32 $0x80;
	s23 =	simm.s32 $0x4A80  }
0x1d: {  	s5 =	simm.s32 @!p3 $0x0;
	s17 =	sshll.u32 s10, $0x4;
	[dreg:$0xf] =	wrdreg s13  }
0x1e: {  	s8 =	ssub.s32 s8, s12;
	[dreg:$0x10] =	wrdreg s0;
	s0 =	simm.s32 $0x0  }
.Ltmp0:
0x1f: {  	s25 =	sadd.s32 s10, s14;
	s18 =	spop (v2sf);
	(pc) =	sbr.rel .LBB2_1-.Ltmp0, $4  }
0x20: {  	s5 =	simm.s32 @p3 $0x1;
	[dreg:$0x11] =	wrdreg s25;
	s19 =	sxor.u32 $0x80000000, s18  }
0x21: {  	v4 =	vlaneseq.u32;
	vm0 =	vcmask $0x704;
	s3 =	sadd.s32 s17, s3;
	s26 =	smax.u32 s8, $0x1;
	[smem:$0x7FD] =	sst s5;
	v1 =	vmov s19  }
0x22: {  	vm1 =	vmmov $0x1;
	v5 =	vimm.s32 $0xFFFFFFFF;
	s10 =	simm.s32 $0x0;
	s3 =	sadd.s32 $0x80400, s3;
	[dreg:$0x13] =	wrdreg s26;
	v3 =	vsub.s32 $0x1, v1  }
0x23: {  	vm2 =	vcmask $0x308;
	v2 =	vmov s9;
	s25 =	simm.s32 $0x4B00;
	[dreg:$0x12] =	wrdreg s3;
	s3 =	simm.s32 $0x5F80;
	v3 =	vbroadcast v3, $0x0  }
.LBB2_77:
0x24: {  	_ =	sdelay $0x4  }
0x25: {  	s0 =	sshra.s32 s0, $0x2;
	[tilespmem:v6+s30+$0x0] =	vst.idx.add.s32.msk vm3, v7  }
0x26: {  	v6 =	vld [tilespmem:s0+$0x5380];
	_ =	sdelay $0x4  }
0x27: {  	v7 =	vshrl.u32 v6, $0x16  }
0x28: {  	(xrf1) =	vunique.msk.u32 $0xffff, v7;
	_ =	sdelay $0xa  }
0x29: {  	v8 =	vld.idx.msk [tilespmem:v7+s30+$0x0], $0xffff;
	_ =	sdelay $0x2  }
0x2a: {  	_, v9, vm3 =	vpop (xrf1)  }
0x2b: {  	v9 =	vsub.s32 v9, v1  }
0x2c: {  	v8 =	vadd.s32 v8, v9;
	_ =	sdelay $0x4  }
0x2d: {  	[tilespmem:v8+s31+$0x0] =	vst.idx.msk $0xffff, v6  }
0x2e: {  	v6 =	vld [tilespmem:s0+$0x5780];
	_ =	sdelay $0x4  }
0x2f: {  	[tilespmem:v8+s3+$0x0] =	vst.idx.msk $0xffff, v6;
	v6 =	vadd.s32 $0x1, v9  }
0x30: {  	s26 =	rddreg [dreg:$0x9];
	[tilespmem:v7+s30+$0x0] =	vst.idx.add.s32.msk vm3, v6  }
0x31: {  	[spmem:s26] =	stream.linear.scatter [tilespmem:s3], [sflag:$0x2], $0x400, $0x38;
	[tilespmem:$0x7628] =	vst v63  }
0x32: {  	_ =	swait.ge [sflag:s20], $0x400  }
0x33: {  	[sflag:s20] =	ssyncset.done $0x0  }
0x34: {  	s10 =	rddreg [dreg:$0x14];
	[sflag:s20] =	ssyncadd.s32 $0xFFFFFC00  }
.LBB2_78:
0x35: {  	[bflag:$0x0] =	sbarrier.arrive $0xFFFF  }
0x36: {  	s5 =	simm.s32 $0x6380;
	s0 =	rddreg [dreg:$0x11]  }
0x37: {  	[tilespmem:s5], [sflag:$0x2] =	stream.linear.gather [spmem:s0], $0x20, $0x38;
	[tilespmem:$0x7628] =	vst v63  }
0x38: {  	_ =	swait.ge [sflag:s20], $0x20  }
0x39: {  	s8 =	simm.s32 $0x20;
	s9 =	simm.s32 $0x6400;
	[sflag:s20] =	ssyncset.done $0x0  }
0x3a: {  	s18 =	simm.s32 $0x1;
	s17 =	rddreg [dreg:$0xb];
	[sflag:s20] =	ssyncadd.s32 $0xFFFFFFE0  }
0x3b: {  	[tilespmem:s9], [sflag:$0x1] =	stream.indirect.gather [hbm4b:s17+s8], $0x80, s5, s8, $0xb8;
	[tilespmem:$0x7628] =	vst v63  }
0x3c: {  	_ =	swait.ge [sflag:s18], $0x1000  }
0x3d: {  	[sflag:s18] =	ssyncset.done $0x0  }
0x3e: {  	s0 =	simm.s32 $0x0;
	s19 =	rddreg [dreg:$0x12];
	[sflag:s18] =	ssyncadd.s32 $0xFFFFF000  }
0x3f: {  	[hbm4b:s19+s0] =	stream.linear.scatter [tilespmem:s9], [sflag:$0x2], $0x1000, $0x38;
	[tilespmem:$0x7628] =	vst v63  }
0x40: {  	_ =	swait.ge [sflag:s20], $0x1000  }
0x41: {  	s10 =	sadd.s32 $0x1, s10;
	s26 =	rddreg [dreg:$0x13]  }
0x42: {  	p0 =	sne.s32 s10, s26  }
.Ltmp1:
0x43: {  	_ = 	snop;
	(pc) =	sbr.rel @!p0 .LBB2_79-.Ltmp1, $3  }
0x44: {  	_ =	sdelay $0x1  }
0x45: {  	[sflag:s20] =	ssyncset.done $0x0  }
0x46: {  	[sflag:s20] =	ssyncadd.s32 $0xFFFFF000  }
.LBB2_1:
0x47: {  	[dreg:$0x14] =	wrdreg s10  }
0x48: {  	s5 =	rddreg [dreg:$0xc]  }
0x49: {  	[tilespmem:s0], [sflag:$0x2] =	stream.linear.gather [hbm4b:s5+s0], $0x800, $0x38;
	[tilespmem:$0x7628] =	vst v63  }
0x4a: {  	_ =	swait.ge [sflag:s20], $0x800  }
0x4b: {  	[sflag:s20] =	ssyncset.done $0x0  }
0x4c: {  	s9 =	simm.s32 $0x200;
	s0 =	simm.s32 $0x0;
	[sflag:s20] =	ssyncadd.s32 $0xFFFFF800  }
.LBB2_2:
0x4d: {  	p0 =	sne.s32 s9, $0x1E00;
	[tilespmem:s0+$0x2170] =	vst v0  }
0x4e: {  	[tilespmem:s0+$0x2100] =	vst v0  }
0x4f: {  	[tilespmem:s0+$0x2110] =	vst v0  }
.Ltmp2:
0x50: {  	[tilespmem:s0+$0x2120] =	vst v0;
	(pc) =	sbr.rel @p0 .LBB2_2-.Ltmp2, $4  }
0x51: {  	[tilespmem:s0+$0x2130] =	vst v0  }
0x52: {  	[tilespmem:s0+$0x2140] =	vst v0  }
0x53: {  	[tilespmem:s0+$0x2150] =	vst v0  }
0x54: {  	[tilespmem:s0+$0x2160] =	vst v0;
	s0 =	sshra.s32 s9, $0x2;
	s9 =	sadd.s32 $0x200, s9  }
0x55: {  	[tilespmem:s0+$0x2170] =	vst v0  }
0x56: {  	[tilespmem:s0+$0x2100] =	vst v0  }
0x57: {  	[tilespmem:s0+$0x2110] =	vst v0  }
0x58: {  	[tilespmem:s0+$0x2120] =	vst v0  }
0x59: {  	[tilespmem:s0+$0x2130] =	vst v0  }
0x5a: {  	[tilespmem:s0+$0x2140] =	vst v0  }
0x5b: {  	[tilespmem:s0+$0x2150] =	vst v0  }
0x5c: {  	[tilespmem:s0+$0x2160] =	vst v0;
	s18 =	rddreg [dreg:$0xd]  }
0x5d: {  	[spmem:s18] =	stream.linear.scatter [tilespmem:s21], [sflag:$0x2], $0x80, $0x38;
	[tilespmem:$0x7628] =	vst v63  }
0x5e: {  	_ =	swait.ge [sflag:s20], $0x80  }
0x5f: {  	[sflag:s20] =	ssyncset.done $0x0  }
0x60: {  	s19 =	rddreg [dreg:$0xe];
	[sflag:s20] =	ssyncadd.s32 $0xFFFFFF80  }
0x61: {  	[spmem:s19] =	stream.linear.scatter [tilespmem:s21], [sflag:$0x2], $0x80, $0x38;
	[tilespmem:$0x7628] =	vst v63  }
0x62: {  	_ =	swait.ge [sflag:s20], $0x80  }
0x63: {  	[sflag:s20] =	ssyncset.done $0x0  }
0x64: {  	s26 =	rddreg [dreg:$0xf];
	[sflag:s20] =	ssyncadd.s32 $0xFFFFFF80  }
0x65: {  	[spmem:s26] =	stream.linear.scatter [tilespmem:s21], [sflag:$0x2], $0x40, $0x38;
	[tilespmem:$0x7628] =	vst v63  }
0x66: {  	_ =	swait.ge [sflag:s20], $0x40  }
0x67: {  	[sflag:s20] =	ssyncset.done $0x0  }
0x68: {  	s0 =	simm.s32 $0x0;
	[sflag:s20] =	ssyncadd.s32 $0xFFFFFFC0  }
0x69: {  	v8 =	vld [tilespmem:s0+$0x30]  }
0x6a: {  	v9 =	vld [tilespmem:s0+$0x0]  }
0x6b: {  	v7 =	vld [tilespmem:s0+$0x10]  }
0x6c: {  	v6 =	vld [tilespmem:s0+$0x20]  }
0x6d: {  	s9 =	simm.s32 $0x100  }
.LBB2_4:
0x6e: {  	s10 =	sshra.s32 s9, $0x2;
	p1 =	sne.s32 s9, $0x1F00;
	s9 =	sadd.s32 $0x100, s9;
	vm3 =	vlt.s32 v8, $0x0;
	v10 =	vandn.u32 $0x7FFFFFFF, v8  }
.Ltmp3:
0x6f: {  	vm4 =	vlt.s32 v9, $0x0;
	v11 =	vandn.u32 $0x7FFFFFFF, v9;
	v10 =	vsel vm3, v8, v10;
	v8 =	vld [tilespmem:s10+$0x30];
	(pc) =	sbr.rel @p1 .LBB2_4-.Ltmp3, $4  }
0x70: {  	v11 =	vsel vm4, v9, v11;
	v9 =	vld [tilespmem:s10+$0x0];
	vm3 =	vlt.s32 v7, $0x0;
	v12 =	vandn.u32 $0x7FFFFFFF, v7;
	[tilespmem:s0+$0x830] =	vst v10  }
0x71: {  	[tilespmem:s0+$0x800] =	vst v11;
	v10 =	vsel vm3, v7, v12;
	v7 =	vld [tilespmem:s10+$0x10];
	vm3 =	vlt.s32 v6, $0x0;
	v11 =	vandn.u32 $0x7FFFFFFF, v6  }
0x72: {  	[tilespmem:s0+$0x810] =	vst v10;
	v10 =	vsel vm3, v6, v11;
	v6 =	vld [tilespmem:s10+$0x20]  }
0x73: {  	[tilespmem:s0+$0x820] =	vst v10;
	s0 =	smov.u32 s10  }
0x74: {  	vm3 =	vlt.s32 v8, $0x0;
	v10 =	vandn.u32 $0x7FFFFFFF, v8  }
0x75: {  	vm4 =	vlt.s32 v9, $0x0;
	v11 =	vandn.u32 $0x7FFFFFFF, v9;
	v8 =	vsel vm3, v8, v10  }
0x76: {  	v9 =	vsel vm4, v9, v11;
	vm3 =	vlt.s32 v7, $0x0;
	v62 =	vandn.u32 $0x7FFFFFFF, v7;
	[tilespmem:s0+$0x830] =	vst v8  }
0x77: {  	[tilespmem:s0+$0x800] =	vst v9;
	v7 =	vsel vm3, v7, v62;
	vm3 =	vlt.s32 v6, $0x0;
	v63 =	vandn.u32 $0x7FFFFFFF, v6  }
0x78: {  	[tilespmem:s0+$0x810] =	vst v7;
	v6 =	vsel vm3, v6, v63  }
0x79: {  	s9 =	simm.s32 $0x0;
	[tilespmem:s0+$0x820] =	vst v6  }
0x7a: {  	s10 =	simm.s32 $0x200;
	s0 =	simm.s32 $0x0;
	[bflag:$0x0] =	sbarrier.arrive $0xFFFF  }
.LBB2_6:
0x7b: {  	p0 =	sne.s32 s10, $0x1E00;
	[tilespmem:s0+$0x2170] =	vst v0  }
0x7c: {  	[tilespmem:s0+$0x2100] =	vst v0  }
0x7d: {  	[tilespmem:s0+$0x2110] =	vst v0  }
.Ltmp4:
0x7e: {  	[tilespmem:s0+$0x2120] =	vst v0;
	(pc) =	sbr.rel @p0 .LBB2_6-.Ltmp4, $4  }
0x7f: {  	[tilespmem:s0+$0x2130] =	vst v0  }
0x80: {  	[tilespmem:s0+$0x2140] =	vst v0  }
0x81: {  	[tilespmem:s0+$0x2150] =	vst v0  }
0x82: {  	[tilespmem:s0+$0x2160] =	vst v0;
	s0 =	sshra.s32 s10, $0x2;
	s10 =	sadd.s32 $0x200, s10  }
0x83: {  	[tilespmem:s0+$0x2170] =	vst v0  }
0x84: {  	[tilespmem:s0+$0x2100] =	vst v0  }
0x85: {  	[tilespmem:s0+$0x2110] =	vst v0  }
0x86: {  	[tilespmem:s0+$0x2120] =	vst v0  }
0x87: {  	[tilespmem:s0+$0x2130] =	vst v0  }
0x88: {  	[tilespmem:s0+$0x2140] =	vst v0  }
0x89: {  	[tilespmem:s0+$0x2150] =	vst v0  }
0x8a: {  	[tilespmem:s0+$0x2160] =	vst v0  }
.LBB2_8:
0x8b: {  	s10 =	sshra.s32 s9, $0x2  }
0x8c: {  	v6 =	vld [tilespmem:s10+$0x800];
	_ =	sdelay $0x4  }
0x8d: {  	v6 =	vshrl.u32 v6, $0x15  }
0x8e: {  	(xrf1) =	vunique.msk.u32 $0xffff, v6;
	_ =	sdelay $0xd  }
0x8f: {  	_, v7, vm3 =	vpop (xrf1);
	_ =	sdelay $0x4  }
0x90: {  	s0 =	simm.s32 $0x2100;
	v7 =	vadd.s32 v7, v3  }
0x91: {  	[tilespmem:v6+s0+$0x0] =	vst.idx.add.s32.msk vm3, v7  }
0x92: {  	v6 =	vld [tilespmem:s10+$0x810];
	_ =	sdelay $0x4  }
0x93: {  	v6 =	vshrl.u32 v6, $0x15  }
0x94: {  	(xrf1) =	vunique.msk.u32 $0xffff, v6;
	_ =	sdelay $0xd  }
0x95: {  	_, v7, vm3 =	vpop (xrf1);
	_ =	sdelay $0x4  }
0x96: {  	v7 =	vadd.s32 v7, v3  }
0x97: {  	[tilespmem:v6+s0+$0x0] =	vst.idx.add.s32.msk vm3, v7  }
0x98: {  	v6 =	vld [tilespmem:s10+$0x820];
	_ =	sdelay $0x4  }
0x99: {  	v6 =	vshrl.u32 v6, $0x15  }
0x9a: {  	(xrf1) =	vunique.msk.u32 $0xffff, v6;
	_ =	sdelay $0xd  }
0x9b: {  	_, v7, vm3 =	vpop (xrf1);
	_ =	sdelay $0x4  }
0x9c: {  	v7 =	vadd.s32 v7, v3  }
0x9d: {  	[tilespmem:v6+s0+$0x0] =	vst.idx.add.s32.msk vm3, v7  }
0x9e: {  	v6 =	vld [tilespmem:s10+$0x830];
	_ =	sdelay $0x4  }
0x9f: {  	v6 =	vshrl.u32 v6, $0x15  }
0xa0: {  	(xrf1) =	vunique.msk.u32 $0xffff, v6;
	_ =	sdelay $0xd  }
0xa1: {  	_, v7, vm3 =	vpop (xrf1)  }
0xa2: {  	p0 =	sne.s32 s9, $0x1F00  }
.Ltmp5:
0xa3: {  	_ = 	snop;
	(pc) =	sbr.rel @p0 .LBB2_8-.Ltmp5, $3  }
0xa4: {  	_ =	sdelay $0x1  }
0xa5: {  	v7 =	vadd.s32 v7, v3  }
0xa6: {  	s9 =	sadd.s32 $0x100, s9;
	[tilespmem:v6+s0+$0x0] =	vst.idx.add.s32.msk vm3, v7  }
0xa7: {  	s9 =	simm.s32 $0x70  }
0xa8: {  	s10 =	simm.s32 $0x60;
	v6 =	vor.u32 s9, v4  }
0xa9: {  	s15 =	simm.s32 $0x50;
	v7 =	vor.u32 s10, v4;
	[tilespmem:$0x4AF0] =	vst v6  }
0xaa: {  	s16 =	simm.s32 $0x0;
	v6 =	vor.u32 s15, v4;
	[tilespmem:$0x4AE0] =	vst v7  }
0xab: {  	s17 =	simm.s32 $0x40;
	v7 =	vor.u32 s16, v4;
	[tilespmem:$0x4AD0] =	vst v6  }
0xac: {  	s18 =	simm.s32 $0x20;
	[tilespmem:$0x4A80] =	vst v7;
	v6 =	vor.u32 s17, v4  }
0xad: {  	s19 =	simm.s32 $0x30;
	v7 =	vor.u32 s18, v4;
	[tilespmem:$0x4AC0] =	vst v6  }
0xae: {  	s26 =	simm.s32 $0x10;
	v6 =	vor.u32 s19, v4;
	[tilespmem:$0x4AA0] =	vst v7  }
0xaf: {  	v7 =	vor.u32 s26, v4;
	[tilespmem:$0x4AB0] =	vst v6  }
0xb0: {  	s9 =	simm.s32 $0xF0;
	[tilespmem:$0x4A90] =	vst v7  }
0xb1: {  	[spmem:s1] =	stream.indirect.scatter.add.s32 [tilespmem:s0], [sflag:$0x2], $0x1, s23, s22, $0xb8;
	[tilespmem:$0x7628] =	vst v63  }
.LBB2_10:
0xb2: {  	p1 =	sne.s32 s9, $0x7F0;
	_ =	swait.ge [sflag:s20], $0x80;
	s0 =	sadd.s32 $0x80, s0  }
0xb3: {  	s10 =	smov.u32 s9;
	s9 =	sadd.s32 $0x80, s9;
	[sflag:s20] =	ssyncset.done $0x0  }
0xb4: {  	s12 =	sadd.s32 $0xFFFFFFF0, s10;
	v6 =	vor.u32 s10, v4;
	[sflag:s20] =	ssyncadd.s32 $0xFFFFFF80  }
0xb5: {  	s13 =	sadd.s32 $0xFFFFFFE0, s10;
	v7 =	vor.u32 s12, v4;
	[tilespmem:$0x4AF0] =	vst v6  }
0xb6: {  	s12 =	sadd.s32 $0xFFFFFF90, s10;
	v6 =	vor.u32 s13, v4;
	[tilespmem:$0x4AE0] =	vst v7  }
0xb7: {  	v7 =	vor.u32 s12, v4;
	s12 =	sadd.s32 $0xFFFFFFD0, s10;
	[tilespmem:$0x4AD0] =	vst v6  }
0xb8: {  	s14 =	sadd.s32 $0xFFFFFFB0, s10;
	s13 =	sadd.s32 $0xFFFFFFA0, s10;
	s10 =	sadd.s32 $0xFFFFFFC0, s10;
	v6 =	vor.u32 s12, v4;
	[tilespmem:$0x4A80] =	vst v7  }
.Ltmp6:
0xb9: {  	v8 =	vor.u32 s14, v4;
	v9 =	vor.u32 s10, v4;
	v7 =	vor.u32 s13, v4;
	[tilespmem:$0x4AC0] =	vst v6;
	(pc) =	sbr.rel @p1 .LBB2_10-.Ltmp6, $4  }
0xba: {  	[tilespmem:$0x4AA0] =	vst v8  }
0xbb: {  	[tilespmem:$0x4AB0] =	vst v9  }
0xbc: {  	[tilespmem:$0x4A90] =	vst v7  }
0xbd: {  	[spmem:s1] =	stream.indirect.scatter.add.s32 [tilespmem:s0], [sflag:$0x2], $0x1, s23, s22, $0xb8;
	[tilespmem:$0x7628] =	vst v63  }
.Ltmp7:
0xbe: {  	_ =	swait.ge [sflag:s20], $0x80;
	(pc) =	sbr.rel @p3 .LBB2_15-.Ltmp7, $3  }
0xbf: {  	[sflag:s20] =	ssyncset.done $0x0  }
0xc0: {  	[sflag:s20] =	ssyncadd.s32 $0xFFFFFF80  }
0xc1: {  	[bflag:$0x0] =	sbarrier.arrive $0xFFFF;
	_ =	sdelay $0x1  }
0xc2: {  	[tilespmem:s21], [sflag:$0x2] =	stream.linear.gather [spmem:s1], $0x800, $0x38;
	[tilespmem:$0x7628] =	vst v63  }
0xc3: {  	_ =	swait.ge [sflag:s20], $0x800  }
0xc4: {  	[sflag:s20] =	ssyncset.done $0x0  }
0xc5: {  	s0 =	simm.s32 $0x2120;
	[sflag:s20] =	ssyncadd.s32 $0xFFFFF800  }
0xc6: {  	v6 =	vld [tilespmem:s0+$0xFFFFFFE0];
	_ =	sdelay $0x1  }
0xc7: {  	v7 =	vld [tilespmem:s0+$0xFFFFFFF0]  }
0xc8: {  	v8 =	vld [tilespmem:s0+$0x0]  }
0xc9: {  	s26 =	simm.s32 $0x2160;
	v9 =	vld [tilespmem:s0+$0x10]  }
0xca: {  	v10 =	vld [tilespmem:s26+$0xFFFFFFE0];
	(xrf0) =	vadd.scan.msk.s32 $0xffff, v6  }
0xcb: {  	v6 =	vld [tilespmem:s26+$0xFFFFFFF0]  }
0xcc: {  	(xrf0) =	vadd.scan.msk.s32 $0xffff, v7  }
0xcd: {  	(xrf0) =	vadd.scan.msk.s32 $0xffff, v8  }
0xce: {  	(xrf0) =	vadd.scan.msk.s32 $0xffff, v9  }
0xcf: {  	(xrf0) =	vadd.scan.msk.s32 $0xffff, v10  }
0xd0: {  	(xrf0) =	vadd.scan.msk.s32 $0xffff, v6;
	v6, _, _ =	vpop (xrf0)  }
0xd1: {  	(v2sf) =	vpush v6, $0xF  }
0xd2: {  	v63, _, _ =	vpop (xrf0)  }
0xd3: {  	(v2sf) =	vpush v63, $0xF;
	v6, _, _ =	vpop (xrf0)  }
0xd4: {  	v7 =	vld [tilespmem:s26+$0x0];
	(v2sf) =	vpush v6, $0xF  }
0xd5: {  	v6, _, _ =	vpop (xrf0)  }
0xd6: {  	(v2sf) =	vpush v6, $0xF  }
0xd7: {  	v8 =	vld [tilespmem:s26+$0x10];
	_ =	sdelay $0x1  }
0xd8: {  	(xrf0) =	vadd.scan.msk.s32 $0xffff, v7;
	_ =	sdelay $0x1  }
0xd9: {  	s9 =	simm.s32 $0x4  }
0xda: {  	s14 =	simm.s32 $0x8;
	s15 =	simm.s32 $0x21A0;
	s12 =	simm.s32 $0x0;
	(xrf0) =	vadd.scan.msk.s32 $0xffff, v8;
	v6, _, _ =	vpop (xrf0)  }
0xdb: {  	s13 =	simm.s32 $0x0;
	s10 =	simm.s32 $0x0;
	s0 =	simm.s32 $0x0;
	(v2sf) =	vpush v6, $0xF;
	v6, _, _ =	vpop (xrf0)  }
.LBB2_13:
0xdc: {  	p1 =	sne.s32 s14, $0x7C;
	s16 =	smov.u32 s12;
	s12 =	smov.u32 s9  }
0xdd: {  	v7 =	vld [tilespmem:s15+$0xFFFFFFE0];
	(v2sf) =	vpush v6, $0xF;
	v6, _, _ =	vpop (xrf0);
	s9 =	smov.u32 s14;
	s14 =	sadd.s32 $0x4, s14;
	s17 =	smov.u32 s13  }
0xde: {  	s25 =	spop (v2sf)  }
0xdf: {  	v8 =	vld [tilespmem:s15+$0xFFFFFFF0];
	(v2sf) =	vpush v6, $0xF;
	s18 =	sadd.s32 $0x2, s16;
	s19 =	sadd.s32 $0x3, s16;
	s25 =	sadd.s32 s13, s25  }
0xe0: {  	p0 =	slt.s32 s13, $0x400;
	v6 =	vld [tilespmem:s15+$0x0];
	v9, _, _ =	vpop (xrf0);
	s13 =	spop (v2sf);
	p2 =	sgt.s32 s25, $0x3FF  }
0xe1: {  	(v2sf) =	vpush v9, $0xF;
	s26 =	sadd.s32 s13, s25;
	s13 =	spop (v2sf);
	p6 =	slt.s32 s25, $0x400  }
0xe2: {  	v9 =	vld [tilespmem:s15+$0x10];
	p0 =	por !p0, !p2;
	p2 =	sgt.s32 s26, $0x3FF;
	p3 =	slt.s32 s26, $0x400  }
0xe3: {  	s5 =	sadd.s32 s13, s26;
	(xrf0) =	vadd.scan.msk.s32 $0xffff, v7;
	p4 =	por !p0, !p0;
	s13 =	spop (v2sf)  }
0xe4: {  	p5 =	sgt.s32 s5, $0x3FF;
	p0 =	slt.s32 s5, $0x400;
	(xrf0) =	vadd.scan.msk.s32 $0xffff, v8;
	s13 =	sadd.s32 s13, s5  }
0xe5: {  	p2 =	por !p6, !p2;
	s0 =	smov.u32 @p4 s17;
	p3 =	por !p3, !p5;
	(xrf0) =	vadd.scan.msk.s32 $0xffff, v6  }
.Ltmp8:
0xe6: {  	s10 =	smov.u32 @p4 s16;
	p3 =	por !p3, !p3;
	(pc) =	sbr.rel @p1 .LBB2_13-.Ltmp8, $4  }
0xe7: {  	p2 =	por !p2, !p2;
	s16 =	sadd.s32 $0x1, s16;
	p4 =	sgt.s32 s13, $0x3FF;
	(xrf0) =	vadd.scan.msk.s32 $0xffff, v9  }
0xe8: {  	s10 =	smov.u32 @p2 s16;
	s0 =	smov.u32 @p2 s25;
	p0 =	por !p0, !p4  }
0xe9: {  	s10 =	smov.u32 @p3 s18;
	s0 =	smov.u32 @p3 s26;
	p0 =	por !p0, !p0;
	v6, _, _ =	vpop (xrf0)  }
0xea: {  	s15 =	sadd.s32 $0x40, s15;
	s10 =	smov.u32 @p0 s19;
	s0 =	smov.u32 @p0 s5;
	(v2sf) =	vpush v6, $0xF;
	v6, _, _ =	vpop (xrf0)  }
0xeb: {  	(v2sf) =	vpush v6, $0xF;
	v6, _, _ =	vpop (xrf0)  }
0xec: {  	(v2sf) =	vpush v6, $0xF;
	_ =	sdelay $0x5  }
0xed: {  	s5 =	spop (v2sf)  }
0xee: {  	p0 =	slt.s32 s13, $0x400;
	s14 =	sadd.s32 s13, s5;
	s26 =	spop (v2sf)  }
0xef: {  	p1 =	sgt.s32 s14, $0x3FF;
	s5 =	sadd.s32 s26, s14;
	p5 =	slt.s32 s14, $0x400  }
0xf0: {  	v6, _, _ =	vpop (xrf0);
	s15 =	spop (v2sf);
	p6 =	por !p0, !p1;
	p1 =	sgt.s32 s5, $0x3FF  }
0xf1: {  	(v2sf) =	vpush v6, $0xF;
	p2 =	slt.s32 s5, $0x400;
	s15 =	sadd.s32 s15, s5;
	s16 =	spop (v2sf)  }
0xf2: {  	p3 =	sgt.s32 s15, $0x3FF;
	p4 =	slt.s32 s15, $0x400;
	s16 =	sadd.s32 s16, s15  }
0xf3: {  	p2 =	por !p2, !p3;
	p3 =	por !p5, !p1;
	p1 =	sgt.s32 s16, $0x3FF  }
0xf4: {  	s25 =	sadd.s32 $0x2, s12;
	p5 =	por !p4, !p1;
	s17 =	spop (v2sf)  }
0xf5: {  	p4 =	slt.s32 s16, $0x400;
	s17 =	sadd.s32 s16, s17;
	s18 =	spop (v2sf)  }
0xf6: {  	s18 =	sadd.s32 s18, s17;
	s19 =	spop (v2sf);
	p1 =	sgt.s32 s17, $0x3FF  }
0xf7: {  	s26 =	sadd.s32 $0x1, s12;
	s19 =	sadd.s32 s19, s18;
	p0 =	por !p4, !p1  }
0xf8: {  	p4 =	slt.s32 s18, $0x400;
	s8 =	simm.s32 @!p0 $0x0;
	p1 =	sgt.s32 s19, $0x3FF  }
0xf9: {  	s8 =	simm.s32 @p0 $0x1;
	p0 =	por !p4, !p1;
	p1 =	sgt.s32 s18, $0x3FF  }
0xfa: {  	p4 =	slt.s32 s17, $0x400;
	[smem:$0x7F9] =	sst s8;
	s8 =	simm.s32 @!p0 $0x0  }
0xfb: {  	p1 =	por !p4, !p1;
	s8 =	simm.s32 @p0 $0x1;
	p0 =	por !p6, !p6  }
0xfc: {  	p4 =	por !p2, !p2;
	[smem:$0x7FA] =	sst s8;
	s8 =	simm.s32 @!p0 $0x0  }
0xfd: {  	s10 =	smov.u32 @p0 s12;
	s8 =	simm.s32 @p0 $0x1;
	p0 =	por !p3, !p3  }
0xfe: {  	[smem:$0x7FB] =	sst s8;
	s8 =	simm.s32 @!p0 $0x0;
	s10 =	smov.u32 @p0 s26  }
0xff: {  	s8 =	simm.s32 @p0 $0x1;
	s10 =	smov.u32 @p4 s25;
	s25 =	sld [smem:$0x7F9]  }
0x100: {  	[smem:$0x7FC] =	sst s8;
	s8 =	spop (v2sf)  }
0x101: {  	p5 =	por !p5, !p5;
	s26 =	sld [smem:$0x7FA];
	s8 =	sadd.s32 s8, s19  }
0x102: {  	s12 =	sadd.s32 $0x3, s12;
	p3 =	slt.s32 s19, $0x400;
	p2 =	sgt.s32 s8, $0x3FF  }
0x103: {  	s10 =	smov.u32 @p5 s12;
	p6 =	seq.s32 s25, $0x1;
	p3 =	por !p3, !p2  }
0x104: {  	p6 =	por !p6, !p6;
	p2 =	por !p1, !p1;
	p1 =	seq.s32 s26, $0x1  }
0x105: {  	s12 =	sadd.s32 $0x1, s9;
	s10 =	smov.u32 @p6 s9;
	p1 =	por !p1, !p1  }
0x106: {  	p0 =	por !p3, !p3;
	s10 =	smov.u32 @p2 s12;
	s12 =	sadd.s32 $0x2, s9  }
0x107: {  	s9 =	sadd.s32 $0x3, s9;
	s10 =	smov.u32 @p1 s12;
	s12 =	sld [smem:$0x7FB]  }
0x108: {  	s10 =	smov.u32 @p0 s9  }
0x109: {  	s9 =	sshll.u32 s10, $0x4  }
0x10a: {  	v6 =	vld [tilespmem:s9+$0x2100];
	p3 =	seq.s32 s12, $0x1  }
0x10b: {  	s0 =	smov.u32 @p3 s13;
	s13 =	sld [smem:$0x7FC];
	_ =	sdelay $0x2  }
0x10c: {  	p3 =	seq.s32 s13, $0x1  }
0x10d: {  	s0 =	smov.u32 @p3 s14;
	(xrf0) =	vadd.scan.msk.s32 $0xffff, v6  }
0x10e: {  	s0 =	smov.u32 @p4 s5  }
0x10f: {  	s0 =	smov.u32 @p5 s15  }
0x110: {  	s0 =	smov.u32 @p6 s16  }
0x111: {  	s0 =	smov.u32 @p2 s17  }
0x112: {  	s0 =	smov.u32 @p1 s18  }
0x113: {  	s0 =	smov.u32 @p0 s19;
	v7, _, _ =	vpop (xrf0)  }
0x114: {  	v7 =	vadd.s32 s0, v7  }
0x115: {  	vm3 =	vgt.s32 v7, $0x3FF  }
0x116: {  	v8 =	vmctz.xlane vm3;
	_ =	sdelay $0x1  }
0x117: {  	v8 =	vxor.u32 $0x80000000, v8  }
0x118: {  	(xrf0) =	vmax.scan.msk.u32 $0xffff, v8;
	_ =	sdelay $0x5  }
0x119: {  	v8, _, _ =	vpop (xrf0)  }
0x11a: {  	(v2sf) =	vpush v8, $0xF;
	_ =	sdelay $0xe  }
0x11b: {  	s25 =	spop (v2sf)  }
0x11c: {  	s0 =	sxor.u32 $0x80000000, s25  }
0x11d: {  	v63 =	vmov s0  }
0x11e: {  	v6 =	vsub.s32 v7, v6;
	vm3 =	veq.s32 v63, v4  }
0x11f: {  	v6 =	vnsel vm3, $0x0, v6  }
0x120: {  	(xrf0) =	vadd.scan.msk.s32 $0xffff, v6;
	_ =	sdelay $0x5  }
0x121: {  	v6, _, _ =	vpop (xrf0)  }
0x122: {  	v6 =	vbroadcast v6, $0xF;
	_ =	sdelay $0x1  }
0x123: {  	s0 =	sadd.s32 s9, s0;
	vm3 =	veq.s32 v4, $0x0;
	v6 =	vnsel vm0, $0x0, v6  }
0x124: {  	v6 =	vsel vm3, s0, v6  }
0x125: {  	s25 =	simm.s32 $0x4B00;
	[tilespmem:$0x4B00] =	vst v6  }
0x126: {  	[spmem:s24] =	stream.linear.scatter [tilespmem:s25], [sflag:$0x2], $0x80, $0x38;
	[tilespmem:$0x7628] =	vst v63  }
0x127: {  	_ =	swait.ge [sflag:s20], $0x80  }
0x128: {  	s26 =	sld [smem:$0x7FD];
	_ =	sdelay $0x1  }
0x129: {  	[sflag:s20] =	ssyncset.done $0x0  }
0x12a: {  	[sflag:s20] =	ssyncadd.s32 $0xFFFFFF80;
	p3 =	seq.s32 s26, $0x1  }
.LBB2_15:
0x12b: {  	[bflag:$0x0] =	sbarrier.arrive $0xFFFF  }
0x12c: {  	[tilespmem:s25], [sflag:$0x2] =	stream.linear.gather [spmem:s24], $0x80, $0x38;
	[tilespmem:$0x7628] =	vst v63  }
0x12d: {  	_ =	swait.ge [sflag:s20], $0x80  }
0x12e: {  	[sflag:s20] =	ssyncset.done $0x0  }
0x12f: {  	[sflag:s20] =	ssyncadd.s32 $0xFFFFFF80  }
0x130: {  	v6 =	vld [tilespmem:$0x4B00];
	_ =	sdelay $0x4  }
0x131: {  	v7 =	vnsel vm1, $0x0, v6  }
0x132: {  	(xrf0) =	vadd.scan.msk.s32 $0xffff, v7;
	_ =	sdelay $0x1  }
0x133: {  	s0 =	simm.s32 $0x0  }
0x134: {  	v9 =	vld [tilespmem:s0+$0x800];
	_ =	sdelay $0x2  }
0x135: {  	v7, _, _ =	vpop (xrf0)  }
0x136: {  	v8 =	vbroadcast v7, $0xF  }
0x137: {  	v10 =	vshrl.u32 v9, $0x15  }
0x138: {  	s5 =	simm.s32 $0x0;
	vm3 =	veq.s32 v10, v8  }
0x139: {  	[tilespmem:s5+$0x1000] =	vst.msk vm3, v9  }
0x13a: {  	v10 =	vld [tilespmem:s0+$0x810]  }
0x13b: {  	v9 =	vsel vm3, $0x1, v0  }
0x13c: {  	(xrf0) =	vadd.scan.msk.s32 $0xffff, v9;
	_ =	sdelay $0x2  }
0x13d: {  	v9 =	vshrl.u32 v10, $0x15;
	_ =	sdelay $0x2  }
0x13e: {  	vm3 =	veq.s32 v9, v8;
	v9, _, _ =	vpop (xrf0)  }
0x13f: {  	v11 =	vsel vm3, $0x1, v0;
	(v2sf) =	vpush v9, $0xF  }
0x140: {  	(xrf0) =	vadd.scan.msk.s32 $0xffff, v11;
	_ =	sdelay $0x5  }
0x141: {  	v9, _, _ =	vpop (xrf0)  }
0x142: {  	(v2sf) =	vpush v9, $0xF;
	_ =	sdelay $0x6  }
0x143: {  	s19 =	spop (v2sf)  }
0x144: {  	s5 =	sadd.s32 $0x0, s19  }
0x145: {  	[tilespmem:s5+$0x1000] =	vst.msk vm3, v10  }
0x146: {  	v9 =	vld [tilespmem:s0+$0x820];
	_ =	sdelay $0x4  }
0x147: {  	s9 =	spop (v2sf);
	v10 =	vshrl.u32 v9, $0x15  }
0x148: {  	s5 =	sadd.s32 s5, s9;
	vm3 =	veq.s32 v10, v8  }
0x149: {  	[tilespmem:s5+$0x1000] =	vst.msk vm3, v9  }
0x14a: {  	v10 =	vld [tilespmem:s0+$0x830]  }
0x14b: {  	v9 =	vsel vm3, $0x1, v0  }
0x14c: {  	(xrf0) =	vadd.scan.msk.s32 $0xffff, v9;
	_ =	sdelay $0x2  }
0x14d: {  	v9 =	vshrl.u32 v10, $0x15;
	_ =	sdelay $0x2  }
0x14e: {  	vm3 =	veq.s32 v9, v8;
	v9, _, _ =	vpop (xrf0)  }
0x14f: {  	v11 =	vsel vm3, $0x1, v0;
	(v2sf) =	vpush v9, $0xF  }
0x150: {  	(xrf0) =	vadd.scan.msk.s32 $0xffff, v11;
	_ =	sdelay $0x5  }
0x151: {  	v9, _, _ =	vpop (xrf0)  }
0x152: {  	(v2sf) =	vpush v9, $0xF;
	_ =	sdelay $0x6  }
0x153: {  	s26 =	spop (v2sf)  }
0x154: {  	s12 =	sadd.s32 s5, s26  }
0x155: {  	s9 =	simm.s32 $0x40;
	[tilespmem:s12+$0x1000] =	vst.msk vm3, v10  }
0x156: {  	v9 =	vld [tilespmem:s9+$0x800];
	_ =	sdelay $0x4  }
0x157: {  	s0 =	simm.s32 $0x200;
	s10 =	spop (v2sf);
	v10 =	vshrl.u32 v9, $0x15  }
.LBB2_16:
0x158: {  	p1 =	sne.s32 s0, $0x1F00  }
0x159: {  	vm3 =	veq.s32 v10, v8;
	s5 =	sadd.s32 s12, s10;
	s10 =	smov.u32 s0;
	s0 =	sadd.s32 $0x100, s0  }
0x15a: {  	[tilespmem:s5+$0x1000] =	vst.msk vm3, v9;
	v9 =	vsel vm3, $0x1, v0  }
0x15b: {  	v10 =	vld [tilespmem:s9+$0x810];
	(xrf0) =	vadd.scan.msk.s32 $0xffff, v9;
	_ =	sdelay $0x4  }
0x15c: {  	v11 =	vshrl.u32 v10, $0x15  }
0x15d: {  	vm3 =	veq.s32 v11, v8;
	v9, _, _ =	vpop (xrf0)  }
0x15e: {  	v11 =	vsel vm3, $0x1, v0;
	(v2sf) =	vpush v9, $0xF  }
0x15f: {  	(xrf0) =	vadd.scan.msk.s32 $0xffff, v11;
	_ =	sdelay $0x5  }
0x160: {  	v9, _, _ =	vpop (xrf0)  }
0x161: {  	(v2sf) =	vpush v9, $0xF;
	_ =	sdelay $0x6  }
0x162: {  	s12 =	spop (v2sf)  }
0x163: {  	s5 =	sadd.s32 s5, s12  }
0x164: {  	[tilespmem:s5+$0x1000] =	vst.msk vm3, v10  }
0x165: {  	v9 =	vld [tilespmem:s9+$0x820];
	_ =	sdelay $0x4  }
0x166: {  	v10 =	vshrl.u32 v9, $0x15;
	s12 =	spop (v2sf)  }
0x167: {  	s5 =	sadd.s32 s5, s12;
	vm3 =	veq.s32 v10, v8  }
0x168: {  	[tilespmem:s5+$0x1000] =	vst.msk vm3, v9;
	v9 =	vsel vm3, $0x1, v0  }
0x169: {  	v10 =	vld [tilespmem:s9+$0x830];
	(xrf0) =	vadd.scan.msk.s32 $0xffff, v9;
	_ =	sdelay $0x4  }
0x16a: {  	v11 =	vshrl.u32 v10, $0x15  }
0x16b: {  	vm3 =	veq.s32 v11, v8;
	v9, _, _ =	vpop (xrf0)  }
0x16c: {  	v11 =	vsel vm3, $0x1, v0;
	(v2sf) =	vpush v9, $0xF  }
0x16d: {  	(xrf0) =	vadd.scan.msk.s32 $0xffff, v11;
	_ =	sdelay $0x5  }
0x16e: {  	v9, _, _ =	vpop (xrf0)  }
0x16f: {  	(v2sf) =	vpush v9, $0xF;
	_ =	sdelay $0x6  }
0x170: {  	s9 =	spop (v2sf)  }
0x171: {  	s12 =	sadd.s32 s5, s9  }
0x172: {  	s9 =	sshra.s32 s10, $0x2;
	[tilespmem:s12+$0x1000] =	vst.msk vm3, v10  }
0x173: {  	v9 =	vld [tilespmem:s9+$0x800]  }
.Ltmp9:
0x174: {  	(pc) =	sbr.rel @p1 .LBB2_16-.Ltmp9, $2  }
0x175: {  	_ =	sdelay $0x2  }
0x176: {  	v10 =	vshrl.u32 v9, $0x15;
	s10 =	spop (v2sf)  }
0x177: {  	vm3 =	veq.s32 v10, v8;
	s0 =	sadd.s32 s12, s10  }
0x178: {  	[tilespmem:s0+$0x1000] =	vst.msk vm3, v9;
	v55 =	vsel vm3, $0x1, v0  }
0x179: {  	v56 =	vld [tilespmem:s9+$0x810];
	(xrf0) =	vadd.scan.msk.s32 $0xffff, v55;
	_ =	sdelay $0x4  }
0x17a: {  	v57 =	vshrl.u32 v56, $0x15  }
0x17b: {  	vm3 =	veq.s32 v57, v8;
	v58, _, _ =	vpop (xrf0)  }
0x17c: {  	v11 =	vsel vm3, $0x1, v0;
	(v2sf) =	vpush v58, $0xF  }
0x17d: {  	(xrf0) =	vadd.scan.msk.s32 $0xffff, v11;
	_ =	sdelay $0x5  }
0x17e: {  	v59, _, _ =	vpop (xrf0)  }
0x17f: {  	(v2sf) =	vpush v59, $0xF;
	_ =	sdelay $0x6  }
0x180: {  	s5 =	spop (v2sf)  }
0x181: {  	s0 =	sadd.s32 s0, s5  }
0x182: {  	[tilespmem:s0+$0x1000] =	vst.msk vm3, v56  }
0x183: {  	v60 =	vld [tilespmem:s9+$0x820];
	_ =	sdelay $0x4  }
0x184: {  	v61 =	vshrl.u32 v60, $0x15;
	s18 =	spop (v2sf)  }
0x185: {  	s0 =	sadd.s32 s0, s18;
	vm3 =	veq.s32 v61, v8  }
0x186: {  	[tilespmem:s0+$0x1000] =	vst.msk vm3, v60  }
0x187: {  	v9 =	vld [tilespmem:s9+$0x830];
	_ =	sdelay $0x4  }
0x188: {  	v62 =	vshrl.u32 v9, $0x15  }
0x189: {  	v63 =	vsel vm3, $0x1, v0;
	vm3 =	veq.s32 v62, v8  }
0x18a: {  	(xrf0) =	vadd.scan.msk.s32 $0xffff, v63;
	v8 =	vsel vm3, $0x1, v0  }
0x18b: {  	(xrf0) =	vadd.scan.msk.s32 $0xffff, v8;
	_ =	sdelay $0x4  }
0x18c: {  	v8, _, _ =	vpop (xrf0)  }
0x18d: {  	(v2sf) =	vpush v8, $0xF;
	v8, _, _ =	vpop (xrf0)  }
0x18e: {  	(v2sf) =	vpush v8, $0xF;
	_ =	sdelay $0xd  }
0x18f: {  	s19 =	spop (v2sf)  }
0x190: {  	s0 =	sadd.s32 s0, s19;
	s26 =	spop (v2sf)  }
0x191: {  	[tilespmem:s0+$0x1000] =	vst.msk vm3, v9;
	s0 =	sadd.s32 s0, s26  }
0x192: {  	[tilespmem:s0+$0x1000] =	vst v5  }
0x193: {  	[tilespmem:s0+$0x1010] =	vst v5  }
0x194: {  	[tilespmem:s0+$0x1020] =	vst v5  }
0x195: {  	s10 =	simm.s32 $0x200;
	s9 =	simm.s32 $0x0;
	[tilespmem:s0+$0x1030] =	vst v5  }
.LBB2_18:
0x196: {  	p0 =	seq.s32 s10, $0x1E00;
	[tilespmem:s9+$0x2170] =	vst v0  }
0x197: {  	[tilespmem:s9+$0x2100] =	vst v0  }
0x198: {  	[tilespmem:s9+$0x2110] =	vst v0  }
.Ltmp10:
0x199: {  	[tilespmem:s9+$0x2120] =	vst v0;
	(pc) =	sbr.rel @!p0 .LBB2_18-.Ltmp10, $4  }
0x19a: {  	[tilespmem:s9+$0x2130] =	vst v0  }
0x19b: {  	[tilespmem:s9+$0x2140] =	vst v0  }
0x19c: {  	[tilespmem:s9+$0x2150] =	vst v0  }
0x19d: {  	[tilespmem:s9+$0x2160] =	vst v0;
	s9 =	sshra.s32 s10, $0x2;
	s10 =	sadd.s32 $0x200, s10  }
0x19e: {  	v6 =	vsel vm2, $0x0, v6  }
0x19f: {  	(xrf0) =	vadd.scan.msk.s32 $0xffff, v6;
	_ =	sdelay $0x5  }
0x1a0: {  	(v2sf) =	vpush v7, $0xF;
	v6, _, _ =	vpop (xrf0)  }
0x1a1: {  	(v2sf) =	vpush v6, $0xF;
	_ =	sdelay $0x2  }
0x1a2: {  	s0 =	sadd.s32 $0x3F, s0  }
0x1a3: {  	s5 =	sand.u32 $0x3F, s0  }
0x1a4: {  	s19 =	sshra.s32 s0, $0x1F;
	p0 =	slt.s32 s0, $0x1;
	p1 =	sne.s32 s5, $0x0  }
0x1a5: {  	s26 =	sshrl.u32 s19, $0x1A;
	p0 =	por !p0, !p1  }
0x1a6: {  	[tilespmem:s9+$0x2170] =	vst v0;
	s5 =	simm.s32 $0x1;
	s0 =	sadd.s32 s26, s0;
	p0 =	por !p0, !p0  }
0x1a7: {  	[tilespmem:s9+$0x2100] =	vst v0;
	s0 =	sshra.s32 s0, $0x6;
	s5 =	simm.s32 @!p0 $0x0  }
0x1a8: {  	[tilespmem:s9+$0x2110] =	vst v0;
	s13 =	ssub.s32 s0, s5  }
0x1a9: {  	[tilespmem:s9+$0x2120] =	vst v0;
	p0 =	sgt.s32 s13, $0x0  }
.Ltmp11:
0x1aa: {  	[tilespmem:s9+$0x2130] =	vst v0;
	(pc) =	sbr.rel @!p0 .LBB2_21-.Ltmp11, $4  }
0x1ab: {  	[tilespmem:s9+$0x2140] =	vst v0  }
0x1ac: {  	[tilespmem:s9+$0x2150] =	vst v0  }
0x1ad: {  	[tilespmem:s9+$0x2160] =	vst v0;
	s9 =	spop (v2sf)  }
0x1ae: {  	s10 =	simm.s32 $0x1020;
	s12 =	smov.u32 s13;
	s8 =	spop (v2sf)  }
.LBB2_20:
0x1af: {  	v6 =	vld [tilespmem:s10+$0xFFFFFFE0];
	_ =	sdelay $0x4  }
0x1b0: {  	v6 =	vshrl.u32 v6, $0xA  }
0x1b1: {  	v6 =	vand.u32 $0x7FF, v6  }
0x1b2: {  	(xrf1) =	vunique.msk.u32 $0xffff, v6;
	_ =	sdelay $0xd  }
0x1b3: {  	_, v7, vm3 =	vpop (xrf1);
	_ =	sdelay $0x4  }
0x1b4: {  	v7 =	vadd.s32 v7, v3  }
0x1b5: {  	[tilespmem:v6+s21+$0x0] =	vst.idx.add.s32.msk vm3, v7  }
0x1b6: {  	v6 =	vld [tilespmem:s10+$0xFFFFFFF0];
	_ =	sdelay $0x4  }
0x1b7: {  	v6 =	vshrl.u32 v6, $0xA  }
0x1b8: {  	v6 =	vand.u32 $0x7FF, v6  }
0x1b9: {  	(xrf1) =	vunique.msk.u32 $0xffff, v6;
	_ =	sdelay $0xd  }
0x1ba: {  	_, v7, vm3 =	vpop (xrf1);
	_ =	sdelay $0x4  }
0x1bb: {  	v7 =	vadd.s32 v7, v3  }
0x1bc: {  	[tilespmem:v6+s21+$0x0] =	vst.idx.add.s32.msk vm3, v7  }
0x1bd: {  	v6 =	vld [tilespmem:s10+$0x0];
	_ =	sdelay $0x4  }
0x1be: {  	v6 =	vshrl.u32 v6, $0xA  }
0x1bf: {  	v6 =	vand.u32 $0x7FF, v6  }
0x1c0: {  	(xrf1) =	vunique.msk.u32 $0xffff, v6;
	_ =	sdelay $0xd  }
0x1c1: {  	_, v7, vm3 =	vpop (xrf1);
	_ =	sdelay $0x4  }
0x1c2: {  	v7 =	vadd.s32 v7, v3  }
0x1c3: {  	[tilespmem:v6+s21+$0x0] =	vst.idx.add.s32.msk vm3, v7  }
0x1c4: {  	v6 =	vld [tilespmem:s10+$0x10];
	_ =	sdelay $0x4  }
0x1c5: {  	v6 =	vshrl.u32 v6, $0xA  }
0x1c6: {  	v6 =	vand.u32 $0x7FF, v6  }
0x1c7: {  	(xrf1) =	vunique.msk.u32 $0xffff, v6;
	_ =	sdelay $0xd  }
0x1c8: {  	_, v7, vm3 =	vpop (xrf1)  }
0x1c9: {  	p0 =	sne.s32 s12, $0x1  }
.Ltmp12:
0x1ca: {  	_ = 	snop;
	(pc) =	sbr.rel @p0 .LBB2_20-.Ltmp12, $3  }
0x1cb: {  	_ =	sdelay $0x1  }
0x1cc: {  	v7 =	vadd.s32 v7, v3  }
0x1cd: {  	s12 =	sadd.s32 $0xFFFFFFFF, s12;
	s10 =	sadd.s32 $0x40, s10;
	[tilespmem:v6+s21+$0x0] =	vst.idx.add.s32.msk vm3, v7  }
.LBB2_21:
0x1ce: {  	s5 =	simm.s32 $0x70  }
0x1cf: {  	s10 =	simm.s32 $0x60;
	v6 =	vor.u32 s5, v4  }
0x1d0: {  	s15 =	simm.s32 $0x50;
	v7 =	vor.u32 s10, v4;
	[tilespmem:$0x4AF0] =	vst v6  }
0x1d1: {  	s16 =	simm.s32 $0x0;
	v6 =	vor.u32 s15, v4;
	[tilespmem:$0x4AE0] =	vst v7  }
0x1d2: {  	s17 =	simm.s32 $0x40;
	v7 =	vor.u32 s16, v4;
	[tilespmem:$0x4AD0] =	vst v6  }
0x1d3: {  	s18 =	simm.s32 $0x20;
	[tilespmem:$0x4A80] =	vst v7;
	v6 =	vor.u32 s17, v4  }
0x1d4: {  	s19 =	simm.s32 $0x30;
	v7 =	vor.u32 s18, v4;
	[tilespmem:$0x4AC0] =	vst v6  }
0x1d5: {  	s26 =	simm.s32 $0x10;
	v6 =	vor.u32 s19, v4;
	[tilespmem:$0x4AA0] =	vst v7  }
0x1d6: {  	v7 =	vor.u32 s26, v4;
	[tilespmem:$0x4AB0] =	vst v6  }
0x1d7: {  	s12 =	simm.s32 $0xF0;
	s10 =	simm.s32 $0x2100;
	[tilespmem:$0x4A90] =	vst v7  }
0x1d8: {  	[spmem:s2] =	stream.indirect.scatter.add.s32 [tilespmem:s10], [sflag:$0x2], $0x1, s23, s22, $0xb8;
	[tilespmem:$0x7628] =	vst v63  }
.LBB2_22:
0x1d9: {  	p1 =	sne.s32 s12, $0x7F0;
	_ =	swait.ge [sflag:s20], $0x80;
	s10 =	sadd.s32 $0x80, s10  }
0x1da: {  	s5 =	smov.u32 s12;
	s12 =	sadd.s32 $0x80, s12;
	[sflag:s20] =	ssyncset.done $0x0  }
0x1db: {  	s14 =	sadd.s32 $0xFFFFFFF0, s5;
	v6 =	vor.u32 s5, v4;
	[sflag:s20] =	ssyncadd.s32 $0xFFFFFF80  }
0x1dc: {  	s15 =	sadd.s32 $0xFFFFFFE0, s5;
	v7 =	vor.u32 s14, v4;
	[tilespmem:$0x4AF0] =	vst v6  }
0x1dd: {  	s14 =	sadd.s32 $0xFFFFFF90, s5;
	v6 =	vor.u32 s15, v4;
	[tilespmem:$0x4AE0] =	vst v7  }
0x1de: {  	v7 =	vor.u32 s14, v4;
	s14 =	sadd.s32 $0xFFFFFFD0, s5;
	[tilespmem:$0x4AD0] =	vst v6  }
0x1df: {  	s16 =	sadd.s32 $0xFFFFFFB0, s5;
	s15 =	sadd.s32 $0xFFFFFFA0, s5;
	s5 =	sadd.s32 $0xFFFFFFC0, s5;
	v6 =	vor.u32 s14, v4;
	[tilespmem:$0x4A80] =	vst v7  }
.Ltmp13:
0x1e0: {  	v8 =	vor.u32 s16, v4;
	v9 =	vor.u32 s5, v4;
	v7 =	vor.u32 s15, v4;
	[tilespmem:$0x4AC0] =	vst v6;
	(pc) =	sbr.rel @p1 .LBB2_22-.Ltmp13, $4  }
0x1e1: {  	[tilespmem:$0x4AA0] =	vst v8  }
0x1e2: {  	[tilespmem:$0x4AB0] =	vst v9  }
0x1e3: {  	[tilespmem:$0x4A90] =	vst v7  }
0x1e4: {  	[spmem:s2] =	stream.indirect.scatter.add.s32 [tilespmem:s10], [sflag:$0x2], $0x1, s23, s22, $0xb8;
	[tilespmem:$0x7628] =	vst v63  }
.Ltmp14:
0x1e5: {  	_ =	swait.ge [sflag:s20], $0x80;
	(pc) =	sbr.rel @p3 .LBB2_27-.Ltmp14, $3  }
0x1e6: {  	[sflag:s20] =	ssyncset.done $0x0  }
0x1e7: {  	[sflag:s20] =	ssyncadd.s32 $0xFFFFFF80  }
0x1e8: {  	[bflag:$0x0] =	sbarrier.arrive $0xFFFF;
	_ =	sdelay $0x1  }
0x1e9: {  	[dreg:$0x15] =	wrdreg s9  }
0x1ea: {  	[tilespmem:s21], [sflag:$0x2] =	stream.linear.gather [spmem:s2], $0x800, $0x38;
	[tilespmem:$0x7628] =	vst v63  }
0x1eb: {  	_ =	swait.ge [sflag:s20], $0x800  }
0x1ec: {  	[sflag:s20] =	ssyncset.done $0x0  }
0x1ed: {  	s5 =	simm.s32 $0x2120;
	[sflag:s20] =	ssyncadd.s32 $0xFFFFF800  }
0x1ee: {  	v6 =	vld [tilespmem:s5+$0xFFFFFFE0];
	_ =	sdelay $0x1  }
0x1ef: {  	v7 =	vld [tilespmem:s5+$0xFFFFFFF0]  }
0x1f0: {  	v8 =	vld [tilespmem:s5+$0x0]  }
0x1f1: {  	s26 =	simm.s32 $0x2160;
	v9 =	vld [tilespmem:s5+$0x10]  }
0x1f2: {  	v10 =	vld [tilespmem:s26+$0xFFFFFFE0];
	(xrf0) =	vadd.scan.msk.s32 $0xffff, v6  }
0x1f3: {  	v6 =	vld [tilespmem:s26+$0xFFFFFFF0]  }
0x1f4: {  	(xrf0) =	vadd.scan.msk.s32 $0xffff, v7  }
0x1f5: {  	(xrf0) =	vadd.scan.msk.s32 $0xffff, v8  }
0x1f6: {  	(xrf0) =	vadd.scan.msk.s32 $0xffff, v9  }
0x1f7: {  	(xrf0) =	vadd.scan.msk.s32 $0xffff, v10  }
0x1f8: {  	(xrf0) =	vadd.scan.msk.s32 $0xffff, v6;
	v6, _, _ =	vpop (xrf0)  }
0x1f9: {  	(v2sf) =	vpush v6, $0xF  }
0x1fa: {  	v63, _, _ =	vpop (xrf0)  }
0x1fb: {  	(v2sf) =	vpush v63, $0xF;
	v6, _, _ =	vpop (xrf0)  }
0x1fc: {  	v7 =	vld [tilespmem:s26+$0x0];
	(v2sf) =	vpush v6, $0xF  }
0x1fd: {  	v6, _, _ =	vpop (xrf0)  }
0x1fe: {  	(v2sf) =	vpush v6, $0xF  }
0x1ff: {  	v8 =	vld [tilespmem:s26+$0x10];
	_ =	sdelay $0x1  }
0x200: {  	(xrf0) =	vadd.scan.msk.s32 $0xffff, v7;
	_ =	sdelay $0x1  }
0x201: {  	s10 =	ssub.s32 $0x400, s8;
	s12 =	simm.s32 $0x0;
	s14 =	simm.s32 $0x4  }
0x202: {  	s18 =	simm.s32 $0x8;
	s19 =	simm.s32 $0x21A0;
	s16 =	simm.s32 $0x0;
	(xrf0) =	vadd.scan.msk.s32 $0xffff, v8;
	v6, _, _ =	vpop (xrf0)  }
0x203: {  	s17 =	simm.s32 $0x0;
	s15 =	simm.s32 $0x0;
	[dreg:$0x16] =	wrdreg s8;
	(v2sf) =	vpush v6, $0xF;
	v6, _, _ =	vpop (xrf0)  }
.LBB2_25:
0x204: {  	p1 =	sne.s32 s18, $0x7C;
	s5 =	smov.u32 s16;
	s16 =	smov.u32 s14  }
0x205: {  	v7 =	vld [tilespmem:s19+$0xFFFFFFE0];
	(v2sf) =	vpush v6, $0xF;
	v6, _, _ =	vpop (xrf0);
	s14 =	smov.u32 s18;
	s18 =	sadd.s32 $0x4, s18;
	s25 =	smov.u32 s17  }
0x206: {  	s8 =	spop (v2sf)  }
0x207: {  	v8 =	vld [tilespmem:s19+$0xFFFFFFF0];
	(v2sf) =	vpush v6, $0xF;
	s26 =	sadd.s32 $0x2, s5;
	s24 =	sadd.s32 $0x3, s5;
	s8 =	sadd.s32 s17, s8  }
0x208: {  	p0 =	slt.s32 s17, s10;
	v6 =	vld [tilespmem:s19+$0x0];
	v9, _, _ =	vpop (xrf0);
	s17 =	spop (v2sf);
	p2 =	sge.s32 s8, s10  }
0x209: {  	(v2sf) =	vpush v9, $0xF;
	s0 =	sadd.s32 s17, s8;
	s17 =	spop (v2sf);
	p6 =	slt.s32 s8, s10  }
0x20a: {  	v9 =	vld [tilespmem:s19+$0x10];
	p0 =	por !p0, !p2;
	p2 =	sge.s32 s0, s10;
	p3 =	slt.s32 s0, s10  }
0x20b: {  	s9 =	sadd.s32 s17, s0;
	(xrf0) =	vadd.scan.msk.s32 $0xffff, v7;
	p4 =	por !p0, !p0;
	s17 =	spop (v2sf)  }
0x20c: {  	p5 =	sge.s32 s9, s10;
	p0 =	slt.s32 s9, s10;
	(xrf0) =	vadd.scan.msk.s32 $0xffff, v8;
	s17 =	sadd.s32 s17, s9  }
0x20d: {  	p2 =	por !p6, !p2;
	s12 =	smov.u32 @p4 s25;
	p3 =	por !p3, !p5;
	(xrf0) =	vadd.scan.msk.s32 $0xffff, v6  }
.Ltmp15:
0x20e: {  	s15 =	smov.u32 @p4 s5;
	p3 =	por !p3, !p3;
	(pc) =	sbr.rel @p1 .LBB2_25-.Ltmp15, $4  }
0x20f: {  	p2 =	por !p2, !p2;
	s5 =	sadd.s32 $0x1, s5;
	p4 =	sge.s32 s17, s10;
	(xrf0) =	vadd.scan.msk.s32 $0xffff, v9  }
0x210: {  	s15 =	smov.u32 @p2 s5;
	s12 =	smov.u32 @p2 s8;
	p0 =	por !p0, !p4  }
0x211: {  	s15 =	smov.u32 @p3 s26;
	s12 =	smov.u32 @p3 s0;
	p0 =	por !p0, !p0;
	v6, _, _ =	vpop (xrf0)  }
0x212: {  	s19 =	sadd.s32 $0x40, s19;
	s15 =	smov.u32 @p0 s24;
	s12 =	smov.u32 @p0 s9;
	(v2sf) =	vpush v6, $0xF;
	v6, _, _ =	vpop (xrf0)  }
0x213: {  	(v2sf) =	vpush v6, $0xF;
	v6, _, _ =	vpop (xrf0)  }
0x214: {  	(v2sf) =	vpush v6, $0xF;
	_ =	sdelay $0x5  }
0x215: {  	s0 =	spop (v2sf)  }
0x216: {  	p0 =	slt.s32 s17, s10;
	s18 =	sadd.s32 s17, s0;
	s25 =	spop (v2sf)  }
0x217: {  	p1 =	sge.s32 s18, s10;
	s0 =	sadd.s32 s25, s18;
	p5 =	slt.s32 s18, s10  }
0x218: {  	s5 =	spop (v2sf);
	p6 =	por !p0, !p1;
	p1 =	sge.s32 s0, s10  }
0x219: {  	p2 =	slt.s32 s0, s10;
	s5 =	sadd.s32 s5, s0;
	s8 =	spop (v2sf)  }
0x21a: {  	v6, _, _ =	vpop (xrf0);
	p3 =	sge.s32 s5, s10;
	p4 =	slt.s32 s5, s10;
	s8 =	sadd.s32 s8, s5  }
0x21b: {  	(v2sf) =	vpush v6, $0xF;
	p2 =	por !p2, !p3;
	p3 =	por !p5, !p1;
	p1 =	sge.s32 s8, s10  }
0x21c: {  	p5 =	por !p4, !p1;
	s9 =	spop (v2sf)  }
0x21d: {  	p4 =	slt.s32 s8, s10;
	s9 =	sadd.s32 s8, s9;
	s19 =	spop (v2sf)  }
0x21e: {  	s19 =	sadd.s32 s19, s9;
	s24 =	spop (v2sf);
	p1 =	sge.s32 s9, s10  }
0x21f: {  	s24 =	sadd.s32 s24, s19;
	p0 =	por !p4, !p1  }
0x220: {  	p4 =	slt.s32 s19, s10;
	s25 =	simm.s32 @!p0 $0x0;
	p1 =	sge.s32 s24, s10  }
0x221: {  	s25 =	simm.s32 @p0 $0x1;
	p0 =	por !p4, !p1  }
0x222: {  	[smem:$0x7F5] =	sst s25;
	s25 =	simm.s32 @!p0 $0x0  }
0x223: {  	s25 =	simm.s32 @p0 $0x1;
	p0 =	por !p6, !p6  }
0x224: {  	p1 =	sge.s32 s19, s10;
	s26 =	simm.s32 @!p0 $0x0  }
0x225: {  	s15 =	smov.u32 @p0 s16;
	s26 =	simm.s32 @p0 $0x1;
	p0 =	por !p3, !p3  }
0x226: {  	p4 =	slt.s32 s9, s10;
	[smem:$0x7F7] =	sst s26;
	s26 =	simm.s32 @!p0 $0x0  }
0x227: {  	p1 =	por !p4, !p1;
	s26 =	simm.s32 @p0 $0x1  }
0x228: {  	p4 =	por !p2, !p2;
	[smem:$0x7F8] =	sst s26;
	s26 =	sadd.s32 $0x1, s16  }
0x229: {  	[smem:$0x7F6] =	sst s25;
	s25 =	sadd.s32 $0x2, s16;
	s15 =	smov.u32 @p0 s26  }
0x22a: {  	s26 =	spop (v2sf);
	s15 =	smov.u32 @p4 s25;
	s25 =	sld [smem:$0x7F5]  }
0x22b: {  	p5 =	por !p5, !p5;
	p3 =	slt.s32 s24, s10;
	s26 =	sadd.s32 s26, s24  }
0x22c: {  	s16 =	sadd.s32 $0x3, s16;
	p2 =	sge.s32 s26, s10;
	s26 =	sld [smem:$0x7F6]  }
0x22d: {  	s15 =	smov.u32 @p5 s16;
	s16 =	sadd.s32 $0x1, s14;
	p6 =	seq.s32 s25, $0x1  }
0x22e: {  	p3 =	por !p3, !p2;
	p2 =	por !p1, !p1;
	p6 =	por !p6, !p6  }
0x22f: {  	p0 =	por !p3, !p3;
	p1 =	seq.s32 s26, $0x1;
	s15 =	smov.u32 @p6 s14  }
0x230: {  	p1 =	por !p1, !p1;
	s15 =	smov.u32 @p2 s16;
	s16 =	sadd.s32 $0x2, s14  }
0x231: {  	s14 =	sadd.s32 $0x3, s14;
	s15 =	smov.u32 @p1 s16;
	s16 =	sld [smem:$0x7F7]  }
0x232: {  	s15 =	smov.u32 @p0 s14  }
0x233: {  	s14 =	sshll.u32 s15, $0x4  }
0x234: {  	v6 =	vld [tilespmem:s14+$0x2100];
	p3 =	seq.s32 s16, $0x1  }
0x235: {  	s12 =	smov.u32 @p3 s17;
	s17 =	sld [smem:$0x7F8];
	_ =	sdelay $0x2  }
0x236: {  	p3 =	seq.s32 s17, $0x1  }
0x237: {  	s12 =	smov.u32 @p3 s18;
	(xrf0) =	vadd.scan.msk.s32 $0xffff, v6  }
0x238: {  	s12 =	smov.u32 @p4 s0  }
0x239: {  	s12 =	smov.u32 @p5 s5  }
0x23a: {  	s12 =	smov.u32 @p6 s8  }
0x23b: {  	s12 =	smov.u32 @p2 s9  }
0x23c: {  	s12 =	smov.u32 @p1 s19  }
0x23d: {  	s12 =	smov.u32 @p0 s24;
	v7, _, _ =	vpop (xrf0)  }
0x23e: {  	v7 =	vadd.s32 s12, v7  }
0x23f: {  	vm3 =	vge.s32 v7, s10  }
0x240: {  	v8 =	vmctz.xlane vm3;
	_ =	sdelay $0x1  }
0x241: {  	v8 =	vxor.u32 $0x80000000, v8  }
0x242: {  	(xrf0) =	vmax.scan.msk.u32 $0xffff, v8;
	_ =	sdelay $0x5  }
0x243: {  	v8, _, _ =	vpop (xrf0)  }
0x244: {  	(v2sf) =	vpush v8, $0xF;
	_ =	sdelay $0xe  }
0x245: {  	s25 =	spop (v2sf)  }
0x246: {  	s0 =	sxor.u32 $0x80000000, s25  }
0x247: {  	v63 =	vmov s0  }
0x248: {  	v6 =	vsub.s32 v7, v6;
	vm3 =	veq.s32 v63, v4  }
0x249: {  	v6 =	vnsel vm3, $0x0, v6  }
0x24a: {  	(xrf0) =	vadd.scan.msk.s32 $0xffff, v6;
	_ =	sdelay $0x5  }
0x24b: {  	v6, _, _ =	vpop (xrf0)  }
0x24c: {  	v6 =	vbroadcast v6, $0xF;
	_ =	sdelay $0x1  }
0x24d: {  	s0 =	sadd.s32 s14, s0;
	vm3 =	veq.s32 v4, $0x0;
	v6 =	vnsel vm0, $0x0, v6  }
0x24e: {  	v6 =	vsel vm3, s0, v6  }
0x24f: {  	s24 =	rddreg [dreg:$0x6];
	s25 =	simm.s32 $0x4B00;
	[tilespmem:$0x4B00] =	vst v6  }
0x250: {  	[spmem:s24] =	stream.linear.scatter [tilespmem:s25], [sflag:$0x2], $0x80, $0x38;
	[tilespmem:$0x7628] =	vst v63  }
0x251: {  	_ =	swait.ge [sflag:s20], $0x80  }
0x252: {  	s26 =	sld [smem:$0x7FD];
	_ =	sdelay $0x1  }
0x253: {  	[sflag:s20] =	ssyncset.done $0x0;
	s9 =	rddreg [dreg:$0x15]  }
0x254: {  	s8 =	rddreg [dreg:$0x16];
	[sflag:s20] =	ssyncadd.s32 $0xFFFFFF80;
	p3 =	seq.s32 s26, $0x1  }
.LBB2_27:
0x255: {  	[bflag:$0x0] =	sbarrier.arrive $0xFFFF  }
0x256: {  	[tilespmem:s25], [sflag:$0x2] =	stream.linear.gather [spmem:s24], $0x80, $0x38;
	[tilespmem:$0x7628] =	vst v63  }
0x257: {  	_ =	swait.ge [sflag:s20], $0x80  }
0x258: {  	[sflag:s20] =	ssyncset.done $0x0  }
0x259: {  	[sflag:s20] =	ssyncadd.s32 $0xFFFFFF80  }
0x25a: {  	v6 =	vld [tilespmem:$0x4B00];
	_ =	sdelay $0x4  }
0x25b: {  	v7 =	vnsel vm1, $0x0, v6  }
0x25c: {  	v6 =	vsel vm2, $0x0, v6;
	(xrf0) =	vadd.scan.msk.s32 $0xffff, v7  }
0x25d: {  	(xrf0) =	vadd.scan.msk.s32 $0xffff, v6;
	_ =	sdelay $0x4  }
0x25e: {  	v6, _, _ =	vpop (xrf0)  }
0x25f: {  	(v2sf) =	vpush v6, $0xF;
	v7, _, _ =	vpop (xrf0)  }
0x260: {  	(v2sf) =	vpush v7, $0xF;
	_ =	sdelay $0x9  }
0x261: {  	p0 =	slt.s32 s13, $0x1  }
.Ltmp16:
0x262: {  	_ = 	snop;
	(pc) =	sbr.rel @p0 .LBB2_28-.Ltmp16, $3  }
0x263: {  	_ =	sdelay $0x1  }
0x264: {  	s10 =	spop (v2sf)  }
0x265: {  	s12 =	spop (v2sf)  }
0x266: {  	s15 =	simm.s32 $0x1020  }
0x267: {  	v7 =	vld [tilespmem:s15+$0xFFFFFFE0]  }
0x268: {  	p0 =	sne.s32 s13, $0x1  }
.Ltmp17:
0x269: {  	_ = 	snop;
	(pc) =	sbr.rel @!p0 .LBB2_30-.Ltmp17, $3  }
0x26a: {  	_ =	sdelay $0x1  }
0x26b: {  	v6 =	vbroadcast v6, $0xF;
	v8 =	vshrl.u32 v7, $0xA  }
0x26c: {  	s14 =	simm.s32 $0x0;
	s13 =	sadd.s32 $0xFFFFFFFF, s13;
	p1 =	por $0x0, $0x0;
	v8 =	vand.u32 $0x7FF, v8  }
0x26d: {  	vm3 =	veq.s32 v8, v6  }
0x26e: {  	[tilespmem:s14+$0x1880] =	vst.msk vm3, v7;
	v7 =	vsel vm3, $0x1, v0  }
0x26f: {  	v8 =	vld [tilespmem:s15+$0xFFFFFFF0];
	(xrf0) =	vadd.scan.msk.s32 $0xffff, v7;
	_ =	sdelay $0x4  }
0x270: {  	v7 =	vshrl.u32 v8, $0xA  }
0x271: {  	v7 =	vand.u32 $0x7FF, v7;
	v9, _, _ =	vpop (xrf0)  }
0x272: {  	vm3 =	veq.s32 v7, v6;
	(v2sf) =	vpush v9, $0xF  }
0x273: {  	v7 =	vsel vm3, $0x1, v0  }
0x274: {  	(xrf0) =	vadd.scan.msk.s32 $0xffff, v7;
	_ =	sdelay $0x5  }
0x275: {  	v7, _, _ =	vpop (xrf0)  }
0x276: {  	(v2sf) =	vpush v7, $0xF;
	_ =	sdelay $0x5  }
0x277: {  	s0 =	spop (v2sf)  }
0x278: {  	s0 =	sadd.s32 $0x0, s0  }
0x279: {  	[tilespmem:s0+$0x1880] =	vst.msk vm3, v8  }
0x27a: {  	v7 =	vld [tilespmem:s15+$0x0];
	_ =	sdelay $0x4  }
0x27b: {  	v8 =	vshrl.u32 v7, $0xA  }
0x27c: {  	v8 =	vand.u32 $0x7FF, v8;
	s5 =	spop (v2sf)  }
0x27d: {  	s0 =	sadd.s32 s0, s5;
	vm3 =	veq.s32 v8, v6  }
0x27e: {  	[tilespmem:s0+$0x1880] =	vst.msk vm3, v7;
	v7 =	vsel vm3, $0x1, v0  }
0x27f: {  	v8 =	vld [tilespmem:s15+$0x10];
	(xrf0) =	vadd.scan.msk.s32 $0xffff, v7;
	_ =	sdelay $0x4  }
0x280: {  	v7 =	vshrl.u32 v8, $0xA  }
0x281: {  	v7 =	vand.u32 $0x7FF, v7;
	v9, _, _ =	vpop (xrf0)  }
0x282: {  	vm3 =	veq.s32 v7, v6;
	(v2sf) =	vpush v9, $0xF  }
0x283: {  	v7 =	vsel vm3, $0x1, v0  }
0x284: {  	(xrf0) =	vadd.scan.msk.s32 $0xffff, v7;
	_ =	sdelay $0x5  }
0x285: {  	v7, _, _ =	vpop (xrf0)  }
0x286: {  	(v2sf) =	vpush v7, $0xF;
	_ =	sdelay $0x5  }
0x287: {  	s26 =	spop (v2sf)  }
0x288: {  	s16 =	sadd.s32 s0, s26  }
0x289: {  	s15 =	simm.s32 $0x1060;
	[tilespmem:s16+$0x1880] =	vst.msk vm3, v8  }
0x28a: {  	v7 =	vld [tilespmem:s15+$0xFFFFFFE0]  }
0x28b: {  	p0 =	sne.s32 s13, $0x1  }
.Ltmp18:
0x28c: {  	_ = 	snop;
	(pc) =	sbr.rel @!p0 .LBB2_33-.Ltmp18, $3  }
0x28d: {  	_ =	sdelay $0x1  }
0x28e: {  	v8 =	vshrl.u32 v7, $0xA  }
0x28f: {  	s13 =	sadd.s32 $0xFFFFFFFF, s13;
	p1 =	por $0x1, $0x1;
	v8 =	vand.u32 $0x7FF, v8;
	s17 =	spop (v2sf)  }
.LBB2_32:
0x290: {  	p2 =	sne.s32 s13, $0x1;
	s13 =	sadd.s32 $0xFFFFFFFF, s13;
	vm3 =	veq.s32 v8, v6;
	s0 =	sadd.s32 s16, s17  }
0x291: {  	[tilespmem:s0+$0x1880] =	vst.msk vm3, v7;
	v7 =	vsel vm3, $0x1, v0  }
0x292: {  	v8 =	vld [tilespmem:s15+$0xFFFFFFF0];
	(xrf0) =	vadd.scan.msk.s32 $0xffff, v7;
	_ =	sdelay $0x4  }
0x293: {  	v7 =	vshrl.u32 v8, $0xA  }
0x294: {  	v7 =	vand.u32 $0x7FF, v7;
	v9, _, _ =	vpop (xrf0)  }
0x295: {  	vm3 =	veq.s32 v7, v6;
	(v2sf) =	vpush v9, $0xF  }
0x296: {  	v7 =	vsel vm3, $0x1, v0  }
0x297: {  	(xrf0) =	vadd.scan.msk.s32 $0xffff, v7;
	_ =	sdelay $0x5  }
0x298: {  	v7, _, _ =	vpop (xrf0)  }
0x299: {  	(v2sf) =	vpush v7, $0xF;
	_ =	sdelay $0x5  }
0x29a: {  	s5 =	spop (v2sf)  }
0x29b: {  	s0 =	sadd.s32 s0, s5  }
0x29c: {  	[tilespmem:s0+$0x1880] =	vst.msk vm3, v8  }
0x29d: {  	v7 =	vld [tilespmem:s15+$0x0];
	_ =	sdelay $0x4  }
0x29e: {  	v8 =	vshrl.u32 v7, $0xA  }
0x29f: {  	v8 =	vand.u32 $0x7FF, v8;
	s5 =	spop (v2sf)  }
0x2a0: {  	s0 =	sadd.s32 s0, s5;
	vm3 =	veq.s32 v8, v6  }
0x2a1: {  	[tilespmem:s0+$0x1880] =	vst.msk vm3, v7;
	v7 =	vsel vm3, $0x1, v0  }
0x2a2: {  	v8 =	vld [tilespmem:s15+$0x10];
	(xrf0) =	vadd.scan.msk.s32 $0xffff, v7;
	_ =	sdelay $0x4  }
0x2a3: {  	v7 =	vshrl.u32 v8, $0xA  }
0x2a4: {  	v7 =	vand.u32 $0x7FF, v7;
	v9, _, _ =	vpop (xrf0)  }
0x2a5: {  	vm3 =	veq.s32 v7, v6;
	(v2sf) =	vpush v9, $0xF  }
0x2a6: {  	v7 =	vsel vm3, $0x1, v0  }
0x2a7: {  	(xrf0) =	vadd.scan.msk.s32 $0xffff, v7;
	_ =	sdelay $0x5  }
0x2a8: {  	v7, _, _ =	vpop (xrf0)  }
0x2a9: {  	(v2sf) =	vpush v7, $0xF;
	_ =	sdelay $0x5  }
0x2aa: {  	s5 =	spop (v2sf)  }
0x2ab: {  	s16 =	sadd.s32 s0, s5  }
0x2ac: {  	s15 =	sadd.s32 $0x40, s15;
	[tilespmem:s16+$0x1880] =	vst.msk vm3, v8  }
0x2ad: {  	v7 =	vld [tilespmem:s15+$0xFFFFFFE0];
	_ =	sdelay $0x1  }
.Ltmp19:
0x2ae: {  	(pc) =	sbr.rel @p2 .LBB2_32-.Ltmp19, $3  }
0x2af: {  	_ =	sdelay $0x1  }
0x2b0: {  	v8 =	vshrl.u32 v7, $0xA  }
0x2b1: {  	v8 =	vand.u32 $0x7FF, v8;
	s17 =	spop (v2sf)  }
.LBB2_33:
0x2b2: {  	s0 =	sadd.s32 @p1 s16, s17  }
0x2b3: {  	vm3 =	veq.s32 v8, v6;
	s14 =	smov.u32 @p1 s0  }
0x2b4: {  	[tilespmem:s14+$0x1880] =	vst.msk vm3, v7;
	v7 =	vsel vm3, $0x1, v0  }
0x2b5: {  	v60 =	vld [tilespmem:s15+$0xFFFFFFF0];
	(xrf0) =	vadd.scan.msk.s32 $0xffff, v7;
	_ =	sdelay $0x4  }
0x2b6: {  	v7 =	vshrl.u32 v60, $0xA  }
0x2b7: {  	v7 =	vand.u32 $0x7FF, v7;
	v9, _, _ =	vpop (xrf0)  }
0x2b8: {  	vm3 =	veq.s32 v7, v6;
	(v2sf) =	vpush v9, $0xF  }
0x2b9: {  	v7 =	vsel vm3, $0x1, v0  }
0x2ba: {  	(xrf0) =	vadd.scan.msk.s32 $0xffff, v7;
	_ =	sdelay $0x5  }
0x2bb: {  	v7, _, _ =	vpop (xrf0)  }
0x2bc: {  	(v2sf) =	vpush v7, $0xF;
	_ =	sdelay $0x5  }
0x2bd: {  	s18 =	spop (v2sf)  }
0x2be: {  	s0 =	sadd.s32 s14, s18  }
0x2bf: {  	[tilespmem:s0+$0x1880] =	vst.msk vm3, v60  }
0x2c0: {  	v7 =	vld [tilespmem:s15+$0x0];
	_ =	sdelay $0x4  }
0x2c1: {  	v61 =	vshrl.u32 v7, $0xA  }
0x2c2: {  	v8 =	vand.u32 $0x7FF, v61;
	s5 =	spop (v2sf)  }
0x2c3: {  	s0 =	sadd.s32 s0, s5;
	vm3 =	veq.s32 v8, v6  }
0x2c4: {  	[tilespmem:s0+$0x1880] =	vst.msk vm3, v7  }
0x2c5: {  	v7 =	vld [tilespmem:s15+$0x10];
	_ =	sdelay $0x4  }
0x2c6: {  	v62 =	vshrl.u32 v7, $0xA  }
0x2c7: {  	v8 =	vand.u32 $0x7FF, v62  }
0x2c8: {  	v63 =	vsel vm3, $0x1, v0;
	vm3 =	veq.s32 v8, v6  }
0x2c9: {  	(xrf0) =	vadd.scan.msk.s32 $0xffff, v63;
	v6 =	vsel vm3, $0x1, v0  }
0x2ca: {  	(xrf0) =	vadd.scan.msk.s32 $0xffff, v6;
	_ =	sdelay $0x4  }
0x2cb: {  	v6, _, _ =	vpop (xrf0)  }
0x2cc: {  	(v2sf) =	vpush v6, $0xF;
	v6, _, _ =	vpop (xrf0)  }
0x2cd: {  	(v2sf) =	vpush v6, $0xF;
	_ =	sdelay $0xb  }
.Ltmp20:
0x2ce: {  	_ = 	snop;
	(pc) =	sbr.rel .LBB2_34-.Ltmp20, $4  }
0x2cf: {  	_ = 	snop  }
0x2d0: {  	s19 =	spop (v2sf)  }
0x2d1: {  	s0 =	sadd.s32 s0, s19;
	s26 =	spop (v2sf)  }
0x2d2: {  	[tilespmem:s0+$0x1880] =	vst.msk vm3, v7;
	s13 =	sadd.s32 s0, s26  }
.LBB2_28:
0x2d3: {  	s13 =	simm.s32 $0x0  }
.LBB2_34:
0x2d4: {  	[tilespmem:s13+$0x1880] =	vst v5  }
0x2d5: {  	[tilespmem:s13+$0x1890] =	vst v5  }
0x2d6: {  	[tilespmem:s13+$0x18A0] =	vst v5  }
0x2d7: {  	[tilespmem:s13+$0x18B0] =	vst v5  }
0x2d8: {  	[tilespmem:$0x2100] =	vst v0  }
0x2d9: {  	[tilespmem:$0x2110] =	vst v0  }
0x2da: {  	[tilespmem:$0x2120] =	vst v0  }
0x2db: {  	[tilespmem:$0x2130] =	vst v0  }
0x2dc: {  	[tilespmem:$0x2140] =	vst v0  }
0x2dd: {  	[tilespmem:$0x2150] =	vst v0  }
0x2de: {  	[tilespmem:$0x2160] =	vst v0  }
0x2df: {  	[tilespmem:$0x2170] =	vst v0  }
0x2e0: {  	[tilespmem:$0x2180] =	vst v0  }
0x2e1: {  	[tilespmem:$0x2190] =	vst v0  }
0x2e2: {  	[tilespmem:$0x21A0] =	vst v0  }
0x2e3: {  	[tilespmem:$0x21B0] =	vst v0  }
0x2e4: {  	[tilespmem:$0x21C0] =	vst v0  }
0x2e5: {  	[tilespmem:$0x21D0] =	vst v0  }
0x2e6: {  	[tilespmem:$0x21E0] =	vst v0  }
0x2e7: {  	[tilespmem:$0x21F0] =	vst v0  }
0x2e8: {  	[tilespmem:$0x2200] =	vst v0  }
0x2e9: {  	[tilespmem:$0x2210] =	vst v0  }
0x2ea: {  	[tilespmem:$0x2220] =	vst v0  }
0x2eb: {  	[tilespmem:$0x2230] =	vst v0  }
0x2ec: {  	[tilespmem:$0x2240] =	vst v0  }
0x2ed: {  	[tilespmem:$0x2250] =	vst v0  }
0x2ee: {  	[tilespmem:$0x2260] =	vst v0  }
0x2ef: {  	[tilespmem:$0x2270] =	vst v0  }
0x2f0: {  	[tilespmem:$0x2280] =	vst v0  }
0x2f1: {  	[tilespmem:$0x2290] =	vst v0  }
0x2f2: {  	[tilespmem:$0x22A0] =	vst v0  }
0x2f3: {  	[tilespmem:$0x22B0] =	vst v0  }
0x2f4: {  	[tilespmem:$0x22C0] =	vst v0  }
0x2f5: {  	[tilespmem:$0x22D0] =	vst v0  }
0x2f6: {  	[tilespmem:$0x22E0] =	vst v0  }
0x2f7: {  	[tilespmem:$0x22F0] =	vst v0  }
0x2f8: {  	[tilespmem:$0x2300] =	vst v0  }
0x2f9: {  	[tilespmem:$0x2310] =	vst v0  }
0x2fa: {  	[tilespmem:$0x2320] =	vst v0  }
0x2fb: {  	[tilespmem:$0x2330] =	vst v0  }
0x2fc: {  	[tilespmem:$0x2340] =	vst v0  }
0x2fd: {  	[tilespmem:$0x2350] =	vst v0  }
0x2fe: {  	[tilespmem:$0x2360] =	vst v0  }
0x2ff: {  	[tilespmem:$0x2370] =	vst v0  }
0x300: {  	[tilespmem:$0x2380] =	vst v0  }
0x301: {  	[tilespmem:$0x2390] =	vst v0  }
0x302: {  	[tilespmem:$0x23A0] =	vst v0  }
0x303: {  	[tilespmem:$0x23B0] =	vst v0  }
0x304: {  	[tilespmem:$0x23C0] =	vst v0  }
0x305: {  	[tilespmem:$0x23D0] =	vst v0  }
0x306: {  	[tilespmem:$0x23E0] =	vst v0  }
0x307: {  	[tilespmem:$0x23F0] =	vst v0  }
0x308: {  	[tilespmem:$0x2400] =	vst v0  }
0x309: {  	[tilespmem:$0x2410] =	vst v0  }
0x30a: {  	[tilespmem:$0x2420] =	vst v0  }
0x30b: {  	s0 =	sadd.s32 $0x3F, s13;
	[tilespmem:$0x2430] =	vst v0  }
0x30c: {  	[tilespmem:$0x2440] =	vst v0;
	s5 =	sand.u32 $0x3F, s0  }
0x30d: {  	[tilespmem:$0x2450] =	vst v0;
	s26 =	sshra.s32 s0, $0x1F;
	p1 =	slt.s32 s0, $0x1;
	p0 =	sne.s32 s5, $0x0  }
0x30e: {  	[tilespmem:$0x2460] =	vst v0;
	s5 =	sshrl.u32 s26, $0x1A;
	p0 =	por !p1, !p0  }
0x30f: {  	[tilespmem:$0x2470] =	vst v0;
	s0 =	sadd.s32 s5, s0;
	s5 =	simm.s32 $0x1;
	p0 =	por !p0, !p0  }
0x310: {  	[tilespmem:$0x2480] =	vst v0;
	s0 =	sshra.s32 s0, $0x6;
	s5 =	simm.s32 @!p0 $0x0  }
0x311: {  	[tilespmem:$0x2490] =	vst v0;
	s13 =	ssub.s32 s0, s5  }
0x312: {  	[tilespmem:$0x24A0] =	vst v0;
	p0 =	slt.s32 s13, $0x1  }
.Ltmp21:
0x313: {  	[tilespmem:$0x24B0] =	vst v0;
	(pc) =	sbr.rel @p0 .LBB2_36-.Ltmp21, $4  }
0x314: {  	[tilespmem:$0x24C0] =	vst v0  }
0x315: {  	[tilespmem:$0x24D0] =	vst v0  }
0x316: {  	[tilespmem:$0x24E0] =	vst v0  }
0x317: {  	s14 =	simm.s32 $0x18A0;
	[tilespmem:$0x24F0] =	vst v0  }
.LBB2_35:
0x318: {  	v6 =	vld [tilespmem:s14+$0xFFFFFFE0];
	_ =	sdelay $0x4  }
0x319: {  	v6 =	vand.u32 $0x3FF, v6  }
0x31a: {  	(xrf1) =	vunique.msk.u32 $0xffff, v6;
	_ =	sdelay $0xd  }
0x31b: {  	_, v7, vm3 =	vpop (xrf1);
	_ =	sdelay $0x4  }
0x31c: {  	v7 =	vadd.s32 v7, v3  }
0x31d: {  	[tilespmem:v6+s21+$0x0] =	vst.idx.add.s32.msk vm3, v7  }
0x31e: {  	v6 =	vld [tilespmem:s14+$0xFFFFFFF0];
	_ =	sdelay $0x4  }
0x31f: {  	v6 =	vand.u32 $0x3FF, v6  }
0x320: {  	(xrf1) =	vunique.msk.u32 $0xffff, v6;
	_ =	sdelay $0xd  }
0x321: {  	_, v7, vm3 =	vpop (xrf1);
	_ =	sdelay $0x4  }
0x322: {  	v7 =	vadd.s32 v7, v3  }
0x323: {  	[tilespmem:v6+s21+$0x0] =	vst.idx.add.s32.msk vm3, v7  }
0x324: {  	v6 =	vld [tilespmem:s14+$0x0];
	_ =	sdelay $0x4  }
0x325: {  	v6 =	vand.u32 $0x3FF, v6  }
0x326: {  	(xrf1) =	vunique.msk.u32 $0xffff, v6;
	_ =	sdelay $0xd  }
0x327: {  	_, v7, vm3 =	vpop (xrf1);
	_ =	sdelay $0x4  }
0x328: {  	v7 =	vadd.s32 v7, v3  }
0x329: {  	[tilespmem:v6+s21+$0x0] =	vst.idx.add.s32.msk vm3, v7  }
0x32a: {  	v6 =	vld [tilespmem:s14+$0x10];
	_ =	sdelay $0x4  }
0x32b: {  	v6 =	vand.u32 $0x3FF, v6  }
0x32c: {  	(xrf1) =	vunique.msk.u32 $0xffff, v6;
	_ =	sdelay $0xd  }
0x32d: {  	_, v7, vm3 =	vpop (xrf1)  }
0x32e: {  	p0 =	sne.s32 s13, $0x1  }
.Ltmp22:
0x32f: {  	_ = 	snop;
	(pc) =	sbr.rel @p0 .LBB2_35-.Ltmp22, $3  }
0x330: {  	_ =	sdelay $0x1  }
0x331: {  	v7 =	vadd.s32 v7, v3  }
0x332: {  	s13 =	sadd.s32 $0xFFFFFFFF, s13;
	s14 =	sadd.s32 $0x40, s14;
	[tilespmem:v6+s21+$0x0] =	vst.idx.add.s32.msk vm3, v7  }
.LBB2_36:
0x333: {  	s0 =	simm.s32 $0x70  }
0x334: {  	s5 =	simm.s32 $0x60;
	v6 =	vor.u32 s0, v4  }
0x335: {  	s15 =	simm.s32 $0x50;
	v7 =	vor.u32 s5, v4;
	[tilespmem:$0x4AF0] =	vst v6  }
0x336: {  	s16 =	simm.s32 $0x0;
	v6 =	vor.u32 s15, v4;
	[tilespmem:$0x4AE0] =	vst v7  }
0x337: {  	s17 =	simm.s32 $0x40;
	v7 =	vor.u32 s16, v4;
	[tilespmem:$0x4AD0] =	vst v6  }
0x338: {  	s18 =	simm.s32 $0x20;
	[tilespmem:$0x4A80] =	vst v7;
	v6 =	vor.u32 s17, v4  }
0x339: {  	s19 =	simm.s32 $0x30;
	v7 =	vor.u32 s18, v4;
	[tilespmem:$0x4AC0] =	vst v6  }
0x33a: {  	s26 =	simm.s32 $0x10;
	v6 =	vor.u32 s19, v4;
	[tilespmem:$0x4AA0] =	vst v7  }
0x33b: {  	v7 =	vor.u32 s26, v4;
	[tilespmem:$0x4AB0] =	vst v6  }
0x33c: {  	s13 =	simm.s32 $0x2100;
	s18 =	sadd.s32 s8, s12;
	s12 =	simm.s32 $0xF0;
	[tilespmem:$0x4A90] =	vst v7  }
0x33d: {  	[spmem:s4] =	stream.indirect.scatter.add.s32 [tilespmem:s13], [sflag:$0x2], $0x1, s23, s22, $0xb8;
	[tilespmem:$0x7628] =	vst v63  }
.LBB2_37:
0x33e: {  	p1 =	sne.s32 s12, $0x3F0;
	_ =	swait.ge [sflag:s20], $0x80;
	s13 =	sadd.s32 $0x80, s13  }
0x33f: {  	s0 =	smov.u32 s12;
	s12 =	sadd.s32 $0x80, s12;
	[sflag:s20] =	ssyncset.done $0x0  }
0x340: {  	s5 =	sadd.s32 $0xFFFFFFF0, s0;
	v6 =	vor.u32 s0, v4;
	[sflag:s20] =	ssyncadd.s32 $0xFFFFFF80  }
0x341: {  	s8 =	sadd.s32 $0xFFFFFFE0, s0;
	v7 =	vor.u32 s5, v4;
	[tilespmem:$0x4AF0] =	vst v6  }
0x342: {  	s5 =	sadd.s32 $0xFFFFFF90, s0;
	v6 =	vor.u32 s8, v4;
	[tilespmem:$0x4AE0] =	vst v7  }
0x343: {  	v7 =	vor.u32 s5, v4;
	s5 =	sadd.s32 $0xFFFFFFD0, s0;
	[tilespmem:$0x4AD0] =	vst v6  }
0x344: {  	s14 =	sadd.s32 $0xFFFFFFB0, s0;
	s8 =	sadd.s32 $0xFFFFFFA0, s0;
	s0 =	sadd.s32 $0xFFFFFFC0, s0;
	v6 =	vor.u32 s5, v4;
	[tilespmem:$0x4A80] =	vst v7  }
.Ltmp23:
0x345: {  	v8 =	vor.u32 s14, v4;
	v9 =	vor.u32 s0, v4;
	v7 =	vor.u32 s8, v4;
	[tilespmem:$0x4AC0] =	vst v6;
	(pc) =	sbr.rel @p1 .LBB2_37-.Ltmp23, $4  }
0x346: {  	[tilespmem:$0x4AA0] =	vst v8  }
0x347: {  	[tilespmem:$0x4AB0] =	vst v9  }
0x348: {  	[tilespmem:$0x4A90] =	vst v7  }
0x349: {  	[spmem:s4] =	stream.indirect.scatter.add.s32 [tilespmem:s13], [sflag:$0x2], $0x1, s23, s22, $0xb8;
	[tilespmem:$0x7628] =	vst v63  }
.Ltmp24:
0x34a: {  	_ =	swait.ge [sflag:s20], $0x80;
	(pc) =	sbr.rel @p3 .LBB2_42-.Ltmp24, $3  }
0x34b: {  	[sflag:s20] =	ssyncset.done $0x0  }
0x34c: {  	[sflag:s20] =	ssyncadd.s32 $0xFFFFFF80  }
0x34d: {  	[bflag:$0x0] =	sbarrier.arrive $0xFFFF;
	_ =	sdelay $0x1  }
0x34e: {  	[dreg:$0x17] =	wrdreg s10  }
0x34f: {  	[dreg:$0x15] =	wrdreg s9  }
0x350: {  	[tilespmem:s21], [sflag:$0x2] =	stream.linear.gather [spmem:s4], $0x400, $0x38;
	[tilespmem:$0x7628] =	vst v63  }
0x351: {  	_ =	swait.ge [sflag:s20], $0x400  }
0x352: {  	[sflag:s20] =	ssyncset.done $0x0  }
0x353: {  	s0 =	simm.s32 $0x2120;
	[sflag:s20] =	ssyncadd.s32 $0xFFFFFC00  }
0x354: {  	v6 =	vld [tilespmem:s0+$0xFFFFFFE0];
	_ =	sdelay $0x1  }
0x355: {  	v7 =	vld [tilespmem:s0+$0xFFFFFFF0]  }
0x356: {  	v8 =	vld [tilespmem:s0+$0x0]  }
0x357: {  	s26 =	simm.s32 $0x2160;
	v9 =	vld [tilespmem:s0+$0x10]  }
0x358: {  	v10 =	vld [tilespmem:s26+$0xFFFFFFE0];
	(xrf0) =	vadd.scan.msk.s32 $0xffff, v6  }
0x359: {  	v6 =	vld [tilespmem:s26+$0xFFFFFFF0]  }
0x35a: {  	(xrf0) =	vadd.scan.msk.s32 $0xffff, v7  }
0x35b: {  	(xrf0) =	vadd.scan.msk.s32 $0xffff, v8  }
0x35c: {  	(xrf0) =	vadd.scan.msk.s32 $0xffff, v9  }
0x35d: {  	(xrf0) =	vadd.scan.msk.s32 $0xffff, v10  }
0x35e: {  	(xrf0) =	vadd.scan.msk.s32 $0xffff, v6;
	v6, _, _ =	vpop (xrf0)  }
0x35f: {  	(v2sf) =	vpush v6, $0xF  }
0x360: {  	v63, _, _ =	vpop (xrf0)  }
0x361: {  	(v2sf) =	vpush v63, $0xF;
	v6, _, _ =	vpop (xrf0)  }
0x362: {  	v7 =	vld [tilespmem:s26+$0x0];
	(v2sf) =	vpush v6, $0xF  }
0x363: {  	v6, _, _ =	vpop (xrf0)  }
0x364: {  	(v2sf) =	vpush v6, $0xF  }
0x365: {  	v8 =	vld [tilespmem:s26+$0x10];
	_ =	sdelay $0x1  }
0x366: {  	(xrf0) =	vadd.scan.msk.s32 $0xffff, v7;
	_ =	sdelay $0x1  }
0x367: {  	s10 =	smov.u32 s18;
	s12 =	ssub.s32 $0x400, s18;
	s13 =	simm.s32 $0x0  }
0x368: {  	s14 =	simm.s32 $0x4;
	s18 =	simm.s32 $0x8;
	s19 =	simm.s32 $0x21A0;
	(xrf0) =	vadd.scan.msk.s32 $0xffff, v8;
	v6, _, _ =	vpop (xrf0)  }
0x369: {  	s16 =	simm.s32 $0x0;
	s17 =	simm.s32 $0x0;
	s15 =	simm.s32 $0x0;
	(v2sf) =	vpush v6, $0xF;
	v6, _, _ =	vpop (xrf0)  }
.LBB2_40:
0x36a: {  	p1 =	sne.s32 s18, $0x3C;
	s0 =	smov.u32 s16;
	s16 =	smov.u32 s14  }
0x36b: {  	v7 =	vld [tilespmem:s19+$0xFFFFFFE0];
	(v2sf) =	vpush v6, $0xF;
	v6, _, _ =	vpop (xrf0);
	s14 =	smov.u32 s18;
	s18 =	sadd.s32 $0x4, s18;
	s5 =	smov.u32 s17  }
0x36c: {  	s25 =	spop (v2sf)  }
0x36d: {  	v8 =	vld [tilespmem:s19+$0xFFFFFFF0];
	(v2sf) =	vpush v6, $0xF;
	s8 =	sadd.s32 $0x2, s0;
	s24 =	sadd.s32 $0x3, s0;
	s25 =	sadd.s32 s17, s25  }
0x36e: {  	p0 =	slt.s32 s17, s12;
	v6 =	vld [tilespmem:s19+$0x0];
	v9, _, _ =	vpop (xrf0);
	s17 =	spop (v2sf);
	p2 =	sge.s32 s25, s12  }
0x36f: {  	(v2sf) =	vpush v9, $0xF;
	s26 =	sadd.s32 s17, s25;
	s17 =	spop (v2sf);
	p6 =	slt.s32 s25, s12  }
0x370: {  	v9 =	vld [tilespmem:s19+$0x10];
	p0 =	por !p0, !p2;
	p2 =	sge.s32 s26, s12;
	p3 =	slt.s32 s26, s12  }
0x371: {  	s9 =	sadd.s32 s17, s26;
	(xrf0) =	vadd.scan.msk.s32 $0xffff, v7;
	p4 =	por !p0, !p0;
	s17 =	spop (v2sf)  }
0x372: {  	p5 =	sge.s32 s9, s12;
	p0 =	slt.s32 s9, s12;
	(xrf0) =	vadd.scan.msk.s32 $0xffff, v8;
	s17 =	sadd.s32 s17, s9  }
0x373: {  	p2 =	por !p6, !p2;
	s13 =	smov.u32 @p4 s5;
	p3 =	por !p3, !p5;
	(xrf0) =	vadd.scan.msk.s32 $0xffff, v6  }
.Ltmp25:
0x374: {  	s15 =	smov.u32 @p4 s0;
	p3 =	por !p3, !p3;
	(pc) =	sbr.rel @p1 .LBB2_40-.Ltmp25, $4  }
0x375: {  	p2 =	por !p2, !p2;
	s0 =	sadd.s32 $0x1, s0;
	p4 =	sge.s32 s17, s12;
	(xrf0) =	vadd.scan.msk.s32 $0xffff, v9  }
0x376: {  	s15 =	smov.u32 @p2 s0;
	s13 =	smov.u32 @p2 s25;
	p0 =	por !p0, !p4  }
0x377: {  	s15 =	smov.u32 @p3 s8;
	s13 =	smov.u32 @p3 s26;
	p0 =	por !p0, !p0;
	v6, _, _ =	vpop (xrf0)  }
0x378: {  	s19 =	sadd.s32 $0x40, s19;
	s15 =	smov.u32 @p0 s24;
	s13 =	smov.u32 @p0 s9;
	(v2sf) =	vpush v6, $0xF;
	v6, _, _ =	vpop (xrf0)  }
0x379: {  	(v2sf) =	vpush v6, $0xF;
	v6, _, _ =	vpop (xrf0)  }
0x37a: {  	(v2sf) =	vpush v6, $0xF;
	_ =	sdelay $0x5  }
0x37b: {  	s0 =	spop (v2sf)  }
0x37c: {  	p0 =	slt.s32 s17, s12;
	s18 =	sadd.s32 s17, s0;
	s25 =	spop (v2sf)  }
0x37d: {  	p1 =	sge.s32 s18, s12;
	s0 =	sadd.s32 s25, s18;
	p5 =	slt.s32 s18, s12  }
0x37e: {  	s5 =	spop (v2sf);
	p6 =	por !p0, !p1;
	p1 =	sge.s32 s0, s12  }
0x37f: {  	p2 =	slt.s32 s0, s12;
	s5 =	sadd.s32 s5, s0;
	s8 =	spop (v2sf)  }
0x380: {  	v6, _, _ =	vpop (xrf0);
	p3 =	sge.s32 s5, s12;
	p4 =	slt.s32 s5, s12;
	s8 =	sadd.s32 s8, s5  }
0x381: {  	(v2sf) =	vpush v6, $0xF;
	p2 =	por !p2, !p3;
	p3 =	por !p5, !p1;
	p1 =	sge.s32 s8, s12  }
0x382: {  	p5 =	por !p4, !p1;
	s9 =	spop (v2sf)  }
0x383: {  	p4 =	slt.s32 s8, s12;
	s9 =	sadd.s32 s8, s9;
	s19 =	spop (v2sf)  }
0x384: {  	s19 =	sadd.s32 s19, s9;
	s24 =	spop (v2sf);
	p1 =	sge.s32 s9, s12  }
0x385: {  	s24 =	sadd.s32 s24, s19;
	p0 =	por !p4, !p1  }
0x386: {  	p4 =	slt.s32 s19, s12;
	s25 =	simm.s32 @!p0 $0x0;
	p1 =	sge.s32 s24, s12  }
0x387: {  	s25 =	simm.s32 @p0 $0x1;
	p0 =	por !p4, !p1  }
0x388: {  	[smem:$0x7F1] =	sst s25;
	s25 =	simm.s32 @!p0 $0x0  }
0x389: {  	s25 =	simm.s32 @p0 $0x1;
	p0 =	por !p6, !p6  }
0x38a: {  	p1 =	sge.s32 s19, s12;
	s26 =	simm.s32 @!p0 $0x0  }
0x38b: {  	s15 =	smov.u32 @p0 s16;
	s26 =	simm.s32 @p0 $0x1;
	p0 =	por !p3, !p3  }
0x38c: {  	p4 =	slt.s32 s9, s12;
	[smem:$0x7F3] =	sst s26;
	s26 =	simm.s32 @!p0 $0x0  }
0x38d: {  	p1 =	por !p4, !p1;
	s26 =	simm.s32 @p0 $0x1  }
0x38e: {  	p4 =	por !p2, !p2;
	[smem:$0x7F4] =	sst s26;
	s26 =	sadd.s32 $0x1, s16  }
0x38f: {  	[smem:$0x7F2] =	sst s25;
	s25 =	sadd.s32 $0x2, s16;
	s15 =	smov.u32 @p0 s26  }
0x390: {  	s26 =	spop (v2sf);
	s15 =	smov.u32 @p4 s25;
	s25 =	sld [smem:$0x7F1]  }
0x391: {  	p5 =	por !p5, !p5;
	p3 =	slt.s32 s24, s12;
	s26 =	sadd.s32 s26, s24  }
0x392: {  	s16 =	sadd.s32 $0x3, s16;
	p2 =	sge.s32 s26, s12;
	s26 =	sld [smem:$0x7F2]  }
0x393: {  	s15 =	smov.u32 @p5 s16;
	s16 =	sadd.s32 $0x1, s14;
	p6 =	seq.s32 s25, $0x1  }
0x394: {  	p3 =	por !p3, !p2;
	p2 =	por !p1, !p1;
	p6 =	por !p6, !p6  }
0x395: {  	p0 =	por !p3, !p3;
	p1 =	seq.s32 s26, $0x1;
	s15 =	smov.u32 @p6 s14  }
0x396: {  	p1 =	por !p1, !p1;
	s15 =	smov.u32 @p2 s16;
	s16 =	sadd.s32 $0x2, s14  }
0x397: {  	s14 =	sadd.s32 $0x3, s14;
	s15 =	smov.u32 @p1 s16;
	s16 =	sld [smem:$0x7F3]  }
0x398: {  	s15 =	smov.u32 @p0 s14  }
0x399: {  	s14 =	sshll.u32 s15, $0x4  }
0x39a: {  	v6 =	vld [tilespmem:s14+$0x2100];
	p3 =	seq.s32 s16, $0x1  }
0x39b: {  	s13 =	smov.u32 @p3 s17;
	s17 =	sld [smem:$0x7F4];
	_ =	sdelay $0x2  }
0x39c: {  	p3 =	seq.s32 s17, $0x1  }
0x39d: {  	s13 =	smov.u32 @p3 s18;
	(xrf0) =	vadd.scan.msk.s32 $0xffff, v6  }
0x39e: {  	s13 =	smov.u32 @p4 s0  }
0x39f: {  	s13 =	smov.u32 @p5 s5  }
0x3a0: {  	s13 =	smov.u32 @p6 s8  }
0x3a1: {  	s13 =	smov.u32 @p2 s9  }
0x3a2: {  	s13 =	smov.u32 @p1 s19  }
0x3a3: {  	s13 =	smov.u32 @p0 s24;
	v7, _, _ =	vpop (xrf0)  }
0x3a4: {  	v7 =	vadd.s32 s13, v7  }
0x3a5: {  	vm3 =	vge.s32 v7, s12  }
0x3a6: {  	v8 =	vmctz.xlane vm3;
	_ =	sdelay $0x1  }
0x3a7: {  	v8 =	vxor.u32 $0x80000000, v8  }
0x3a8: {  	(xrf0) =	vmax.scan.msk.u32 $0xffff, v8;
	_ =	sdelay $0x5  }
0x3a9: {  	v8, _, _ =	vpop (xrf0)  }
0x3aa: {  	(v2sf) =	vpush v8, $0xF;
	_ =	sdelay $0xe  }
0x3ab: {  	s25 =	spop (v2sf)  }
0x3ac: {  	s0 =	sxor.u32 $0x80000000, s25  }
0x3ad: {  	v63 =	vmov s0  }
0x3ae: {  	v6 =	vsub.s32 v7, v6;
	vm3 =	veq.s32 v63, v4  }
0x3af: {  	v6 =	vnsel vm3, $0x0, v6  }
0x3b0: {  	(xrf0) =	vadd.scan.msk.s32 $0xffff, v6;
	_ =	sdelay $0x5  }
0x3b1: {  	v6, _, _ =	vpop (xrf0)  }
0x3b2: {  	v6 =	vbroadcast v6, $0xF;
	_ =	sdelay $0x1  }
0x3b3: {  	s0 =	sadd.s32 s14, s0;
	vm3 =	veq.s32 v4, $0x0;
	v6 =	vnsel vm0, $0x0, v6  }
0x3b4: {  	v6 =	vsel vm3, s0, v6  }
0x3b5: {  	s24 =	rddreg [dreg:$0x6];
	s25 =	simm.s32 $0x4B00;
	[tilespmem:$0x4B00] =	vst v6  }
0x3b6: {  	[spmem:s24] =	stream.linear.scatter [tilespmem:s25], [sflag:$0x2], $0x80, $0x38;
	[tilespmem:$0x7628] =	vst v63  }
0x3b7: {  	_ =	swait.ge [sflag:s20], $0x80  }
0x3b8: {  	s26 =	sld [smem:$0x7FD];
	_ =	sdelay $0x1  }
0x3b9: {  	s18 =	smov.u32 s10;
	[sflag:s20] =	ssyncset.done $0x0;
	s9 =	rddreg [dreg:$0x15]  }
0x3ba: {  	s10 =	rddreg [dreg:$0x17];
	[sflag:s20] =	ssyncadd.s32 $0xFFFFFF80;
	p3 =	seq.s32 s26, $0x1  }
.LBB2_42:
0x3bb: {  	[bflag:$0x0] =	sbarrier.arrive $0xFFFF  }
0x3bc: {  	[tilespmem:s25], [sflag:$0x2] =	stream.linear.gather [spmem:s24], $0x80, $0x38;
	[tilespmem:$0x7628] =	vst v63  }
0x3bd: {  	_ =	swait.ge [sflag:s20], $0x80  }
0x3be: {  	[sflag:s20] =	ssyncset.done $0x0  }
0x3bf: {  	[sflag:s20] =	ssyncadd.s32 $0xFFFFFF80  }
0x3c0: {  	v6 =	vld [tilespmem:$0x4B00];
	_ =	sdelay $0x4  }
0x3c1: {  	v7 =	vnsel vm1, $0x0, v6  }
0x3c2: {  	(xrf0) =	vadd.scan.msk.s32 $0xffff, v7;
	_ =	sdelay $0x5  }
0x3c3: {  	v7, _, _ =	vpop (xrf0)  }
0x3c4: {  	(v2sf) =	vpush v7, $0xF;
	_ =	sdelay $0xb  }
0x3c5: {  	s5 =	simm.s32 $0x820  }
0x3c6: {  	v8 =	vld [tilespmem:s5+$0xFFFFFFE0]  }
0x3c7: {  	s0 =	sshll.u32 s9, $0x15;
	s8 =	sshll.u32 s10, $0xA  }
0x3c8: {  	s0 =	sor.u32 s0, s8;
	s17 =	spop (v2sf)  }
0x3c9: {  	s0 =	sor.u32 s17, s0  }
0x3ca: {  	v7 =	vmov s0  }
0x3cb: {  	s19 =	simm.s32 $0x0;
	s26 =	sadd.s32 $0x0, s11;
	vm3 =	vlt.u32 v8, v7  }
0x3cc: {  	v9 =	vor.u32 s26, v4;
	[tilespmem:s19+$0x3100] =	vst.msk vm3, v8;
	v10 =	vsel vm3, $0x1, v0  }
0x3cd: {  	vm4 =	veq.s32 v8, v7;
	[tilespmem:s19+$0x3980] =	vst.msk vm3, v9;
	(xrf0) =	vadd.scan.msk.s32 $0xffff, v10  }
0x3ce: {  	v8 =	vsel vm4, $0x1, v0;
	[tilespmem:s19+$0x4200] =	vst.msk vm4, v9  }
0x3cf: {  	(xrf0) =	vadd.scan.msk.s32 $0xffff, v8;
	v9 =	vld [tilespmem:s5+$0xFFFFFFF0];
	_ =	sdelay $0x3  }
0x3d0: {  	v8, _, _ =	vpop (xrf0)  }
0x3d1: {  	vm3 =	vlt.u32 v9, v7;
	(v2sf) =	vpush v8, $0xF  }
0x3d2: {  	v10, _, _ =	vpop (xrf0);
	v8 =	vsel vm3, $0x1, v0  }
0x3d3: {  	vm13 =	veq.s32 v9, v7;
	(v2sf) =	vpush v10, $0xF;
	(xrf0) =	vadd.scan.msk.s32 $0xffff, v8  }
0x3d4: {  	v8 =	vsel vm13, $0x1, v0  }
0x3d5: {  	(xrf0) =	vadd.scan.msk.s32 $0xffff, v8;
	_ =	sdelay $0x3  }
0x3d6: {  	v8, _, _ =	vpop (xrf0)  }
0x3d7: {  	(v2sf) =	vpush v8, $0xF  }
0x3d8: {  	v8, _, _ =	vpop (xrf0)  }
0x3d9: {  	(v2sf) =	vpush v8, $0xF;
	_ =	sdelay $0x3  }
0x3da: {  	s13 =	spop (v2sf)  }
0x3db: {  	s14 =	sadd.s32 $0x10, s26;
	s8 =	sadd.s32 $0x0, s13  }
0x3dc: {  	v8 =	vor.u32 s14, v4;
	s15 =	spop (v2sf);
	[tilespmem:s8+$0x3100] =	vst.msk vm3, v9  }
0x3dd: {  	s9 =	sadd.s32 $0x0, s15;
	[tilespmem:s8+$0x3980] =	vst.msk vm3, v8  }
0x3de: {  	[tilespmem:s9+$0x4200] =	vst.msk vm13, v8  }
0x3df: {  	v8 =	vld [tilespmem:s5+$0x0];
	_ =	sdelay $0x3  }
0x3e0: {  	s16 =	spop (v2sf)  }
0x3e1: {  	s12 =	sadd.s32 $0x20, s26;
	s8 =	sadd.s32 s8, s16;
	vm3 =	vlt.u32 v8, v7  }
0x3e2: {  	v9 =	vor.u32 s12, v4;
	s17 =	spop (v2sf);
	[tilespmem:s8+$0x3100] =	vst.msk vm3, v8  }
0x3e3: {  	vm14 =	veq.s32 v8, v7;
	s9 =	sadd.s32 s9, s17;
	[tilespmem:s8+$0x3980] =	vst.msk vm3, v9  }
0x3e4: {  	[tilespmem:s9+$0x4200] =	vst.msk vm14, v9  }
0x3e5: {  	v8 =	vld [tilespmem:s5+$0x10];
	_ =	sdelay $0x1  }
0x3e6: {  	v9 =	vsel vm3, $0x1, v0  }
0x3e7: {  	(xrf0) =	vadd.scan.msk.s32 $0xffff, v9;
	_ =	sdelay $0x1  }
0x3e8: {  	v9 =	vsel vm14, $0x1, v0;
	vm3 =	vlt.u32 v8, v7  }
0x3e9: {  	(xrf0) =	vadd.scan.msk.s32 $0xffff, v9;
	v9 =	vsel vm3, $0x1, v0;
	_ =	sdelay $0x2  }
0x3ea: {  	(xrf0) =	vadd.scan.msk.s32 $0xffff, v9;
	v9, _, _ =	vpop (xrf0)  }
0x3eb: {  	(v2sf) =	vpush v9, $0xF;
	_ =	sdelay $0x7  }
0x3ec: {  	v9, _, _ =	vpop (xrf0)  }
0x3ed: {  	vm15 =	veq.s32 v8, v7;
	(v2sf) =	vpush v9, $0xF;
	v9, _, _ =	vpop (xrf0)  }
0x3ee: {  	(v2sf) =	vpush v9, $0xF;
	v9 =	vsel vm15, $0x1, v0  }
0x3ef: {  	(xrf0) =	vadd.scan.msk.s32 $0xffff, v9;
	_ =	sdelay $0x3  }
0x3f0: {  	s19 =	spop (v2sf)  }
0x3f1: {  	s14 =	sadd.s32 s8, s19  }
0x3f2: {  	[tilespmem:s14+$0x3100] =	vst.msk vm3, v8;
	v8, _, _ =	vpop (xrf0)  }
0x3f3: {  	(v2sf) =	vpush v8, $0xF;
	_ =	sdelay $0x5  }
0x3f4: {  	s0 =	sadd.s32 $0x30, s26  }
0x3f5: {  	v9 =	vor.u32 s0, v4;
	s26 =	spop (v2sf)  }
0x3f6: {  	s13 =	sadd.s32 s9, s26;
	[tilespmem:s14+$0x3980] =	vst.msk vm3, v9  }
0x3f7: {  	s0 =	simm.s32 $0x860;
	[tilespmem:s13+$0x4200] =	vst.msk vm15, v9  }
0x3f8: {  	v8 =	vld [tilespmem:s0+$0xFFFFFFE0];
	_ =	sdelay $0x2  }
0x3f9: {  	s10 =	simm.s32 $0x80;
	s12 =	simm.s32 $0x40;
	s15 =	spop (v2sf)  }
.LBB2_43:
0x3fa: {  	s5 =	sadd.s32 s12, s11  }
0x3fb: {  	vm3 =	vlt.u32 v8, v7;
	s8 =	sadd.s32 s14, s15;
	s9 =	spop (v2sf);
	s12 =	smov.u32 s10  }
0x3fc: {  	v9 =	vor.u32 s5, v4;
	[tilespmem:s8+$0x3100] =	vst.msk vm3, v8;
	v10 =	vsel vm3, $0x1, v0;
	s15 =	sadd.s32 $0x10, s5;
	s14 =	sadd.s32 $0x20, s5;
	s9 =	sadd.s32 s13, s9  }
0x3fd: {  	p1 =	sne.s32 s10, $0x7C0;
	s10 =	sadd.s32 $0x40, s10;
	vm4 =	veq.s32 v8, v7;
	s13 =	sadd.s32 $0x30, s5;
	[tilespmem:s8+$0x3980] =	vst.msk vm3, v9;
	(xrf0) =	vadd.scan.msk.s32 $0xffff, v10  }
0x3fe: {  	v8 =	vsel vm4, $0x1, v0;
	[tilespmem:s9+$0x4200] =	vst.msk vm4, v9  }
0x3ff: {  	v9 =	vld [tilespmem:s0+$0xFFFFFFF0];
	(xrf0) =	vadd.scan.msk.s32 $0xffff, v8;
	_ =	sdelay $0x3  }
0x400: {  	v8, _, _ =	vpop (xrf0)  }
0x401: {  	vm3 =	vlt.u32 v9, v7;
	(v2sf) =	vpush v8, $0xF  }
0x402: {  	v8 =	vsel vm3, $0x1, v0;
	v10, _, _ =	vpop (xrf0)  }
0x403: {  	vm4 =	veq.s32 v9, v7;
	(v2sf) =	vpush v10, $0xF;
	(xrf0) =	vadd.scan.msk.s32 $0xffff, v8  }
0x404: {  	v8 =	vsel vm4, $0x1, v0  }
0x405: {  	(xrf0) =	vadd.scan.msk.s32 $0xffff, v8;
	_ =	sdelay $0x3  }
0x406: {  	v8, _, _ =	vpop (xrf0)  }
0x407: {  	(v2sf) =	vpush v8, $0xF  }
0x408: {  	v8, _, _ =	vpop (xrf0)  }
0x409: {  	(v2sf) =	vpush v8, $0xF;
	_ =	sdelay $0x3  }
0x40a: {  	s5 =	spop (v2sf)  }
0x40b: {  	s5 =	sadd.s32 s8, s5  }
0x40c: {  	v8 =	vor.u32 s15, v4;
	[tilespmem:s5+$0x3100] =	vst.msk vm3, v9;
	s8 =	spop (v2sf)  }
0x40d: {  	s8 =	sadd.s32 s9, s8;
	[tilespmem:s5+$0x3980] =	vst.msk vm3, v8  }
0x40e: {  	[tilespmem:s8+$0x4200] =	vst.msk vm4, v8  }
0x40f: {  	v8 =	vld [tilespmem:s0+$0x0];
	_ =	sdelay $0x3  }
0x410: {  	s9 =	spop (v2sf)  }
0x411: {  	s5 =	sadd.s32 s5, s9;
	vm3 =	vlt.u32 v8, v7  }
0x412: {  	v9 =	vor.u32 s14, v4;
	[tilespmem:s5+$0x3100] =	vst.msk vm3, v8;
	v10 =	vsel vm3, $0x1, v0;
	s9 =	spop (v2sf)  }
0x413: {  	vm4 =	veq.s32 v8, v7;
	s8 =	sadd.s32 s8, s9;
	[tilespmem:s5+$0x3980] =	vst.msk vm3, v9;
	(xrf0) =	vadd.scan.msk.s32 $0xffff, v10  }
0x414: {  	v8 =	vsel vm4, $0x1, v0;
	[tilespmem:s8+$0x4200] =	vst.msk vm4, v9  }
0x415: {  	v9 =	vld [tilespmem:s0+$0x10];
	(xrf0) =	vadd.scan.msk.s32 $0xffff, v8;
	_ =	sdelay $0x3  }
0x416: {  	v8, _, _ =	vpop (xrf0)  }
0x417: {  	vm4 =	vlt.u32 v9, v7;
	vm3 =	veq.s32 v9, v7;
	(v2sf) =	vpush v8, $0xF  }
0x418: {  	v8 =	vsel vm4, $0x1, v0;
	v10 =	vsel vm3, $0x1, v0;
	v11, _, _ =	vpop (xrf0)  }
0x419: {  	(v2sf) =	vpush v11, $0xF;
	(xrf0) =	vadd.scan.msk.s32 $0xffff, v8  }
0x41a: {  	(xrf0) =	vadd.scan.msk.s32 $0xffff, v10;
	_ =	sdelay $0x4  }
0x41b: {  	v8, _, _ =	vpop (xrf0)  }
0x41c: {  	(v2sf) =	vpush v8, $0xF;
	v8, _, _ =	vpop (xrf0)  }
0x41d: {  	(v2sf) =	vpush v8, $0xF;
	_ =	sdelay $0x4  }
0x41e: {  	s9 =	spop (v2sf)  }
0x41f: {  	s14 =	sadd.s32 s5, s9  }
0x420: {  	v8 =	vor.u32 s13, v4;
	[tilespmem:s14+$0x3100] =	vst.msk vm4, v9;
	s5 =	spop (v2sf)  }
0x421: {  	s13 =	sadd.s32 s8, s5;
	[tilespmem:s14+$0x3980] =	vst.msk vm4, v8  }
0x422: {  	s0 =	sadd.s32 $0x40, s0;
	[tilespmem:s13+$0x4200] =	vst.msk vm3, v8  }
.Ltmp26:
0x423: {  	v8 =	vld [tilespmem:s0+$0xFFFFFFE0];
	(pc) =	sbr.rel @p1 .LBB2_43-.Ltmp26, $2  }
0x424: {  	_ =	sdelay $0x2  }
0x425: {  	s15 =	spop (v2sf)  }
0x426: {  	s10 =	sadd.s32 s12, s11;
	vm3 =	vlt.u32 v8, v7;
	s5 =	sadd.s32 s14, s15  }
0x427: {  	s8 =	spop (v2sf);
	v9 =	vor.u32 s10, v4;
	[tilespmem:s5+$0x3100] =	vst.msk vm3, v8;
	v10 =	vsel vm3, $0x1, v0  }
0x428: {  	vm4 =	veq.s32 v8, v7;
	s8 =	sadd.s32 s13, s8;
	[tilespmem:s5+$0x3980] =	vst.msk vm3, v9;
	(xrf0) =	vadd.scan.msk.s32 $0xffff, v10  }
0x429: {  	v8 =	vsel vm4, $0x1, v0;
	[tilespmem:s8+$0x4200] =	vst.msk vm4, v9  }
0x42a: {  	(xrf0) =	vadd.scan.msk.s32 $0xffff, v8;
	v9 =	vld [tilespmem:s0+$0xFFFFFFF0];
	_ =	sdelay $0x3  }
0x42b: {  	v8, _, _ =	vpop (xrf0)  }
0x42c: {  	vm3 =	vlt.u32 v9, v7;
	(v2sf) =	vpush v8, $0xF  }
0x42d: {  	v10, _, _ =	vpop (xrf0);
	v8 =	vsel vm3, $0x1, v0  }
0x42e: {  	vm4 =	veq.s32 v9, v7;
	(v2sf) =	vpush v10, $0xF;
	(xrf0) =	vadd.scan.msk.s32 $0xffff, v8  }
0x42f: {  	v8 =	vsel vm4, $0x1, v0  }
0x430: {  	(xrf0) =	vadd.scan.msk.s32 $0xffff, v8;
	_ =	sdelay $0x3  }
0x431: {  	v8, _, _ =	vpop (xrf0)  }
0x432: {  	(v2sf) =	vpush v8, $0xF  }
0x433: {  	v8, _, _ =	vpop (xrf0)  }
0x434: {  	(v2sf) =	vpush v8, $0xF;
	_ =	sdelay $0x3  }
0x435: {  	s9 =	spop (v2sf)  }
0x436: {  	s12 =	sadd.s32 $0x10, s10;
	s5 =	sadd.s32 s5, s9  }
0x437: {  	v8 =	vor.u32 s12, v4;
	s26 =	spop (v2sf);
	[tilespmem:s5+$0x3100] =	vst.msk vm3, v9  }
0x438: {  	s8 =	sadd.s32 s8, s26;
	[tilespmem:s5+$0x3980] =	vst.msk vm3, v8  }
0x439: {  	[tilespmem:s8+$0x4200] =	vst.msk vm4, v8  }
0x43a: {  	v8 =	vld [tilespmem:s0+$0x0];
	_ =	sdelay $0x3  }
0x43b: {  	s12 =	spop (v2sf)  }
0x43c: {  	s13 =	sadd.s32 $0x20, s10;
	s5 =	sadd.s32 s5, s12;
	vm3 =	vlt.u32 v8, v7  }
0x43d: {  	v9 =	vor.u32 s13, v4;
	s14 =	spop (v2sf);
	[tilespmem:s5+$0x3100] =	vst.msk vm3, v8  }
0x43e: {  	vm4 =	veq.s32 v8, v7;
	s8 =	sadd.s32 s8, s14;
	[tilespmem:s5+$0x3980] =	vst.msk vm3, v9  }
0x43f: {  	[tilespmem:s8+$0x4200] =	vst.msk vm4, v9  }
0x440: {  	v8 =	vld [tilespmem:s0+$0x10];
	_ =	sdelay $0x3  }
0x441: {  	v9 =	vsel vm3, $0x1, v0  }
0x442: {  	(xrf0) =	vadd.scan.msk.s32 $0xffff, v9;
	v9 =	vsel vm4, $0x1, v0;
	vm3 =	vlt.u32 v8, v7  }
0x443: {  	(xrf0) =	vadd.scan.msk.s32 $0xffff, v9;
	vm4 =	veq.s32 v8, v7;
	v9 =	vsel vm3, $0x1, v0  }
0x444: {  	v10 =	vsel vm4, $0x1, v0;
	(xrf0) =	vadd.scan.msk.s32 $0xffff, v9  }
0x445: {  	(xrf0) =	vadd.scan.msk.s32 $0xffff, v10;
	_ =	sdelay $0x2  }
0x446: {  	v6 =	vsel vm2, $0x0, v6;
	v9, _, _ =	vpop (xrf0)  }
0x447: {  	v10, _, _ =	vpop (xrf0);
	(v2sf) =	vpush v9, $0xF  }
0x448: {  	(xrf0) =	vadd.scan.msk.s32 $0xffff, v6;
	(v2sf) =	vpush v10, $0xF;
	v9, _, _ =	vpop (xrf0)  }
0x449: {  	(v2sf) =	vpush v9, $0xF;
	v6, _, _ =	vpop (xrf0)  }
0x44a: {  	(v2sf) =	vpush v6, $0xF;
	_ =	sdelay $0x3  }
0x44b: {  	v6, _, _ =	vpop (xrf0)  }
0x44c: {  	(v2sf) =	vpush v6, $0xF;
	_ =	sdelay $0x6  }
0x44d: {  	s15 =	spop (v2sf)  }
0x44e: {  	s16 =	spop (v2sf)  }
0x44f: {  	s17 =	spop (v2sf)  }
0x450: {  	s8 =	sadd.s32 s8, s16;
	s19 =	spop (v2sf)  }
0x451: {  	s26 =	sadd.s32 $0x30, s10;
	s0 =	sadd.s32 s5, s15;
	s10 =	sadd.s32 s8, s19  }
0x452: {  	v9 =	vor.u32 s26, v4;
	[tilespmem:s0+$0x3100] =	vst.msk vm3, v8;
	v6 =	vmov s10  }
0x453: {  	[tilespmem:s0+$0x3980] =	vst.msk vm3, v9;
	vm3 =	veq.s32 v4, $0x0;
	s13 =	sadd.s32 s0, s17;
	v8 =	vnsel vm0, $0x0, v6  }
0x454: {  	[tilespmem:s8+$0x4200] =	vst.msk vm4, v9;
	v8 =	vsel vm3, s13, v8  }
0x455: {  	s12 =	rddreg [dreg:$0x10];
	s0 =	spop (v2sf);
	[tilespmem:$0x4B00] =	vst v8  }
0x456: {  	[spmem:s12] =	stream.linear.scatter [tilespmem:s25], [sflag:$0x2], $0x80, $0x38;
	[tilespmem:$0x7628] =	vst v63  }
0x457: {  	_ =	swait.ge [sflag:s20], $0x80  }
0x458: {  	[sflag:s20] =	ssyncset.done $0x0  }
0x459: {  	v8 =	vmul.u32 $0x80, v4;
	[sflag:s20] =	ssyncadd.s32 $0xFFFFFF80  }
0x45a: {  	[bflag:$0x0] =	sbarrier.arrive $0xFFFF  }
0x45b: {  	s15 =	simm.s32 $0x4B80;
	v9 =	vor.u32 $0x1, v8;
	s14 =	rddreg [dreg:$0x2]  }
0x45c: {  	[tilespmem:s15], [sflag:$0x2] =	stream.linear.gather [spmem:s14], $0x800, $0x38;
	[tilespmem:$0x7628] =	vst v63  }
0x45d: {  	_ =	swait.ge [sflag:s20], $0x800  }
0x45e: {  	[sflag:s20] =	ssyncset.done $0x0  }
0x45f: {  	[sflag:s20] =	ssyncadd.s32 $0xFFFFF800  }
0x460: {  	v10 =	vld.idx.msk [tilespmem:v9+s15+$0x0], $0xffff;
	_ =	sdelay $0x4  }
0x461: {  	(xrf0) =	vadd.scan.msk.s32 $0xffff, v10;
	_ =	sdelay $0x2  }
0x462: {  	s16 =	sadd.s32 $0x7F, s13  }
0x463: {  	s17 =	sand.u32 $0x7F, s16  }
0x464: {  	s19 =	sshra.s32 s16, $0x1F;
	p0 =	slt.s32 s16, $0x1;
	p1 =	sne.s32 s17, $0x0  }
0x465: {  	s26 =	sshrl.u32 s19, $0x19;
	p0 =	por !p0, !p1;
	v11, _, _ =	vpop (xrf0)  }
0x466: {  	s8 =	simm.s32 $0x1;
	vm3 =	veq.s32 v2, v4;
	s5 =	sadd.s32 s26, s16;
	p0 =	por !p0, !p0;
	v9 =	vld.idx.msk [tilespmem:v8+s15+$0x0], $0xffff;
	v8 =	vsub.s32 v11, v10  }
0x467: {  	s5 =	sshra.s32 s5, $0x7;
	s8 =	simm.s32 @!p0 $0x0;
	[tilespmem:$0x5380] =	vst v7;
	v8 =	vnsel vm3, $0x0, v8  }
0x468: {  	s14 =	ssub.s32 s5, s8;
	[tilespmem:$0x5390] =	vst v7;
	(xrf0) =	vadd.scan.msk.s32 $0xffff, v8  }
0x469: {  	p0 =	slt.s32 s14, $0x1;
	[tilespmem:$0x53A0] =	vst v7  }
.Ltmp27:
0x46a: {  	[tilespmem:$0x53B0] =	vst v7;
	(pc) =	sbr.rel @p0 .LBB2_48-.Ltmp27, $4  }
0x46b: {  	[tilespmem:$0x53C0] =	vst v7  }
0x46c: {  	[tilespmem:$0x53D0] =	vst v7  }
0x46d: {  	[tilespmem:$0x53E0] =	vst v7  }
0x46e: {  	[tilespmem:$0x53F0] =	vst v7;
	v8, _, _ =	vpop (xrf0)  }
0x46f: {  	(xrf0) =	vadd.scan.msk.s32 $0xffff, v9;
	_ =	sdelay $0x5  }
0x470: {  	v7, _, _ =	vpop (xrf0)  }
0x471: {  	v7 =	vsub.s32 v7, v9  }
0x472: {  	v7 =	vnsel vm3, $0x0, v7  }
0x473: {  	(xrf0) =	vadd.scan.msk.s32 $0xffff, v7;
	_ =	sdelay $0x4  }
0x474: {  	s12 =	simm.s32 $0x70;
	s5 =	simm.s32 $0x40  }
0x475: {  	s8 =	simm.s32 $0x10;
	v10 =	vor.u32 $0x400, v4;
	v11 =	vor.u32 s12, v4;
	v12 =	vor.u32 s5, v4;
	v9, _, _ =	vpop (xrf0)  }
0x476: {  	s9 =	simm.s32 $0x20;
	s16 =	simm.s32 $0x30;
	v13 =	vor.u32 s8, v4;
	v7 =	vmov s13;
	v9 =	vbroadcast v9, $0xF  }
0x477: {  	v14 =	vor.u32 s9, v4;
	v15 =	vor.u32 s16, v4;
	vm3 =	vlt.s32 v11, v7  }
0x478: {  	vm4 =	vlt.s32 v13, v7;
	vm13 =	vlt.s32 v15, v7;
	v11 =	vadd.s32 v9, v11  }
0x479: {  	s19 =	simm.s32 $0x60;
	v13 =	vadd.s32 v9, v13;
	v16 =	vadd.s32 v9, v12;
	v17 =	vadd.s32 v9, v15  }
0x47a: {  	v15 =	vor.u32 s19, v4;
	v11 =	vsel vm3, v11, v10;
	v13 =	vsel vm4, v13, v10  }
0x47b: {  	p0 =	sne.s32 s14, $0x1;
	vm3 =	vlt.s32 v14, v7;
	v14 =	vadd.s32 v9, v14;
	v17 =	vsel vm13, v17, v10;
	[tilespmem:$0x4A90] =	vst v13  }
.Ltmp28:
0x47c: {  	s17 =	simm.s32 $0x0;
	s26 =	simm.s32 $0x50;
	v18 =	vadd.s32 v9, v15;
	vm15 =	vlt.s32 v15, v7;
	v14 =	vsel vm3, v14, v10;
	[tilespmem:$0x4AF0] =	vst v11;
	(pc) =	sbr.rel @!p0 .LBB2_47-.Ltmp28, $4  }
0x47d: {  	vm3 =	vlt.s32 v12, v7;
	v12 =	vor.u32 s17, v4;
	[tilespmem:$0x4AA0] =	vst v14;
	v14 =	vor.u32 s26, v4  }
0x47e: {  	[tilespmem:$0x4AB0] =	vst v17;
	v13 =	vadd.s32 v9, v12;
	v16 =	vsel vm3, v16, v10;
	vm14 =	vlt.s32 v12, v7  }
0x47f: {  	s15 =	simm.s32 $0x3100;
	s14 =	sadd.s32 $0xFFFFFFFF, s14;
	vm3 =	vlt.s32 v14, v7;
	[tilespmem:$0x4AC0] =	vst v16;
	v11 =	vadd.s32 v9, v14;
	v13 =	vsel vm14, v13, v10  }
0x480: {  	s16 =	simm.s32 $0x3980;
	s13 =	simm.s32 $0x3980;
	s17 =	simm.s32 $0x3100;
	v12 =	vsel vm15, v18, v10;
	v11 =	vsel vm3, v11, v10;
	[tilespmem:$0x4A80] =	vst v13  }
.LBB2_46:
0x481: {  	[tilespmem:$0x4AE0] =	vst v12;
	s16 =	sadd.s32 $0x80, s16;
	s17 =	sadd.s32 $0x80, s17;
	s12 =	sadd.s32 $0x80, s12  }
0x482: {  	p1 =	sne.s32 s14, $0x1;
	s14 =	sadd.s32 $0xFFFFFFFF, s14;
	s5 =	sadd.s32 $0xFFFFFFD0, s12;
	[tilespmem:$0x4AD0] =	vst v11  }
0x483: {  	[spmem:s6] =	stream.indirect.scatter [tilespmem:s15], [sflag:$0x2], $0x1, s23, s22, $0xb8;
	[tilespmem:$0x7628] =	vst v63  }
0x484: {  	s8 =	sadd.s32 $0xFFFFFFA0, s12;
	s9 =	sadd.s32 $0xFFFFFFB0, s12;
	v11 =	vor.u32 s12, v4;
	_ =	swait.ge [sflag:s20], $0x80  }
0x485: {  	v12 =	vor.u32 s5, v4;
	vm3 =	vlt.s32 v11, v7;
	s15 =	smov.u32 s17;
	[sflag:s20] =	ssyncset.done $0x0  }
0x486: {  	v13 =	vor.u32 s8, v4;
	v14 =	vor.u32 s9, v4;
	s5 =	sadd.s32 $0xFFFFFFC0, s12;
	v11 =	vadd.s32 v9, v11;
	[sflag:s20] =	ssyncadd.s32 $0xFFFFFF80  }
0x487: {  	vm4 =	vlt.s32 v13, v7;
	v13 =	vadd.s32 v9, v13;
	v11 =	vsel vm3, v11, v10;
	[spmem:s7] =	stream.indirect.scatter [tilespmem:s13], [sflag:$0x2], $0x1, s23, s22, $0xb8;
	[tilespmem:$0x7628] =	vst v63  }
0x488: {  	v15 =	vor.u32 s5, v4;
	v16 =	vadd.s32 v9, v12;
	v13 =	vsel vm4, v13, v10;
	s13 =	smov.u32 s16;
	_ =	swait.ge [sflag:s20], $0x80  }
0x489: {  	s8 =	sadd.s32 $0xFFFFFFF0, s12;
	s5 =	sadd.s32 $0xFFFFFF90, s12;
	vm3 =	vlt.s32 v14, v7;
	v14 =	vadd.s32 v9, v14;
	vm4 =	vlt.s32 v12, v7;
	[sflag:s20] =	ssyncset.done $0x0  }
0x48a: {  	v12 =	vor.u32 s5, v4;
	v14 =	vsel vm3, v14, v10;
	v17 =	vadd.s32 v9, v15;
	s5 =	sadd.s32 $0xFFFFFFE0, s12;
	[sflag:s20] =	ssyncadd.s32 $0xFFFFFF80  }
0x48b: {  	vm3 =	vlt.s32 v15, v7;
	v15 =	vor.u32 s8, v4;
	[tilespmem:$0x4AA0] =	vst v14;
	v14 =	vor.u32 s5, v4  }
.Ltmp29:
0x48c: {  	v18 =	vadd.s32 v9, v12;
	[tilespmem:$0x4A90] =	vst v13;
	v13 =	vsel vm3, v17, v10;
	v17 =	vadd.s32 v9, v15;
	(pc) =	sbr.rel @p1 .LBB2_46-.Ltmp29, $4  }
0x48d: {  	v16 =	vsel vm4, v16, v10;
	vm3 =	vlt.s32 v14, v7;
	v14 =	vadd.s32 v9, v14;
	[tilespmem:$0x4AF0] =	vst v11  }
0x48e: {  	vm4 =	vlt.s32 v12, v7;
	v11 =	vsel vm3, v14, v10;
	vm3 =	vlt.s32 v15, v7;
	[tilespmem:$0x4AC0] =	vst v16  }
0x48f: {  	v14 =	vsel vm4, v18, v10;
	v12 =	vsel vm3, v17, v10;
	[tilespmem:$0x4AB0] =	vst v13  }
0x490: {  	[tilespmem:$0x4A80] =	vst v14  }
.LBB2_47:
0x491: {  	[tilespmem:$0x4AE0] =	vst v12  }
0x492: {  	[tilespmem:$0x4AD0] =	vst v11  }
0x493: {  	[spmem:s6] =	stream.indirect.scatter [tilespmem:s15], [sflag:$0x2], $0x1, s23, s22, $0xb8;
	[tilespmem:$0x7628] =	vst v63  }
0x494: {  	_ =	swait.ge [sflag:s20], $0x80  }
0x495: {  	[sflag:s20] =	ssyncset.done $0x0  }
0x496: {  	[sflag:s20] =	ssyncadd.s32 $0xFFFFFF80  }
0x497: {  	[spmem:s7] =	stream.indirect.scatter [tilespmem:s13], [sflag:$0x2], $0x1, s23, s22, $0xb8;
	[tilespmem:$0x7628] =	vst v63  }
0x498: {  	_ =	swait.ge [sflag:s20], $0x80  }
0x499: {  	[sflag:s20] =	ssyncset.done $0x0  }
0x49a: {  	[sflag:s20] =	ssyncadd.s32 $0xFFFFFF80  }
.LBB2_48:
0x49b: {  	s5 =	sadd.s32 $0x7F, s10  }
0x49c: {  	s8 =	sand.u32 $0x7F, s5  }
0x49d: {  	s9 =	sshra.s32 s5, $0x1F;
	p0 =	slt.s32 s5, $0x1;
	p1 =	sne.s32 s8, $0x0  }
0x49e: {  	s26 =	sshrl.u32 s9, $0x19;
	p0 =	por !p0, !p1  }
0x49f: {  	s8 =	simm.s32 $0x1;
	s5 =	sadd.s32 s26, s5;
	p0 =	por !p0, !p0  }
0x4a0: {  	s5 =	sshra.s32 s5, $0x7;
	s8 =	simm.s32 @!p0 $0x0  }
0x4a1: {  	s10 =	ssub.s32 s5, s8  }
0x4a2: {  	p0 =	slt.s32 s10, $0x1  }
.Ltmp30:
0x4a3: {  	_ = 	snop;
	(pc) =	sbr.rel @p0 .LBB2_52-.Ltmp30, $1  }
0x4a4: {  	_ =	sdelay $0x3  }
0x4a5: {  	s0 =	sadd.s32 s18, s0  }
0x4a6: {  	v7 =	vbroadcast v8, $0xF;
	s14 =	simm.s32 $0x0;
	s15 =	simm.s32 $0x30;
	v9 =	vor.u32 $0x400, v4;
	s8 =	simm.s32 $0x10  }
0x4a7: {  	s16 =	simm.s32 $0x60;
	s18 =	simm.s32 $0x50;
	s19 =	simm.s32 $0x70;
	v13 =	vor.u32 s14, v4;
	v12 =	vor.u32 s15, v4;
	v14 =	vor.u32 s8, v4  }
0x4a8: {  	s26 =	simm.s32 $0x20;
	s5 =	ssub.s32 $0x400, s0;
	v16 =	vor.u32 s16, v4;
	v19 =	vor.u32 s18, v4;
	v22 =	vor.u32 s19, v4  }
0x4a9: {  	v25 =	vor.u32 s26, v4;
	v8 =	vmov s5;
	v10 =	vadd.s32 s0, v7  }
0x4aa: {  	v11 =	vadd.s32 v7, v13;
	vm3 =	vlt.s32 v13, v6;
	v15 =	vadd.s32 v7, v12  }
0x4ab: {  	v18 =	vadd.s32 v7, v16;
	vm6 =	vlt.s32 v16, v6;
	vm5 =	vlt.s32 v14, v6  }
0x4ac: {  	v23 =	vadd.s32 v7, v22;
	vm8 =	vlt.s32 v22, v6;
	vm10 =	vlt.s32 v25, v6  }
0x4ad: {  	s17 =	simm.s32 $0x40;
	vm11 =	vlt.s32 v12, v6;
	v63 =	vadd.s32 v7, v25;
	vm13 =	vlt.s32 v19, v6  }
0x4ae: {  	v17 =	vadd.s32 v10, v12;
	vm4 =	vlt.s32 v11, v8;
	v11 =	vor.u32 s17, v4  }
0x4af: {  	v20 =	vadd.s32 v10, v14;
	vm7 =	vlt.s32 v15, v8;
	v16 =	vadd.s32 v10, v16  }
0x4b0: {  	v24 =	vadd.s32 v10, v22;
	vm9 =	vlt.s32 v23, v8;
	v12 =	vadd.s32 v10, v25  }
0x4b1: {  	vm12 =	vlt.s32 v18, v8;
	vm14 =	vlt.s32 v63, v8;
	v13 =	vadd.s32 v10, v13  }
0x4b2: {  	v15 =	vadd.s32 v7, v11;
	v21 =	vadd.s32 v10, v11;
	vm8 =	vmand vm8, vm9  }
0x4b3: {  	vm6 =	vmand vm6, vm12;
	vm3 =	vmand vm3, vm4;
	vm9 =	vlt.s32 v15, v8  }
0x4b4: {  	p0 =	sne.s32 s10, $0x1;
	v15 =	vsel vm8, v24, v9;
	vm8 =	vlt.s32 v11, v6;
	v11 =	vadd.s32 v7, v14  }
.Ltmp31:
0x4b5: {  	v14 =	vadd.s32 v7, v19;
	v16 =	vsel vm6, v16, v9;
	vm6 =	vmand vm11, vm7;
	(pc) =	sbr.rel @!p0 .LBB2_51-.Ltmp31, $4  }
0x4b6: {  	vm8 =	vmand vm8, vm9;
	vm15 =	vlt.s32 v14, v8;
	v14 =	vadd.s32 v10, v19;
	[tilespmem:$0x4AF0] =	vst v15  }
0x4b7: {  	vm12 =	vlt.s32 v11, v8;
	[tilespmem:$0x4AE0] =	vst v16;
	vm7 =	vmand vm13, vm15;
	v15 =	vsel vm8, v21, v9  }
0x4b8: {  	s9 =	sadd.s32 $0xFFFFFFFF, s10;
	vm5 =	vmand vm5, vm12;
	vm15 =	vmand vm10, vm14;
	v14 =	vsel vm7, v14, v9;
	[tilespmem:$0x4AC0] =	vst v15  }
0x4b9: {  	s10 =	simm.s32 $0x4280;
	s12 =	simm.s32 $0xF0;
	s0 =	simm.s32 $0x4200;
	v11 =	vsel vm5, v20, v9;
	v12 =	vsel vm15, v12, v9;
	[tilespmem:$0x4AD0] =	vst v14;
	v14 =	vsel vm6, v17, v9  }
.LBB2_50:
0x4ba: {  	s5 =	sadd.s32 $0xFFFFFF90, s12;
	s8 =	sadd.s32 $0xFFFFFFC0, s12;
	s13 =	sadd.s32 $0xFFFFFFF0, s12;
	v13 =	vsel vm3, v13, v9;
	[tilespmem:$0x4AB0] =	vst v14  }
0x4bb: {  	p1 =	sne.s32 s9, $0x1;
	s9 =	sadd.s32 $0xFFFFFFFF, s9;
	v14 =	vor.u32 s5, v4;
	s5 =	sadd.s32 $0xFFFFFFA0, s12;
	[tilespmem:$0x4A80] =	vst v13  }
0x4bc: {  	v15 =	vor.u32 s8, v4;
	v13 =	vadd.s32 v7, v14;
	vm3 =	vlt.s32 v14, v6;
	[tilespmem:$0x4AA0] =	vst v12  }
0x4bd: {  	s8 =	sadd.s32 $0xFFFFFFE0, s12;
	v17 =	vor.u32 s13, v4;
	v12 =	vor.u32 s5, v4;
	v16 =	vadd.s32 v7, v15;
	s5 =	sadd.s32 $0xFFFFFFD0, s12;
	[tilespmem:$0x4A90] =	vst v11  }
0x4be: {  	v18 =	vadd.s32 v10, v15;
	vm6 =	vlt.s32 v17, v6;
	v11 =	vadd.s32 v7, v17;
	[spmem:s6] =	stream.indirect.scatter [tilespmem:s28], [sflag:$0x2], $0x1, s23, s22, $0xb8;
	[tilespmem:$0x7628] =	vst v63  }
0x4bf: {  	v19 =	vor.u32 s8, v4;
	vm4 =	vlt.s32 v13, v8;
	v13 =	vor.u32 s5, v4;
	_ =	swait.ge [sflag:s20], $0x80  }
0x4c0: {  	v20 =	vadd.s32 v10, v12;
	vm7 =	vlt.s32 v16, v8;
	v16 =	vadd.s32 v7, v13;
	[sflag:s20] =	ssyncset.done $0x0  }
0x4c1: {  	v22 =	vor.u32 s12, v4;
	vm5 =	vlt.s32 v12, v6;
	s5 =	sadd.s32 $0xFFFFFFB0, s12;
	v21 =	vadd.s32 v10, v13;
	[sflag:s20] =	ssyncadd.s32 $0xFFFFFF80  }
0x4c2: {  	v23 =	vadd.s32 v7, v22;
	v24 =	vadd.s32 v10, v22;
	v17 =	vadd.s32 v10, v17;
	[spmem:s7] =	stream.indirect.scatter [tilespmem:s0], [sflag:$0x2], $0x1, s23, s22, $0xb8;
	[tilespmem:$0x7628] =	vst v63  }
0x4c3: {  	vm9 =	vlt.s32 v22, v6;
	vm10 =	vlt.s32 v23, v8;
	v25 =	vor.u32 s5, v4;
	s0 =	smov.u32 s10;
	_ =	swait.ge [sflag:s20], $0x80  }
0x4c4: {  	vm11 =	vlt.s32 v15, v6;
	vm9 =	vmand vm9, vm10;
	vm8 =	vlt.s32 v25, v6;
	[sflag:s20] =	ssyncset.done $0x0  }
0x4c5: {  	v15 =	vadd.s32 v10, v25;
	vm10 =	vlt.s32 v16, v8;
	v16 =	vsel vm9, v24, v9;
	[sflag:s20] =	ssyncadd.s32 $0xFFFFFF80  }
0x4c6: {  	vm12 =	vlt.s32 v11, v8;
	v22 =	vadd.s32 v7, v25;
	vm9 =	vlt.s32 v13, v6;
	[tilespmem:$0x4AF0] =	vst v16  }
0x4c7: {  	vm13 =	vlt.s32 v19, v6;
	v11 =	vadd.s32 v7, v12;
	vm6 =	vmand vm6, vm12  }
0x4c8: {  	v12 =	vadd.s32 v7, v19;
	vm9 =	vmand vm9, vm10;
	v13 =	vsel vm6, v17, v9  }
.Ltmp32:
0x4c9: {  	vm6 =	vmand vm11, vm7;
	vm7 =	vlt.s32 v12, v8;
	v12 =	vadd.s32 v10, v19;
	[tilespmem:$0x4AE0] =	vst v13;
	(pc) =	sbr.rel @p1 .LBB2_50-.Ltmp32, $4  }
0x4ca: {  	vm10 =	vlt.s32 v11, v8;
	vm11 =	vlt.s32 v22, v8;
	vm7 =	vmand vm13, vm7  }
0x4cb: {  	vm5 =	vmand vm5, vm10;
	vm8 =	vmand vm8, vm11;
	v13 =	vsel vm7, v12, v9  }
0x4cc: {  	v11 =	vsel vm5, v20, v9;
	v12 =	vsel vm8, v15, v9;
	v15 =	vsel vm9, v21, v9;
	[tilespmem:$0x4AD0] =	vst v13  }
0x4cd: {  	s12 =	sadd.s32 $0x80, s12;
	vm3 =	vmand vm3, vm4;
	s10 =	sadd.s32 $0x80, s10;
	v13 =	vadd.s32 v10, v14;
	v14 =	vsel vm6, v18, v9;
	[tilespmem:$0x4AC0] =	vst v15  }
.LBB2_51:
0x4ce: {  	[tilespmem:$0x4AB0] =	vst v14  }
0x4cf: {  	[tilespmem:$0x4AA0] =	vst v12  }
0x4d0: {  	v6 =	vsel vm3, v13, v9;
	[tilespmem:$0x4A90] =	vst v11  }
0x4d1: {  	[tilespmem:$0x4A80] =	vst v6  }
0x4d2: {  	[spmem:s6] =	stream.indirect.scatter [tilespmem:s28], [sflag:$0x2], $0x1, s23, s22, $0xb8;
	[tilespmem:$0x7628] =	vst v63  }
0x4d3: {  	_ =	swait.ge [sflag:s20], $0x80  }
0x4d4: {  	[sflag:s20] =	ssyncset.done $0x0  }
0x4d5: {  	[sflag:s20] =	ssyncadd.s32 $0xFFFFFF80  }
0x4d6: {  	[spmem:s7] =	stream.indirect.scatter [tilespmem:s0], [sflag:$0x2], $0x1, s23, s22, $0xb8;
	[tilespmem:$0x7628] =	vst v63  }
0x4d7: {  	_ =	swait.ge [sflag:s20], $0x80  }
0x4d8: {  	[sflag:s20] =	ssyncset.done $0x0  }
0x4d9: {  	[sflag:s20] =	ssyncadd.s32 $0xFFFFFF80  }
.LBB2_52:
.Ltmp33:
0x4da: {  	(pc) =	sbr.rel @p3 .LBB2_78-.Ltmp33, $3  }
0x4db: {  	_ =	sdelay $0x1  }
0x4dc: {  	[bflag:$0x0] =	sbarrier.arrive $0xFFFF  }
0x4dd: {  	s10 =	rddreg [dreg:$0x14]  }
0x4de: {  	[tilespmem:s28], [sflag:$0x2] =	stream.linear.gather [spmem:s6], $0x400, $0x38;
	[tilespmem:$0x7628] =	vst v63  }
0x4df: {  	_ =	swait.ge [sflag:s20], $0x400  }
0x4e0: {  	[sflag:s20] =	ssyncset.done $0x0  }
0x4e1: {  	[sflag:s20] =	ssyncadd.s32 $0xFFFFFC00  }
0x4e2: {  	[tilespmem:s29], [sflag:$0x2] =	stream.linear.gather [spmem:s7], $0x400, $0x38;
	[tilespmem:$0x7628] =	vst v63  }
0x4e3: {  	_ =	swait.ge [sflag:s20], $0x400  }
0x4e4: {  	s0 =	simm.s32 $0x0;
	[sflag:s20] =	ssyncset.done $0x0  }
0x4e5: {  	s9 =	simm.s32 $0x0;
	s10 =	simm.s32 $0x200;
	[sflag:s20] =	ssyncadd.s32 $0xFFFFFC00  }
.LBB2_54:
0x4e6: {  	p0 =	sne.s32 s10, $0x1E00;
	[tilespmem:s9+$0x2170] =	vst v0  }
0x4e7: {  	[tilespmem:s9+$0x2100] =	vst v0  }
0x4e8: {  	[tilespmem:s9+$0x2110] =	vst v0  }
.Ltmp34:
0x4e9: {  	[tilespmem:s9+$0x2120] =	vst v0;
	(pc) =	sbr.rel @p0 .LBB2_54-.Ltmp34, $4  }
0x4ea: {  	[tilespmem:s9+$0x2130] =	vst v0  }
0x4eb: {  	[tilespmem:s9+$0x2140] =	vst v0  }
0x4ec: {  	[tilespmem:s9+$0x2150] =	vst v0  }
0x4ed: {  	[tilespmem:s9+$0x2160] =	vst v0;
	s9 =	sshra.s32 s10, $0x2;
	s10 =	sadd.s32 $0x200, s10  }
0x4ee: {  	[tilespmem:s9+$0x2170] =	vst v0  }
0x4ef: {  	[tilespmem:s9+$0x2100] =	vst v0  }
0x4f0: {  	[tilespmem:s9+$0x2110] =	vst v0  }
0x4f1: {  	[tilespmem:s9+$0x2120] =	vst v0  }
0x4f2: {  	[tilespmem:s9+$0x2130] =	vst v0  }
0x4f3: {  	[tilespmem:s9+$0x2140] =	vst v0  }
0x4f4: {  	[tilespmem:s9+$0x2150] =	vst v0  }
0x4f5: {  	[tilespmem:s9+$0x2160] =	vst v0  }
.LBB2_56:
0x4f6: {  	s5 =	sshra.s32 s0, $0x2  }
0x4f7: {  	v6 =	vld [tilespmem:s5+$0x5380];
	_ =	sdelay $0x4  }
0x4f8: {  	v6 =	vand.u32 $0x7FF, v6  }
0x4f9: {  	(xrf1) =	vunique.msk.u32 $0xffff, v6;
	_ =	sdelay $0xd  }
0x4fa: {  	_, v7, vm3 =	vpop (xrf1);
	_ =	sdelay $0x4  }
0x4fb: {  	v7 =	vadd.s32 v7, v3  }
0x4fc: {  	[tilespmem:v6+s21+$0x0] =	vst.idx.add.s32.msk vm3, v7  }
0x4fd: {  	v6 =	vld [tilespmem:s5+$0x5390];
	_ =	sdelay $0x4  }
0x4fe: {  	v6 =	vand.u32 $0x7FF, v6  }
0x4ff: {  	(xrf1) =	vunique.msk.u32 $0xffff, v6;
	_ =	sdelay $0xd  }
0x500: {  	_, v7, vm3 =	vpop (xrf1);
	_ =	sdelay $0x4  }
0x501: {  	v7 =	vadd.s32 v7, v3  }
0x502: {  	[tilespmem:v6+s21+$0x0] =	vst.idx.add.s32.msk vm3, v7  }
0x503: {  	v6 =	vld [tilespmem:s5+$0x53A0];
	_ =	sdelay $0x4  }
0x504: {  	v6 =	vand.u32 $0x7FF, v6  }
0x505: {  	(xrf1) =	vunique.msk.u32 $0xffff, v6;
	_ =	sdelay $0xd  }
0x506: {  	_, v7, vm3 =	vpop (xrf1);
	_ =	sdelay $0x4  }
0x507: {  	v7 =	vadd.s32 v7, v3  }
0x508: {  	[tilespmem:v6+s21+$0x0] =	vst.idx.add.s32.msk vm3, v7  }
0x509: {  	v6 =	vld [tilespmem:s5+$0x53B0];
	_ =	sdelay $0x4  }
0x50a: {  	v6 =	vand.u32 $0x7FF, v6  }
0x50b: {  	(xrf1) =	vunique.msk.u32 $0xffff, v6;
	_ =	sdelay $0xd  }
0x50c: {  	_, v7, vm3 =	vpop (xrf1)  }
0x50d: {  	p0 =	sne.s32 s0, $0xF00  }
.Ltmp35:
0x50e: {  	_ = 	snop;
	(pc) =	sbr.rel @p0 .LBB2_56-.Ltmp35, $3  }
0x50f: {  	_ =	sdelay $0x1  }
0x510: {  	v7 =	vadd.s32 v7, v3  }
0x511: {  	s0 =	sadd.s32 $0x100, s0;
	s13 =	simm.s32 $0x0;
	[tilespmem:v6+s21+$0x0] =	vst.idx.add.s32.msk vm3, v7  }
0x512: {  	s10 =	simm.s32 $0x0  }
0x513: {  	v18 =	vld [tilespmem:s10+$0x2100]  }
0x514: {  	v8 =	vld [tilespmem:s10+$0x2110];
	_ =	sdelay $0x2  }
0x515: {  	v10 =	vld [tilespmem:s10+$0x2120]  }
0x516: {  	(xrf0) =	vadd.scan.msk.s32 $0xffff, v18  }
0x517: {  	v11 =	vld [tilespmem:s10+$0x2130];
	(xrf0) =	vadd.scan.msk.s32 $0xffff, v8;
	_ =	sdelay $0x2  }
0x518: {  	s0 =	simm.s32 $0x40;
	(xrf0) =	vadd.scan.msk.s32 $0xffff, v10  }
0x519: {  	v6 =	vld [tilespmem:s0+$0x2100]  }
0x51a: {  	(xrf0) =	vadd.scan.msk.s32 $0xffff, v11;
	v19, _, _ =	vpop (xrf0)  }
0x51b: {  	v7 =	vxor.u32 $0x80000000, v19;
	v15, _, _ =	vpop (xrf0)  }
0x51c: {  	v14 =	vld [tilespmem:s0+$0x2110];
	(xrf0) =	vmax.scan.msk.u32 $0xffff, v7;
	v7 =	vxor.u32 $0x80000000, v15  }
0x51d: {  	(xrf0) =	vmax.scan.msk.u32 $0xffff, v7  }
0x51e: {  	v20 =	vld [tilespmem:s0+$0x2120];
	v17, _, _ =	vpop (xrf0);
	(xrf0) =	vadd.scan.msk.s32 $0xffff, v6  }
0x51f: {  	v7 =	vxor.u32 $0x80000000, v17  }
0x520: {  	v21 =	vld [tilespmem:s0+$0x2130];
	v22, _, _ =	vpop (xrf0);
	(xrf0) =	vmax.scan.msk.u32 $0xffff, v7  }
0x521: {  	v7 =	vxor.u32 $0x80000000, v22;
	(xrf0) =	vadd.scan.msk.s32 $0xffff, v14  }
0x522: {  	(xrf0) =	vmax.scan.msk.u32 $0xffff, v7;
	v16, _, _ =	vpop (xrf0)  }
0x523: {  	(xrf0) =	vadd.scan.msk.s32 $0xffff, v20;
	v23, _, _ =	vpop (xrf0)  }
0x524: {  	s9 =	simm.s32 $0x80;
	v7, _, _ =	vpop (xrf0)  }
0x525: {  	v9 =	vld [tilespmem:s9+$0x2100];
	(xrf0) =	vadd.scan.msk.s32 $0xffff, v21;
	(v2sf) =	vpush v16, $0xF;
	v12 =	vxor.u32 $0x80000000, v7  }
0x526: {  	v24, _, _ =	vpop (xrf0);
	(xrf0) =	vmax.scan.msk.u32 $0xffff, v12  }
0x527: {  	v13 =	vld [tilespmem:s9+$0x2110];
	(v2sf) =	vpush v23, $0xF;
	v25, _, _ =	vpop (xrf0)  }
0x528: {  	v12 =	vxor.u32 $0x80000000, v25;
	v26, _, _ =	vpop (xrf0)  }
0x529: {  	(v2sf) =	vpush v24, $0xF;
	(xrf0) =	vmax.scan.msk.u32 $0xffff, v12;
	v27, _, _ =	vpop (xrf0)  }
0x52a: {  	(xrf0) =	vadd.scan.msk.s32 $0xffff, v9;
	v28 =	vxor.u32 $0x80000000, v27  }
0x52b: {  	v12 =	vld [tilespmem:s9+$0x2120];
	(v2sf) =	vpush v26, $0xF;
	v23, _, _ =	vpop (xrf0);
	(xrf0) =	vmax.scan.msk.u32 $0xffff, v28  }
0x52c: {  	v16 =	vsub.s32 v15, v8;
	v15 =	vsub.s32 v22, v11;
	v8 =	vxor.u32 $0x80000000, v23;
	(xrf0) =	vadd.scan.msk.s32 $0xffff, v13;
	v22, _, _ =	vpop (xrf0)  }
0x52d: {  	(xrf0) =	vmax.scan.msk.u32 $0xffff, v8;
	v8 =	vld [tilespmem:s9+$0x2130];
	(v2sf) =	vpush v22, $0xF;
	_ =	sdelay $0x2  }
0x52e: {  	v17 =	vsub.s32 v17, v10;
	(xrf0) =	vadd.scan.msk.s32 $0xffff, v12  }
0x52f: {  	s12 =	simm.s32 $0xC0;
	s14 =	simm.s32 $0x400;
	v10 =	vsub.s32 v25, v14;
	v11 =	vsub.s32 v27, v20;
	v14 =	vsub.s32 v23, v21;
	v20, _, _ =	vpop (xrf0)  }
.LBB2_58:
0x530: {  	p1 =	sne.s32 s14, $0x1F00;
	v21 =	vld [tilespmem:s12+$0x2100];
	v22, _, _ =	vpop (xrf0);
	(xrf0) =	vadd.scan.msk.s32 $0xffff, v8;
	(v2sf) =	vpush v20, $0xF;
	v20 =	vsub.s32 s13, v18;
	v18 =	vmov v6;
	s15 =	smov.u32 s10;
	s10 =	smov.u32 s0  }
0x531: {  	v6 =	vmov v9;
	s0 =	smov.u32 s9;
	s9 =	smov.u32 s12;
	v26 =	vxor.u32 $0x80000000, v22;
	v24, _, _ =	vpop (xrf0);
	v25 =	vadd.s32 v19, v20  }
0x532: {  	v19 =	vmov v7;
	v20 =	vld [tilespmem:s9+$0x2110];
	(xrf0) =	vmax.scan.msk.u32 $0xffff, v26;
	v9, _, _ =	vpop (xrf0);
	(v2sf) =	vpush v24, $0xF;
	[tilespmem:s15+$0x2900] =	vst v25;
	s5 =	spop (v2sf)  }
0x533: {  	v7 =	vmov v22;
	v13 =	vsub.s32 v9, v13;
	v24 =	vxor.u32 $0x80000000, v9;
	v23, _, _ =	vpop (xrf0);
	s5 =	sadd.s32 s5, s13  }
0x534: {  	v22 =	vld [tilespmem:s9+$0x2120];
	(xrf0) =	vmax.scan.msk.u32 $0xffff, v24;
	v9, _, _ =	vpop (xrf0);
	(v2sf) =	vpush v23, $0xF;
	s5 =	sadd.s32 $0x80000000, s5;
	s8 =	spop (v2sf);
	v23 =	vmov v8  }
0x535: {  	(xrf0) =	vadd.scan.msk.s32 $0xffff, v21;
	v12 =	vsub.s32 v9, v12;
	v24 =	vxor.u32 $0x80000000, v9;
	v25 =	vadd.s32 s5, v16;
	s5 =	sadd.s32 s8, s5;
	v9 =	vmovc v21  }
.Ltmp36:
0x536: {  	v16 =	vmov v10;
	v10 =	vmov v13;
	v8 =	vld [tilespmem:s9+$0x2130];
	(xrf0) =	vmax.scan.msk.u32 $0xffff, v24;
	v21, _, _ =	vpop (xrf0);
	[tilespmem:s15+$0x2910] =	vst v25;
	s5 =	sadd.s32 $0x80000000, s5;
	s8 =	spop (v2sf);
	(pc) =	sbr.rel @p1 .LBB2_58-.Ltmp36, $4  }
0x537: {  	(xrf0) =	vadd.scan.msk.s32 $0xffff, v20;
	v23 =	vsub.s32 v21, v23;
	v21 =	vxor.u32 $0x80000000, v21;
	v24 =	vadd.s32 s5, v17;
	s5 =	sadd.s32 s8, s5;
	v13 =	vmovc v20  }
0x538: {  	v17 =	vmov v11;
	v11 =	vmov v12;
	v20, _, _ =	vpop (xrf0);
	(xrf0) =	vmax.scan.msk.u32 $0xffff, v21;
	[tilespmem:s15+$0x2920] =	vst v24;
	s5 =	sadd.s32 $0x80000000, s5;
	s8 =	spop (v2sf)  }
0x539: {  	(xrf0) =	vadd.scan.msk.s32 $0xffff, v22;
	(v2sf) =	vpush v20, $0xF;
	v21 =	vadd.s32 s5, v15;
	s5 =	sadd.s32 s8, s5;
	v12 =	vmovc v22;
	v15 =	vmov v14  }
0x53a: {  	s12 =	sshra.s32 s14, $0x2;
	s14 =	sadd.s32 $0x100, s14;
	v14 =	vmov v23;
	v20, _, _ =	vpop (xrf0);
	[tilespmem:s15+$0x2930] =	vst v21;
	s13 =	sadd.s32 $0x80000000, s5  }
0x53b: {  	v21 =	vld [tilespmem:s12+$0x2100];
	v22, _, _ =	vpop (xrf0);
	(xrf0) =	vadd.scan.msk.s32 $0xffff, v8  }
0x53c: {  	v18 =	vsub.s32 s13, v18;
	v23, _, _ =	vpop (xrf0)  }
0x53d: {  	v43 =	vld [tilespmem:s12+$0x2110];
	v24 =	vxor.u32 $0x80000000, v22;
	v18 =	vadd.s32 v19, v18;
	v25, _, _ =	vpop (xrf0)  }
0x53e: {  	(xrf0) =	vmax.scan.msk.u32 $0xffff, v24;
	[tilespmem:s10+$0x2900] =	vst v18;
	v44 =	vxor.u32 $0x80000000, v25;
	v45, _, _ =	vpop (xrf0)  }
0x53f: {  	v26 =	vld [tilespmem:s12+$0x2120];
	(xrf0) =	vmax.scan.msk.u32 $0xffff, v44;
	v46, _, _ =	vpop (xrf0)  }
0x540: {  	(xrf0) =	vadd.scan.msk.s32 $0xffff, v21;
	v27 =	vxor.u32 $0x80000000, v46  }
0x541: {  	(v2sf) =	vpush v20, $0xF;
	(xrf0) =	vmax.scan.msk.u32 $0xffff, v27;
	v47, _, _ =	vpop (xrf0)  }
0x542: {  	v48 =	vld [tilespmem:s12+$0x2130];
	(xrf0) =	vadd.scan.msk.s32 $0xffff, v43;
	v28 =	vxor.u32 $0x80000000, v47  }
0x543: {  	(v2sf) =	vpush v23, $0xF;
	(xrf0) =	vmax.scan.msk.u32 $0xffff, v28  }
0x544: {  	v49, _, _ =	vpop (xrf0);
	(xrf0) =	vadd.scan.msk.s32 $0xffff, v26  }
0x545: {  	(v2sf) =	vpush v45, $0xF;
	v50, _, _ =	vpop (xrf0)  }
0x546: {  	s5 =	spop (v2sf);
	v51, _, _ =	vpop (xrf0)  }
0x547: {  	s5 =	sadd.s32 s5, s13;
	(v2sf) =	vpush v49, $0xF;
	(xrf0) =	vadd.scan.msk.s32 $0xffff, v48;
	v52 =	vxor.u32 $0x80000000, v51;
	v29, _, _ =	vpop (xrf0)  }
0x548: {  	s5 =	sadd.s32 $0x80000000, s5;
	s8 =	spop (v2sf);
	(xrf0) =	vmax.scan.msk.u32 $0xffff, v52;
	v53, _, _ =	vpop (xrf0)  }
0x549: {  	s8 =	sadd.s32 s8, s5;
	(v2sf) =	vpush v50, $0xF;
	v54 =	vxor.u32 $0x80000000, v53;
	v30, _, _ =	vpop (xrf0)  }
0x54a: {  	s8 =	sadd.s32 $0x80000000, s8;
	s18 =	spop (v2sf);
	(xrf0) =	vmax.scan.msk.u32 $0xffff, v54;
	v55, _, _ =	vpop (xrf0)  }
0x54b: {  	s13 =	sadd.s32 s18, s8;
	(v2sf) =	vpush v29, $0xF;
	v56 =	vxor.u32 $0x80000000, v55  }
0x54c: {  	s13 =	sadd.s32 $0x80000000, s13;
	s14 =	spop (v2sf);
	(xrf0) =	vmax.scan.msk.u32 $0xffff, v56  }
0x54d: {  	s14 =	sadd.s32 s14, s13;
	(v2sf) =	vpush v30, $0xF;
	v57, _, _ =	vpop (xrf0)  }
0x54e: {  	s14 =	sadd.s32 $0x80000000, s14;
	s15 =	spop (v2sf);
	v58, _, _ =	vpop (xrf0)  }
0x54f: {  	s15 =	sadd.s32 s15, s14;
	(v2sf) =	vpush v58, $0xF  }
0x550: {  	s15 =	sadd.s32 $0x80000000, s15;
	s16 =	spop (v2sf);
	v59, _, _ =	vpop (xrf0)  }
0x551: {  	s16 =	sadd.s32 s16, s15;
	(v2sf) =	vpush v59, $0xF  }
0x552: {  	s16 =	sadd.s32 $0x80000000, s16;
	s17 =	spop (v2sf);
	v60, _, _ =	vpop (xrf0)  }
0x553: {  	s17 =	sadd.s32 s17, s16;
	(v2sf) =	vpush v60, $0xF  }
0x554: {  	s18 =	spop (v2sf);
	s17 =	sadd.s32 $0x80000000, s17  }
0x555: {  	s18 =	sadd.s32 s18, s17  }
0x556: {  	s18 =	sadd.s32 $0x80000000, s18;
	s19 =	spop (v2sf)  }
0x557: {  	v16 =	vadd.s32 s5, v16;
	s19 =	sadd.s32 s19, s18  }
0x558: {  	[tilespmem:s10+$0x2910] =	vst v16;
	v61 =	vadd.s32 s8, v17;
	s5 =	sadd.s32 $0x80000000, s19;
	s26 =	spop (v2sf)  }
0x559: {  	[tilespmem:s10+$0x2920] =	vst v61;
	v15 =	vadd.s32 s13, v15;
	v6 =	vsub.s32 s14, v6;
	s8 =	sadd.s32 s26, s5  }
0x55a: {  	[tilespmem:s10+$0x2930] =	vst v15;
	v6 =	vadd.s32 v7, v6;
	s8 =	sadd.s32 $0x80000000, s8;
	s14 =	spop (v2sf)  }
0x55b: {  	[tilespmem:s0+$0x2900] =	vst v6;
	v7 =	vadd.s32 s15, v10;
	s10 =	sadd.s32 s14, s8  }
0x55c: {  	[tilespmem:s0+$0x2910] =	vst v7;
	v6 =	vadd.s32 s16, v11;
	s10 =	sadd.s32 $0x80000000, s10;
	s16 =	spop (v2sf)  }
0x55d: {  	[tilespmem:s0+$0x2920] =	vst v6;
	v7 =	vadd.s32 s17, v14;
	v9 =	vsub.s32 s18, v9;
	s13 =	sadd.s32 s16, s10  }
0x55e: {  	v6 =	vsub.s32 v25, v13;
	[tilespmem:s0+$0x2930] =	vst v7;
	v7 =	vadd.s32 v22, v9;
	s19 =	sadd.s32 $0x80000000, s13;
	s26 =	spop (v2sf)  }
0x55f: {  	v62 =	vsub.s32 v46, v12;
	[tilespmem:s9+$0x2900] =	vst v7;
	v6 =	vadd.s32 s5, v6;
	s13 =	sadd.s32 s26, s19  }
0x560: {  	v7 =	vsub.s32 v47, v8;
	[tilespmem:s9+$0x2910] =	vst v6;
	v6 =	vadd.s32 s8, v62;
	s5 =	sadd.s32 $0x80000000, s13;
	s14 =	spop (v2sf)  }
0x561: {  	[tilespmem:s9+$0x2920] =	vst v6;
	v6 =	vadd.s32 s10, v7;
	v7 =	vsub.s32 s19, v21;
	s15 =	sadd.s32 s14, s5  }
0x562: {  	v8 =	vsub.s32 v53, v43;
	[tilespmem:s9+$0x2930] =	vst v6;
	v6 =	vadd.s32 v51, v7;
	s0 =	sadd.s32 $0x80000000, s15;
	s16 =	spop (v2sf)  }
0x563: {  	v7 =	vsub.s32 v55, v26;
	[tilespmem:s12+$0x2900] =	vst v6;
	v6 =	vadd.s32 s5, v8;
	s17 =	sadd.s32 s16, s0  }
0x564: {  	v8 =	vsub.s32 v57, v48;
	[tilespmem:s12+$0x2910] =	vst v6;
	v6 =	vadd.s32 s0, v7;
	s18 =	sadd.s32 $0x80000000, s17  }
0x565: {  	[tilespmem:s12+$0x2920] =	vst v6;
	v6 =	vadd.s32 s18, v8  }
0x566: {  	s19 =	simm.s32 $0x0;
	[tilespmem:s12+$0x2930] =	vst v6  }
0x567: {  	v7 =	vld [tilespmem:s19+$0x5380];
	_ =	sdelay $0x4  }
0x568: {  	v6 =	vand.u32 $0x7FF, v7  }
0x569: {  	(xrf1) =	vunique.msk.u32 $0xffff, v6;
	_ =	sdelay $0x3  }
0x56a: {  	v8 =	vxor.u32 $0x80000000, v57  }
0x56b: {  	(xrf0) =	vmax.scan.msk.u32 $0xffff, v8;
	_ =	sdelay $0x5  }
0x56c: {  	v8, _, _ =	vpop (xrf0);
	v63 =	vld.idx.msk [tilespmem:v6+s30+$0x0], $0xffff  }
0x56d: {  	(v2sf) =	vpush v8, $0xF;
	_ =	sdelay $0x1  }
0x56e: {  	_, v8, vm3 =	vpop (xrf1)  }
0x56f: {  	v8 =	vsub.s32 v8, v1  }
0x570: {  	v9 =	vadd.s32 v63, v8;
	_ =	sdelay $0x4  }
0x571: {  	[tilespmem:v9+s31+$0x0] =	vst.idx.msk $0xffff, v7  }
0x572: {  	v7 =	vld [tilespmem:s19+$0x5780];
	_ =	sdelay $0x4  }
0x573: {  	s9 =	simm.s32 $0x80;
	s0 =	simm.s32 $0x40;
	s26 =	spop (v2sf);
	[tilespmem:v9+s3+$0x0] =	vst.idx.msk $0xffff, v7;
	v7 =	vadd.s32 $0x1, v8  }
.LBB2_60:
0x574: {  	p1 =	sne.s32 s9, $0xFC0  }
0x575: {  	s5 =	sshra.s32 s0, $0x2;
	[tilespmem:v6+s30+$0x0] =	vst.idx.add.s32.msk vm3, v7;
	s0 =	smov.u32 s9;
	s9 =	sadd.s32 $0x40, s9  }
0x576: {  	v7 =	vld [tilespmem:s5+$0x5380];
	_ =	sdelay $0x4  }
0x577: {  	v6 =	vand.u32 $0x7FF, v7  }
0x578: {  	(xrf1) =	vunique.msk.u32 $0xffff, v6;
	_ =	sdelay $0x9  }
0x579: {  	v8 =	vld.idx.msk [tilespmem:v6+s30+$0x0], $0xffff;
	_ =	sdelay $0x3  }
0x57a: {  	_, v9, vm3 =	vpop (xrf1)  }
0x57b: {  	v9 =	vsub.s32 v9, v1  }
0x57c: {  	v8 =	vadd.s32 v8, v9;
	_ =	sdelay $0x4  }
0x57d: {  	[tilespmem:v8+s31+$0x0] =	vst.idx.msk $0xffff, v7  }
0x57e: {  	v7 =	vld [tilespmem:s5+$0x5780]  }
.Ltmp37:
0x57f: {  	(pc) =	sbr.rel @p1 .LBB2_60-.Ltmp37, $2  }
0x580: {  	_ =	sdelay $0x2  }
0x581: {  	[tilespmem:v8+s3+$0x0] =	vst.idx.msk $0xffff, v7;
	v7 =	vadd.s32 $0x1, v9  }
0x582: {  	_ =	sdelay $0x4  }
0x583: {  	s0 =	sshra.s32 s0, $0x2;
	[tilespmem:v6+s30+$0x0] =	vst.idx.add.s32.msk vm3, v7  }
0x584: {  	v6 =	vld [tilespmem:s0+$0x5380];
	_ =	sdelay $0x4  }
0x585: {  	v7 =	vand.u32 $0x7FF, v6  }
0x586: {  	(xrf1) =	vunique.msk.u32 $0xffff, v7;
	_ =	sdelay $0xa  }
0x587: {  	v8 =	vld.idx.msk [tilespmem:v7+s30+$0x0], $0xffff;
	_ =	sdelay $0x2  }
0x588: {  	_, v9, vm3 =	vpop (xrf1)  }
0x589: {  	v9 =	vsub.s32 v9, v1  }
0x58a: {  	v8 =	vadd.s32 v8, v9;
	_ =	sdelay $0x4  }
0x58b: {  	[tilespmem:v8+s31+$0x0] =	vst.idx.msk $0xffff, v6  }
0x58c: {  	v6 =	vld [tilespmem:s0+$0x5780]  }
0x58d: {  	p0 =	por $0x1, $0x1  }
.Ltmp38:
0x58e: {  	_ = 	snop;
	(pc) =	sbr.rel @!p0 .LBB2_63-.Ltmp38, $3  }
0x58f: {  	_ =	sdelay $0x1  }
0x590: {  	[tilespmem:v8+s3+$0x0] =	vst.idx.msk $0xffff, v6;
	v6 =	vadd.s32 $0x1, v9  }
0x591: {  	s9 =	simm.s32 $0x0;
	s10 =	simm.s32 $0x200;
	s0 =	simm.s32 $0x0;
	[tilespmem:v7+s30+$0x0] =	vst.idx.add.s32.msk vm3, v6  }
.LBB2_62:
0x592: {  	p0 =	sne.s32 s10, $0x1E00;
	[tilespmem:s9+$0x2170] =	vst v0  }
0x593: {  	[tilespmem:s9+$0x2100] =	vst v0  }
0x594: {  	[tilespmem:s9+$0x2110] =	vst v0  }
.Ltmp39:
0x595: {  	[tilespmem:s9+$0x2120] =	vst v0;
	(pc) =	sbr.rel @p0 .LBB2_62-.Ltmp39, $4  }
0x596: {  	[tilespmem:s9+$0x2130] =	vst v0  }
0x597: {  	[tilespmem:s9+$0x2140] =	vst v0  }
0x598: {  	[tilespmem:s9+$0x2150] =	vst v0  }
0x599: {  	[tilespmem:s9+$0x2160] =	vst v0;
	s9 =	sshra.s32 s10, $0x2;
	s10 =	sadd.s32 $0x200, s10  }
.LBB2_63:
0x59a: {  	[tilespmem:s9+$0x2170] =	vst v0  }
0x59b: {  	[tilespmem:s9+$0x2100] =	vst v0  }
0x59c: {  	[tilespmem:s9+$0x2110] =	vst v0  }
0x59d: {  	[tilespmem:s9+$0x2120] =	vst v0  }
0x59e: {  	[tilespmem:s9+$0x2130] =	vst v0  }
0x59f: {  	[tilespmem:s9+$0x2140] =	vst v0  }
0x5a0: {  	[tilespmem:s9+$0x2150] =	vst v0  }
0x5a1: {  	[tilespmem:s9+$0x2160] =	vst v0  }
.LBB2_64:
0x5a2: {  	s5 =	sshra.s32 s0, $0x2  }
0x5a3: {  	v6 =	vld [tilespmem:s5+$0x5B80];
	_ =	sdelay $0x4  }
0x5a4: {  	v6 =	vshrl.u32 v6, $0xB  }
0x5a5: {  	v6 =	vand.u32 $0x7FF, v6  }
0x5a6: {  	(xrf1) =	vunique.msk.u32 $0xffff, v6;
	_ =	sdelay $0xd  }
0x5a7: {  	_, v7, vm3 =	vpop (xrf1);
	_ =	sdelay $0x4  }
0x5a8: {  	v7 =	vadd.s32 v7, v3  }
0x5a9: {  	[tilespmem:v6+s21+$0x0] =	vst.idx.add.s32.msk vm3, v7  }
0x5aa: {  	v6 =	vld [tilespmem:s5+$0x5B90];
	_ =	sdelay $0x4  }
0x5ab: {  	v6 =	vshrl.u32 v6, $0xB  }
0x5ac: {  	v6 =	vand.u32 $0x7FF, v6  }
0x5ad: {  	(xrf1) =	vunique.msk.u32 $0xffff, v6;
	_ =	sdelay $0xd  }
0x5ae: {  	_, v7, vm3 =	vpop (xrf1);
	_ =	sdelay $0x4  }
0x5af: {  	v7 =	vadd.s32 v7, v3  }
0x5b0: {  	[tilespmem:v6+s21+$0x0] =	vst.idx.add.s32.msk vm3, v7  }
0x5b1: {  	v6 =	vld [tilespmem:s5+$0x5BA0];
	_ =	sdelay $0x4  }
0x5b2: {  	v6 =	vshrl.u32 v6, $0xB  }
0x5b3: {  	v6 =	vand.u32 $0x7FF, v6  }
0x5b4: {  	(xrf1) =	vunique.msk.u32 $0xffff, v6;
	_ =	sdelay $0xd  }
0x5b5: {  	_, v7, vm3 =	vpop (xrf1);
	_ =	sdelay $0x4  }
0x5b6: {  	v7 =	vadd.s32 v7, v3  }
0x5b7: {  	[tilespmem:v6+s21+$0x0] =	vst.idx.add.s32.msk vm3, v7  }
0x5b8: {  	v6 =	vld [tilespmem:s5+$0x5BB0];
	_ =	sdelay $0x4  }
0x5b9: {  	v6 =	vshrl.u32 v6, $0xB  }
0x5ba: {  	v6 =	vand.u32 $0x7FF, v6  }
0x5bb: {  	(xrf1) =	vunique.msk.u32 $0xffff, v6;
	_ =	sdelay $0xd  }
0x5bc: {  	_, v7, vm3 =	vpop (xrf1)  }
0x5bd: {  	p0 =	sne.s32 s0, $0xF00  }
.Ltmp40:
0x5be: {  	_ = 	snop;
	(pc) =	sbr.rel @p0 .LBB2_64-.Ltmp40, $3  }
0x5bf: {  	_ =	sdelay $0x1  }
0x5c0: {  	v7 =	vadd.s32 v7, v3  }
0x5c1: {  	s0 =	sadd.s32 $0x100, s0;
	s13 =	simm.s32 $0x0;
	[tilespmem:v6+s21+$0x0] =	vst.idx.add.s32.msk vm3, v7  }
0x5c2: {  	s10 =	simm.s32 $0x0  }
0x5c3: {  	v18 =	vld [tilespmem:s10+$0x2100]  }
0x5c4: {  	v8 =	vld [tilespmem:s10+$0x2110];
	_ =	sdelay $0x2  }
0x5c5: {  	v10 =	vld [tilespmem:s10+$0x2120]  }
0x5c6: {  	(xrf0) =	vadd.scan.msk.s32 $0xffff, v18  }
0x5c7: {  	v11 =	vld [tilespmem:s10+$0x2130];
	(xrf0) =	vadd.scan.msk.s32 $0xffff, v8;
	_ =	sdelay $0x2  }
0x5c8: {  	s0 =	simm.s32 $0x40;
	(xrf0) =	vadd.scan.msk.s32 $0xffff, v10  }
0x5c9: {  	v6 =	vld [tilespmem:s0+$0x2100]  }
0x5ca: {  	(xrf0) =	vadd.scan.msk.s32 $0xffff, v11;
	v19, _, _ =	vpop (xrf0)  }
0x5cb: {  	v7 =	vxor.u32 $0x80000000, v19;
	v15, _, _ =	vpop (xrf0)  }
0x5cc: {  	v14 =	vld [tilespmem:s0+$0x2110];
	(xrf0) =	vmax.scan.msk.u32 $0xffff, v7;
	v7 =	vxor.u32 $0x80000000, v15  }
0x5cd: {  	(xrf0) =	vmax.scan.msk.u32 $0xffff, v7  }
0x5ce: {  	v20 =	vld [tilespmem:s0+$0x2120];
	v17, _, _ =	vpop (xrf0);
	(xrf0) =	vadd.scan.msk.s32 $0xffff, v6  }
0x5cf: {  	v7 =	vxor.u32 $0x80000000, v17  }
0x5d0: {  	v21 =	vld [tilespmem:s0+$0x2130];
	v22, _, _ =	vpop (xrf0);
	(xrf0) =	vmax.scan.msk.u32 $0xffff, v7  }
0x5d1: {  	v7 =	vxor.u32 $0x80000000, v22;
	(xrf0) =	vadd.scan.msk.s32 $0xffff, v14  }
0x5d2: {  	(xrf0) =	vmax.scan.msk.u32 $0xffff, v7;
	v16, _, _ =	vpop (xrf0)  }
0x5d3: {  	(xrf0) =	vadd.scan.msk.s32 $0xffff, v20;
	v23, _, _ =	vpop (xrf0)  }
0x5d4: {  	s9 =	simm.s32 $0x80;
	v7, _, _ =	vpop (xrf0)  }
0x5d5: {  	v9 =	vld [tilespmem:s9+$0x2100];
	(xrf0) =	vadd.scan.msk.s32 $0xffff, v21;
	(v2sf) =	vpush v16, $0xF;
	v12 =	vxor.u32 $0x80000000, v7  }
0x5d6: {  	v24, _, _ =	vpop (xrf0);
	(xrf0) =	vmax.scan.msk.u32 $0xffff, v12  }
0x5d7: {  	v13 =	vld [tilespmem:s9+$0x2110];
	(v2sf) =	vpush v23, $0xF;
	v25, _, _ =	vpop (xrf0)  }
0x5d8: {  	v12 =	vxor.u32 $0x80000000, v25;
	v26, _, _ =	vpop (xrf0)  }
0x5d9: {  	(v2sf) =	vpush v24, $0xF;
	(xrf0) =	vmax.scan.msk.u32 $0xffff, v12;
	v27, _, _ =	vpop (xrf0)  }
0x5da: {  	(xrf0) =	vadd.scan.msk.s32 $0xffff, v9;
	v28 =	vxor.u32 $0x80000000, v27  }
0x5db: {  	v12 =	vld [tilespmem:s9+$0x2120];
	(v2sf) =	vpush v26, $0xF;
	v23, _, _ =	vpop (xrf0);
	(xrf0) =	vmax.scan.msk.u32 $0xffff, v28  }
0x5dc: {  	v16 =	vsub.s32 v15, v8;
	v15 =	vsub.s32 v22, v11;
	v8 =	vxor.u32 $0x80000000, v23;
	(xrf0) =	vadd.scan.msk.s32 $0xffff, v13;
	v22, _, _ =	vpop (xrf0)  }
0x5dd: {  	(xrf0) =	vmax.scan.msk.u32 $0xffff, v8;
	v8 =	vld [tilespmem:s9+$0x2130];
	(v2sf) =	vpush v22, $0xF;
	_ =	sdelay $0x2  }
0x5de: {  	v17 =	vsub.s32 v17, v10;
	(xrf0) =	vadd.scan.msk.s32 $0xffff, v12  }
0x5df: {  	s12 =	simm.s32 $0xC0;
	s14 =	simm.s32 $0x400;
	v10 =	vsub.s32 v25, v14;
	v11 =	vsub.s32 v27, v20;
	v14 =	vsub.s32 v23, v21;
	v20, _, _ =	vpop (xrf0)  }
.LBB2_66:
0x5e0: {  	p1 =	sne.s32 s14, $0x1F00;
	v21 =	vld [tilespmem:s12+$0x2100];
	v22, _, _ =	vpop (xrf0);
	(xrf0) =	vadd.scan.msk.s32 $0xffff, v8;
	(v2sf) =	vpush v20, $0xF;
	v20 =	vsub.s32 s13, v18;
	v18 =	vmov v6;
	s15 =	smov.u32 s10;
	s10 =	smov.u32 s0  }
0x5e1: {  	v6 =	vmov v9;
	s0 =	smov.u32 s9;
	s9 =	smov.u32 s12;
	v26 =	vxor.u32 $0x80000000, v22;
	v24, _, _ =	vpop (xrf0);
	v25 =	vadd.s32 v19, v20  }
0x5e2: {  	v19 =	vmov v7;
	v20 =	vld [tilespmem:s9+$0x2110];
	(xrf0) =	vmax.scan.msk.u32 $0xffff, v26;
	v9, _, _ =	vpop (xrf0);
	(v2sf) =	vpush v24, $0xF;
	[tilespmem:s15+$0x2900] =	vst v25;
	s5 =	spop (v2sf)  }
0x5e3: {  	v7 =	vmov v22;
	v13 =	vsub.s32 v9, v13;
	v24 =	vxor.u32 $0x80000000, v9;
	v23, _, _ =	vpop (xrf0);
	s5 =	sadd.s32 s5, s13  }
0x5e4: {  	v22 =	vld [tilespmem:s9+$0x2120];
	(xrf0) =	vmax.scan.msk.u32 $0xffff, v24;
	v9, _, _ =	vpop (xrf0);
	(v2sf) =	vpush v23, $0xF;
	s5 =	sadd.s32 $0x80000000, s5;
	s8 =	spop (v2sf);
	v23 =	vmov v8  }
0x5e5: {  	(xrf0) =	vadd.scan.msk.s32 $0xffff, v21;
	v12 =	vsub.s32 v9, v12;
	v24 =	vxor.u32 $0x80000000, v9;
	v25 =	vadd.s32 s5, v16;
	s5 =	sadd.s32 s8, s5;
	v9 =	vmovc v21  }
.Ltmp41:
0x5e6: {  	v16 =	vmov v10;
	v10 =	vmov v13;
	v8 =	vld [tilespmem:s9+$0x2130];
	(xrf0) =	vmax.scan.msk.u32 $0xffff, v24;
	v21, _, _ =	vpop (xrf0);
	[tilespmem:s15+$0x2910] =	vst v25;
	s5 =	sadd.s32 $0x80000000, s5;
	s8 =	spop (v2sf);
	(pc) =	sbr.rel @p1 .LBB2_66-.Ltmp41, $4  }
0x5e7: {  	(xrf0) =	vadd.scan.msk.s32 $0xffff, v20;
	v23 =	vsub.s32 v21, v23;
	v21 =	vxor.u32 $0x80000000, v21;
	v24 =	vadd.s32 s5, v17;
	s5 =	sadd.s32 s8, s5;
	v13 =	vmovc v20  }
0x5e8: {  	v17 =	vmov v11;
	v11 =	vmov v12;
	v20, _, _ =	vpop (xrf0);
	(xrf0) =	vmax.scan.msk.u32 $0xffff, v21;
	[tilespmem:s15+$0x2920] =	vst v24;
	s5 =	sadd.s32 $0x80000000, s5;
	s8 =	spop (v2sf)  }
0x5e9: {  	(xrf0) =	vadd.scan.msk.s32 $0xffff, v22;
	(v2sf) =	vpush v20, $0xF;
	v21 =	vadd.s32 s5, v15;
	s5 =	sadd.s32 s8, s5;
	v12 =	vmovc v22;
	v15 =	vmov v14  }
0x5ea: {  	s12 =	sshra.s32 s14, $0x2;
	s14 =	sadd.s32 $0x100, s14;
	v14 =	vmov v23;
	v20, _, _ =	vpop (xrf0);
	[tilespmem:s15+$0x2930] =	vst v21;
	s13 =	sadd.s32 $0x80000000, s5  }
0x5eb: {  	v21 =	vld [tilespmem:s12+$0x2100];
	v22, _, _ =	vpop (xrf0);
	(xrf0) =	vadd.scan.msk.s32 $0xffff, v8  }
0x5ec: {  	v18 =	vsub.s32 s13, v18;
	v23, _, _ =	vpop (xrf0)  }
0x5ed: {  	v43 =	vld [tilespmem:s12+$0x2110];
	v24 =	vxor.u32 $0x80000000, v22;
	v18 =	vadd.s32 v19, v18;
	v25, _, _ =	vpop (xrf0)  }
0x5ee: {  	(xrf0) =	vmax.scan.msk.u32 $0xffff, v24;
	[tilespmem:s10+$0x2900] =	vst v18;
	v44 =	vxor.u32 $0x80000000, v25;
	v45, _, _ =	vpop (xrf0)  }
0x5ef: {  	v26 =	vld [tilespmem:s12+$0x2120];
	(xrf0) =	vmax.scan.msk.u32 $0xffff, v44;
	v46, _, _ =	vpop (xrf0)  }
0x5f0: {  	(xrf0) =	vadd.scan.msk.s32 $0xffff, v21;
	v27 =	vxor.u32 $0x80000000, v46  }
0x5f1: {  	(v2sf) =	vpush v20, $0xF;
	(xrf0) =	vmax.scan.msk.u32 $0xffff, v27;
	v47, _, _ =	vpop (xrf0)  }
0x5f2: {  	v48 =	vld [tilespmem:s12+$0x2130];
	(xrf0) =	vadd.scan.msk.s32 $0xffff, v43;
	v28 =	vxor.u32 $0x80000000, v47  }
0x5f3: {  	(v2sf) =	vpush v23, $0xF;
	(xrf0) =	vmax.scan.msk.u32 $0xffff, v28  }
0x5f4: {  	v49, _, _ =	vpop (xrf0);
	(xrf0) =	vadd.scan.msk.s32 $0xffff, v26  }
0x5f5: {  	(v2sf) =	vpush v45, $0xF;
	v50, _, _ =	vpop (xrf0)  }
0x5f6: {  	s5 =	spop (v2sf);
	v51, _, _ =	vpop (xrf0)  }
0x5f7: {  	s5 =	sadd.s32 s5, s13;
	(v2sf) =	vpush v49, $0xF;
	(xrf0) =	vadd.scan.msk.s32 $0xffff, v48;
	v52 =	vxor.u32 $0x80000000, v51;
	v29, _, _ =	vpop (xrf0)  }
0x5f8: {  	s5 =	sadd.s32 $0x80000000, s5;
	s8 =	spop (v2sf);
	(xrf0) =	vmax.scan.msk.u32 $0xffff, v52;
	v53, _, _ =	vpop (xrf0)  }
0x5f9: {  	s8 =	sadd.s32 s8, s5;
	(v2sf) =	vpush v50, $0xF;
	v54 =	vxor.u32 $0x80000000, v53;
	v30, _, _ =	vpop (xrf0)  }
0x5fa: {  	s8 =	sadd.s32 $0x80000000, s8;
	s18 =	spop (v2sf);
	(xrf0) =	vmax.scan.msk.u32 $0xffff, v54;
	v55, _, _ =	vpop (xrf0)  }
0x5fb: {  	s13 =	sadd.s32 s18, s8;
	(v2sf) =	vpush v29, $0xF;
	v56 =	vxor.u32 $0x80000000, v55  }
0x5fc: {  	s13 =	sadd.s32 $0x80000000, s13;
	s14 =	spop (v2sf);
	(xrf0) =	vmax.scan.msk.u32 $0xffff, v56  }
0x5fd: {  	s14 =	sadd.s32 s14, s13;
	(v2sf) =	vpush v30, $0xF;
	v57, _, _ =	vpop (xrf0)  }
0x5fe: {  	s14 =	sadd.s32 $0x80000000, s14;
	s15 =	spop (v2sf);
	v58, _, _ =	vpop (xrf0)  }
0x5ff: {  	s15 =	sadd.s32 s15, s14;
	(v2sf) =	vpush v58, $0xF  }
0x600: {  	s15 =	sadd.s32 $0x80000000, s15;
	s16 =	spop (v2sf);
	v59, _, _ =	vpop (xrf0)  }
0x601: {  	s16 =	sadd.s32 s16, s15;
	(v2sf) =	vpush v59, $0xF  }
0x602: {  	s16 =	sadd.s32 $0x80000000, s16;
	s17 =	spop (v2sf);
	v60, _, _ =	vpop (xrf0)  }
0x603: {  	s17 =	sadd.s32 s17, s16;
	(v2sf) =	vpush v60, $0xF  }
0x604: {  	s18 =	spop (v2sf);
	s17 =	sadd.s32 $0x80000000, s17  }
0x605: {  	s18 =	sadd.s32 s18, s17  }
0x606: {  	s18 =	sadd.s32 $0x80000000, s18;
	s19 =	spop (v2sf)  }
0x607: {  	v16 =	vadd.s32 s5, v16;
	s19 =	sadd.s32 s19, s18  }
0x608: {  	[tilespmem:s10+$0x2910] =	vst v16;
	v61 =	vadd.s32 s8, v17;
	s5 =	sadd.s32 $0x80000000, s19;
	s26 =	spop (v2sf)  }
0x609: {  	[tilespmem:s10+$0x2920] =	vst v61;
	v15 =	vadd.s32 s13, v15;
	v6 =	vsub.s32 s14, v6;
	s8 =	sadd.s32 s26, s5  }
0x60a: {  	[tilespmem:s10+$0x2930] =	vst v15;
	v6 =	vadd.s32 v7, v6;
	s8 =	sadd.s32 $0x80000000, s8;
	s14 =	spop (v2sf)  }
0x60b: {  	[tilespmem:s0+$0x2900] =	vst v6;
	v7 =	vadd.s32 s15, v10;
	s10 =	sadd.s32 s14, s8  }
0x60c: {  	[tilespmem:s0+$0x2910] =	vst v7;
	v6 =	vadd.s32 s16, v11;
	s10 =	sadd.s32 $0x80000000, s10;
	s16 =	spop (v2sf)  }
0x60d: {  	[tilespmem:s0+$0x2920] =	vst v6;
	v7 =	vadd.s32 s17, v14;
	v9 =	vsub.s32 s18, v9;
	s13 =	sadd.s32 s16, s10  }
0x60e: {  	v6 =	vsub.s32 v25, v13;
	[tilespmem:s0+$0x2930] =	vst v7;
	v7 =	vadd.s32 v22, v9;
	s19 =	sadd.s32 $0x80000000, s13;
	s26 =	spop (v2sf)  }
0x60f: {  	v62 =	vsub.s32 v46, v12;
	[tilespmem:s9+$0x2900] =	vst v7;
	v6 =	vadd.s32 s5, v6;
	s13 =	sadd.s32 s26, s19  }
0x610: {  	v7 =	vsub.s32 v47, v8;
	[tilespmem:s9+$0x2910] =	vst v6;
	v6 =	vadd.s32 s8, v62;
	s5 =	sadd.s32 $0x80000000, s13;
	s14 =	spop (v2sf)  }
0x611: {  	[tilespmem:s9+$0x2920] =	vst v6;
	v6 =	vadd.s32 s10, v7;
	v7 =	vsub.s32 s19, v21;
	s15 =	sadd.s32 s14, s5  }
0x612: {  	v8 =	vsub.s32 v53, v43;
	[tilespmem:s9+$0x2930] =	vst v6;
	v6 =	vadd.s32 v51, v7;
	s0 =	sadd.s32 $0x80000000, s15;
	s16 =	spop (v2sf)  }
0x613: {  	v7 =	vsub.s32 v55, v26;
	[tilespmem:s12+$0x2900] =	vst v6;
	v6 =	vadd.s32 s5, v8;
	s17 =	sadd.s32 s16, s0  }
0x614: {  	v8 =	vsub.s32 v57, v48;
	[tilespmem:s12+$0x2910] =	vst v6;
	v6 =	vadd.s32 s0, v7;
	s18 =	sadd.s32 $0x80000000, s17  }
0x615: {  	[tilespmem:s12+$0x2920] =	vst v6;
	v6 =	vadd.s32 s18, v8  }
0x616: {  	s19 =	simm.s32 $0x0;
	[tilespmem:s12+$0x2930] =	vst v6  }
0x617: {  	v7 =	vld [tilespmem:s19+$0x5B80];
	_ =	sdelay $0x4  }
0x618: {  	v6 =	vshrl.u32 v7, $0xB  }
0x619: {  	v6 =	vand.u32 $0x7FF, v6  }
0x61a: {  	(xrf1) =	vunique.msk.u32 $0xffff, v6;
	_ =	sdelay $0x3  }
0x61b: {  	v8 =	vxor.u32 $0x80000000, v57  }
0x61c: {  	(xrf0) =	vmax.scan.msk.u32 $0xffff, v8;
	_ =	sdelay $0x5  }
0x61d: {  	v8, _, _ =	vpop (xrf0);
	v63 =	vld.idx.msk [tilespmem:v6+s30+$0x0], $0xffff  }
0x61e: {  	(v2sf) =	vpush v8, $0xF;
	_ =	sdelay $0x1  }
0x61f: {  	_, v8, vm3 =	vpop (xrf1)  }
0x620: {  	v8 =	vsub.s32 v8, v1  }
0x621: {  	v9 =	vadd.s32 v63, v8;
	_ =	sdelay $0x4  }
0x622: {  	[tilespmem:v9+s28+$0x0] =	vst.idx.msk $0xffff, v7  }
0x623: {  	v7 =	vld [tilespmem:s19+$0x5F80];
	_ =	sdelay $0x4  }
0x624: {  	s9 =	simm.s32 $0x80;
	s0 =	simm.s32 $0x40;
	s26 =	spop (v2sf);
	[tilespmem:v9+s29+$0x0] =	vst.idx.msk $0xffff, v7;
	v7 =	vadd.s32 $0x1, v8  }
.LBB2_68:
0x625: {  	p1 =	sne.s32 s9, $0xFC0  }
0x626: {  	s5 =	sshra.s32 s0, $0x2;
	[tilespmem:v6+s30+$0x0] =	vst.idx.add.s32.msk vm3, v7;
	s0 =	smov.u32 s9;
	s9 =	sadd.s32 $0x40, s9  }
0x627: {  	v7 =	vld [tilespmem:s5+$0x5B80];
	_ =	sdelay $0x4  }
0x628: {  	v6 =	vshrl.u32 v7, $0xB  }
0x629: {  	v6 =	vand.u32 $0x7FF, v6  }
0x62a: {  	(xrf1) =	vunique.msk.u32 $0xffff, v6;
	_ =	sdelay $0x9  }
0x62b: {  	v8 =	vld.idx.msk [tilespmem:v6+s30+$0x0], $0xffff;
	_ =	sdelay $0x3  }
0x62c: {  	_, v9, vm3 =	vpop (xrf1)  }
0x62d: {  	v9 =	vsub.s32 v9, v1  }
0x62e: {  	v8 =	vadd.s32 v8, v9;
	_ =	sdelay $0x4  }
0x62f: {  	[tilespmem:v8+s28+$0x0] =	vst.idx.msk $0xffff, v7  }
0x630: {  	v7 =	vld [tilespmem:s5+$0x5F80]  }
.Ltmp42:
0x631: {  	(pc) =	sbr.rel @p1 .LBB2_68-.Ltmp42, $2  }
0x632: {  	_ =	sdelay $0x2  }
0x633: {  	[tilespmem:v8+s29+$0x0] =	vst.idx.msk $0xffff, v7;
	v7 =	vadd.s32 $0x1, v9  }
0x634: {  	_ =	sdelay $0x4  }
0x635: {  	s0 =	sshra.s32 s0, $0x2;
	[tilespmem:v6+s30+$0x0] =	vst.idx.add.s32.msk vm3, v7  }
0x636: {  	v6 =	vld [tilespmem:s0+$0x5B80];
	_ =	sdelay $0x4  }
0x637: {  	v7 =	vshrl.u32 v6, $0xB  }
0x638: {  	v7 =	vand.u32 $0x7FF, v7  }
0x639: {  	(xrf1) =	vunique.msk.u32 $0xffff, v7;
	_ =	sdelay $0xa  }
0x63a: {  	v8 =	vld.idx.msk [tilespmem:v7+s30+$0x0], $0xffff;
	_ =	sdelay $0x2  }
0x63b: {  	_, v9, vm3 =	vpop (xrf1)  }
0x63c: {  	v9 =	vsub.s32 v9, v1  }
0x63d: {  	v8 =	vadd.s32 v8, v9;
	_ =	sdelay $0x4  }
0x63e: {  	[tilespmem:v8+s28+$0x0] =	vst.idx.msk $0xffff, v6  }
0x63f: {  	v6 =	vld [tilespmem:s0+$0x5F80]  }
0x640: {  	p0 =	por $0x1, $0x1  }
.Ltmp43:
0x641: {  	_ = 	snop;
	(pc) =	sbr.rel @!p0 .LBB2_71-.Ltmp43, $3  }
0x642: {  	_ =	sdelay $0x1  }
0x643: {  	[tilespmem:v8+s29+$0x0] =	vst.idx.msk $0xffff, v6;
	v6 =	vadd.s32 $0x1, v9  }
0x644: {  	s9 =	simm.s32 $0x0;
	s10 =	simm.s32 $0x200;
	s0 =	simm.s32 $0x0;
	[tilespmem:v7+s30+$0x0] =	vst.idx.add.s32.msk vm3, v6  }
.LBB2_70:
0x645: {  	p0 =	sne.s32 s10, $0x1E00;
	[tilespmem:s9+$0x2170] =	vst v0  }
0x646: {  	[tilespmem:s9+$0x2100] =	vst v0  }
0x647: {  	[tilespmem:s9+$0x2110] =	vst v0  }
.Ltmp44:
0x648: {  	[tilespmem:s9+$0x2120] =	vst v0;
	(pc) =	sbr.rel @p0 .LBB2_70-.Ltmp44, $4  }
0x649: {  	[tilespmem:s9+$0x2130] =	vst v0  }
0x64a: {  	[tilespmem:s9+$0x2140] =	vst v0  }
0x64b: {  	[tilespmem:s9+$0x2150] =	vst v0  }
0x64c: {  	[tilespmem:s9+$0x2160] =	vst v0;
	s9 =	sshra.s32 s10, $0x2;
	s10 =	sadd.s32 $0x200, s10  }
.LBB2_71:
0x64d: {  	[tilespmem:s9+$0x2170] =	vst v0  }
0x64e: {  	[tilespmem:s9+$0x2100] =	vst v0  }
0x64f: {  	[tilespmem:s9+$0x2110] =	vst v0  }
0x650: {  	[tilespmem:s9+$0x2120] =	vst v0  }
0x651: {  	[tilespmem:s9+$0x2130] =	vst v0  }
0x652: {  	[tilespmem:s9+$0x2140] =	vst v0  }
0x653: {  	[tilespmem:s9+$0x2150] =	vst v0  }
0x654: {  	[tilespmem:s9+$0x2160] =	vst v0  }
.LBB2_72:
0x655: {  	s5 =	sshra.s32 s0, $0x2  }
0x656: {  	v6 =	vld [tilespmem:s5+$0x5380];
	_ =	sdelay $0x4  }
0x657: {  	v6 =	vshrl.u32 v6, $0x16  }
0x658: {  	(xrf1) =	vunique.msk.u32 $0xffff, v6;
	_ =	sdelay $0xd  }
0x659: {  	_, v7, vm3 =	vpop (xrf1);
	_ =	sdelay $0x4  }
0x65a: {  	v7 =	vadd.s32 v7, v3  }
0x65b: {  	[tilespmem:v6+s21+$0x0] =	vst.idx.add.s32.msk vm3, v7  }
0x65c: {  	v6 =	vld [tilespmem:s5+$0x5390];
	_ =	sdelay $0x4  }
0x65d: {  	v6 =	vshrl.u32 v6, $0x16  }
0x65e: {  	(xrf1) =	vunique.msk.u32 $0xffff, v6;
	_ =	sdelay $0xd  }
0x65f: {  	_, v7, vm3 =	vpop (xrf1);
	_ =	sdelay $0x4  }
0x660: {  	v7 =	vadd.s32 v7, v3  }
0x661: {  	[tilespmem:v6+s21+$0x0] =	vst.idx.add.s32.msk vm3, v7  }
0x662: {  	v6 =	vld [tilespmem:s5+$0x53A0];
	_ =	sdelay $0x4  }
0x663: {  	v6 =	vshrl.u32 v6, $0x16  }
0x664: {  	(xrf1) =	vunique.msk.u32 $0xffff, v6;
	_ =	sdelay $0xd  }
0x665: {  	_, v7, vm3 =	vpop (xrf1);
	_ =	sdelay $0x4  }
0x666: {  	v7 =	vadd.s32 v7, v3  }
0x667: {  	[tilespmem:v6+s21+$0x0] =	vst.idx.add.s32.msk vm3, v7  }
0x668: {  	v6 =	vld [tilespmem:s5+$0x53B0];
	_ =	sdelay $0x4  }
0x669: {  	v6 =	vshrl.u32 v6, $0x16  }
0x66a: {  	(xrf1) =	vunique.msk.u32 $0xffff, v6;
	_ =	sdelay $0xd  }
0x66b: {  	_, v7, vm3 =	vpop (xrf1)  }
0x66c: {  	p0 =	sne.s32 s0, $0xF00  }
.Ltmp45:
0x66d: {  	_ = 	snop;
	(pc) =	sbr.rel @p0 .LBB2_72-.Ltmp45, $3  }
0x66e: {  	_ =	sdelay $0x1  }
0x66f: {  	v7 =	vadd.s32 v7, v3  }
0x670: {  	s0 =	sadd.s32 $0x100, s0;
	s13 =	simm.s32 $0x0;
	[tilespmem:v6+s21+$0x0] =	vst.idx.add.s32.msk vm3, v7  }
0x671: {  	s10 =	simm.s32 $0x0  }
0x672: {  	v18 =	vld [tilespmem:s10+$0x2100]  }
0x673: {  	v8 =	vld [tilespmem:s10+$0x2110];
	_ =	sdelay $0x2  }
0x674: {  	v10 =	vld [tilespmem:s10+$0x2120]  }
0x675: {  	(xrf0) =	vadd.scan.msk.s32 $0xffff, v18  }
0x676: {  	v11 =	vld [tilespmem:s10+$0x2130];
	(xrf0) =	vadd.scan.msk.s32 $0xffff, v8;
	_ =	sdelay $0x2  }
0x677: {  	s0 =	simm.s32 $0x40;
	(xrf0) =	vadd.scan.msk.s32 $0xffff, v10  }
0x678: {  	v6 =	vld [tilespmem:s0+$0x2100]  }
0x679: {  	(xrf0) =	vadd.scan.msk.s32 $0xffff, v11;
	v19, _, _ =	vpop (xrf0)  }
0x67a: {  	v7 =	vxor.u32 $0x80000000, v19;
	v15, _, _ =	vpop (xrf0)  }
0x67b: {  	v14 =	vld [tilespmem:s0+$0x2110];
	(xrf0) =	vmax.scan.msk.u32 $0xffff, v7;
	v7 =	vxor.u32 $0x80000000, v15  }
0x67c: {  	(xrf0) =	vmax.scan.msk.u32 $0xffff, v7  }
0x67d: {  	v20 =	vld [tilespmem:s0+$0x2120];
	v17, _, _ =	vpop (xrf0);
	(xrf0) =	vadd.scan.msk.s32 $0xffff, v6  }
0x67e: {  	v7 =	vxor.u32 $0x80000000, v17  }
0x67f: {  	v21 =	vld [tilespmem:s0+$0x2130];
	v22, _, _ =	vpop (xrf0);
	(xrf0) =	vmax.scan.msk.u32 $0xffff, v7  }
0x680: {  	v7 =	vxor.u32 $0x80000000, v22;
	(xrf0) =	vadd.scan.msk.s32 $0xffff, v14  }
0x681: {  	(xrf0) =	vmax.scan.msk.u32 $0xffff, v7;
	v16, _, _ =	vpop (xrf0)  }
0x682: {  	(xrf0) =	vadd.scan.msk.s32 $0xffff, v20;
	v23, _, _ =	vpop (xrf0)  }
0x683: {  	s9 =	simm.s32 $0x80;
	v7, _, _ =	vpop (xrf0)  }
0x684: {  	v9 =	vld [tilespmem:s9+$0x2100];
	(xrf0) =	vadd.scan.msk.s32 $0xffff, v21;
	(v2sf) =	vpush v16, $0xF;
	v12 =	vxor.u32 $0x80000000, v7  }
0x685: {  	v24, _, _ =	vpop (xrf0);
	(xrf0) =	vmax.scan.msk.u32 $0xffff, v12  }
0x686: {  	v13 =	vld [tilespmem:s9+$0x2110];
	(v2sf) =	vpush v23, $0xF;
	v25, _, _ =	vpop (xrf0)  }
0x687: {  	v12 =	vxor.u32 $0x80000000, v25;
	v26, _, _ =	vpop (xrf0)  }
0x688: {  	(v2sf) =	vpush v24, $0xF;
	(xrf0) =	vmax.scan.msk.u32 $0xffff, v12;
	v27, _, _ =	vpop (xrf0)  }
0x689: {  	(xrf0) =	vadd.scan.msk.s32 $0xffff, v9;
	v28 =	vxor.u32 $0x80000000, v27  }
0x68a: {  	v12 =	vld [tilespmem:s9+$0x2120];
	(v2sf) =	vpush v26, $0xF;
	v23, _, _ =	vpop (xrf0);
	(xrf0) =	vmax.scan.msk.u32 $0xffff, v28  }
0x68b: {  	v16 =	vsub.s32 v15, v8;
	v15 =	vsub.s32 v22, v11;
	v8 =	vxor.u32 $0x80000000, v23;
	(xrf0) =	vadd.scan.msk.s32 $0xffff, v13;
	v22, _, _ =	vpop (xrf0)  }
0x68c: {  	(xrf0) =	vmax.scan.msk.u32 $0xffff, v8;
	v8 =	vld [tilespmem:s9+$0x2130];
	(v2sf) =	vpush v22, $0xF;
	_ =	sdelay $0x2  }
0x68d: {  	v17 =	vsub.s32 v17, v10;
	(xrf0) =	vadd.scan.msk.s32 $0xffff, v12  }
0x68e: {  	s12 =	simm.s32 $0xC0;
	s14 =	simm.s32 $0x400;
	v10 =	vsub.s32 v25, v14;
	v11 =	vsub.s32 v27, v20;
	v14 =	vsub.s32 v23, v21;
	v20, _, _ =	vpop (xrf0)  }
.LBB2_74:
0x68f: {  	p1 =	sne.s32 s14, $0x1F00;
	v21 =	vld [tilespmem:s12+$0x2100];
	v22, _, _ =	vpop (xrf0);
	(xrf0) =	vadd.scan.msk.s32 $0xffff, v8;
	(v2sf) =	vpush v20, $0xF;
	v20 =	vsub.s32 s13, v18;
	v18 =	vmov v6;
	s15 =	smov.u32 s10;
	s10 =	smov.u32 s0  }
0x690: {  	v6 =	vmov v9;
	s0 =	smov.u32 s9;
	s9 =	smov.u32 s12;
	v26 =	vxor.u32 $0x80000000, v22;
	v24, _, _ =	vpop (xrf0);
	v25 =	vadd.s32 v19, v20  }
0x691: {  	v19 =	vmov v7;
	v20 =	vld [tilespmem:s9+$0x2110];
	(xrf0) =	vmax.scan.msk.u32 $0xffff, v26;
	v9, _, _ =	vpop (xrf0);
	(v2sf) =	vpush v24, $0xF;
	[tilespmem:s15+$0x2900] =	vst v25;
	s5 =	spop (v2sf)  }
0x692: {  	v7 =	vmov v22;
	v13 =	vsub.s32 v9, v13;
	v24 =	vxor.u32 $0x80000000, v9;
	v23, _, _ =	vpop (xrf0);
	s5 =	sadd.s32 s5, s13  }
0x693: {  	v22 =	vld [tilespmem:s9+$0x2120];
	(xrf0) =	vmax.scan.msk.u32 $0xffff, v24;
	v9, _, _ =	vpop (xrf0);
	(v2sf) =	vpush v23, $0xF;
	s5 =	sadd.s32 $0x80000000, s5;
	s8 =	spop (v2sf);
	v23 =	vmov v8  }
0x694: {  	(xrf0) =	vadd.scan.msk.s32 $0xffff, v21;
	v12 =	vsub.s32 v9, v12;
	v24 =	vxor.u32 $0x80000000, v9;
	v25 =	vadd.s32 s5, v16;
	s5 =	sadd.s32 s8, s5;
	v9 =	vmovc v21  }
.Ltmp46:
0x695: {  	v16 =	vmov v10;
	v10 =	vmov v13;
	v8 =	vld [tilespmem:s9+$0x2130];
	(xrf0) =	vmax.scan.msk.u32 $0xffff, v24;
	v21, _, _ =	vpop (xrf0);
	[tilespmem:s15+$0x2910] =	vst v25;
	s5 =	sadd.s32 $0x80000000, s5;
	s8 =	spop (v2sf);
	(pc) =	sbr.rel @p1 .LBB2_74-.Ltmp46, $4  }
0x696: {  	(xrf0) =	vadd.scan.msk.s32 $0xffff, v20;
	v23 =	vsub.s32 v21, v23;
	v21 =	vxor.u32 $0x80000000, v21;
	v24 =	vadd.s32 s5, v17;
	s5 =	sadd.s32 s8, s5;
	v13 =	vmovc v20  }
0x697: {  	v17 =	vmov v11;
	v11 =	vmov v12;
	v20, _, _ =	vpop (xrf0);
	(xrf0) =	vmax.scan.msk.u32 $0xffff, v21;
	[tilespmem:s15+$0x2920] =	vst v24;
	s5 =	sadd.s32 $0x80000000, s5;
	s8 =	spop (v2sf)  }
0x698: {  	(xrf0) =	vadd.scan.msk.s32 $0xffff, v22;
	(v2sf) =	vpush v20, $0xF;
	v21 =	vadd.s32 s5, v15;
	s5 =	sadd.s32 s8, s5;
	v12 =	vmovc v22;
	v15 =	vmov v14  }
0x699: {  	s12 =	sshra.s32 s14, $0x2;
	s14 =	sadd.s32 $0x100, s14;
	v14 =	vmov v23;
	v20, _, _ =	vpop (xrf0);
	[tilespmem:s15+$0x2930] =	vst v21;
	s13 =	sadd.s32 $0x80000000, s5  }
0x69a: {  	v21 =	vld [tilespmem:s12+$0x2100];
	v22, _, _ =	vpop (xrf0);
	(xrf0) =	vadd.scan.msk.s32 $0xffff, v8  }
0x69b: {  	v18 =	vsub.s32 s13, v18;
	v23, _, _ =	vpop (xrf0)  }
0x69c: {  	v43 =	vld [tilespmem:s12+$0x2110];
	v24 =	vxor.u32 $0x80000000, v22;
	v18 =	vadd.s32 v19, v18;
	v25, _, _ =	vpop (xrf0)  }
0x69d: {  	(xrf0) =	vmax.scan.msk.u32 $0xffff, v24;
	[tilespmem:s10+$0x2900] =	vst v18;
	v44 =	vxor.u32 $0x80000000, v25;
	v45, _, _ =	vpop (xrf0)  }
0x69e: {  	v26 =	vld [tilespmem:s12+$0x2120];
	(xrf0) =	vmax.scan.msk.u32 $0xffff, v44;
	v46, _, _ =	vpop (xrf0)  }
0x69f: {  	(xrf0) =	vadd.scan.msk.s32 $0xffff, v21;
	v27 =	vxor.u32 $0x80000000, v46  }
0x6a0: {  	(v2sf) =	vpush v20, $0xF;
	(xrf0) =	vmax.scan.msk.u32 $0xffff, v27;
	v47, _, _ =	vpop (xrf0)  }
0x6a1: {  	v48 =	vld [tilespmem:s12+$0x2130];
	(xrf0) =	vadd.scan.msk.s32 $0xffff, v43;
	v28 =	vxor.u32 $0x80000000, v47  }
0x6a2: {  	(v2sf) =	vpush v23, $0xF;
	(xrf0) =	vmax.scan.msk.u32 $0xffff, v28  }
0x6a3: {  	v49, _, _ =	vpop (xrf0);
	(xrf0) =	vadd.scan.msk.s32 $0xffff, v26  }
0x6a4: {  	(v2sf) =	vpush v45, $0xF;
	v50, _, _ =	vpop (xrf0)  }
0x6a5: {  	s5 =	spop (v2sf);
	v51, _, _ =	vpop (xrf0)  }
0x6a6: {  	s5 =	sadd.s32 s5, s13;
	(v2sf) =	vpush v49, $0xF;
	(xrf0) =	vadd.scan.msk.s32 $0xffff, v48;
	v52 =	vxor.u32 $0x80000000, v51;
	v29, _, _ =	vpop (xrf0)  }
0x6a7: {  	s5 =	sadd.s32 $0x80000000, s5;
	s8 =	spop (v2sf);
	(xrf0) =	vmax.scan.msk.u32 $0xffff, v52;
	v53, _, _ =	vpop (xrf0)  }
0x6a8: {  	s8 =	sadd.s32 s8, s5;
	(v2sf) =	vpush v50, $0xF;
	v54 =	vxor.u32 $0x80000000, v53;
	v30, _, _ =	vpop (xrf0)  }
0x6a9: {  	s8 =	sadd.s32 $0x80000000, s8;
	s18 =	spop (v2sf);
	(xrf0) =	vmax.scan.msk.u32 $0xffff, v54;
	v55, _, _ =	vpop (xrf0)  }
0x6aa: {  	s13 =	sadd.s32 s18, s8;
	(v2sf) =	vpush v29, $0xF;
	v56 =	vxor.u32 $0x80000000, v55  }
0x6ab: {  	s13 =	sadd.s32 $0x80000000, s13;
	s14 =	spop (v2sf);
	(xrf0) =	vmax.scan.msk.u32 $0xffff, v56  }
0x6ac: {  	s14 =	sadd.s32 s14, s13;
	(v2sf) =	vpush v30, $0xF;
	v57, _, _ =	vpop (xrf0)  }
0x6ad: {  	s14 =	sadd.s32 $0x80000000, s14;
	s15 =	spop (v2sf);
	v58, _, _ =	vpop (xrf0)  }
0x6ae: {  	s15 =	sadd.s32 s15, s14;
	(v2sf) =	vpush v58, $0xF  }
0x6af: {  	s15 =	sadd.s32 $0x80000000, s15;
	s16 =	spop (v2sf);
	v59, _, _ =	vpop (xrf0)  }
0x6b0: {  	s16 =	sadd.s32 s16, s15;
	(v2sf) =	vpush v59, $0xF  }
0x6b1: {  	s16 =	sadd.s32 $0x80000000, s16;
	s17 =	spop (v2sf);
	v60, _, _ =	vpop (xrf0)  }
0x6b2: {  	s17 =	sadd.s32 s17, s16;
	(v2sf) =	vpush v60, $0xF  }
0x6b3: {  	s18 =	spop (v2sf);
	s17 =	sadd.s32 $0x80000000, s17  }
0x6b4: {  	s18 =	sadd.s32 s18, s17  }
0x6b5: {  	s18 =	sadd.s32 $0x80000000, s18;
	s19 =	spop (v2sf)  }
0x6b6: {  	v16 =	vadd.s32 s5, v16;
	s19 =	sadd.s32 s19, s18  }
0x6b7: {  	[tilespmem:s10+$0x2910] =	vst v16;
	v61 =	vadd.s32 s8, v17;
	s5 =	sadd.s32 $0x80000000, s19;
	s26 =	spop (v2sf)  }
0x6b8: {  	[tilespmem:s10+$0x2920] =	vst v61;
	v15 =	vadd.s32 s13, v15;
	v6 =	vsub.s32 s14, v6;
	s8 =	sadd.s32 s26, s5  }
0x6b9: {  	[tilespmem:s10+$0x2930] =	vst v15;
	v6 =	vadd.s32 v7, v6;
	s8 =	sadd.s32 $0x80000000, s8;
	s14 =	spop (v2sf)  }
0x6ba: {  	[tilespmem:s0+$0x2900] =	vst v6;
	v7 =	vadd.s32 s15, v10;
	s10 =	sadd.s32 s14, s8  }
0x6bb: {  	[tilespmem:s0+$0x2910] =	vst v7;
	v6 =	vadd.s32 s16, v11;
	s10 =	sadd.s32 $0x80000000, s10;
	s16 =	spop (v2sf)  }
0x6bc: {  	[tilespmem:s0+$0x2920] =	vst v6;
	v7 =	vadd.s32 s17, v14;
	v9 =	vsub.s32 s18, v9;
	s13 =	sadd.s32 s16, s10  }
0x6bd: {  	v6 =	vsub.s32 v25, v13;
	[tilespmem:s0+$0x2930] =	vst v7;
	v7 =	vadd.s32 v22, v9;
	s19 =	sadd.s32 $0x80000000, s13;
	s26 =	spop (v2sf)  }
0x6be: {  	v62 =	vsub.s32 v46, v12;
	[tilespmem:s9+$0x2900] =	vst v7;
	v6 =	vadd.s32 s5, v6;
	s13 =	sadd.s32 s26, s19  }
0x6bf: {  	v7 =	vsub.s32 v47, v8;
	[tilespmem:s9+$0x2910] =	vst v6;
	v6 =	vadd.s32 s8, v62;
	s5 =	sadd.s32 $0x80000000, s13;
	s14 =	spop (v2sf)  }
0x6c0: {  	[tilespmem:s9+$0x2920] =	vst v6;
	v6 =	vadd.s32 s10, v7;
	v7 =	vsub.s32 s19, v21;
	s15 =	sadd.s32 s14, s5  }
0x6c1: {  	v8 =	vsub.s32 v53, v43;
	[tilespmem:s9+$0x2930] =	vst v6;
	v6 =	vadd.s32 v51, v7;
	s0 =	sadd.s32 $0x80000000, s15;
	s16 =	spop (v2sf)  }
0x6c2: {  	v7 =	vsub.s32 v55, v26;
	[tilespmem:s12+$0x2900] =	vst v6;
	v6 =	vadd.s32 s5, v8;
	s17 =	sadd.s32 s16, s0  }
0x6c3: {  	v8 =	vsub.s32 v57, v48;
	[tilespmem:s12+$0x2910] =	vst v6;
	v6 =	vadd.s32 s0, v7;
	s18 =	sadd.s32 $0x80000000, s17  }
0x6c4: {  	[tilespmem:s12+$0x2920] =	vst v6;
	v6 =	vadd.s32 s18, v8  }
0x6c5: {  	s19 =	simm.s32 $0x0;
	[tilespmem:s12+$0x2930] =	vst v6  }
0x6c6: {  	v7 =	vld [tilespmem:s19+$0x5380];
	_ =	sdelay $0x4  }
0x6c7: {  	v6 =	vshrl.u32 v7, $0x16  }
0x6c8: {  	(xrf1) =	vunique.msk.u32 $0xffff, v6;
	_ =	sdelay $0x3  }
0x6c9: {  	v8 =	vxor.u32 $0x80000000, v57  }
0x6ca: {  	(xrf0) =	vmax.scan.msk.u32 $0xffff, v8;
	_ =	sdelay $0x5  }
0x6cb: {  	v8, _, _ =	vpop (xrf0);
	v63 =	vld.idx.msk [tilespmem:v6+s30+$0x0], $0xffff  }
0x6cc: {  	(v2sf) =	vpush v8, $0xF;
	_ =	sdelay $0x1  }
0x6cd: {  	_, v8, vm3 =	vpop (xrf1)  }
0x6ce: {  	v8 =	vsub.s32 v8, v1  }
0x6cf: {  	v9 =	vadd.s32 v63, v8;
	_ =	sdelay $0x4  }
0x6d0: {  	[tilespmem:v9+s31+$0x0] =	vst.idx.msk $0xffff, v7  }
0x6d1: {  	v7 =	vld [tilespmem:s19+$0x5780];
	_ =	sdelay $0x4  }
0x6d2: {  	s9 =	simm.s32 $0x80;
	s0 =	simm.s32 $0x40;
	s26 =	spop (v2sf);
	[tilespmem:v9+s3+$0x0] =	vst.idx.msk $0xffff, v7;
	v7 =	vadd.s32 $0x1, v8  }
.LBB2_76:
0x6d3: {  	p1 =	sne.s32 s9, $0xFC0  }
0x6d4: {  	s5 =	sshra.s32 s0, $0x2;
	[tilespmem:v6+s30+$0x0] =	vst.idx.add.s32.msk vm3, v7;
	s0 =	smov.u32 s9;
	s9 =	sadd.s32 $0x40, s9  }
0x6d5: {  	v7 =	vld [tilespmem:s5+$0x5380];
	_ =	sdelay $0x4  }
0x6d6: {  	v6 =	vshrl.u32 v7, $0x16  }
0x6d7: {  	(xrf1) =	vunique.msk.u32 $0xffff, v6;
	_ =	sdelay $0x9  }
0x6d8: {  	v8 =	vld.idx.msk [tilespmem:v6+s30+$0x0], $0xffff;
	_ =	sdelay $0x3  }
0x6d9: {  	_, v9, vm3 =	vpop (xrf1)  }
0x6da: {  	v9 =	vsub.s32 v9, v1  }
0x6db: {  	v8 =	vadd.s32 v8, v9;
	_ =	sdelay $0x4  }
0x6dc: {  	[tilespmem:v8+s31+$0x0] =	vst.idx.msk $0xffff, v7  }
0x6dd: {  	v7 =	vld [tilespmem:s5+$0x5780]  }
.Ltmp47:
0x6de: {  	(pc) =	sbr.rel @p1 .LBB2_76-.Ltmp47, $2  }
0x6df: {  	_ =	sdelay $0x2  }
0x6e0: {  	[tilespmem:v8+s3+$0x0] =	vst.idx.msk $0xffff, v7;
	v7 =	vadd.s32 $0x1, v9  }
.Ltmp48:
0x6e1: {  	_ = 	snop;
	(pc) =	sbr.rel .LBB2_77-.Ltmp48, $1  }
0x6e2: {  	_ =	sdelay $0x3  }
.LBB2_30:
.Ltmp49:
0x6e3: {  	(pc) =	sbr.rel .LBB2_33-.Ltmp49, $2  }
0x6e4: {  	_ =	sdelay $0x2  }
0x6e5: {  	_ = 	snop  }
.LBB2_79:
0x6e6: {  	_ =	sfence.sel $0x180000  }
0x6e7: {  	[bflag:$0x0] =	sbarrier.arrive $0xFFFF  }
0x6e8: {  	_ =	strace $0x90000047  }
0x6e9: {  	[bflag:$0x2] =	sbarrier.arrive $0xFFFF  }
0x6ea: {  	s0 =	rddreg [dreg:$0xa]  }
0x6eb: {  	s0 =	sadd.s32 @!p3 $0x100000, s0  }
0x6ec: {  	[sflag:s0] =	ssyncadd.tile.s32 @!p3 $0x1;
	_ =	shalt  }
.Lfunc_end2:
_tile_overlayer_lowered:
.L_overlay_start_2:
0x6ed: {  	(tag) =	ssettag $0x2  }
0x6ee: {  	s0 =	rddreg [dreg:$0x0];
	s2 =	stileid.u32  }
0x6ef: {  	s1 =	rddreg [dreg:$0x1];
	p0 =	sne.s32 s2, $0x0  }
0x6f0: {  	s3 =	rddreg [dreg:$0x2];
	[bflag:$0x3] =	sbarrier.arrive $0xFFFF;
	s2 =	simm.s32 @!p0 $0x1C02  }
0x6f1: {  	[timem:s3], [sflag:s2] =	dma.local @!p0 [hbm:s0], s1  }
0x6f2: {  	s0 =	simm.s32 @!p0 $0x2  }
0x6f3: {  	_ =	swait.ge @!p0 [sflag:s0], s1  }
0x6f4: {  	s1 =	ssub.s32 @!p0 $0x0, s1;
	[sflag:s0] =	ssyncset.done @!p0 $0x0  }
0x6f5: {  	[sflag:s0] =	ssyncadd.s32 @!p0 s1  }
0x6f6: {  	[bflag:$0x3] =	sbarrier.arrive $0xFFFF  }
0x6f7: {  	_ =	shalt  }

</sc_bundles>
